<compile_context>
chip_gen: v7x
topology: tpu7x:2x2x1
jax: 0.10.2.dev20260603
libtpu: 0.0.44.dev20260713+nightly
codegen_flags: <defaults>
</compile_context>

<pallas_src>
import jax
import jax.numpy as jnp
from jax import lax
from jax.experimental import pallas as pl
from jax.experimental.pallas import tpu as pltpu
from jax.experimental.pallas import tpu_sc as plsc

N = 10000
F = 128
FH = F // 2
C = 16
NC = 2
NS = 16
NPAD = 10240
CHUNK = 128
NCHUNK = 160
EPT = CHUNK * NCHUNK
EPAD = EPT * NS
RPT = NPAD // NS
NBUF = 10
NGRP = NCHUNK // NBUF

Q = 512.0

BR = 1024
GRID = NPAD // BR


def _agg_body(h_hbm, src_hbm, dst_hbm, z_hbm, out_hbm,
              src_v, dst_v, rows_v, acc_sh, gsem, ssem):
    c = lax.axis_index("c")
    s = lax.axis_index("s")
    pltpu.sync_copy(src_hbm.at[s], src_v)
    pltpu.sync_copy(dst_hbm.at[s], dst_v)
    pltpu.sync_copy(z_hbm.at[pl.ds(s * RPT, RPT)], acc_sh.at[pl.ds(s * RPT, RPT)])
    plsc.subcore_barrier()

    hplane = h_hbm.at[c]
    for b in range(NBUF):
        pltpu.async_copy(hplane.at[src_v.at[b]], rows_v.at[b], gsem.at[b])

    def grp(g, carry):
        for b in range(NBUF):
            ch = g * NBUF + b
            pltpu.make_async_copy(hplane.at[src_v.at[ch]], rows_v.at[b],
                                  gsem.at[b]).wait()
            pltpu.async_copy(rows_v.at[b], acc_sh.at[dst_v.at[ch]], ssem.at[b],
                             add=True)
        for b in range(NBUF):
            ch = g * NBUF + b
            pltpu.make_async_copy(rows_v.at[b], acc_sh.at[dst_v.at[ch]],
                                  ssem.at[b]).wait()

            @pl.when(g < NGRP - 1)
            def _():
                pltpu.async_copy(hplane.at[src_v.at[ch + NBUF]], rows_v.at[b],
                                 gsem.at[b])
        return carry

    lax.fori_loop(0, NGRP, grp, 0)
    plsc.subcore_barrier()
    pltpu.sync_copy(acc_sh.at[pl.ds(s * RPT, RPT)],
                    out_hbm.at[c].at[pl.ds(s * RPT, RPT)])


def _seg_sum(h_split, src3, dst3, zinit):
    mesh = plsc.VectorSubcoreMesh(core_axis_name="c", subcore_axis_name="s",
                                  num_cores=NC, num_subcores=NS)
    f = pl.kernel(
        _agg_body,
        out_type=jax.ShapeDtypeStruct((NC, NPAD, FH), jnp.int16),
        mesh=mesh,
        compiler_params=pltpu.CompilerParams(use_tc_tiling_on_sc=False),
        scratch_types=[
            pltpu.VMEM((NCHUNK, CHUNK), jnp.int32),
            pltpu.VMEM((NCHUNK, CHUNK), jnp.int32),
            pltpu.VMEM((NBUF, CHUNK, FH), jnp.int16),
            pltpu.VMEM_SHARED((NPAD, FH), jnp.int16),
            pltpu.SemaphoreType.DMA((NBUF,)),
            pltpu.SemaphoreType.DMA((NBUF,)),
        ],
    )
    return f(h_split, src3, dst3, zinit)


def _quant_body(x_ref, q_ref):
    v = jnp.round(x_ref[...] * Q).astype(jnp.int16)
    q_ref[0] = v[:, :FH]
    q_ref[1] = v[:, FH:]


def _quant(x_pad):
    return pl.pallas_call(
        _quant_body,
        grid=(GRID,),
        in_specs=[pl.BlockSpec((BR, F), lambda i: (i, 0))],
        out_specs=pl.BlockSpec((NC, BR, FH), lambda i: (0, i, 0)),
        out_shape=jax.ShapeDtypeStruct((NC, NPAD, FH), jnp.int16),
    )(x_pad)


def _mlp1_body(x_ref, p_ref, wa_ref, ba_ref, wb_ref, bb_ref, out_ref, st_ref):
    i = pl.program_id(0)
    p = p_ref[...].astype(jnp.float32)
    z = x_ref[...] + jnp.concatenate([p[0], p[1]], axis=-1) * (1.0 / Q)
    a = jnp.maximum(jnp.dot(z, wa_ref[...], preferred_element_type=jnp.float32)
                    + ba_ref[...], 0.0)
    o = jnp.dot(a, wb_ref[...], preferred_element_type=jnp.float32) + bb_ref[...]
    out_ref[...] = o
    rows = i * BR + lax.broadcasted_iota(jnp.int32, (BR, 1), 0)
    om = jnp.where(rows < N, o, 0.0)
    upd = jnp.concatenate([jnp.sum(om, axis=0, keepdims=True),
                           jnp.sum(om * om, axis=0, keepdims=True),
                           jnp.zeros((6, F), jnp.float32)], axis=0)

    @pl.when(i == 0)
    def _():
        st_ref[...] = upd

    @pl.when(i > 0)
    def _():
        st_ref[...] = st_ref[...] + upd


def _mlp1(x_pad, agg, Wa, ba, Wb, bb):
    return pl.pallas_call(
        _mlp1_body,
        grid=(GRID,),
        in_specs=[
            pl.BlockSpec((BR, F), lambda i: (i, 0)),
            pl.BlockSpec((NC, BR, FH), lambda i: (0, i, 0)),
            pl.BlockSpec((F, F), lambda i: (0, 0)),
            pl.BlockSpec((1, F), lambda i: (0, 0)),
            pl.BlockSpec((F, F), lambda i: (0, 0)),
            pl.BlockSpec((1, F), lambda i: (0, 0)),
        ],
        out_specs=[
            pl.BlockSpec((BR, F), lambda i: (i, 0)),
            pl.BlockSpec((8, F), lambda i: (0, 0)),
        ],
        out_shape=[
            jax.ShapeDtypeStruct((NPAD, F), jnp.float32),
            jax.ShapeDtypeStruct((8, F), jnp.float32),
        ],
    )(x_pad, agg, Wa, ba, Wb, bb)


def _bn_body(o_ref, st_ref, g_ref, b_ref, hs_ref):
    st = st_ref[...]
    mean = st[0:1] * (1.0 / N)
    var = st[1:2] * (1.0 / N) - mean * mean
    scale = g_ref[...] * lax.rsqrt(var + 1e-5)
    shift = b_ref[...] - mean * scale
    h = o_ref[...] * scale + shift
    hv = jnp.round(h * Q).astype(jnp.int16)
    hs_ref[0] = hv[:, :FH]
    hs_ref[1] = hv[:, FH:]


def _bn(out1, stats, gamma, beta):
    return pl.pallas_call(
        _bn_body,
        grid=(GRID,),
        in_specs=[
            pl.BlockSpec((BR, F), lambda i: (i, 0)),
            pl.BlockSpec((8, F), lambda i: (0, 0)),
            pl.BlockSpec((1, F), lambda i: (0, 0)),
            pl.BlockSpec((1, F), lambda i: (0, 0)),
        ],
        out_specs=pl.BlockSpec((NC, BR, FH), lambda i: (0, i, 0)),
        out_shape=jax.ShapeDtypeStruct((NC, NPAD, FH), jnp.int16),
    )(out1, stats, gamma, beta)


def _mlp2_body(o1_ref, st_ref, g_ref, b_ref, p_ref, wa_ref, ba_ref, wb_ref,
               bb_ref, wl_ref, bl_ref, out_ref):
    st = st_ref[...]
    mean = st[0:1] * (1.0 / N)
    var = st[1:2] * (1.0 / N) - mean * mean
    scale = g_ref[...] * lax.rsqrt(var + 1e-5)
    shift = b_ref[...] - mean * scale
    h = o1_ref[...] * scale + shift
    p = p_ref[...].astype(jnp.float32)
    z = h + jnp.concatenate([p[0], p[1]], axis=-1) * (1.0 / Q)
    a = jnp.maximum(jnp.dot(z, wa_ref[...], preferred_element_type=jnp.float32)
                    + ba_ref[...], 0.0)
    o = jnp.dot(a, wb_ref[...], preferred_element_type=jnp.float32) + bb_ref[...]
    out_ref[...] = (jnp.dot(o, wl_ref[...], preferred_element_type=jnp.float32)
                    + bl_ref[...])


def _mlp2(out1, stats, gamma, beta, agg, Wa, ba, Wb, bb, Wl, bl):
    return pl.pallas_call(
        _mlp2_body,
        grid=(GRID,),
        in_specs=[
            pl.BlockSpec((BR, F), lambda i: (i, 0)),
            pl.BlockSpec((8, F), lambda i: (0, 0)),
            pl.BlockSpec((1, F), lambda i: (0, 0)),
            pl.BlockSpec((1, F), lambda i: (0, 0)),
            pl.BlockSpec((NC, BR, FH), lambda i: (0, i, 0)),
            pl.BlockSpec((F, F), lambda i: (0, 0)),
            pl.BlockSpec((1, F), lambda i: (0, 0)),
            pl.BlockSpec((F, F), lambda i: (0, 0)),
            pl.BlockSpec((1, F), lambda i: (0, 0)),
            pl.BlockSpec((F, C), lambda i: (0, 0)),
            pl.BlockSpec((1, C), lambda i: (0, 0)),
        ],
        out_specs=pl.BlockSpec((BR, C), lambda i: (i, 0)),
        out_shape=jax.ShapeDtypeStruct((NPAD, C), jnp.float32),
    )(out1, stats, gamma, beta, agg, Wa, ba, Wb, bb, Wl, bl)


def kernel(x, edge_index, W1a, b1a, W1b, b1b, gamma1, beta1, W2a, b2a, W2b,
           b2b, Wlin, blin):
    src = edge_index[0]
    dst = edge_index[1]
    pad_e = EPAD - src.shape[0]
    src3 = jnp.concatenate([src, jnp.zeros((pad_e,), jnp.int32)]
                           ).reshape(NS, NCHUNK, CHUNK)
    dst3 = jnp.concatenate([dst, jnp.full((pad_e,), NPAD - 1, jnp.int32)]
                           ).reshape(NS, NCHUNK, CHUNK)
    x_pad = jnp.pad(x, ((0, NPAD - N), (0, 0)))
    x_split = _quant(x_pad)
    zinit = jnp.zeros((NPAD, FH), jnp.int16)

    agg1 = _seg_sum(x_split, src3, dst3, zinit)
    out1, stats = _mlp1(x_pad, agg1, W1a, b1a.reshape(1, F), W1b,
                        b1b.reshape(1, F))
    h_split = _bn(out1, stats, gamma1.reshape(1, F), beta1.reshape(1, F))
    agg2 = _seg_sum(h_split, src3, dst3, zinit)
    out = _mlp2(out1, stats, gamma1.reshape(1, F), beta1.reshape(1, F), agg2,
                W2a, b2a.reshape(1, F), W2b, b2b.reshape(1, F), Wlin,
                blin.reshape(1, C))
    return out[:N]

# --- scband reference (transcript-rebuilt; emitter-appended) ---
"""Pipeline reference for scband-gcn2-16226386444396 (READ-ONLY COPY).

The authoritative reference and input builder live on the scoring server;
editing this copy changes nothing except your own understanding.
"""

import jax, jax.numpy as jnp
import numpy as np

N = 10000
E = 320000
F = 128
H = 128
C = 16


def setup_inputs(seed: int = 0) -> dict:
    key = jax.random.key(seed)
    ks = jax.random.split(key, 16)
    x = jax.random.normal(ks[0], (N, F), dtype=jnp.float32)
    edge_index = jax.random.randint(ks[1], (2, E), 0, N, dtype=jnp.int32)
    def lin_init(k, fan_in, fan_out):
        k1, k2 = jax.random.split(k)
        bound = 1.0 / np.sqrt(fan_in)
        W = jax.random.uniform(k1, (fan_in, fan_out), jnp.float32, -bound, bound)
        b = jax.random.uniform(k2, (fan_out,), jnp.float32, -bound, bound)
        return W, b
    W1a, b1a = lin_init(ks[2], F, H)
    W1b, b1b = lin_init(ks[3], H, H)
    gamma1 = jnp.ones((H,), jnp.float32)
    beta1 = jnp.zeros((H,), jnp.float32)
    W2a, b2a = lin_init(ks[4], H, H)
    W2b, b2b = lin_init(ks[5], H, H)
    Wlin, blin = lin_init(ks[6], H, C)
    return {"x": x, "edge_index": edge_index, "W1a": W1a, "b1a": b1a, "W1b": W1b, "b1b": b1b, "gamma1": gamma1, "beta1": beta1, "W2a": W2a, "b2a": b2a, "W2b": W2b, "b2b": b2b, "Wlin": Wlin, "blin": blin}


def reference(x, edge_index, W1a, b1a, W1b, b1b, gamma1, beta1, W2a, b2a, W2b, b2b, Wlin, blin):
    src = edge_index[0]
    dst = edge_index[1]

    def gin_conv(h, Wa, ba, Wb, bb):
        # GINConv with eps=0: mlp((1+eps)*h + sum_{j in N(i)} h_j)
        agg = jax.ops.segment_sum(jnp.take(h, src, axis=0), dst, num_segments=N)
        z = h + agg
        z = jnp.maximum(z @ Wa + ba, 0.0)
        z = z @ Wb + bb
        return z

    out1 = gin_conv(x, W1a, b1a, W1b, b1b)
    # BatchNorm with track_running_stats=False: always uses batch statistics
    mean = jnp.mean(out1, axis=0)
    var = jnp.var(out1, axis=0)
    h = (out1 - mean) / jnp.sqrt(var + 1e-5) * gamma1 + beta1
    out2 = gin_conv(h, W2a, b2a, W2b, b2b)
    out = out2 @ Wlin + blin
    return out

if __name__ == "__main__":
    import jax
    _d = setup_inputs()
    print(jax.jit(kernel)(*tuple(_d.values())))

</pallas_src>

<mosaic_0001>
#map = affine_map<(d0, d1) -> (0, 0, 0)>
#map1 = affine_map<(d0, d1) -> (0, 0)>
module attributes {stable_mosaic.version = 14 : i64} {
  func.func @_agg_body(%arg0: i32, %arg1: i32, %arg2: memref<2x10240x64xi16, #tpu.memory_space<hbm>>, %arg3: memref<16x160x128xi32, #tpu.memory_space<hbm>>, %arg4: memref<16x160x128xi32, #tpu.memory_space<hbm>>, %arg5: memref<10240x64xi16, #tpu.memory_space<hbm>>, %arg6: memref<2x10240x64xi16, #tpu.memory_space<hbm>>, %arg7: memref<160x128xi32, #tpu.memory_space<vmem>>, %arg8: memref<160x128xi32, #tpu.memory_space<vmem>>, %arg9: memref<10x128x64xi16, #tpu.memory_space<vmem>>, %arg10: memref<10240x64xi16, #tpu.memory_space<vmem_shared>>, %arg11: memref<10x!tpu.dma_semaphore, #tpu.memory_space<semaphore_mem>>, %arg12: memref<10x!tpu.dma_semaphore, #tpu.memory_space<semaphore_mem>>) attributes {dimension_semantics = [#tpu.dimension_semantics<core_parallel>, #tpu.dimension_semantics<subcore_parallel>], iteration_bounds = array<i64: 2, 16>, scalar_prefetch = 0 : i64, scratch_operands = 6 : i64, tpu.core_type = #tpu.core_type<sc_vector_subcore>, window_params = [{transform_indices = #map}, {transform_indices = #map}, {transform_indices = #map}, {transform_indices = #map1}, {transform_indices = #map}]} {
    "tpu.region"() ({
      %run_scoped3A = tpu.sem_alloc : memref<!tpu.dma_semaphore, #tpu.memory_space<semaphore_mem>>
      %dma_start3A_202 = arith.constant 0 : i32
      %dma_start3A_203 = arith.constant 0 : i32
      %dma_start3A_204 = tpu.memref_slice %arg3[%arg1, %dma_start3A_202, %dma_start3A_203] : memref<16x160x128xi32, #tpu.memory_space<hbm>> -> memref<1x160x128xi32, #tpu.memory_space<hbm>>
      %dma_start3A_205 = tpu.memref_squeeze %dma_start3A_204 : memref<1x160x128xi32, #tpu.memory_space<hbm>> -> memref<160x128xi32, #tpu.memory_space<hbm>>
      %dma_start3A_206 = arith.constant 0 : i32
      %dma_start3A_207 = arith.constant 0 : i32
      %dma_start3A_208 = tpu.memref_slice %arg3[%arg1, %dma_start3A_206, %dma_start3A_207] : memref<16x160x128xi32, #tpu.memory_space<hbm>> -> memref<1x160x128xi32, #tpu.memory_space<hbm>>
      %dma_start3A_209 = tpu.memref_squeeze %dma_start3A_208 : memref<1x160x128xi32, #tpu.memory_space<hbm>> -> memref<160x128xi32, #tpu.memory_space<hbm>>
      tpu.enqueue_dma source(%dma_start3A_209 : memref<160x128xi32, #tpu.memory_space<hbm>>) target(%arg7 : memref<160x128xi32, #tpu.memory_space<vmem>>) target_semaphore(%run_scoped3A : memref<!tpu.dma_semaphore, #tpu.memory_space<semaphore_mem>>)
      %dma_wait3A = arith.constant 0 : i32
      %dma_wait3A_210 = arith.constant 0 : i32
      %dma_wait3A_211 = tpu.memref_slice %arg3[%arg1, %dma_wait3A, %dma_wait3A_210] : memref<16x160x128xi32, #tpu.memory_space<hbm>> -> memref<1x160x128xi32, #tpu.memory_space<hbm>>
      %dma_wait3A_212 = tpu.memref_squeeze %dma_wait3A_211 : memref<1x160x128xi32, #tpu.memory_space<hbm>> -> memref<160x128xi32, #tpu.memory_space<hbm>>
      %dma_wait3A_213 = arith.constant 0 : i32
      %dma_wait3A_214 = arith.constant 0 : i32
      %dma_wait3A_215 = tpu.memref_slice %arg3[%arg1, %dma_wait3A_213, %dma_wait3A_214] : memref<16x160x128xi32, #tpu.memory_space<hbm>> -> memref<1x160x128xi32, #tpu.memory_space<hbm>>
      %dma_wait3A_216 = tpu.memref_squeeze %dma_wait3A_215 : memref<1x160x128xi32, #tpu.memory_space<hbm>> -> memref<160x128xi32, #tpu.memory_space<hbm>>
      tpu.wait_dma2 semaphore(%run_scoped3A : memref<!tpu.dma_semaphore, #tpu.memory_space<semaphore_mem>>) src(%dma_wait3A_216 : memref<160x128xi32, #tpu.memory_space<hbm>>) dst(%arg7 : memref<160x128xi32, #tpu.memory_space<vmem>>)
      tpu.yield
    }) : () -> ()
    "tpu.region"() ({
      %run_scoped3A = tpu.sem_alloc : memref<!tpu.dma_semaphore, #tpu.memory_space<semaphore_mem>>
      %dma_start3A_202 = arith.constant 0 : i32
      %dma_start3A_203 = arith.constant 0 : i32
      %dma_start3A_204 = tpu.memref_slice %arg4[%arg1, %dma_start3A_202, %dma_start3A_203] : memref<16x160x128xi32, #tpu.memory_space<hbm>> -> memref<1x160x128xi32, #tpu.memory_space<hbm>>
      %dma_start3A_205 = tpu.memref_squeeze %dma_start3A_204 : memref<1x160x128xi32, #tpu.memory_space<hbm>> -> memref<160x128xi32, #tpu.memory_space<hbm>>
      %dma_start3A_206 = arith.constant 0 : i32
      %dma_start3A_207 = arith.constant 0 : i32
      %dma_start3A_208 = tpu.memref_slice %arg4[%arg1, %dma_start3A_206, %dma_start3A_207] : memref<16x160x128xi32, #tpu.memory_space<hbm>> -> memref<1x160x128xi32, #tpu.memory_space<hbm>>
      %dma_start3A_209 = tpu.memref_squeeze %dma_start3A_208 : memref<1x160x128xi32, #tpu.memory_space<hbm>> -> memref<160x128xi32, #tpu.memory_space<hbm>>
      tpu.enqueue_dma source(%dma_start3A_209 : memref<160x128xi32, #tpu.memory_space<hbm>>) target(%arg8 : memref<160x128xi32, #tpu.memory_space<vmem>>) target_semaphore(%run_scoped3A : memref<!tpu.dma_semaphore, #tpu.memory_space<semaphore_mem>>)
      %dma_wait3A = arith.constant 0 : i32
      %dma_wait3A_210 = arith.constant 0 : i32
      %dma_wait3A_211 = tpu.memref_slice %arg4[%arg1, %dma_wait3A, %dma_wait3A_210] : memref<16x160x128xi32, #tpu.memory_space<hbm>> -> memref<1x160x128xi32, #tpu.memory_space<hbm>>
      %dma_wait3A_212 = tpu.memref_squeeze %dma_wait3A_211 : memref<1x160x128xi32, #tpu.memory_space<hbm>> -> memref<160x128xi32, #tpu.memory_space<hbm>>
      %dma_wait3A_213 = arith.constant 0 : i32
      %dma_wait3A_214 = arith.constant 0 : i32
      %dma_wait3A_215 = tpu.memref_slice %arg4[%arg1, %dma_wait3A_213, %dma_wait3A_214] : memref<16x160x128xi32, #tpu.memory_space<hbm>> -> memref<1x160x128xi32, #tpu.memory_space<hbm>>
      %dma_wait3A_216 = tpu.memref_squeeze %dma_wait3A_215 : memref<1x160x128xi32, #tpu.memory_space<hbm>> -> memref<160x128xi32, #tpu.memory_space<hbm>>
      tpu.wait_dma2 semaphore(%run_scoped3A : memref<!tpu.dma_semaphore, #tpu.memory_space<semaphore_mem>>) src(%dma_wait3A_216 : memref<160x128xi32, #tpu.memory_space<hbm>>) dst(%arg8 : memref<160x128xi32, #tpu.memory_space<vmem>>)
      tpu.yield
    }) : () -> ()
    %mul3A = arith.constant 640 : i32
    %mul3A_0 = arith.muli %arg1, %mul3A : i32
    %mul3A_1 = arith.constant 640 : i32
    %mul3A_2 = arith.muli %arg1, %mul3A_1 : i32
    "tpu.region"() ({
      %run_scoped3A = tpu.sem_alloc : memref<!tpu.dma_semaphore, #tpu.memory_space<semaphore_mem>>
      %dma_start3A_202 = arith.constant 0 : i32
      %dma_start3A_203 = tpu.memref_slice %arg10[%mul3A_2, %dma_start3A_202] : memref<10240x64xi16, #tpu.memory_space<vmem_shared>> -> memref<640x64xi16, #tpu.memory_space<vmem_shared>>
      %dma_start3A_204 = arith.constant 0 : i32
      %dma_start3A_205 = tpu.memref_slice %arg5[%mul3A_0, %dma_start3A_204] : memref<10240x64xi16, #tpu.memory_space<hbm>> -> memref<640x64xi16, #tpu.memory_space<hbm>>
      tpu.enqueue_dma source(%dma_start3A_205 : memref<640x64xi16, #tpu.memory_space<hbm>>) target(%dma_start3A_203 : memref<640x64xi16, #tpu.memory_space<vmem_shared>>) target_semaphore(%run_scoped3A : memref<!tpu.dma_semaphore, #tpu.memory_space<semaphore_mem>>)
      %dma_wait3A = arith.constant 0 : i32
      %dma_wait3A_206 = tpu.memref_slice %arg10[%mul3A_2, %dma_wait3A] : memref<10240x64xi16, #tpu.memory_space<vmem_shared>> -> memref<640x64xi16, #tpu.memory_space<vmem_shared>>
      %dma_wait3A_207 = arith.constant 0 : i32
      %dma_wait3A_208 = tpu.memref_slice %arg5[%mul3A_0, %dma_wait3A_207] : memref<10240x64xi16, #tpu.memory_space<hbm>> -> memref<640x64xi16, #tpu.memory_space<hbm>>
      tpu.wait_dma2 semaphore(%run_scoped3A : memref<!tpu.dma_semaphore, #tpu.memory_space<semaphore_mem>>) src(%dma_wait3A_208 : memref<640x64xi16, #tpu.memory_space<hbm>>) dst(%dma_wait3A_206 : memref<640x64xi16, #tpu.memory_space<vmem_shared>>)
      tpu.yield
    }) : () -> ()
    %barrier3A = arith.constant 0 : index
    tpu.barrier barrier_id(%barrier3A)
    %dma_start3A = arith.constant 0 : i32
    %dma_start3A_3 = arith.constant 0 : i32
    %dma_start3A_4 = arith.constant 0 : i32
    %dma_start3A_5 = arith.constant 0 : i32
    %dma_start3A_6 = arith.constant 0 : i32
    %dma_start3A_7 = tpu.memref_slice %arg9[%dma_start3A_3, %dma_start3A_5, %dma_start3A_6] : memref<10x128x64xi16, #tpu.memory_space<vmem>> -> memref<1x128x64xi16, #tpu.memory_space<vmem>>
    %dma_start3A_8 = tpu.memref_squeeze %dma_start3A_7 : memref<1x128x64xi16, #tpu.memory_space<vmem>> -> memref<128x64xi16, #tpu.memory_space<vmem>>
    %dma_start3A_9 = arith.constant 0 : i32
    %dma_start3A_10 = tpu.memref_slice %arg7[%dma_start3A, %dma_start3A_9] : memref<160x128xi32, #tpu.memory_space<vmem>> -> memref<1x128xi32, #tpu.memory_space<vmem>>
    %dma_start3A_11 = tpu.memref_squeeze %dma_start3A_10 : memref<1x128xi32, #tpu.memory_space<vmem>> -> memref<128xi32, #tpu.memory_space<vmem>>
    %dma_start3A_12 = arith.constant 0 : i32
    %dma_start3A_13 = arith.constant 0 : i32
    %dma_start3A_14 = tpu.memref_slice %arg2[%arg0, %dma_start3A_12, %dma_start3A_13] : memref<2x10240x64xi16, #tpu.memory_space<hbm>> -> memref<1x10240x64xi16, #tpu.memory_space<hbm>>
    %dma_start3A_15 = tpu.memref_squeeze %dma_start3A_14 : memref<1x10240x64xi16, #tpu.memory_space<hbm>> -> memref<10240x64xi16, #tpu.memory_space<hbm>>
    %dma_start3A_16 = arith.constant 0 : i32
    %dma_start3A_17 = arith.constant 0 : i32
    %dma_start3A_18 = tpu.memref_slice %dma_start3A_15[%dma_start3A_16, %dma_start3A_17] : memref<10240x64xi16, #tpu.memory_space<hbm>> -> memref<10240x64xi16, #tpu.memory_space<hbm>>
    %dma_start3A_19 = tpu.memref_slice %arg11[%dma_start3A_4] : memref<10x!tpu.dma_semaphore, #tpu.memory_space<semaphore_mem>> -> memref<1x!tpu.dma_semaphore, #tpu.memory_space<semaphore_mem>>
    %dma_start3A_20 = tpu.memref_squeeze %dma_start3A_19 : memref<1x!tpu.dma_semaphore, #tpu.memory_space<semaphore_mem>> -> memref<!tpu.dma_semaphore, #tpu.memory_space<semaphore_mem>>
    tpu.enqueue_indirect_dma source(%dma_start3A_18 : memref<10240x64xi16, #tpu.memory_space<hbm>>) target(%dma_start3A_8 : memref<128x64xi16, #tpu.memory_space<vmem>>) offsets(%dma_start3A_11 : memref<128xi32, #tpu.memory_space<vmem>>) semaphore(%dma_start3A_20 : memref<!tpu.dma_semaphore, #tpu.memory_space<semaphore_mem>>)
    %dma_start3A_21 = arith.constant 1 : i32
    %dma_start3A_22 = arith.constant 1 : i32
    %dma_start3A_23 = arith.constant 1 : i32
    %dma_start3A_24 = arith.constant 0 : i32
    %dma_start3A_25 = arith.constant 0 : i32
    %dma_start3A_26 = tpu.memref_slice %arg9[%dma_start3A_22, %dma_start3A_24, %dma_start3A_25] : memref<10x128x64xi16, #tpu.memory_space<vmem>> -> memref<1x128x64xi16, #tpu.memory_space<vmem>>
    %dma_start3A_27 = tpu.memref_squeeze %dma_start3A_26 : memref<1x128x64xi16, #tpu.memory_space<vmem>> -> memref<128x64xi16, #tpu.memory_space<vmem>>
    %dma_start3A_28 = arith.constant 0 : i32
    %dma_start3A_29 = tpu.memref_slice %arg7[%dma_start3A_21, %dma_start3A_28] : memref<160x128xi32, #tpu.memory_space<vmem>> -> memref<1x128xi32, #tpu.memory_space<vmem>>
    %dma_start3A_30 = tpu.memref_squeeze %dma_start3A_29 : memref<1x128xi32, #tpu.memory_space<vmem>> -> memref<128xi32, #tpu.memory_space<vmem>>
    %dma_start3A_31 = arith.constant 0 : i32
    %dma_start3A_32 = arith.constant 0 : i32
    %dma_start3A_33 = tpu.memref_slice %arg2[%arg0, %dma_start3A_31, %dma_start3A_32] : memref<2x10240x64xi16, #tpu.memory_space<hbm>> -> memref<1x10240x64xi16, #tpu.memory_space<hbm>>
    %dma_start3A_34 = tpu.memref_squeeze %dma_start3A_33 : memref<1x10240x64xi16, #tpu.memory_space<hbm>> -> memref<10240x64xi16, #tpu.memory_space<hbm>>
    %dma_start3A_35 = arith.constant 0 : i32
    %dma_start3A_36 = arith.constant 0 : i32
    %dma_start3A_37 = tpu.memref_slice %dma_start3A_34[%dma_start3A_35, %dma_start3A_36] : memref<10240x64xi16, #tpu.memory_space<hbm>> -> memref<10240x64xi16, #tpu.memory_space<hbm>>
    %dma_start3A_38 = tpu.memref_slice %arg11[%dma_start3A_23] : memref<10x!tpu.dma_semaphore, #tpu.memory_space<semaphore_mem>> -> memref<1x!tpu.dma_semaphore, #tpu.memory_space<semaphore_mem>>
    %dma_start3A_39 = tpu.memref_squeeze %dma_start3A_38 : memref<1x!tpu.dma_semaphore, #tpu.memory_space<semaphore_mem>> -> memref<!tpu.dma_semaphore, #tpu.memory_space<semaphore_mem>>
    tpu.enqueue_indirect_dma source(%dma_start3A_37 : memref<10240x64xi16, #tpu.memory_space<hbm>>) target(%dma_start3A_27 : memref<128x64xi16, #tpu.memory_space<vmem>>) offsets(%dma_start3A_30 : memref<128xi32, #tpu.memory_space<vmem>>) semaphore(%dma_start3A_39 : memref<!tpu.dma_semaphore, #tpu.memory_space<semaphore_mem>>)
    %dma_start3A_40 = arith.constant 2 : i32
    %dma_start3A_41 = arith.constant 2 : i32
    %dma_start3A_42 = arith.constant 2 : i32
    %dma_start3A_43 = arith.constant 0 : i32
    %dma_start3A_44 = arith.constant 0 : i32
    %dma_start3A_45 = tpu.memref_slice %arg9[%dma_start3A_41, %dma_start3A_43, %dma_start3A_44] : memref<10x128x64xi16, #tpu.memory_space<vmem>> -> memref<1x128x64xi16, #tpu.memory_space<vmem>>
    %dma_start3A_46 = tpu.memref_squeeze %dma_start3A_45 : memref<1x128x64xi16, #tpu.memory_space<vmem>> -> memref<128x64xi16, #tpu.memory_space<vmem>>
    %dma_start3A_47 = arith.constant 0 : i32
    %dma_start3A_48 = tpu.memref_slice %arg7[%dma_start3A_40, %dma_start3A_47] : memref<160x128xi32, #tpu.memory_space<vmem>> -> memref<1x128xi32, #tpu.memory_space<vmem>>
    %dma_start3A_49 = tpu.memref_squeeze %dma_start3A_48 : memref<1x128xi32, #tpu.memory_space<vmem>> -> memref<128xi32, #tpu.memory_space<vmem>>
    %dma_start3A_50 = arith.constant 0 : i32
    %dma_start3A_51 = arith.constant 0 : i32
    %dma_start3A_52 = tpu.memref_slice %arg2[%arg0, %dma_start3A_50, %dma_start3A_51] : memref<2x10240x64xi16, #tpu.memory_space<hbm>> -> memref<1x10240x64xi16, #tpu.memory_space<hbm>>
    %dma_start3A_53 = tpu.memref_squeeze %dma_start3A_52 : memref<1x10240x64xi16, #tpu.memory_space<hbm>> -> memref<10240x64xi16, #tpu.memory_space<hbm>>
    %dma_start3A_54 = arith.constant 0 : i32
    %dma_start3A_55 = arith.constant 0 : i32
    %dma_start3A_56 = tpu.memref_slice %dma_start3A_53[%dma_start3A_54, %dma_start3A_55] : memref<10240x64xi16, #tpu.memory_space<hbm>> -> memref<10240x64xi16, #tpu.memory_space<hbm>>
    %dma_start3A_57 = tpu.memref_slice %arg11[%dma_start3A_42] : memref<10x!tpu.dma_semaphore, #tpu.memory_space<semaphore_mem>> -> memref<1x!tpu.dma_semaphore, #tpu.memory_space<semaphore_mem>>
    %dma_start3A_58 = tpu.memref_squeeze %dma_start3A_57 : memref<1x!tpu.dma_semaphore, #tpu.memory_space<semaphore_mem>> -> memref<!tpu.dma_semaphore, #tpu.memory_space<semaphore_mem>>
    tpu.enqueue_indirect_dma source(%dma_start3A_56 : memref<10240x64xi16, #tpu.memory_space<hbm>>) target(%dma_start3A_46 : memref<128x64xi16, #tpu.memory_space<vmem>>) offsets(%dma_start3A_49 : memref<128xi32, #tpu.memory_space<vmem>>) semaphore(%dma_start3A_58 : memref<!tpu.dma_semaphore, #tpu.memory_space<semaphore_mem>>)
    %dma_start3A_59 = arith.constant 3 : i32
    %dma_start3A_60 = arith.constant 3 : i32
    %dma_start3A_61 = arith.constant 3 : i32
    %dma_start3A_62 = arith.constant 0 : i32
    %dma_start3A_63 = arith.constant 0 : i32
    %dma_start3A_64 = tpu.memref_slice %arg9[%dma_start3A_60, %dma_start3A_62, %dma_start3A_63] : memref<10x128x64xi16, #tpu.memory_space<vmem>> -> memref<1x128x64xi16, #tpu.memory_space<vmem>>
    %dma_start3A_65 = tpu.memref_squeeze %dma_start3A_64 : memref<1x128x64xi16, #tpu.memory_space<vmem>> -> memref<128x64xi16, #tpu.memory_space<vmem>>
    %dma_start3A_66 = arith.constant 0 : i32
    %dma_start3A_67 = tpu.memref_slice %arg7[%dma_start3A_59, %dma_start3A_66] : memref<160x128xi32, #tpu.memory_space<vmem>> -> memref<1x128xi32, #tpu.memory_space<vmem>>
    %dma_start3A_68 = tpu.memref_squeeze %dma_start3A_67 : memref<1x128xi32, #tpu.memory_space<vmem>> -> memref<128xi32, #tpu.memory_space<vmem>>
    %dma_start3A_69 = arith.constant 0 : i32
    %dma_start3A_70 = arith.constant 0 : i32
    %dma_start3A_71 = tpu.memref_slice %arg2[%arg0, %dma_start3A_69, %dma_start3A_70] : memref<2x10240x64xi16, #tpu.memory_space<hbm>> -> memref<1x10240x64xi16, #tpu.memory_space<hbm>>
    %dma_start3A_72 = tpu.memref_squeeze %dma_start3A_71 : memref<1x10240x64xi16, #tpu.memory_space<hbm>> -> memref<10240x64xi16, #tpu.memory_space<hbm>>
    %dma_start3A_73 = arith.constant 0 : i32
    %dma_start3A_74 = arith.constant 0 : i32
    %dma_start3A_75 = tpu.memref_slice %dma_start3A_72[%dma_start3A_73, %dma_start3A_74] : memref<10240x64xi16, #tpu.memory_space<hbm>> -> memref<10240x64xi16, #tpu.memory_space<hbm>>
    %dma_start3A_76 = tpu.memref_slice %arg11[%dma_start3A_61] : memref<10x!tpu.dma_semaphore, #tpu.memory_space<semaphore_mem>> -> memref<1x!tpu.dma_semaphore, #tpu.memory_space<semaphore_mem>>
    %dma_start3A_77 = tpu.memref_squeeze %dma_start3A_76 : memref<1x!tpu.dma_semaphore, #tpu.memory_space<semaphore_mem>> -> memref<!tpu.dma_semaphore, #tpu.memory_space<semaphore_mem>>
    tpu.enqueue_indirect_dma source(%dma_start3A_75 : memref<10240x64xi16, #tpu.memory_space<hbm>>) target(%dma_start3A_65 : memref<128x64xi16, #tpu.memory_space<vmem>>) offsets(%dma_start3A_68 : memref<128xi32, #tpu.memory_space<vmem>>) semaphore(%dma_start3A_77 : memref<!tpu.dma_semaphore, #tpu.memory_space<semaphore_mem>>)
    %dma_start3A_78 = arith.constant 4 : i32
    %dma_start3A_79 = arith.constant 4 : i32
    %dma_start3A_80 = arith.constant 4 : i32
    %dma_start3A_81 = arith.constant 0 : i32
    %dma_start3A_82 = arith.constant 0 : i32
    %dma_start3A_83 = tpu.memref_slice %arg9[%dma_start3A_79, %dma_start3A_81, %dma_start3A_82] : memref<10x128x64xi16, #tpu.memory_space<vmem>> -> memref<1x128x64xi16, #tpu.memory_space<vmem>>
    %dma_start3A_84 = tpu.memref_squeeze %dma_start3A_83 : memref<1x128x64xi16, #tpu.memory_space<vmem>> -> memref<128x64xi16, #tpu.memory_space<vmem>>
    %dma_start3A_85 = arith.constant 0 : i32
    %dma_start3A_86 = tpu.memref_slice %arg7[%dma_start3A_78, %dma_start3A_85] : memref<160x128xi32, #tpu.memory_space<vmem>> -> memref<1x128xi32, #tpu.memory_space<vmem>>
    %dma_start3A_87 = tpu.memref_squeeze %dma_start3A_86 : memref<1x128xi32, #tpu.memory_space<vmem>> -> memref<128xi32, #tpu.memory_space<vmem>>
    %dma_start3A_88 = arith.constant 0 : i32
    %dma_start3A_89 = arith.constant 0 : i32
    %dma_start3A_90 = tpu.memref_slice %arg2[%arg0, %dma_start3A_88, %dma_start3A_89] : memref<2x10240x64xi16, #tpu.memory_space<hbm>> -> memref<1x10240x64xi16, #tpu.memory_space<hbm>>
    %dma_start3A_91 = tpu.memref_squeeze %dma_start3A_90 : memref<1x10240x64xi16, #tpu.memory_space<hbm>> -> memref<10240x64xi16, #tpu.memory_space<hbm>>
    %dma_start3A_92 = arith.constant 0 : i32
    %dma_start3A_93 = arith.constant 0 : i32
    %dma_start3A_94 = tpu.memref_slice %dma_start3A_91[%dma_start3A_92, %dma_start3A_93] : memref<10240x64xi16, #tpu.memory_space<hbm>> -> memref<10240x64xi16, #tpu.memory_space<hbm>>
    %dma_start3A_95 = tpu.memref_slice %arg11[%dma_start3A_80] : memref<10x!tpu.dma_semaphore, #tpu.memory_space<semaphore_mem>> -> memref<1x!tpu.dma_semaphore, #tpu.memory_space<semaphore_mem>>
    %dma_start3A_96 = tpu.memref_squeeze %dma_start3A_95 : memref<1x!tpu.dma_semaphore, #tpu.memory_space<semaphore_mem>> -> memref<!tpu.dma_semaphore, #tpu.memory_space<semaphore_mem>>
    tpu.enqueue_indirect_dma source(%dma_start3A_94 : memref<10240x64xi16, #tpu.memory_space<hbm>>) target(%dma_start3A_84 : memref<128x64xi16, #tpu.memory_space<vmem>>) offsets(%dma_start3A_87 : memref<128xi32, #tpu.memory_space<vmem>>) semaphore(%dma_start3A_96 : memref<!tpu.dma_semaphore, #tpu.memory_space<semaphore_mem>>)
    %dma_start3A_97 = arith.constant 5 : i32
    %dma_start3A_98 = arith.constant 5 : i32
    %dma_start3A_99 = arith.constant 5 : i32
    %dma_start3A_100 = arith.constant 0 : i32
    %dma_start3A_101 = arith.constant 0 : i32
    %dma_start3A_102 = tpu.memref_slice %arg9[%dma_start3A_98, %dma_start3A_100, %dma_start3A_101] : memref<10x128x64xi16, #tpu.memory_space<vmem>> -> memref<1x128x64xi16, #tpu.memory_space<vmem>>
    %dma_start3A_103 = tpu.memref_squeeze %dma_start3A_102 : memref<1x128x64xi16, #tpu.memory_space<vmem>> -> memref<128x64xi16, #tpu.memory_space<vmem>>
    %dma_start3A_104 = arith.constant 0 : i32
    %dma_start3A_105 = tpu.memref_slice %arg7[%dma_start3A_97, %dma_start3A_104] : memref<160x128xi32, #tpu.memory_space<vmem>> -> memref<1x128xi32, #tpu.memory_space<vmem>>
    %dma_start3A_106 = tpu.memref_squeeze %dma_start3A_105 : memref<1x128xi32, #tpu.memory_space<vmem>> -> memref<128xi32, #tpu.memory_space<vmem>>
    %dma_start3A_107 = arith.constant 0 : i32
    %dma_start3A_108 = arith.constant 0 : i32
    %dma_start3A_109 = tpu.memref_slice %arg2[%arg0, %dma_start3A_107, %dma_start3A_108] : memref<2x10240x64xi16, #tpu.memory_space<hbm>> -> memref<1x10240x64xi16, #tpu.memory_space<hbm>>
    %dma_start3A_110 = tpu.memref_squeeze %dma_start3A_109 : memref<1x10240x64xi16, #tpu.memory_space<hbm>> -> memref<10240x64xi16, #tpu.memory_space<hbm>>
    %dma_start3A_111 = arith.constant 0 : i32
    %dma_start3A_112 = arith.constant 0 : i32
    %dma_start3A_113 = tpu.memref_slice %dma_start3A_110[%dma_start3A_111, %dma_start3A_112] : memref<10240x64xi16, #tpu.memory_space<hbm>> -> memref<10240x64xi16, #tpu.memory_space<hbm>>
    %dma_start3A_114 = tpu.memref_slice %arg11[%dma_start3A_99] : memref<10x!tpu.dma_semaphore, #tpu.memory_space<semaphore_mem>> -> memref<1x!tpu.dma_semaphore, #tpu.memory_space<semaphore_mem>>
    %dma_start3A_115 = tpu.memref_squeeze %dma_start3A_114 : memref<1x!tpu.dma_semaphore, #tpu.memory_space<semaphore_mem>> -> memref<!tpu.dma_semaphore, #tpu.memory_space<semaphore_mem>>
    tpu.enqueue_indirect_dma source(%dma_start3A_113 : memref<10240x64xi16, #tpu.memory_space<hbm>>) target(%dma_start3A_103 : memref<128x64xi16, #tpu.memory_space<vmem>>) offsets(%dma_start3A_106 : memref<128xi32, #tpu.memory_space<vmem>>) semaphore(%dma_start3A_115 : memref<!tpu.dma_semaphore, #tpu.memory_space<semaphore_mem>>)
    %dma_start3A_116 = arith.constant 6 : i32
    %dma_start3A_117 = arith.constant 6 : i32
    %dma_start3A_118 = arith.constant 6 : i32
    %dma_start3A_119 = arith.constant 0 : i32
    %dma_start3A_120 = arith.constant 0 : i32
    %dma_start3A_121 = tpu.memref_slice %arg9[%dma_start3A_117, %dma_start3A_119, %dma_start3A_120] : memref<10x128x64xi16, #tpu.memory_space<vmem>> -> memref<1x128x64xi16, #tpu.memory_space<vmem>>
    %dma_start3A_122 = tpu.memref_squeeze %dma_start3A_121 : memref<1x128x64xi16, #tpu.memory_space<vmem>> -> memref<128x64xi16, #tpu.memory_space<vmem>>
    %dma_start3A_123 = arith.constant 0 : i32
    %dma_start3A_124 = tpu.memref_slice %arg7[%dma_start3A_116, %dma_start3A_123] : memref<160x128xi32, #tpu.memory_space<vmem>> -> memref<1x128xi32, #tpu.memory_space<vmem>>
    %dma_start3A_125 = tpu.memref_squeeze %dma_start3A_124 : memref<1x128xi32, #tpu.memory_space<vmem>> -> memref<128xi32, #tpu.memory_space<vmem>>
    %dma_start3A_126 = arith.constant 0 : i32
    %dma_start3A_127 = arith.constant 0 : i32
    %dma_start3A_128 = tpu.memref_slice %arg2[%arg0, %dma_start3A_126, %dma_start3A_127] : memref<2x10240x64xi16, #tpu.memory_space<hbm>> -> memref<1x10240x64xi16, #tpu.memory_space<hbm>>
    %dma_start3A_129 = tpu.memref_squeeze %dma_start3A_128 : memref<1x10240x64xi16, #tpu.memory_space<hbm>> -> memref<10240x64xi16, #tpu.memory_space<hbm>>
    %dma_start3A_130 = arith.constant 0 : i32
    %dma_start3A_131 = arith.constant 0 : i32
    %dma_start3A_132 = tpu.memref_slice %dma_start3A_129[%dma_start3A_130, %dma_start3A_131] : memref<10240x64xi16, #tpu.memory_space<hbm>> -> memref<10240x64xi16, #tpu.memory_space<hbm>>
    %dma_start3A_133 = tpu.memref_slice %arg11[%dma_start3A_118] : memref<10x!tpu.dma_semaphore, #tpu.memory_space<semaphore_mem>> -> memref<1x!tpu.dma_semaphore, #tpu.memory_space<semaphore_mem>>
    %dma_start3A_134 = tpu.memref_squeeze %dma_start3A_133 : memref<1x!tpu.dma_semaphore, #tpu.memory_space<semaphore_mem>> -> memref<!tpu.dma_semaphore, #tpu.memory_space<semaphore_mem>>
    tpu.enqueue_indirect_dma source(%dma_start3A_132 : memref<10240x64xi16, #tpu.memory_space<hbm>>) target(%dma_start3A_122 : memref<128x64xi16, #tpu.memory_space<vmem>>) offsets(%dma_start3A_125 : memref<128xi32, #tpu.memory_space<vmem>>) semaphore(%dma_start3A_134 : memref<!tpu.dma_semaphore, #tpu.memory_space<semaphore_mem>>)
    %dma_start3A_135 = arith.constant 7 : i32
    %dma_start3A_136 = arith.constant 7 : i32
    %dma_start3A_137 = arith.constant 7 : i32
    %dma_start3A_138 = arith.constant 0 : i32
    %dma_start3A_139 = arith.constant 0 : i32
    %dma_start3A_140 = tpu.memref_slice %arg9[%dma_start3A_136, %dma_start3A_138, %dma_start3A_139] : memref<10x128x64xi16, #tpu.memory_space<vmem>> -> memref<1x128x64xi16, #tpu.memory_space<vmem>>
    %dma_start3A_141 = tpu.memref_squeeze %dma_start3A_140 : memref<1x128x64xi16, #tpu.memory_space<vmem>> -> memref<128x64xi16, #tpu.memory_space<vmem>>
    %dma_start3A_142 = arith.constant 0 : i32
    %dma_start3A_143 = tpu.memref_slice %arg7[%dma_start3A_135, %dma_start3A_142] : memref<160x128xi32, #tpu.memory_space<vmem>> -> memref<1x128xi32, #tpu.memory_space<vmem>>
    %dma_start3A_144 = tpu.memref_squeeze %dma_start3A_143 : memref<1x128xi32, #tpu.memory_space<vmem>> -> memref<128xi32, #tpu.memory_space<vmem>>
    %dma_start3A_145 = arith.constant 0 : i32
    %dma_start3A_146 = arith.constant 0 : i32
    %dma_start3A_147 = tpu.memref_slice %arg2[%arg0, %dma_start3A_145, %dma_start3A_146] : memref<2x10240x64xi16, #tpu.memory_space<hbm>> -> memref<1x10240x64xi16, #tpu.memory_space<hbm>>
    %dma_start3A_148 = tpu.memref_squeeze %dma_start3A_147 : memref<1x10240x64xi16, #tpu.memory_space<hbm>> -> memref<10240x64xi16, #tpu.memory_space<hbm>>
    %dma_start3A_149 = arith.constant 0 : i32
    %dma_start3A_150 = arith.constant 0 : i32
    %dma_start3A_151 = tpu.memref_slice %dma_start3A_148[%dma_start3A_149, %dma_start3A_150] : memref<10240x64xi16, #tpu.memory_space<hbm>> -> memref<10240x64xi16, #tpu.memory_space<hbm>>
    %dma_start3A_152 = tpu.memref_slice %arg11[%dma_start3A_137] : memref<10x!tpu.dma_semaphore, #tpu.memory_space<semaphore_mem>> -> memref<1x!tpu.dma_semaphore, #tpu.memory_space<semaphore_mem>>
    %dma_start3A_153 = tpu.memref_squeeze %dma_start3A_152 : memref<1x!tpu.dma_semaphore, #tpu.memory_space<semaphore_mem>> -> memref<!tpu.dma_semaphore, #tpu.memory_space<semaphore_mem>>
    tpu.enqueue_indirect_dma source(%dma_start3A_151 : memref<10240x64xi16, #tpu.memory_space<hbm>>) target(%dma_start3A_141 : memref<128x64xi16, #tpu.memory_space<vmem>>) offsets(%dma_start3A_144 : memref<128xi32, #tpu.memory_space<vmem>>) semaphore(%dma_start3A_153 : memref<!tpu.dma_semaphore, #tpu.memory_space<semaphore_mem>>)
    %dma_start3A_154 = arith.constant 8 : i32
    %dma_start3A_155 = arith.constant 8 : i32
    %dma_start3A_156 = arith.constant 8 : i32
    %dma_start3A_157 = arith.constant 0 : i32
    %dma_start3A_158 = arith.constant 0 : i32
    %dma_start3A_159 = tpu.memref_slice %arg9[%dma_start3A_155, %dma_start3A_157, %dma_start3A_158] : memref<10x128x64xi16, #tpu.memory_space<vmem>> -> memref<1x128x64xi16, #tpu.memory_space<vmem>>
    %dma_start3A_160 = tpu.memref_squeeze %dma_start3A_159 : memref<1x128x64xi16, #tpu.memory_space<vmem>> -> memref<128x64xi16, #tpu.memory_space<vmem>>
    %dma_start3A_161 = arith.constant 0 : i32
    %dma_start3A_162 = tpu.memref_slice %arg7[%dma_start3A_154, %dma_start3A_161] : memref<160x128xi32, #tpu.memory_space<vmem>> -> memref<1x128xi32, #tpu.memory_space<vmem>>
    %dma_start3A_163 = tpu.memref_squeeze %dma_start3A_162 : memref<1x128xi32, #tpu.memory_space<vmem>> -> memref<128xi32, #tpu.memory_space<vmem>>
    %dma_start3A_164 = arith.constant 0 : i32
    %dma_start3A_165 = arith.constant 0 : i32
    %dma_start3A_166 = tpu.memref_slice %arg2[%arg0, %dma_start3A_164, %dma_start3A_165] : memref<2x10240x64xi16, #tpu.memory_space<hbm>> -> memref<1x10240x64xi16, #tpu.memory_space<hbm>>
    %dma_start3A_167 = tpu.memref_squeeze %dma_start3A_166 : memref<1x10240x64xi16, #tpu.memory_space<hbm>> -> memref<10240x64xi16, #tpu.memory_space<hbm>>
    %dma_start3A_168 = arith.constant 0 : i32
    %dma_start3A_169 = arith.constant 0 : i32
    %dma_start3A_170 = tpu.memref_slice %dma_start3A_167[%dma_start3A_168, %dma_start3A_169] : memref<10240x64xi16, #tpu.memory_space<hbm>> -> memref<10240x64xi16, #tpu.memory_space<hbm>>
    %dma_start3A_171 = tpu.memref_slice %arg11[%dma_start3A_156] : memref<10x!tpu.dma_semaphore, #tpu.memory_space<semaphore_mem>> -> memref<1x!tpu.dma_semaphore, #tpu.memory_space<semaphore_mem>>
    %dma_start3A_172 = tpu.memref_squeeze %dma_start3A_171 : memref<1x!tpu.dma_semaphore, #tpu.memory_space<semaphore_mem>> -> memref<!tpu.dma_semaphore, #tpu.memory_space<semaphore_mem>>
    tpu.enqueue_indirect_dma source(%dma_start3A_170 : memref<10240x64xi16, #tpu.memory_space<hbm>>) target(%dma_start3A_160 : memref<128x64xi16, #tpu.memory_space<vmem>>) offsets(%dma_start3A_163 : memref<128xi32, #tpu.memory_space<vmem>>) semaphore(%dma_start3A_172 : memref<!tpu.dma_semaphore, #tpu.memory_space<semaphore_mem>>)
    %dma_start3A_173 = arith.constant 9 : i32
    %dma_start3A_174 = arith.constant 9 : i32
    %dma_start3A_175 = arith.constant 9 : i32
    %dma_start3A_176 = arith.constant 0 : i32
    %dma_start3A_177 = arith.constant 0 : i32
    %dma_start3A_178 = tpu.memref_slice %arg9[%dma_start3A_174, %dma_start3A_176, %dma_start3A_177] : memref<10x128x64xi16, #tpu.memory_space<vmem>> -> memref<1x128x64xi16, #tpu.memory_space<vmem>>
    %dma_start3A_179 = tpu.memref_squeeze %dma_start3A_178 : memref<1x128x64xi16, #tpu.memory_space<vmem>> -> memref<128x64xi16, #tpu.memory_space<vmem>>
    %dma_start3A_180 = arith.constant 0 : i32
    %dma_start3A_181 = tpu.memref_slice %arg7[%dma_start3A_173, %dma_start3A_180] : memref<160x128xi32, #tpu.memory_space<vmem>> -> memref<1x128xi32, #tpu.memory_space<vmem>>
    %dma_start3A_182 = tpu.memref_squeeze %dma_start3A_181 : memref<1x128xi32, #tpu.memory_space<vmem>> -> memref<128xi32, #tpu.memory_space<vmem>>
    %dma_start3A_183 = arith.constant 0 : i32
    %dma_start3A_184 = arith.constant 0 : i32
    %dma_start3A_185 = tpu.memref_slice %arg2[%arg0, %dma_start3A_183, %dma_start3A_184] : memref<2x10240x64xi16, #tpu.memory_space<hbm>> -> memref<1x10240x64xi16, #tpu.memory_space<hbm>>
    %dma_start3A_186 = tpu.memref_squeeze %dma_start3A_185 : memref<1x10240x64xi16, #tpu.memory_space<hbm>> -> memref<10240x64xi16, #tpu.memory_space<hbm>>
    %dma_start3A_187 = arith.constant 0 : i32
    %dma_start3A_188 = arith.constant 0 : i32
    %dma_start3A_189 = tpu.memref_slice %dma_start3A_186[%dma_start3A_187, %dma_start3A_188] : memref<10240x64xi16, #tpu.memory_space<hbm>> -> memref<10240x64xi16, #tpu.memory_space<hbm>>
    %dma_start3A_190 = tpu.memref_slice %arg11[%dma_start3A_175] : memref<10x!tpu.dma_semaphore, #tpu.memory_space<semaphore_mem>> -> memref<1x!tpu.dma_semaphore, #tpu.memory_space<semaphore_mem>>
    %dma_start3A_191 = tpu.memref_squeeze %dma_start3A_190 : memref<1x!tpu.dma_semaphore, #tpu.memory_space<semaphore_mem>> -> memref<!tpu.dma_semaphore, #tpu.memory_space<semaphore_mem>>
    tpu.enqueue_indirect_dma source(%dma_start3A_189 : memref<10240x64xi16, #tpu.memory_space<hbm>>) target(%dma_start3A_179 : memref<128x64xi16, #tpu.memory_space<vmem>>) offsets(%dma_start3A_182 : memref<128xi32, #tpu.memory_space<vmem>>) semaphore(%dma_start3A_191 : memref<!tpu.dma_semaphore, #tpu.memory_space<semaphore_mem>>)
    %scan3A = arith.constant 0 : i32
    %scan3A_192 = arith.constant 0 : i32
    %scan3A_193 = arith.constant 16 : i32
    %scan3A_194 = arith.addi %scan3A_192, %scan3A_193 : i32
    %scan3A_195 = arith.constant 1 : i32
    scf.for %scan3A_202 = %scan3A_192 to %scan3A_194 step %scan3A_195  : i32 {
      %mul3A_203 = arith.constant 10 : i32
      %mul3A_204 = arith.muli %scan3A_202, %mul3A_203 : i32
      %add3A = arith.constant 0 : i32
      %add3A_205 = arith.addi %mul3A_204, %add3A : i32
      %dma_wait3A = arith.constant 0 : i32
      %dma_wait3A_206 = arith.constant 0 : i32
      %dma_wait3A_207 = arith.constant 0 : i32
      %dma_wait3A_208 = arith.constant 0 : i32
      %dma_wait3A_209 = tpu.memref_slice %arg9[%dma_wait3A, %dma_wait3A_207, %dma_wait3A_208] : memref<10x128x64xi16, #tpu.memory_space<vmem>> -> memref<1x128x64xi16, #tpu.memory_space<vmem>>
      %dma_wait3A_210 = tpu.memref_squeeze %dma_wait3A_209 : memref<1x128x64xi16, #tpu.memory_space<vmem>> -> memref<128x64xi16, #tpu.memory_space<vmem>>
      %dma_wait3A_211 = arith.constant 0 : i32
      %dma_wait3A_212 = tpu.memref_slice %arg7[%add3A_205, %dma_wait3A_211] : memref<160x128xi32, #tpu.memory_space<vmem>> -> memref<1x128xi32, #tpu.memory_space<vmem>>
      %dma_wait3A_213 = tpu.memref_squeeze %dma_wait3A_212 : memref<1x128xi32, #tpu.memory_space<vmem>> -> memref<128xi32, #tpu.memory_space<vmem>>
      %dma_wait3A_214 = arith.constant 0 : i32
      %dma_wait3A_215 = arith.constant 0 : i32
      %dma_wait3A_216 = tpu.memref_slice %arg2[%arg0, %dma_wait3A_214, %dma_wait3A_215] : memref<2x10240x64xi16, #tpu.memory_space<hbm>> -> memref<1x10240x64xi16, #tpu.memory_space<hbm>>
      %dma_wait3A_217 = tpu.memref_squeeze %dma_wait3A_216 : memref<1x10240x64xi16, #tpu.memory_space<hbm>> -> memref<10240x64xi16, #tpu.memory_space<hbm>>
      %dma_wait3A_218 = arith.constant 0 : i32
      %dma_wait3A_219 = arith.constant 0 : i32
      %dma_wait3A_220 = tpu.memref_slice %dma_wait3A_217[%dma_wait3A_218, %dma_wait3A_219] : memref<10240x64xi16, #tpu.memory_space<hbm>> -> memref<10240x64xi16, #tpu.memory_space<hbm>>
      %dma_wait3A_221 = tpu.memref_slice %arg11[%dma_wait3A_206] : memref<10x!tpu.dma_semaphore, #tpu.memory_space<semaphore_mem>> -> memref<1x!tpu.dma_semaphore, #tpu.memory_space<semaphore_mem>>
      %dma_wait3A_222 = tpu.memref_squeeze %dma_wait3A_221 : memref<1x!tpu.dma_semaphore, #tpu.memory_space<semaphore_mem>> -> memref<!tpu.dma_semaphore, #tpu.memory_space<semaphore_mem>>
      tpu.wait_indirect_dma semaphore(%dma_wait3A_222 : memref<!tpu.dma_semaphore, #tpu.memory_space<semaphore_mem>>) src(%dma_wait3A_220 : memref<10240x64xi16, #tpu.memory_space<hbm>>) dst(%dma_wait3A_210 : memref<128x64xi16, #tpu.memory_space<vmem>>)
      %dma_start3A_223 = arith.constant 0 : i32
      %dma_start3A_224 = arith.constant 0 : i32
      %dma_start3A_225 = arith.constant 0 : i32
      %dma_start3A_226 = arith.constant 0 : i32
      %dma_start3A_227 = tpu.memref_slice %arg9[%dma_start3A_223, %dma_start3A_225, %dma_start3A_226] : memref<10x128x64xi16, #tpu.memory_space<vmem>> -> memref<1x128x64xi16, #tpu.memory_space<vmem>>
      %dma_start3A_228 = tpu.memref_squeeze %dma_start3A_227 : memref<1x128x64xi16, #tpu.memory_space<vmem>> -> memref<128x64xi16, #tpu.memory_space<vmem>>
      %dma_start3A_229 = arith.constant 0 : i32
      %dma_start3A_230 = tpu.memref_slice %arg8[%add3A_205, %dma_start3A_229] : memref<160x128xi32, #tpu.memory_space<vmem>> -> memref<1x128xi32, #tpu.memory_space<vmem>>
      %dma_start3A_231 = tpu.memref_squeeze %dma_start3A_230 : memref<1x128xi32, #tpu.memory_space<vmem>> -> memref<128xi32, #tpu.memory_space<vmem>>
      %dma_start3A_232 = arith.constant 0 : i32
      %dma_start3A_233 = arith.constant 0 : i32
      %dma_start3A_234 = tpu.memref_slice %arg10[%dma_start3A_232, %dma_start3A_233] : memref<10240x64xi16, #tpu.memory_space<vmem_shared>> -> memref<10240x64xi16, #tpu.memory_space<vmem_shared>>
      %dma_start3A_235 = tpu.memref_slice %arg12[%dma_start3A_224] : memref<10x!tpu.dma_semaphore, #tpu.memory_space<semaphore_mem>> -> memref<1x!tpu.dma_semaphore, #tpu.memory_space<semaphore_mem>>
      %dma_start3A_236 = tpu.memref_squeeze %dma_start3A_235 : memref<1x!tpu.dma_semaphore, #tpu.memory_space<semaphore_mem>> -> memref<!tpu.dma_semaphore, #tpu.memory_space<semaphore_mem>>
      tpu.enqueue_indirect_dma source(%dma_start3A_228 : memref<128x64xi16, #tpu.memory_space<vmem>>) target(%dma_start3A_234 : memref<10240x64xi16, #tpu.memory_space<vmem_shared>>) offsets(%dma_start3A_231 : memref<128xi32, #tpu.memory_space<vmem>>) semaphore(%dma_start3A_236 : memref<!tpu.dma_semaphore, #tpu.memory_space<semaphore_mem>>) {add = true}
      %mul3A_237 = arith.constant 10 : i32
      %mul3A_238 = arith.muli %scan3A_202, %mul3A_237 : i32
      %add3A_239 = arith.constant 1 : i32
      %add3A_240 = arith.addi %mul3A_238, %add3A_239 : i32
      %dma_wait3A_241 = arith.constant 1 : i32
      %dma_wait3A_242 = arith.constant 1 : i32
      %dma_wait3A_243 = arith.constant 0 : i32
      %dma_wait3A_244 = arith.constant 0 : i32
      %dma_wait3A_245 = tpu.memref_slice %arg9[%dma_wait3A_241, %dma_wait3A_243, %dma_wait3A_244] : memref<10x128x64xi16, #tpu.memory_space<vmem>> -> memref<1x128x64xi16, #tpu.memory_space<vmem>>
      %dma_wait3A_246 = tpu.memref_squeeze %dma_wait3A_245 : memref<1x128x64xi16, #tpu.memory_space<vmem>> -> memref<128x64xi16, #tpu.memory_space<vmem>>
      %dma_wait3A_247 = arith.constant 0 : i32
      %dma_wait3A_248 = tpu.memref_slice %arg7[%add3A_240, %dma_wait3A_247] : memref<160x128xi32, #tpu.memory_space<vmem>> -> memref<1x128xi32, #tpu.memory_space<vmem>>
      %dma_wait3A_249 = tpu.memref_squeeze %dma_wait3A_248 : memref<1x128xi32, #tpu.memory_space<vmem>> -> memref<128xi32, #tpu.memory_space<vmem>>
      %dma_wait3A_250 = arith.constant 0 : i32
      %dma_wait3A_251 = arith.constant 0 : i32
      %dma_wait3A_252 = tpu.memref_slice %arg2[%arg0, %dma_wait3A_250, %dma_wait3A_251] : memref<2x10240x64xi16, #tpu.memory_space<hbm>> -> memref<1x10240x64xi16, #tpu.memory_space<hbm>>
      %dma_wait3A_253 = tpu.memref_squeeze %dma_wait3A_252 : memref<1x10240x64xi16, #tpu.memory_space<hbm>> -> memref<10240x64xi16, #tpu.memory_space<hbm>>
      %dma_wait3A_254 = arith.constant 0 : i32
      %dma_wait3A_255 = arith.constant 0 : i32
      %dma_wait3A_256 = tpu.memref_slice %dma_wait3A_253[%dma_wait3A_254, %dma_wait3A_255] : memref<10240x64xi16, #tpu.memory_space<hbm>> -> memref<10240x64xi16, #tpu.memory_space<hbm>>
      %dma_wait3A_257 = tpu.memref_slice %arg11[%dma_wait3A_242] : memref<10x!tpu.dma_semaphore, #tpu.memory_space<semaphore_mem>> -> memref<1x!tpu.dma_semaphore, #tpu.memory_space<semaphore_mem>>
      %dma_wait3A_258 = tpu.memref_squeeze %dma_wait3A_257 : memref<1x!tpu.dma_semaphore, #tpu.memory_space<semaphore_mem>> -> memref<!tpu.dma_semaphore, #tpu.memory_space<semaphore_mem>>
      tpu.wait_indirect_dma semaphore(%dma_wait3A_258 : memref<!tpu.dma_semaphore, #tpu.memory_space<semaphore_mem>>) src(%dma_wait3A_256 : memref<10240x64xi16, #tpu.memory_space<hbm>>) dst(%dma_wait3A_246 : memref<128x64xi16, #tpu.memory_space<vmem>>)
      %dma_start3A_259 = arith.constant 1 : i32
      %dma_start3A_260 = arith.constant 1 : i32
      %dma_start3A_261 = arith.constant 0 : i32
      %dma_start3A_262 = arith.constant 0 : i32
      %dma_start3A_263 = tpu.memref_slice %arg9[%dma_start3A_259, %dma_start3A_261, %dma_start3A_262] : memref<10x128x64xi16, #tpu.memory_space<vmem>> -> memref<1x128x64xi16, #tpu.memory_space<vmem>>
      %dma_start3A_264 = tpu.memref_squeeze %dma_start3A_263 : memref<1x128x64xi16, #tpu.memory_space<vmem>> -> memref<128x64xi16, #tpu.memory_space<vmem>>
      %dma_start3A_265 = arith.constant 0 : i32
      %dma_start3A_266 = tpu.memref_slice %arg8[%add3A_240, %dma_start3A_265] : memref<160x128xi32, #tpu.memory_space<vmem>> -> memref<1x128xi32, #tpu.memory_space<vmem>>
      %dma_start3A_267 = tpu.memref_squeeze %dma_start3A_266 : memref<1x128xi32, #tpu.memory_space<vmem>> -> memref<128xi32, #tpu.memory_space<vmem>>
      %dma_start3A_268 = arith.constant 0 : i32
      %dma_start3A_269 = arith.constant 0 : i32
      %dma_start3A_270 = tpu.memref_slice %arg10[%dma_start3A_268, %dma_start3A_269] : memref<10240x64xi16, #tpu.memory_space<vmem_shared>> -> memref<10240x64xi16, #tpu.memory_space<vmem_shared>>
      %dma_start3A_271 = tpu.memref_slice %arg12[%dma_start3A_260] : memref<10x!tpu.dma_semaphore, #tpu.memory_space<semaphore_mem>> -> memref<1x!tpu.dma_semaphore, #tpu.memory_space<semaphore_mem>>
      %dma_start3A_272 = tpu.memref_squeeze %dma_start3A_271 : memref<1x!tpu.dma_semaphore, #tpu.memory_space<semaphore_mem>> -> memref<!tpu.dma_semaphore, #tpu.memory_space<semaphore_mem>>
      tpu.enqueue_indirect_dma source(%dma_start3A_264 : memref<128x64xi16, #tpu.memory_space<vmem>>) target(%dma_start3A_270 : memref<10240x64xi16, #tpu.memory_space<vmem_shared>>) offsets(%dma_start3A_267 : memref<128xi32, #tpu.memory_space<vmem>>) semaphore(%dma_start3A_272 : memref<!tpu.dma_semaphore, #tpu.memory_space<semaphore_mem>>) {add = true}
      %mul3A_273 = arith.constant 10 : i32
      %mul3A_274 = arith.muli %scan3A_202, %mul3A_273 : i32
      %add3A_275 = arith.constant 2 : i32
      %add3A_276 = arith.addi %mul3A_274, %add3A_275 : i32
      %dma_wait3A_277 = arith.constant 2 : i32
      %dma_wait3A_278 = arith.constant 2 : i32
      %dma_wait3A_279 = arith.constant 0 : i32
      %dma_wait3A_280 = arith.constant 0 : i32
      %dma_wait3A_281 = tpu.memref_slice %arg9[%dma_wait3A_277, %dma_wait3A_279, %dma_wait3A_280] : memref<10x128x64xi16, #tpu.memory_space<vmem>> -> memref<1x128x64xi16, #tpu.memory_space<vmem>>
      %dma_wait3A_282 = tpu.memref_squeeze %dma_wait3A_281 : memref<1x128x64xi16, #tpu.memory_space<vmem>> -> memref<128x64xi16, #tpu.memory_space<vmem>>
      %dma_wait3A_283 = arith.constant 0 : i32
      %dma_wait3A_284 = tpu.memref_slice %arg7[%add3A_276, %dma_wait3A_283] : memref<160x128xi32, #tpu.memory_space<vmem>> -> memref<1x128xi32, #tpu.memory_space<vmem>>
      %dma_wait3A_285 = tpu.memref_squeeze %dma_wait3A_284 : memref<1x128xi32, #tpu.memory_space<vmem>> -> memref<128xi32, #tpu.memory_space<vmem>>
      %dma_wait3A_286 = arith.constant 0 : i32
      %dma_wait3A_287 = arith.constant 0 : i32
      %dma_wait3A_288 = tpu.memref_slice %arg2[%arg0, %dma_wait3A_286, %dma_wait3A_287] : memref<2x10240x64xi16, #tpu.memory_space<hbm>> -> memref<1x10240x64xi16, #tpu.memory_space<hbm>>
      %dma_wait3A_289 = tpu.memref_squeeze %dma_wait3A_288 : memref<1x10240x64xi16, #tpu.memory_space<hbm>> -> memref<10240x64xi16, #tpu.memory_space<hbm>>
      %dma_wait3A_290 = arith.constant 0 : i32
      %dma_wait3A_291 = arith.constant 0 : i32
      %dma_wait3A_292 = tpu.memref_slice %dma_wait3A_289[%dma_wait3A_290, %dma_wait3A_291] : memref<10240x64xi16, #tpu.memory_space<hbm>> -> memref<10240x64xi16, #tpu.memory_space<hbm>>
      %dma_wait3A_293 = tpu.memref_slice %arg11[%dma_wait3A_278] : memref<10x!tpu.dma_semaphore, #tpu.memory_space<semaphore_mem>> -> memref<1x!tpu.dma_semaphore, #tpu.memory_space<semaphore_mem>>
      %dma_wait3A_294 = tpu.memref_squeeze %dma_wait3A_293 : memref<1x!tpu.dma_semaphore, #tpu.memory_space<semaphore_mem>> -> memref<!tpu.dma_semaphore, #tpu.memory_space<semaphore_mem>>
      tpu.wait_indirect_dma semaphore(%dma_wait3A_294 : memref<!tpu.dma_semaphore, #tpu.memory_space<semaphore_mem>>) src(%dma_wait3A_292 : memref<10240x64xi16, #tpu.memory_space<hbm>>) dst(%dma_wait3A_282 : memref<128x64xi16, #tpu.memory_space<vmem>>)
      %dma_start3A_295 = arith.constant 2 : i32
      %dma_start3A_296 = arith.constant 2 : i32
      %dma_start3A_297 = arith.constant 0 : i32
      %dma_start3A_298 = arith.constant 0 : i32
      %dma_start3A_299 = tpu.memref_slice %arg9[%dma_start3A_295, %dma_start3A_297, %dma_start3A_298] : memref<10x128x64xi16, #tpu.memory_space<vmem>> -> memref<1x128x64xi16, #tpu.memory_space<vmem>>
      %dma_start3A_300 = tpu.memref_squeeze %dma_start3A_299 : memref<1x128x64xi16, #tpu.memory_space<vmem>> -> memref<128x64xi16, #tpu.memory_space<vmem>>
      %dma_start3A_301 = arith.constant 0 : i32
      %dma_start3A_302 = tpu.memref_slice %arg8[%add3A_276, %dma_start3A_301] : memref<160x128xi32, #tpu.memory_space<vmem>> -> memref<1x128xi32, #tpu.memory_space<vmem>>
      %dma_start3A_303 = tpu.memref_squeeze %dma_start3A_302 : memref<1x128xi32, #tpu.memory_space<vmem>> -> memref<128xi32, #tpu.memory_space<vmem>>
      %dma_start3A_304 = arith.constant 0 : i32
      %dma_start3A_305 = arith.constant 0 : i32
      %dma_start3A_306 = tpu.memref_slice %arg10[%dma_start3A_304, %dma_start3A_305] : memref<10240x64xi16, #tpu.memory_space<vmem_shared>> -> memref<10240x64xi16, #tpu.memory_space<vmem_shared>>
      %dma_start3A_307 = tpu.memref_slice %arg12[%dma_start3A_296] : memref<10x!tpu.dma_semaphore, #tpu.memory_space<semaphore_mem>> -> memref<1x!tpu.dma_semaphore, #tpu.memory_space<semaphore_mem>>
      %dma_start3A_308 = tpu.memref_squeeze %dma_start3A_307 : memref<1x!tpu.dma_semaphore, #tpu.memory_space<semaphore_mem>> -> memref<!tpu.dma_semaphore, #tpu.memory_space<semaphore_mem>>
      tpu.enqueue_indirect_dma source(%dma_start3A_300 : memref<128x64xi16, #tpu.memory_space<vmem>>) target(%dma_start3A_306 : memref<10240x64xi16, #tpu.memory_space<vmem_shared>>) offsets(%dma_start3A_303 : memref<128xi32, #tpu.memory_space<vmem>>) semaphore(%dma_start3A_308 : memref<!tpu.dma_semaphore, #tpu.memory_space<semaphore_mem>>) {add = true}
      %mul3A_309 = arith.constant 10 : i32
      %mul3A_310 = arith.muli %scan3A_202, %mul3A_309 : i32
      %add3A_311 = arith.constant 3 : i32
      %add3A_312 = arith.addi %mul3A_310, %add3A_311 : i32
      %dma_wait3A_313 = arith.constant 3 : i32
      %dma_wait3A_314 = arith.constant 3 : i32
      %dma_wait3A_315 = arith.constant 0 : i32
      %dma_wait3A_316 = arith.constant 0 : i32
      %dma_wait3A_317 = tpu.memref_slice %arg9[%dma_wait3A_313, %dma_wait3A_315, %dma_wait3A_316] : memref<10x128x64xi16, #tpu.memory_space<vmem>> -> memref<1x128x64xi16, #tpu.memory_space<vmem>>
      %dma_wait3A_318 = tpu.memref_squeeze %dma_wait3A_317 : memref<1x128x64xi16, #tpu.memory_space<vmem>> -> memref<128x64xi16, #tpu.memory_space<vmem>>
      %dma_wait3A_319 = arith.constant 0 : i32
      %dma_wait3A_320 = tpu.memref_slice %arg7[%add3A_312, %dma_wait3A_319] : memref<160x128xi32, #tpu.memory_space<vmem>> -> memref<1x128xi32, #tpu.memory_space<vmem>>
      %dma_wait3A_321 = tpu.memref_squeeze %dma_wait3A_320 : memref<1x128xi32, #tpu.memory_space<vmem>> -> memref<128xi32, #tpu.memory_space<vmem>>
      %dma_wait3A_322 = arith.constant 0 : i32
      %dma_wait3A_323 = arith.constant 0 : i32
      %dma_wait3A_324 = tpu.memref_slice %arg2[%arg0, %dma_wait3A_322, %dma_wait3A_323] : memref<2x10240x64xi16, #tpu.memory_space<hbm>> -> memref<1x10240x64xi16, #tpu.memory_space<hbm>>
      %dma_wait3A_325 = tpu.memref_squeeze %dma_wait3A_324 : memref<1x10240x64xi16, #tpu.memory_space<hbm>> -> memref<10240x64xi16, #tpu.memory_space<hbm>>
      %dma_wait3A_326 = arith.constant 0 : i32
      %dma_wait3A_327 = arith.constant 0 : i32
      %dma_wait3A_328 = tpu.memref_slice %dma_wait3A_325[%dma_wait3A_326, %dma_wait3A_327] : memref<10240x64xi16, #tpu.memory_space<hbm>> -> memref<10240x64xi16, #tpu.memory_space<hbm>>
      %dma_wait3A_329 = tpu.memref_slice %arg11[%dma_wait3A_314] : memref<10x!tpu.dma_semaphore, #tpu.memory_space<semaphore_mem>> -> memref<1x!tpu.dma_semaphore, #tpu.memory_space<semaphore_mem>>
      %dma_wait3A_330 = tpu.memref_squeeze %dma_wait3A_329 : memref<1x!tpu.dma_semaphore, #tpu.memory_space<semaphore_mem>> -> memref<!tpu.dma_semaphore, #tpu.memory_space<semaphore_mem>>
      tpu.wait_indirect_dma semaphore(%dma_wait3A_330 : memref<!tpu.dma_semaphore, #tpu.memory_space<semaphore_mem>>) src(%dma_wait3A_328 : memref<10240x64xi16, #tpu.memory_space<hbm>>) dst(%dma_wait3A_318 : memref<128x64xi16, #tpu.memory_space<vmem>>)
      %dma_start3A_331 = arith.constant 3 : i32
      %dma_start3A_332 = arith.constant 3 : i32
      %dma_start3A_333 = arith.constant 0 : i32
      %dma_start3A_334 = arith.constant 0 : i32
      %dma_start3A_335 = tpu.memref_slice %arg9[%dma_start3A_331, %dma_start3A_333, %dma_start3A_334] : memref<10x128x64xi16, #tpu.memory_space<vmem>> -> memref<1x128x64xi16, #tpu.memory_space<vmem>>
      %dma_start3A_336 = tpu.memref_squeeze %dma_start3A_335 : memref<1x128x64xi16, #tpu.memory_space<vmem>> -> memref<128x64xi16, #tpu.memory_space<vmem>>
      %dma_start3A_337 = arith.constant 0 : i32
      %dma_start3A_338 = tpu.memref_slice %arg8[%add3A_312, %dma_start3A_337] : memref<160x128xi32, #tpu.memory_space<vmem>> -> memref<1x128xi32, #tpu.memory_space<vmem>>
      %dma_start3A_339 = tpu.memref_squeeze %dma_start3A_338 : memref<1x128xi32, #tpu.memory_space<vmem>> -> memref<128xi32, #tpu.memory_space<vmem>>
      %dma_start3A_340 = arith.constant 0 : i32
      %dma_start3A_341 = arith.constant 0 : i32
      %dma_start3A_342 = tpu.memref_slice %arg10[%dma_start3A_340, %dma_start3A_341] : memref<10240x64xi16, #tpu.memory_space<vmem_shared>> -> memref<10240x64xi16, #tpu.memory_space<vmem_shared>>
      %dma_start3A_343 = tpu.memref_slice %arg12[%dma_start3A_332] : memref<10x!tpu.dma_semaphore, #tpu.memory_space<semaphore_mem>> -> memref<1x!tpu.dma_semaphore, #tpu.memory_space<semaphore_mem>>
      %dma_start3A_344 = tpu.memref_squeeze %dma_start3A_343 : memref<1x!tpu.dma_semaphore, #tpu.memory_space<semaphore_mem>> -> memref<!tpu.dma_semaphore, #tpu.memory_space<semaphore_mem>>
      tpu.enqueue_indirect_dma source(%dma_start3A_336 : memref<128x64xi16, #tpu.memory_space<vmem>>) target(%dma_start3A_342 : memref<10240x64xi16, #tpu.memory_space<vmem_shared>>) offsets(%dma_start3A_339 : memref<128xi32, #tpu.memory_space<vmem>>) semaphore(%dma_start3A_344 : memref<!tpu.dma_semaphore, #tpu.memory_space<semaphore_mem>>) {add = true}
      %mul3A_345 = arith.constant 10 : i32
      %mul3A_346 = arith.muli %scan3A_202, %mul3A_345 : i32
      %add3A_347 = arith.constant 4 : i32
      %add3A_348 = arith.addi %mul3A_346, %add3A_347 : i32
      %dma_wait3A_349 = arith.constant 4 : i32
      %dma_wait3A_350 = arith.constant 4 : i32
      %dma_wait3A_351 = arith.constant 0 : i32
      %dma_wait3A_352 = arith.constant 0 : i32
      %dma_wait3A_353 = tpu.memref_slice %arg9[%dma_wait3A_349, %dma_wait3A_351, %dma_wait3A_352] : memref<10x128x64xi16, #tpu.memory_space<vmem>> -> memref<1x128x64xi16, #tpu.memory_space<vmem>>
      %dma_wait3A_354 = tpu.memref_squeeze %dma_wait3A_353 : memref<1x128x64xi16, #tpu.memory_space<vmem>> -> memref<128x64xi16, #tpu.memory_space<vmem>>
      %dma_wait3A_355 = arith.constant 0 : i32
      %dma_wait3A_356 = tpu.memref_slice %arg7[%add3A_348, %dma_wait3A_355] : memref<160x128xi32, #tpu.memory_space<vmem>> -> memref<1x128xi32, #tpu.memory_space<vmem>>
      %dma_wait3A_357 = tpu.memref_squeeze %dma_wait3A_356 : memref<1x128xi32, #tpu.memory_space<vmem>> -> memref<128xi32, #tpu.memory_space<vmem>>
      %dma_wait3A_358 = arith.constant 0 : i32
      %dma_wait3A_359 = arith.constant 0 : i32
      %dma_wait3A_360 = tpu.memref_slice %arg2[%arg0, %dma_wait3A_358, %dma_wait3A_359] : memref<2x10240x64xi16, #tpu.memory_space<hbm>> -> memref<1x10240x64xi16, #tpu.memory_space<hbm>>
      %dma_wait3A_361 = tpu.memref_squeeze %dma_wait3A_360 : memref<1x10240x64xi16, #tpu.memory_space<hbm>> -> memref<10240x64xi16, #tpu.memory_space<hbm>>
      %dma_wait3A_362 = arith.constant 0 : i32
      %dma_wait3A_363 = arith.constant 0 : i32
      %dma_wait3A_364 = tpu.memref_slice %dma_wait3A_361[%dma_wait3A_362, %dma_wait3A_363] : memref<10240x64xi16, #tpu.memory_space<hbm>> -> memref<10240x64xi16, #tpu.memory_space<hbm>>
      %dma_wait3A_365 = tpu.memref_slice %arg11[%dma_wait3A_350] : memref<10x!tpu.dma_semaphore, #tpu.memory_space<semaphore_mem>> -> memref<1x!tpu.dma_semaphore, #tpu.memory_space<semaphore_mem>>
      %dma_wait3A_366 = tpu.memref_squeeze %dma_wait3A_365 : memref<1x!tpu.dma_semaphore, #tpu.memory_space<semaphore_mem>> -> memref<!tpu.dma_semaphore, #tpu.memory_space<semaphore_mem>>
      tpu.wait_indirect_dma semaphore(%dma_wait3A_366 : memref<!tpu.dma_semaphore, #tpu.memory_space<semaphore_mem>>) src(%dma_wait3A_364 : memref<10240x64xi16, #tpu.memory_space<hbm>>) dst(%dma_wait3A_354 : memref<128x64xi16, #tpu.memory_space<vmem>>)
      %dma_start3A_367 = arith.constant 4 : i32
      %dma_start3A_368 = arith.constant 4 : i32
      %dma_start3A_369 = arith.constant 0 : i32
      %dma_start3A_370 = arith.constant 0 : i32
      %dma_start3A_371 = tpu.memref_slice %arg9[%dma_start3A_367, %dma_start3A_369, %dma_start3A_370] : memref<10x128x64xi16, #tpu.memory_space<vmem>> -> memref<1x128x64xi16, #tpu.memory_space<vmem>>
      %dma_start3A_372 = tpu.memref_squeeze %dma_start3A_371 : memref<1x128x64xi16, #tpu.memory_space<vmem>> -> memref<128x64xi16, #tpu.memory_space<vmem>>
      %dma_start3A_373 = arith.constant 0 : i32
      %dma_start3A_374 = tpu.memref_slice %arg8[%add3A_348, %dma_start3A_373] : memref<160x128xi32, #tpu.memory_space<vmem>> -> memref<1x128xi32, #tpu.memory_space<vmem>>
      %dma_start3A_375 = tpu.memref_squeeze %dma_start3A_374 : memref<1x128xi32, #tpu.memory_space<vmem>> -> memref<128xi32, #tpu.memory_space<vmem>>
      %dma_start3A_376 = arith.constant 0 : i32
      %dma_start3A_377 = arith.constant 0 : i32
      %dma_start3A_378 = tpu.memref_slice %arg10[%dma_start3A_376, %dma_start3A_377] : memref<10240x64xi16, #tpu.memory_space<vmem_shared>> -> memref<10240x64xi16, #tpu.memory_space<vmem_shared>>
      %dma_start3A_379 = tpu.memref_slice %arg12[%dma_start3A_368] : memref<10x!tpu.dma_semaphore, #tpu.memory_space<semaphore_mem>> -> memref<1x!tpu.dma_semaphore, #tpu.memory_space<semaphore_mem>>
      %dma_start3A_380 = tpu.memref_squeeze %dma_start3A_379 : memref<1x!tpu.dma_semaphore, #tpu.memory_space<semaphore_mem>> -> memref<!tpu.dma_semaphore, #tpu.memory_space<semaphore_mem>>
      tpu.enqueue_indirect_dma source(%dma_start3A_372 : memref<128x64xi16, #tpu.memory_space<vmem>>) target(%dma_start3A_378 : memref<10240x64xi16, #tpu.memory_space<vmem_shared>>) offsets(%dma_start3A_375 : memref<128xi32, #tpu.memory_space<vmem>>) semaphore(%dma_start3A_380 : memref<!tpu.dma_semaphore, #tpu.memory_space<semaphore_mem>>) {add = true}
      %mul3A_381 = arith.constant 10 : i32
      %mul3A_382 = arith.muli %scan3A_202, %mul3A_381 : i32
      %add3A_383 = arith.constant 5 : i32
      %add3A_384 = arith.addi %mul3A_382, %add3A_383 : i32
      %dma_wait3A_385 = arith.constant 5 : i32
      %dma_wait3A_386 = arith.constant 5 : i32
      %dma_wait3A_387 = arith.constant 0 : i32
      %dma_wait3A_388 = arith.constant 0 : i32
      %dma_wait3A_389 = tpu.memref_slice %arg9[%dma_wait3A_385, %dma_wait3A_387, %dma_wait3A_388] : memref<10x128x64xi16, #tpu.memory_space<vmem>> -> memref<1x128x64xi16, #tpu.memory_space<vmem>>
      %dma_wait3A_390 = tpu.memref_squeeze %dma_wait3A_389 : memref<1x128x64xi16, #tpu.memory_space<vmem>> -> memref<128x64xi16, #tpu.memory_space<vmem>>
      %dma_wait3A_391 = arith.constant 0 : i32
      %dma_wait3A_392 = tpu.memref_slice %arg7[%add3A_384, %dma_wait3A_391] : memref<160x128xi32, #tpu.memory_space<vmem>> -> memref<1x128xi32, #tpu.memory_space<vmem>>
      %dma_wait3A_393 = tpu.memref_squeeze %dma_wait3A_392 : memref<1x128xi32, #tpu.memory_space<vmem>> -> memref<128xi32, #tpu.memory_space<vmem>>
      %dma_wait3A_394 = arith.constant 0 : i32
      %dma_wait3A_395 = arith.constant 0 : i32
      %dma_wait3A_396 = tpu.memref_slice %arg2[%arg0, %dma_wait3A_394, %dma_wait3A_395] : memref<2x10240x64xi16, #tpu.memory_space<hbm>> -> memref<1x10240x64xi16, #tpu.memory_space<hbm>>
      %dma_wait3A_397 = tpu.memref_squeeze %dma_wait3A_396 : memref<1x10240x64xi16, #tpu.memory_space<hbm>> -> memref<10240x64xi16, #tpu.memory_space<hbm>>
      %dma_wait3A_398 = arith.constant 0 : i32
      %dma_wait3A_399 = arith.constant 0 : i32
      %dma_wait3A_400 = tpu.memref_slice %dma_wait3A_397[%dma_wait3A_398, %dma_wait3A_399] : memref<10240x64xi16, #tpu.memory_space<hbm>> -> memref<10240x64xi16, #tpu.memory_space<hbm>>
      %dma_wait3A_401 = tpu.memref_slice %arg11[%dma_wait3A_386] : memref<10x!tpu.dma_semaphore, #tpu.memory_space<semaphore_mem>> -> memref<1x!tpu.dma_semaphore, #tpu.memory_space<semaphore_mem>>
      %dma_wait3A_402 = tpu.memref_squeeze %dma_wait3A_401 : memref<1x!tpu.dma_semaphore, #tpu.memory_space<semaphore_mem>> -> memref<!tpu.dma_semaphore, #tpu.memory_space<semaphore_mem>>
      tpu.wait_indirect_dma semaphore(%dma_wait3A_402 : memref<!tpu.dma_semaphore, #tpu.memory_space<semaphore_mem>>) src(%dma_wait3A_400 : memref<10240x64xi16, #tpu.memory_space<hbm>>) dst(%dma_wait3A_390 : memref<128x64xi16, #tpu.memory_space<vmem>>)
      %dma_start3A_403 = arith.constant 5 : i32
      %dma_start3A_404 = arith.constant 5 : i32
      %dma_start3A_405 = arith.constant 0 : i32
      %dma_start3A_406 = arith.constant 0 : i32
      %dma_start3A_407 = tpu.memref_slice %arg9[%dma_start3A_403, %dma_start3A_405, %dma_start3A_406] : memref<10x128x64xi16, #tpu.memory_space<vmem>> -> memref<1x128x64xi16, #tpu.memory_space<vmem>>
      %dma_start3A_408 = tpu.memref_squeeze %dma_start3A_407 : memref<1x128x64xi16, #tpu.memory_space<vmem>> -> memref<128x64xi16, #tpu.memory_space<vmem>>
      %dma_start3A_409 = arith.constant 0 : i32
      %dma_start3A_410 = tpu.memref_slice %arg8[%add3A_384, %dma_start3A_409] : memref<160x128xi32, #tpu.memory_space<vmem>> -> memref<1x128xi32, #tpu.memory_space<vmem>>
      %dma_start3A_411 = tpu.memref_squeeze %dma_start3A_410 : memref<1x128xi32, #tpu.memory_space<vmem>> -> memref<128xi32, #tpu.memory_space<vmem>>
      %dma_start3A_412 = arith.constant 0 : i32
      %dma_start3A_413 = arith.constant 0 : i32
      %dma_start3A_414 = tpu.memref_slice %arg10[%dma_start3A_412, %dma_start3A_413] : memref<10240x64xi16, #tpu.memory_space<vmem_shared>> -> memref<10240x64xi16, #tpu.memory_space<vmem_shared>>
      %dma_start3A_415 = tpu.memref_slice %arg12[%dma_start3A_404] : memref<10x!tpu.dma_semaphore, #tpu.memory_space<semaphore_mem>> -> memref<1x!tpu.dma_semaphore, #tpu.memory_space<semaphore_mem>>
      %dma_start3A_416 = tpu.memref_squeeze %dma_start3A_415 : memref<1x!tpu.dma_semaphore, #tpu.memory_space<semaphore_mem>> -> memref<!tpu.dma_semaphore, #tpu.memory_space<semaphore_mem>>
      tpu.enqueue_indirect_dma source(%dma_start3A_408 : memref<128x64xi16, #tpu.memory_space<vmem>>) target(%dma_start3A_414 : memref<10240x64xi16, #tpu.memory_space<vmem_shared>>) offsets(%dma_start3A_411 : memref<128xi32, #tpu.memory_space<vmem>>) semaphore(%dma_start3A_416 : memref<!tpu.dma_semaphore, #tpu.memory_space<semaphore_mem>>) {add = true}
      %mul3A_417 = arith.constant 10 : i32
      %mul3A_418 = arith.muli %scan3A_202, %mul3A_417 : i32
      %add3A_419 = arith.constant 6 : i32
      %add3A_420 = arith.addi %mul3A_418, %add3A_419 : i32
      %dma_wait3A_421 = arith.constant 6 : i32
      %dma_wait3A_422 = arith.constant 6 : i32
      %dma_wait3A_423 = arith.constant 0 : i32
      %dma_wait3A_424 = arith.constant 0 : i32
      %dma_wait3A_425 = tpu.memref_slice %arg9[%dma_wait3A_421, %dma_wait3A_423, %dma_wait3A_424] : memref<10x128x64xi16, #tpu.memory_space<vmem>> -> memref<1x128x64xi16, #tpu.memory_space<vmem>>
      %dma_wait3A_426 = tpu.memref_squeeze %dma_wait3A_425 : memref<1x128x64xi16, #tpu.memory_space<vmem>> -> memref<128x64xi16, #tpu.memory_space<vmem>>
      %dma_wait3A_427 = arith.constant 0 : i32
      %dma_wait3A_428 = tpu.memref_slice %arg7[%add3A_420, %dma_wait3A_427] : memref<160x128xi32, #tpu.memory_space<vmem>> -> memref<1x128xi32, #tpu.memory_space<vmem>>
      %dma_wait3A_429 = tpu.memref_squeeze %dma_wait3A_428 : memref<1x128xi32, #tpu.memory_space<vmem>> -> memref<128xi32, #tpu.memory_space<vmem>>
      %dma_wait3A_430 = arith.constant 0 : i32
      %dma_wait3A_431 = arith.constant 0 : i32
      %dma_wait3A_432 = tpu.memref_slice %arg2[%arg0, %dma_wait3A_430, %dma_wait3A_431] : memref<2x10240x64xi16, #tpu.memory_space<hbm>> -> memref<1x10240x64xi16, #tpu.memory_space<hbm>>
      %dma_wait3A_433 = tpu.memref_squeeze %dma_wait3A_432 : memref<1x10240x64xi16, #tpu.memory_space<hbm>> -> memref<10240x64xi16, #tpu.memory_space<hbm>>
      %dma_wait3A_434 = arith.constant 0 : i32
      %dma_wait3A_435 = arith.constant 0 : i32
      %dma_wait3A_436 = tpu.memref_slice %dma_wait3A_433[%dma_wait3A_434, %dma_wait3A_435] : memref<10240x64xi16, #tpu.memory_space<hbm>> -> memref<10240x64xi16, #tpu.memory_space<hbm>>
      %dma_wait3A_437 = tpu.memref_slice %arg11[%dma_wait3A_422] : memref<10x!tpu.dma_semaphore, #tpu.memory_space<semaphore_mem>> -> memref<1x!tpu.dma_semaphore, #tpu.memory_space<semaphore_mem>>
      %dma_wait3A_438 = tpu.memref_squeeze %dma_wait3A_437 : memref<1x!tpu.dma_semaphore, #tpu.memory_space<semaphore_mem>> -> memref<!tpu.dma_semaphore, #tpu.memory_space<semaphore_mem>>
      tpu.wait_indirect_dma semaphore(%dma_wait3A_438 : memref<!tpu.dma_semaphore, #tpu.memory_space<semaphore_mem>>) src(%dma_wait3A_436 : memref<10240x64xi16, #tpu.memory_space<hbm>>) dst(%dma_wait3A_426 : memref<128x64xi16, #tpu.memory_space<vmem>>)
      %dma_start3A_439 = arith.constant 6 : i32
      %dma_start3A_440 = arith.constant 6 : i32
      %dma_start3A_441 = arith.constant 0 : i32
      %dma_start3A_442 = arith.constant 0 : i32
      %dma_start3A_443 = tpu.memref_slice %arg9[%dma_start3A_439, %dma_start3A_441, %dma_start3A_442] : memref<10x128x64xi16, #tpu.memory_space<vmem>> -> memref<1x128x64xi16, #tpu.memory_space<vmem>>
      %dma_start3A_444 = tpu.memref_squeeze %dma_start3A_443 : memref<1x128x64xi16, #tpu.memory_space<vmem>> -> memref<128x64xi16, #tpu.memory_space<vmem>>
      %dma_start3A_445 = arith.constant 0 : i32
      %dma_start3A_446 = tpu.memref_slice %arg8[%add3A_420, %dma_start3A_445] : memref<160x128xi32, #tpu.memory_space<vmem>> -> memref<1x128xi32, #tpu.memory_space<vmem>>
      %dma_start3A_447 = tpu.memref_squeeze %dma_start3A_446 : memref<1x128xi32, #tpu.memory_space<vmem>> -> memref<128xi32, #tpu.memory_space<vmem>>
      %dma_start3A_448 = arith.constant 0 : i32
      %dma_start3A_449 = arith.constant 0 : i32
      %dma_start3A_450 = tpu.memref_slice %arg10[%dma_start3A_448, %dma_start3A_449] : memref<10240x64xi16, #tpu.memory_space<vmem_shared>> -> memref<10240x64xi16, #tpu.memory_space<vmem_shared>>
      %dma_start3A_451 = tpu.memref_slice %arg12[%dma_start3A_440] : memref<10x!tpu.dma_semaphore, #tpu.memory_space<semaphore_mem>> -> memref<1x!tpu.dma_semaphore, #tpu.memory_space<semaphore_mem>>
      %dma_start3A_452 = tpu.memref_squeeze %dma_start3A_451 : memref<1x!tpu.dma_semaphore, #tpu.memory_space<semaphore_mem>> -> memref<!tpu.dma_semaphore, #tpu.memory_space<semaphore_mem>>
      tpu.enqueue_indirect_dma source(%dma_start3A_444 : memref<128x64xi16, #tpu.memory_space<vmem>>) target(%dma_start3A_450 : memref<10240x64xi16, #tpu.memory_space<vmem_shared>>) offsets(%dma_start3A_447 : memref<128xi32, #tpu.memory_space<vmem>>) semaphore(%dma_start3A_452 : memref<!tpu.dma_semaphore, #tpu.memory_space<semaphore_mem>>) {add = true}
      %mul3A_453 = arith.constant 10 : i32
      %mul3A_454 = arith.muli %scan3A_202, %mul3A_453 : i32
      %add3A_455 = arith.constant 7 : i32
      %add3A_456 = arith.addi %mul3A_454, %add3A_455 : i32
      %dma_wait3A_457 = arith.constant 7 : i32
      %dma_wait3A_458 = arith.constant 7 : i32
      %dma_wait3A_459 = arith.constant 0 : i32
      %dma_wait3A_460 = arith.constant 0 : i32
      %dma_wait3A_461 = tpu.memref_slice %arg9[%dma_wait3A_457, %dma_wait3A_459, %dma_wait3A_460] : memref<10x128x64xi16, #tpu.memory_space<vmem>> -> memref<1x128x64xi16, #tpu.memory_space<vmem>>
      %dma_wait3A_462 = tpu.memref_squeeze %dma_wait3A_461 : memref<1x128x64xi16, #tpu.memory_space<vmem>> -> memref<128x64xi16, #tpu.memory_space<vmem>>
      %dma_wait3A_463 = arith.constant 0 : i32
      %dma_wait3A_464 = tpu.memref_slice %arg7[%add3A_456, %dma_wait3A_463] : memref<160x128xi32, #tpu.memory_space<vmem>> -> memref<1x128xi32, #tpu.memory_space<vmem>>
      %dma_wait3A_465 = tpu.memref_squeeze %dma_wait3A_464 : memref<1x128xi32, #tpu.memory_space<vmem>> -> memref<128xi32, #tpu.memory_space<vmem>>
      %dma_wait3A_466 = arith.constant 0 : i32
      %dma_wait3A_467 = arith.constant 0 : i32
      %dma_wait3A_468 = tpu.memref_slice %arg2[%arg0, %dma_wait3A_466, %dma_wait3A_467] : memref<2x10240x64xi16, #tpu.memory_space<hbm>> -> memref<1x10240x64xi16, #tpu.memory_space<hbm>>
      %dma_wait3A_469 = tpu.memref_squeeze %dma_wait3A_468 : memref<1x10240x64xi16, #tpu.memory_space<hbm>> -> memref<10240x64xi16, #tpu.memory_space<hbm>>
      %dma_wait3A_470 = arith.constant 0 : i32
      %dma_wait3A_471 = arith.constant 0 : i32
      %dma_wait3A_472 = tpu.memref_slice %dma_wait3A_469[%dma_wait3A_470, %dma_wait3A_471] : memref<10240x64xi16, #tpu.memory_space<hbm>> -> memref<10240x64xi16, #tpu.memory_space<hbm>>
      %dma_wait3A_473 = tpu.memref_slice %arg11[%dma_wait3A_458] : memref<10x!tpu.dma_semaphore, #tpu.memory_space<semaphore_mem>> -> memref<1x!tpu.dma_semaphore, #tpu.memory_space<semaphore_mem>>
      %dma_wait3A_474 = tpu.memref_squeeze %dma_wait3A_473 : memref<1x!tpu.dma_semaphore, #tpu.memory_space<semaphore_mem>> -> memref<!tpu.dma_semaphore, #tpu.memory_space<semaphore_mem>>
      tpu.wait_indirect_dma semaphore(%dma_wait3A_474 : memref<!tpu.dma_semaphore, #tpu.memory_space<semaphore_mem>>) src(%dma_wait3A_472 : memref<10240x64xi16, #tpu.memory_space<hbm>>) dst(%dma_wait3A_462 : memref<128x64xi16, #tpu.memory_space<vmem>>)
      %dma_start3A_475 = arith.constant 7 : i32
      %dma_start3A_476 = arith.constant 7 : i32
      %dma_start3A_477 = arith.constant 0 : i32
      %dma_start3A_478 = arith.constant 0 : i32
      %dma_start3A_479 = tpu.memref_slice %arg9[%dma_start3A_475, %dma_start3A_477, %dma_start3A_478] : memref<10x128x64xi16, #tpu.memory_space<vmem>> -> memref<1x128x64xi16, #tpu.memory_space<vmem>>
      %dma_start3A_480 = tpu.memref_squeeze %dma_start3A_479 : memref<1x128x64xi16, #tpu.memory_space<vmem>> -> memref<128x64xi16, #tpu.memory_space<vmem>>
      %dma_start3A_481 = arith.constant 0 : i32
      %dma_start3A_482 = tpu.memref_slice %arg8[%add3A_456, %dma_start3A_481] : memref<160x128xi32, #tpu.memory_space<vmem>> -> memref<1x128xi32, #tpu.memory_space<vmem>>
      %dma_start3A_483 = tpu.memref_squeeze %dma_start3A_482 : memref<1x128xi32, #tpu.memory_space<vmem>> -> memref<128xi32, #tpu.memory_space<vmem>>
      %dma_start3A_484 = arith.constant 0 : i32
      %dma_start3A_485 = arith.constant 0 : i32
      %dma_start3A_486 = tpu.memref_slice %arg10[%dma_start3A_484, %dma_start3A_485] : memref<10240x64xi16, #tpu.memory_space<vmem_shared>> -> memref<10240x64xi16, #tpu.memory_space<vmem_shared>>
      %dma_start3A_487 = tpu.memref_slice %arg12[%dma_start3A_476] : memref<10x!tpu.dma_semaphore, #tpu.memory_space<semaphore_mem>> -> memref<1x!tpu.dma_semaphore, #tpu.memory_space<semaphore_mem>>
      %dma_start3A_488 = tpu.memref_squeeze %dma_start3A_487 : memref<1x!tpu.dma_semaphore, #tpu.memory_space<semaphore_mem>> -> memref<!tpu.dma_semaphore, #tpu.memory_space<semaphore_mem>>
      tpu.enqueue_indirect_dma source(%dma_start3A_480 : memref<128x64xi16, #tpu.memory_space<vmem>>) target(%dma_start3A_486 : memref<10240x64xi16, #tpu.memory_space<vmem_shared>>) offsets(%dma_start3A_483 : memref<128xi32, #tpu.memory_space<vmem>>) semaphore(%dma_start3A_488 : memref<!tpu.dma_semaphore, #tpu.memory_space<semaphore_mem>>) {add = true}
      %mul3A_489 = arith.constant 10 : i32
      %mul3A_490 = arith.muli %scan3A_202, %mul3A_489 : i32
      %add3A_491 = arith.constant 8 : i32
      %add3A_492 = arith.addi %mul3A_490, %add3A_491 : i32
      %dma_wait3A_493 = arith.constant 8 : i32
      %dma_wait3A_494 = arith.constant 8 : i32
      %dma_wait3A_495 = arith.constant 0 : i32
      %dma_wait3A_496 = arith.constant 0 : i32
      %dma_wait3A_497 = tpu.memref_slice %arg9[%dma_wait3A_493, %dma_wait3A_495, %dma_wait3A_496] : memref<10x128x64xi16, #tpu.memory_space<vmem>> -> memref<1x128x64xi16, #tpu.memory_space<vmem>>
      %dma_wait3A_498 = tpu.memref_squeeze %dma_wait3A_497 : memref<1x128x64xi16, #tpu.memory_space<vmem>> -> memref<128x64xi16, #tpu.memory_space<vmem>>
      %dma_wait3A_499 = arith.constant 0 : i32
      %dma_wait3A_500 = tpu.memref_slice %arg7[%add3A_492, %dma_wait3A_499] : memref<160x128xi32, #tpu.memory_space<vmem>> -> memref<1x128xi32, #tpu.memory_space<vmem>>
      %dma_wait3A_501 = tpu.memref_squeeze %dma_wait3A_500 : memref<1x128xi32, #tpu.memory_space<vmem>> -> memref<128xi32, #tpu.memory_space<vmem>>
      %dma_wait3A_502 = arith.constant 0 : i32
      %dma_wait3A_503 = arith.constant 0 : i32
      %dma_wait3A_504 = tpu.memref_slice %arg2[%arg0, %dma_wait3A_502, %dma_wait3A_503] : memref<2x10240x64xi16, #tpu.memory_space<hbm>> -> memref<1x10240x64xi16, #tpu.memory_space<hbm>>
      %dma_wait3A_505 = tpu.memref_squeeze %dma_wait3A_504 : memref<1x10240x64xi16, #tpu.memory_space<hbm>> -> memref<10240x64xi16, #tpu.memory_space<hbm>>
      %dma_wait3A_506 = arith.constant 0 : i32
      %dma_wait3A_507 = arith.constant 0 : i32
      %dma_wait3A_508 = tpu.memref_slice %dma_wait3A_505[%dma_wait3A_506, %dma_wait3A_507] : memref<10240x64xi16, #tpu.memory_space<hbm>> -> memref<10240x64xi16, #tpu.memory_space<hbm>>
      %dma_wait3A_509 = tpu.memref_slice %arg11[%dma_wait3A_494] : memref<10x!tpu.dma_semaphore, #tpu.memory_space<semaphore_mem>> -> memref<1x!tpu.dma_semaphore, #tpu.memory_space<semaphore_mem>>
      %dma_wait3A_510 = tpu.memref_squeeze %dma_wait3A_509 : memref<1x!tpu.dma_semaphore, #tpu.memory_space<semaphore_mem>> -> memref<!tpu.dma_semaphore, #tpu.memory_space<semaphore_mem>>
      tpu.wait_indirect_dma semaphore(%dma_wait3A_510 : memref<!tpu.dma_semaphore, #tpu.memory_space<semaphore_mem>>) src(%dma_wait3A_508 : memref<10240x64xi16, #tpu.memory_space<hbm>>) dst(%dma_wait3A_498 : memref<128x64xi16, #tpu.memory_space<vmem>>)
      %dma_start3A_511 = arith.constant 8 : i32
      %dma_start3A_512 = arith.constant 8 : i32
      %dma_start3A_513 = arith.constant 0 : i32
      %dma_start3A_514 = arith.constant 0 : i32
      %dma_start3A_515 = tpu.memref_slice %arg9[%dma_start3A_511, %dma_start3A_513, %dma_start3A_514] : memref<10x128x64xi16, #tpu.memory_space<vmem>> -> memref<1x128x64xi16, #tpu.memory_space<vmem>>
      %dma_start3A_516 = tpu.memref_squeeze %dma_start3A_515 : memref<1x128x64xi16, #tpu.memory_space<vmem>> -> memref<128x64xi16, #tpu.memory_space<vmem>>
      %dma_start3A_517 = arith.constant 0 : i32
      %dma_start3A_518 = tpu.memref_slice %arg8[%add3A_492, %dma_start3A_517] : memref<160x128xi32, #tpu.memory_space<vmem>> -> memref<1x128xi32, #tpu.memory_space<vmem>>
      %dma_start3A_519 = tpu.memref_squeeze %dma_start3A_518 : memref<1x128xi32, #tpu.memory_space<vmem>> -> memref<128xi32, #tpu.memory_space<vmem>>
      %dma_start3A_520 = arith.constant 0 : i32
      %dma_start3A_521 = arith.constant 0 : i32
      %dma_start3A_522 = tpu.memref_slice %arg10[%dma_start3A_520, %dma_start3A_521] : memref<10240x64xi16, #tpu.memory_space<vmem_shared>> -> memref<10240x64xi16, #tpu.memory_space<vmem_shared>>
      %dma_start3A_523 = tpu.memref_slice %arg12[%dma_start3A_512] : memref<10x!tpu.dma_semaphore, #tpu.memory_space<semaphore_mem>> -> memref<1x!tpu.dma_semaphore, #tpu.memory_space<semaphore_mem>>
      %dma_start3A_524 = tpu.memref_squeeze %dma_start3A_523 : memref<1x!tpu.dma_semaphore, #tpu.memory_space<semaphore_mem>> -> memref<!tpu.dma_semaphore, #tpu.memory_space<semaphore_mem>>
      tpu.enqueue_indirect_dma source(%dma_start3A_516 : memref<128x64xi16, #tpu.memory_space<vmem>>) target(%dma_start3A_522 : memref<10240x64xi16, #tpu.memory_space<vmem_shared>>) offsets(%dma_start3A_519 : memref<128xi32, #tpu.memory_space<vmem>>) semaphore(%dma_start3A_524 : memref<!tpu.dma_semaphore, #tpu.memory_space<semaphore_mem>>) {add = true}
      %mul3A_525 = arith.constant 10 : i32
      %mul3A_526 = arith.muli %scan3A_202, %mul3A_525 : i32
      %add3A_527 = arith.constant 9 : i32
      %add3A_528 = arith.addi %mul3A_526, %add3A_527 : i32
      %dma_wait3A_529 = arith.constant 9 : i32
      %dma_wait3A_530 = arith.constant 9 : i32
      %dma_wait3A_531 = arith.constant 0 : i32
      %dma_wait3A_532 = arith.constant 0 : i32
      %dma_wait3A_533 = tpu.memref_slice %arg9[%dma_wait3A_529, %dma_wait3A_531, %dma_wait3A_532] : memref<10x128x64xi16, #tpu.memory_space<vmem>> -> memref<1x128x64xi16, #tpu.memory_space<vmem>>
      %dma_wait3A_534 = tpu.memref_squeeze %dma_wait3A_533 : memref<1x128x64xi16, #tpu.memory_space<vmem>> -> memref<128x64xi16, #tpu.memory_space<vmem>>
      %dma_wait3A_535 = arith.constant 0 : i32
      %dma_wait3A_536 = tpu.memref_slice %arg7[%add3A_528, %dma_wait3A_535] : memref<160x128xi32, #tpu.memory_space<vmem>> -> memref<1x128xi32, #tpu.memory_space<vmem>>
      %dma_wait3A_537 = tpu.memref_squeeze %dma_wait3A_536 : memref<1x128xi32, #tpu.memory_space<vmem>> -> memref<128xi32, #tpu.memory_space<vmem>>
      %dma_wait3A_538 = arith.constant 0 : i32
      %dma_wait3A_539 = arith.constant 0 : i32
      %dma_wait3A_540 = tpu.memref_slice %arg2[%arg0, %dma_wait3A_538, %dma_wait3A_539] : memref<2x10240x64xi16, #tpu.memory_space<hbm>> -> memref<1x10240x64xi16, #tpu.memory_space<hbm>>
      %dma_wait3A_541 = tpu.memref_squeeze %dma_wait3A_540 : memref<1x10240x64xi16, #tpu.memory_space<hbm>> -> memref<10240x64xi16, #tpu.memory_space<hbm>>
      %dma_wait3A_542 = arith.constant 0 : i32
      %dma_wait3A_543 = arith.constant 0 : i32
      %dma_wait3A_544 = tpu.memref_slice %dma_wait3A_541[%dma_wait3A_542, %dma_wait3A_543] : memref<10240x64xi16, #tpu.memory_space<hbm>> -> memref<10240x64xi16, #tpu.memory_space<hbm>>
      %dma_wait3A_545 = tpu.memref_slice %arg11[%dma_wait3A_530] : memref<10x!tpu.dma_semaphore, #tpu.memory_space<semaphore_mem>> -> memref<1x!tpu.dma_semaphore, #tpu.memory_space<semaphore_mem>>
      %dma_wait3A_546 = tpu.memref_squeeze %dma_wait3A_545 : memref<1x!tpu.dma_semaphore, #tpu.memory_space<semaphore_mem>> -> memref<!tpu.dma_semaphore, #tpu.memory_space<semaphore_mem>>
      tpu.wait_indirect_dma semaphore(%dma_wait3A_546 : memref<!tpu.dma_semaphore, #tpu.memory_space<semaphore_mem>>) src(%dma_wait3A_544 : memref<10240x64xi16, #tpu.memory_space<hbm>>) dst(%dma_wait3A_534 : memref<128x64xi16, #tpu.memory_space<vmem>>)
      %dma_start3A_547 = arith.constant 9 : i32
      %dma_start3A_548 = arith.constant 9 : i32
      %dma_start3A_549 = arith.constant 0 : i32
      %dma_start3A_550 = arith.constant 0 : i32
      %dma_start3A_551 = tpu.memref_slice %arg9[%dma_start3A_547, %dma_start3A_549, %dma_start3A_550] : memref<10x128x64xi16, #tpu.memory_space<vmem>> -> memref<1x128x64xi16, #tpu.memory_space<vmem>>
      %dma_start3A_552 = tpu.memref_squeeze %dma_start3A_551 : memref<1x128x64xi16, #tpu.memory_space<vmem>> -> memref<128x64xi16, #tpu.memory_space<vmem>>
      %dma_start3A_553 = arith.constant 0 : i32
      %dma_start3A_554 = tpu.memref_slice %arg8[%add3A_528, %dma_start3A_553] : memref<160x128xi32, #tpu.memory_space<vmem>> -> memref<1x128xi32, #tpu.memory_space<vmem>>
      %dma_start3A_555 = tpu.memref_squeeze %dma_start3A_554 : memref<1x128xi32, #tpu.memory_space<vmem>> -> memref<128xi32, #tpu.memory_space<vmem>>
      %dma_start3A_556 = arith.constant 0 : i32
      %dma_start3A_557 = arith.constant 0 : i32
      %dma_start3A_558 = tpu.memref_slice %arg10[%dma_start3A_556, %dma_start3A_557] : memref<10240x64xi16, #tpu.memory_space<vmem_shared>> -> memref<10240x64xi16, #tpu.memory_space<vmem_shared>>
      %dma_start3A_559 = tpu.memref_slice %arg12[%dma_start3A_548] : memref<10x!tpu.dma_semaphore, #tpu.memory_space<semaphore_mem>> -> memref<1x!tpu.dma_semaphore, #tpu.memory_space<semaphore_mem>>
      %dma_start3A_560 = tpu.memref_squeeze %dma_start3A_559 : memref<1x!tpu.dma_semaphore, #tpu.memory_space<semaphore_mem>> -> memref<!tpu.dma_semaphore, #tpu.memory_space<semaphore_mem>>
      tpu.enqueue_indirect_dma source(%dma_start3A_552 : memref<128x64xi16, #tpu.memory_space<vmem>>) target(%dma_start3A_558 : memref<10240x64xi16, #tpu.memory_space<vmem_shared>>) offsets(%dma_start3A_555 : memref<128xi32, #tpu.memory_space<vmem>>) semaphore(%dma_start3A_560 : memref<!tpu.dma_semaphore, #tpu.memory_space<semaphore_mem>>) {add = true}
      %mul3A_561 = arith.constant 10 : i32
      %mul3A_562 = arith.muli %scan3A_202, %mul3A_561 : i32
      %add3A_563 = arith.constant 0 : i32
      %add3A_564 = arith.addi %mul3A_562, %add3A_563 : i32
      %dma_wait3A_565 = arith.constant 0 : i32
      %dma_wait3A_566 = arith.constant 0 : i32
      %dma_wait3A_567 = arith.constant 0 : i32
      %dma_wait3A_568 = arith.constant 0 : i32
      %dma_wait3A_569 = tpu.memref_slice %arg9[%dma_wait3A_565, %dma_wait3A_567, %dma_wait3A_568] : memref<10x128x64xi16, #tpu.memory_space<vmem>> -> memref<1x128x64xi16, #tpu.memory_space<vmem>>
      %dma_wait3A_570 = tpu.memref_squeeze %dma_wait3A_569 : memref<1x128x64xi16, #tpu.memory_space<vmem>> -> memref<128x64xi16, #tpu.memory_space<vmem>>
      %dma_wait3A_571 = arith.constant 0 : i32
      %dma_wait3A_572 = tpu.memref_slice %arg8[%add3A_564, %dma_wait3A_571] : memref<160x128xi32, #tpu.memory_space<vmem>> -> memref<1x128xi32, #tpu.memory_space<vmem>>
      %dma_wait3A_573 = tpu.memref_squeeze %dma_wait3A_572 : memref<1x128xi32, #tpu.memory_space<vmem>> -> memref<128xi32, #tpu.memory_space<vmem>>
      %dma_wait3A_574 = arith.constant 0 : i32
      %dma_wait3A_575 = arith.constant 0 : i32
      %dma_wait3A_576 = tpu.memref_slice %arg10[%dma_wait3A_574, %dma_wait3A_575] : memref<10240x64xi16, #tpu.memory_space<vmem_shared>> -> memref<10240x64xi16, #tpu.memory_space<vmem_shared>>
      %dma_wait3A_577 = tpu.memref_slice %arg12[%dma_wait3A_566] : memref<10x!tpu.dma_semaphore, #tpu.memory_space<semaphore_mem>> -> memref<1x!tpu.dma_semaphore, #tpu.memory_space<semaphore_mem>>
      %dma_wait3A_578 = tpu.memref_squeeze %dma_wait3A_577 : memref<1x!tpu.dma_semaphore, #tpu.memory_space<semaphore_mem>> -> memref<!tpu.dma_semaphore, #tpu.memory_space<semaphore_mem>>
      tpu.wait_indirect_dma semaphore(%dma_wait3A_578 : memref<!tpu.dma_semaphore, #tpu.memory_space<semaphore_mem>>) src(%dma_wait3A_570 : memref<128x64xi16, #tpu.memory_space<vmem>>) dst(%dma_wait3A_576 : memref<10240x64xi16, #tpu.memory_space<vmem_shared>>)
      %lt3A = arith.constant 15 : i32
      %lt3A_579 = arith.cmpi slt, %scan3A_202, %lt3A : i32
      %convert_element_type3A = arith.extui %lt3A_579 : i1 to i32
      %cond3A = arith.constant 0 : i32
      %cond3A_580 = arith.cmpi ne, %convert_element_type3A, %cond3A : i32
      scf.if %cond3A_580 {
        %add3A_788 = arith.constant 10 : i32
        %add3A_789 = arith.addi %add3A_564, %add3A_788 : i32
        %dma_start3A_790 = arith.constant 0 : i32
        %dma_start3A_791 = arith.constant 0 : i32
        %dma_start3A_792 = arith.constant 0 : i32
        %dma_start3A_793 = arith.constant 0 : i32
        %dma_start3A_794 = tpu.memref_slice %arg9[%dma_start3A_790, %dma_start3A_792, %dma_start3A_793] : memref<10x128x64xi16, #tpu.memory_space<vmem>> -> memref<1x128x64xi16, #tpu.memory_space<vmem>>
        %dma_start3A_795 = tpu.memref_squeeze %dma_start3A_794 : memref<1x128x64xi16, #tpu.memory_space<vmem>> -> memref<128x64xi16, #tpu.memory_space<vmem>>
        %dma_start3A_796 = arith.constant 0 : i32
        %dma_start3A_797 = tpu.memref_slice %arg7[%add3A_789, %dma_start3A_796] : memref<160x128xi32, #tpu.memory_space<vmem>> -> memref<1x128xi32, #tpu.memory_space<vmem>>
        %dma_start3A_798 = tpu.memref_squeeze %dma_start3A_797 : memref<1x128xi32, #tpu.memory_space<vmem>> -> memref<128xi32, #tpu.memory_space<vmem>>
        %dma_start3A_799 = arith.constant 0 : i32
        %dma_start3A_800 = arith.constant 0 : i32
        %dma_start3A_801 = tpu.memref_slice %arg2[%arg0, %dma_start3A_799, %dma_start3A_800] : memref<2x10240x64xi16, #tpu.memory_space<hbm>> -> memref<1x10240x64xi16, #tpu.memory_space<hbm>>
        %dma_start3A_802 = tpu.memref_squeeze %dma_start3A_801 : memref<1x10240x64xi16, #tpu.memory_space<hbm>> -> memref<10240x64xi16, #tpu.memory_space<hbm>>
        %dma_start3A_803 = arith.constant 0 : i32
        %dma_start3A_804 = arith.constant 0 : i32
        %dma_start3A_805 = tpu.memref_slice %dma_start3A_802[%dma_start3A_803, %dma_start3A_804] : memref<10240x64xi16, #tpu.memory_space<hbm>> -> memref<10240x64xi16, #tpu.memory_space<hbm>>
        %dma_start3A_806 = tpu.memref_slice %arg11[%dma_start3A_791] : memref<10x!tpu.dma_semaphore, #tpu.memory_space<semaphore_mem>> -> memref<1x!tpu.dma_semaphore, #tpu.memory_space<semaphore_mem>>
        %dma_start3A_807 = tpu.memref_squeeze %dma_start3A_806 : memref<1x!tpu.dma_semaphore, #tpu.memory_space<semaphore_mem>> -> memref<!tpu.dma_semaphore, #tpu.memory_space<semaphore_mem>>
        tpu.enqueue_indirect_dma source(%dma_start3A_805 : memref<10240x64xi16, #tpu.memory_space<hbm>>) target(%dma_start3A_795 : memref<128x64xi16, #tpu.memory_space<vmem>>) offsets(%dma_start3A_798 : memref<128xi32, #tpu.memory_space<vmem>>) semaphore(%dma_start3A_807 : memref<!tpu.dma_semaphore, #tpu.memory_space<semaphore_mem>>)
      } else {
      }
      %mul3A_581 = arith.constant 10 : i32
      %mul3A_582 = arith.muli %scan3A_202, %mul3A_581 : i32
      %add3A_583 = arith.constant 1 : i32
      %add3A_584 = arith.addi %mul3A_582, %add3A_583 : i32
      %dma_wait3A_585 = arith.constant 1 : i32
      %dma_wait3A_586 = arith.constant 1 : i32
      %dma_wait3A_587 = arith.constant 0 : i32
      %dma_wait3A_588 = arith.constant 0 : i32
      %dma_wait3A_589 = tpu.memref_slice %arg9[%dma_wait3A_585, %dma_wait3A_587, %dma_wait3A_588] : memref<10x128x64xi16, #tpu.memory_space<vmem>> -> memref<1x128x64xi16, #tpu.memory_space<vmem>>
      %dma_wait3A_590 = tpu.memref_squeeze %dma_wait3A_589 : memref<1x128x64xi16, #tpu.memory_space<vmem>> -> memref<128x64xi16, #tpu.memory_space<vmem>>
      %dma_wait3A_591 = arith.constant 0 : i32
      %dma_wait3A_592 = tpu.memref_slice %arg8[%add3A_584, %dma_wait3A_591] : memref<160x128xi32, #tpu.memory_space<vmem>> -> memref<1x128xi32, #tpu.memory_space<vmem>>
      %dma_wait3A_593 = tpu.memref_squeeze %dma_wait3A_592 : memref<1x128xi32, #tpu.memory_space<vmem>> -> memref<128xi32, #tpu.memory_space<vmem>>
      %dma_wait3A_594 = arith.constant 0 : i32
      %dma_wait3A_595 = arith.constant 0 : i32
      %dma_wait3A_596 = tpu.memref_slice %arg10[%dma_wait3A_594, %dma_wait3A_595] : memref<10240x64xi16, #tpu.memory_space<vmem_shared>> -> memref<10240x64xi16, #tpu.memory_space<vmem_shared>>
      %dma_wait3A_597 = tpu.memref_slice %arg12[%dma_wait3A_586] : memref<10x!tpu.dma_semaphore, #tpu.memory_space<semaphore_mem>> -> memref<1x!tpu.dma_semaphore, #tpu.memory_space<semaphore_mem>>
      %dma_wait3A_598 = tpu.memref_squeeze %dma_wait3A_597 : memref<1x!tpu.dma_semaphore, #tpu.memory_space<semaphore_mem>> -> memref<!tpu.dma_semaphore, #tpu.memory_space<semaphore_mem>>
      tpu.wait_indirect_dma semaphore(%dma_wait3A_598 : memref<!tpu.dma_semaphore, #tpu.memory_space<semaphore_mem>>) src(%dma_wait3A_590 : memref<128x64xi16, #tpu.memory_space<vmem>>) dst(%dma_wait3A_596 : memref<10240x64xi16, #tpu.memory_space<vmem_shared>>)
      %lt3A_599 = arith.constant 15 : i32
      %lt3A_600 = arith.cmpi slt, %scan3A_202, %lt3A_599 : i32
      %convert_element_type3A_601 = arith.extui %lt3A_600 : i1 to i32
      %cond3A_602 = arith.constant 0 : i32
      %cond3A_603 = arith.cmpi ne, %convert_element_type3A_601, %cond3A_602 : i32
      scf.if %cond3A_603 {
        %add3A_788 = arith.constant 10 : i32
        %add3A_789 = arith.addi %add3A_584, %add3A_788 : i32
        %dma_start3A_790 = arith.constant 1 : i32
        %dma_start3A_791 = arith.constant 1 : i32
        %dma_start3A_792 = arith.constant 0 : i32
        %dma_start3A_793 = arith.constant 0 : i32
        %dma_start3A_794 = tpu.memref_slice %arg9[%dma_start3A_790, %dma_start3A_792, %dma_start3A_793] : memref<10x128x64xi16, #tpu.memory_space<vmem>> -> memref<1x128x64xi16, #tpu.memory_space<vmem>>
        %dma_start3A_795 = tpu.memref_squeeze %dma_start3A_794 : memref<1x128x64xi16, #tpu.memory_space<vmem>> -> memref<128x64xi16, #tpu.memory_space<vmem>>
        %dma_start3A_796 = arith.constant 0 : i32
        %dma_start3A_797 = tpu.memref_slice %arg7[%add3A_789, %dma_start3A_796] : memref<160x128xi32, #tpu.memory_space<vmem>> -> memref<1x128xi32, #tpu.memory_space<vmem>>
        %dma_start3A_798 = tpu.memref_squeeze %dma_start3A_797 : memref<1x128xi32, #tpu.memory_space<vmem>> -> memref<128xi32, #tpu.memory_space<vmem>>
        %dma_start3A_799 = arith.constant 0 : i32
        %dma_start3A_800 = arith.constant 0 : i32
        %dma_start3A_801 = tpu.memref_slice %arg2[%arg0, %dma_start3A_799, %dma_start3A_800] : memref<2x10240x64xi16, #tpu.memory_space<hbm>> -> memref<1x10240x64xi16, #tpu.memory_space<hbm>>
        %dma_start3A_802 = tpu.memref_squeeze %dma_start3A_801 : memref<1x10240x64xi16, #tpu.memory_space<hbm>> -> memref<10240x64xi16, #tpu.memory_space<hbm>>
        %dma_start3A_803 = arith.constant 0 : i32
        %dma_start3A_804 = arith.constant 0 : i32
        %dma_start3A_805 = tpu.memref_slice %dma_start3A_802[%dma_start3A_803, %dma_start3A_804] : memref<10240x64xi16, #tpu.memory_space<hbm>> -> memref<10240x64xi16, #tpu.memory_space<hbm>>
        %dma_start3A_806 = tpu.memref_slice %arg11[%dma_start3A_791] : memref<10x!tpu.dma_semaphore, #tpu.memory_space<semaphore_mem>> -> memref<1x!tpu.dma_semaphore, #tpu.memory_space<semaphore_mem>>
        %dma_start3A_807 = tpu.memref_squeeze %dma_start3A_806 : memref<1x!tpu.dma_semaphore, #tpu.memory_space<semaphore_mem>> -> memref<!tpu.dma_semaphore, #tpu.memory_space<semaphore_mem>>
        tpu.enqueue_indirect_dma source(%dma_start3A_805 : memref<10240x64xi16, #tpu.memory_space<hbm>>) target(%dma_start3A_795 : memref<128x64xi16, #tpu.memory_space<vmem>>) offsets(%dma_start3A_798 : memref<128xi32, #tpu.memory_space<vmem>>) semaphore(%dma_start3A_807 : memref<!tpu.dma_semaphore, #tpu.memory_space<semaphore_mem>>)
      } else {
      }
      %mul3A_604 = arith.constant 10 : i32
      %mul3A_605 = arith.muli %scan3A_202, %mul3A_604 : i32
      %add3A_606 = arith.constant 2 : i32
      %add3A_607 = arith.addi %mul3A_605, %add3A_606 : i32
      %dma_wait3A_608 = arith.constant 2 : i32
      %dma_wait3A_609 = arith.constant 2 : i32
      %dma_wait3A_610 = arith.constant 0 : i32
      %dma_wait3A_611 = arith.constant 0 : i32
      %dma_wait3A_612 = tpu.memref_slice %arg9[%dma_wait3A_608, %dma_wait3A_610, %dma_wait3A_611] : memref<10x128x64xi16, #tpu.memory_space<vmem>> -> memref<1x128x64xi16, #tpu.memory_space<vmem>>
      %dma_wait3A_613 = tpu.memref_squeeze %dma_wait3A_612 : memref<1x128x64xi16, #tpu.memory_space<vmem>> -> memref<128x64xi16, #tpu.memory_space<vmem>>
      %dma_wait3A_614 = arith.constant 0 : i32
      %dma_wait3A_615 = tpu.memref_slice %arg8[%add3A_607, %dma_wait3A_614] : memref<160x128xi32, #tpu.memory_space<vmem>> -> memref<1x128xi32, #tpu.memory_space<vmem>>
      %dma_wait3A_616 = tpu.memref_squeeze %dma_wait3A_615 : memref<1x128xi32, #tpu.memory_space<vmem>> -> memref<128xi32, #tpu.memory_space<vmem>>
      %dma_wait3A_617 = arith.constant 0 : i32
      %dma_wait3A_618 = arith.constant 0 : i32
      %dma_wait3A_619 = tpu.memref_slice %arg10[%dma_wait3A_617, %dma_wait3A_618] : memref<10240x64xi16, #tpu.memory_space<vmem_shared>> -> memref<10240x64xi16, #tpu.memory_space<vmem_shared>>
      %dma_wait3A_620 = tpu.memref_slice %arg12[%dma_wait3A_609] : memref<10x!tpu.dma_semaphore, #tpu.memory_space<semaphore_mem>> -> memref<1x!tpu.dma_semaphore, #tpu.memory_space<semaphore_mem>>
      %dma_wait3A_621 = tpu.memref_squeeze %dma_wait3A_620 : memref<1x!tpu.dma_semaphore, #tpu.memory_space<semaphore_mem>> -> memref<!tpu.dma_semaphore, #tpu.memory_space<semaphore_mem>>
      tpu.wait_indirect_dma semaphore(%dma_wait3A_621 : memref<!tpu.dma_semaphore, #tpu.memory_space<semaphore_mem>>) src(%dma_wait3A_613 : memref<128x64xi16, #tpu.memory_space<vmem>>) dst(%dma_wait3A_619 : memref<10240x64xi16, #tpu.memory_space<vmem_shared>>)
      %lt3A_622 = arith.constant 15 : i32
      %lt3A_623 = arith.cmpi slt, %scan3A_202, %lt3A_622 : i32
      %convert_element_type3A_624 = arith.extui %lt3A_623 : i1 to i32
      %cond3A_625 = arith.constant 0 : i32
      %cond3A_626 = arith.cmpi ne, %convert_element_type3A_624, %cond3A_625 : i32
      scf.if %cond3A_626 {
        %add3A_788 = arith.constant 10 : i32
        %add3A_789 = arith.addi %add3A_607, %add3A_788 : i32
        %dma_start3A_790 = arith.constant 2 : i32
        %dma_start3A_791 = arith.constant 2 : i32
        %dma_start3A_792 = arith.constant 0 : i32
        %dma_start3A_793 = arith.constant 0 : i32
        %dma_start3A_794 = tpu.memref_slice %arg9[%dma_start3A_790, %dma_start3A_792, %dma_start3A_793] : memref<10x128x64xi16, #tpu.memory_space<vmem>> -> memref<1x128x64xi16, #tpu.memory_space<vmem>>
        %dma_start3A_795 = tpu.memref_squeeze %dma_start3A_794 : memref<1x128x64xi16, #tpu.memory_space<vmem>> -> memref<128x64xi16, #tpu.memory_space<vmem>>
        %dma_start3A_796 = arith.constant 0 : i32
        %dma_start3A_797 = tpu.memref_slice %arg7[%add3A_789, %dma_start3A_796] : memref<160x128xi32, #tpu.memory_space<vmem>> -> memref<1x128xi32, #tpu.memory_space<vmem>>
        %dma_start3A_798 = tpu.memref_squeeze %dma_start3A_797 : memref<1x128xi32, #tpu.memory_space<vmem>> -> memref<128xi32, #tpu.memory_space<vmem>>
        %dma_start3A_799 = arith.constant 0 : i32
        %dma_start3A_800 = arith.constant 0 : i32
        %dma_start3A_801 = tpu.memref_slice %arg2[%arg0, %dma_start3A_799, %dma_start3A_800] : memref<2x10240x64xi16, #tpu.memory_space<hbm>> -> memref<1x10240x64xi16, #tpu.memory_space<hbm>>
        %dma_start3A_802 = tpu.memref_squeeze %dma_start3A_801 : memref<1x10240x64xi16, #tpu.memory_space<hbm>> -> memref<10240x64xi16, #tpu.memory_space<hbm>>
        %dma_start3A_803 = arith.constant 0 : i32
        %dma_start3A_804 = arith.constant 0 : i32
        %dma_start3A_805 = tpu.memref_slice %dma_start3A_802[%dma_start3A_803, %dma_start3A_804] : memref<10240x64xi16, #tpu.memory_space<hbm>> -> memref<10240x64xi16, #tpu.memory_space<hbm>>
        %dma_start3A_806 = tpu.memref_slice %arg11[%dma_start3A_791] : memref<10x!tpu.dma_semaphore, #tpu.memory_space<semaphore_mem>> -> memref<1x!tpu.dma_semaphore, #tpu.memory_space<semaphore_mem>>
        %dma_start3A_807 = tpu.memref_squeeze %dma_start3A_806 : memref<1x!tpu.dma_semaphore, #tpu.memory_space<semaphore_mem>> -> memref<!tpu.dma_semaphore, #tpu.memory_space<semaphore_mem>>
        tpu.enqueue_indirect_dma source(%dma_start3A_805 : memref<10240x64xi16, #tpu.memory_space<hbm>>) target(%dma_start3A_795 : memref<128x64xi16, #tpu.memory_space<vmem>>) offsets(%dma_start3A_798 : memref<128xi32, #tpu.memory_space<vmem>>) semaphore(%dma_start3A_807 : memref<!tpu.dma_semaphore, #tpu.memory_space<semaphore_mem>>)
      } else {
      }
      %mul3A_627 = arith.constant 10 : i32
      %mul3A_628 = arith.muli %scan3A_202, %mul3A_627 : i32
      %add3A_629 = arith.constant 3 : i32
      %add3A_630 = arith.addi %mul3A_628, %add3A_629 : i32
      %dma_wait3A_631 = arith.constant 3 : i32
      %dma_wait3A_632 = arith.constant 3 : i32
      %dma_wait3A_633 = arith.constant 0 : i32
      %dma_wait3A_634 = arith.constant 0 : i32
      %dma_wait3A_635 = tpu.memref_slice %arg9[%dma_wait3A_631, %dma_wait3A_633, %dma_wait3A_634] : memref<10x128x64xi16, #tpu.memory_space<vmem>> -> memref<1x128x64xi16, #tpu.memory_space<vmem>>
      %dma_wait3A_636 = tpu.memref_squeeze %dma_wait3A_635 : memref<1x128x64xi16, #tpu.memory_space<vmem>> -> memref<128x64xi16, #tpu.memory_space<vmem>>
      %dma_wait3A_637 = arith.constant 0 : i32
      %dma_wait3A_638 = tpu.memref_slice %arg8[%add3A_630, %dma_wait3A_637] : memref<160x128xi32, #tpu.memory_space<vmem>> -> memref<1x128xi32, #tpu.memory_space<vmem>>
      %dma_wait3A_639 = tpu.memref_squeeze %dma_wait3A_638 : memref<1x128xi32, #tpu.memory_space<vmem>> -> memref<128xi32, #tpu.memory_space<vmem>>
      %dma_wait3A_640 = arith.constant 0 : i32
      %dma_wait3A_641 = arith.constant 0 : i32
      %dma_wait3A_642 = tpu.memref_slice %arg10[%dma_wait3A_640, %dma_wait3A_641] : memref<10240x64xi16, #tpu.memory_space<vmem_shared>> -> memref<10240x64xi16, #tpu.memory_space<vmem_shared>>
      %dma_wait3A_643 = tpu.memref_slice %arg12[%dma_wait3A_632] : memref<10x!tpu.dma_semaphore, #tpu.memory_space<semaphore_mem>> -> memref<1x!tpu.dma_semaphore, #tpu.memory_space<semaphore_mem>>
      %dma_wait3A_644 = tpu.memref_squeeze %dma_wait3A_643 : memref<1x!tpu.dma_semaphore, #tpu.memory_space<semaphore_mem>> -> memref<!tpu.dma_semaphore, #tpu.memory_space<semaphore_mem>>
      tpu.wait_indirect_dma semaphore(%dma_wait3A_644 : memref<!tpu.dma_semaphore, #tpu.memory_space<semaphore_mem>>) src(%dma_wait3A_636 : memref<128x64xi16, #tpu.memory_space<vmem>>) dst(%dma_wait3A_642 : memref<10240x64xi16, #tpu.memory_space<vmem_shared>>)
      %lt3A_645 = arith.constant 15 : i32
      %lt3A_646 = arith.cmpi slt, %scan3A_202, %lt3A_645 : i32
      %convert_element_type3A_647 = arith.extui %lt3A_646 : i1 to i32
      %cond3A_648 = arith.constant 0 : i32
      %cond3A_649 = arith.cmpi ne, %convert_element_type3A_647, %cond3A_648 : i32
      scf.if %cond3A_649 {
        %add3A_788 = arith.constant 10 : i32
        %add3A_789 = arith.addi %add3A_630, %add3A_788 : i32
        %dma_start3A_790 = arith.constant 3 : i32
        %dma_start3A_791 = arith.constant 3 : i32
        %dma_start3A_792 = arith.constant 0 : i32
        %dma_start3A_793 = arith.constant 0 : i32
        %dma_start3A_794 = tpu.memref_slice %arg9[%dma_start3A_790, %dma_start3A_792, %dma_start3A_793] : memref<10x128x64xi16, #tpu.memory_space<vmem>> -> memref<1x128x64xi16, #tpu.memory_space<vmem>>
        %dma_start3A_795 = tpu.memref_squeeze %dma_start3A_794 : memref<1x128x64xi16, #tpu.memory_space<vmem>> -> memref<128x64xi16, #tpu.memory_space<vmem>>
        %dma_start3A_796 = arith.constant 0 : i32
        %dma_start3A_797 = tpu.memref_slice %arg7[%add3A_789, %dma_start3A_796] : memref<160x128xi32, #tpu.memory_space<vmem>> -> memref<1x128xi32, #tpu.memory_space<vmem>>
        %dma_start3A_798 = tpu.memref_squeeze %dma_start3A_797 : memref<1x128xi32, #tpu.memory_space<vmem>> -> memref<128xi32, #tpu.memory_space<vmem>>
        %dma_start3A_799 = arith.constant 0 : i32
        %dma_start3A_800 = arith.constant 0 : i32
        %dma_start3A_801 = tpu.memref_slice %arg2[%arg0, %dma_start3A_799, %dma_start3A_800] : memref<2x10240x64xi16, #tpu.memory_space<hbm>> -> memref<1x10240x64xi16, #tpu.memory_space<hbm>>
        %dma_start3A_802 = tpu.memref_squeeze %dma_start3A_801 : memref<1x10240x64xi16, #tpu.memory_space<hbm>> -> memref<10240x64xi16, #tpu.memory_space<hbm>>
        %dma_start3A_803 = arith.constant 0 : i32
        %dma_start3A_804 = arith.constant 0 : i32
        %dma_start3A_805 = tpu.memref_slice %dma_start3A_802[%dma_start3A_803, %dma_start3A_804] : memref<10240x64xi16, #tpu.memory_space<hbm>> -> memref<10240x64xi16, #tpu.memory_space<hbm>>
        %dma_start3A_806 = tpu.memref_slice %arg11[%dma_start3A_791] : memref<10x!tpu.dma_semaphore, #tpu.memory_space<semaphore_mem>> -> memref<1x!tpu.dma_semaphore, #tpu.memory_space<semaphore_mem>>
        %dma_start3A_807 = tpu.memref_squeeze %dma_start3A_806 : memref<1x!tpu.dma_semaphore, #tpu.memory_space<semaphore_mem>> -> memref<!tpu.dma_semaphore, #tpu.memory_space<semaphore_mem>>
        tpu.enqueue_indirect_dma source(%dma_start3A_805 : memref<10240x64xi16, #tpu.memory_space<hbm>>) target(%dma_start3A_795 : memref<128x64xi16, #tpu.memory_space<vmem>>) offsets(%dma_start3A_798 : memref<128xi32, #tpu.memory_space<vmem>>) semaphore(%dma_start3A_807 : memref<!tpu.dma_semaphore, #tpu.memory_space<semaphore_mem>>)
      } else {
      }
      %mul3A_650 = arith.constant 10 : i32
      %mul3A_651 = arith.muli %scan3A_202, %mul3A_650 : i32
      %add3A_652 = arith.constant 4 : i32
      %add3A_653 = arith.addi %mul3A_651, %add3A_652 : i32
      %dma_wait3A_654 = arith.constant 4 : i32
      %dma_wait3A_655 = arith.constant 4 : i32
      %dma_wait3A_656 = arith.constant 0 : i32
      %dma_wait3A_657 = arith.constant 0 : i32
      %dma_wait3A_658 = tpu.memref_slice %arg9[%dma_wait3A_654, %dma_wait3A_656, %dma_wait3A_657] : memref<10x128x64xi16, #tpu.memory_space<vmem>> -> memref<1x128x64xi16, #tpu.memory_space<vmem>>
      %dma_wait3A_659 = tpu.memref_squeeze %dma_wait3A_658 : memref<1x128x64xi16, #tpu.memory_space<vmem>> -> memref<128x64xi16, #tpu.memory_space<vmem>>
      %dma_wait3A_660 = arith.constant 0 : i32
      %dma_wait3A_661 = tpu.memref_slice %arg8[%add3A_653, %dma_wait3A_660] : memref<160x128xi32, #tpu.memory_space<vmem>> -> memref<1x128xi32, #tpu.memory_space<vmem>>
      %dma_wait3A_662 = tpu.memref_squeeze %dma_wait3A_661 : memref<1x128xi32, #tpu.memory_space<vmem>> -> memref<128xi32, #tpu.memory_space<vmem>>
      %dma_wait3A_663 = arith.constant 0 : i32
      %dma_wait3A_664 = arith.constant 0 : i32
      %dma_wait3A_665 = tpu.memref_slice %arg10[%dma_wait3A_663, %dma_wait3A_664] : memref<10240x64xi16, #tpu.memory_space<vmem_shared>> -> memref<10240x64xi16, #tpu.memory_space<vmem_shared>>
      %dma_wait3A_666 = tpu.memref_slice %arg12[%dma_wait3A_655] : memref<10x!tpu.dma_semaphore, #tpu.memory_space<semaphore_mem>> -> memref<1x!tpu.dma_semaphore, #tpu.memory_space<semaphore_mem>>
      %dma_wait3A_667 = tpu.memref_squeeze %dma_wait3A_666 : memref<1x!tpu.dma_semaphore, #tpu.memory_space<semaphore_mem>> -> memref<!tpu.dma_semaphore, #tpu.memory_space<semaphore_mem>>
      tpu.wait_indirect_dma semaphore(%dma_wait3A_667 : memref<!tpu.dma_semaphore, #tpu.memory_space<semaphore_mem>>) src(%dma_wait3A_659 : memref<128x64xi16, #tpu.memory_space<vmem>>) dst(%dma_wait3A_665 : memref<10240x64xi16, #tpu.memory_space<vmem_shared>>)
      %lt3A_668 = arith.constant 15 : i32
      %lt3A_669 = arith.cmpi slt, %scan3A_202, %lt3A_668 : i32
      %convert_element_type3A_670 = arith.extui %lt3A_669 : i1 to i32
      %cond3A_671 = arith.constant 0 : i32
      %cond3A_672 = arith.cmpi ne, %convert_element_type3A_670, %cond3A_671 : i32
      scf.if %cond3A_672 {
        %add3A_788 = arith.constant 10 : i32
        %add3A_789 = arith.addi %add3A_653, %add3A_788 : i32
        %dma_start3A_790 = arith.constant 4 : i32
        %dma_start3A_791 = arith.constant 4 : i32
        %dma_start3A_792 = arith.constant 0 : i32
        %dma_start3A_793 = arith.constant 0 : i32
        %dma_start3A_794 = tpu.memref_slice %arg9[%dma_start3A_790, %dma_start3A_792, %dma_start3A_793] : memref<10x128x64xi16, #tpu.memory_space<vmem>> -> memref<1x128x64xi16, #tpu.memory_space<vmem>>
        %dma_start3A_795 = tpu.memref_squeeze %dma_start3A_794 : memref<1x128x64xi16, #tpu.memory_space<vmem>> -> memref<128x64xi16, #tpu.memory_space<vmem>>
        %dma_start3A_796 = arith.constant 0 : i32
        %dma_start3A_797 = tpu.memref_slice %arg7[%add3A_789, %dma_start3A_796] : memref<160x128xi32, #tpu.memory_space<vmem>> -> memref<1x128xi32, #tpu.memory_space<vmem>>
        %dma_start3A_798 = tpu.memref_squeeze %dma_start3A_797 : memref<1x128xi32, #tpu.memory_space<vmem>> -> memref<128xi32, #tpu.memory_space<vmem>>
        %dma_start3A_799 = arith.constant 0 : i32
        %dma_start3A_800 = arith.constant 0 : i32
        %dma_start3A_801 = tpu.memref_slice %arg2[%arg0, %dma_start3A_799, %dma_start3A_800] : memref<2x10240x64xi16, #tpu.memory_space<hbm>> -> memref<1x10240x64xi16, #tpu.memory_space<hbm>>
        %dma_start3A_802 = tpu.memref_squeeze %dma_start3A_801 : memref<1x10240x64xi16, #tpu.memory_space<hbm>> -> memref<10240x64xi16, #tpu.memory_space<hbm>>
        %dma_start3A_803 = arith.constant 0 : i32
        %dma_start3A_804 = arith.constant 0 : i32
        %dma_start3A_805 = tpu.memref_slice %dma_start3A_802[%dma_start3A_803, %dma_start3A_804] : memref<10240x64xi16, #tpu.memory_space<hbm>> -> memref<10240x64xi16, #tpu.memory_space<hbm>>
        %dma_start3A_806 = tpu.memref_slice %arg11[%dma_start3A_791] : memref<10x!tpu.dma_semaphore, #tpu.memory_space<semaphore_mem>> -> memref<1x!tpu.dma_semaphore, #tpu.memory_space<semaphore_mem>>
        %dma_start3A_807 = tpu.memref_squeeze %dma_start3A_806 : memref<1x!tpu.dma_semaphore, #tpu.memory_space<semaphore_mem>> -> memref<!tpu.dma_semaphore, #tpu.memory_space<semaphore_mem>>
        tpu.enqueue_indirect_dma source(%dma_start3A_805 : memref<10240x64xi16, #tpu.memory_space<hbm>>) target(%dma_start3A_795 : memref<128x64xi16, #tpu.memory_space<vmem>>) offsets(%dma_start3A_798 : memref<128xi32, #tpu.memory_space<vmem>>) semaphore(%dma_start3A_807 : memref<!tpu.dma_semaphore, #tpu.memory_space<semaphore_mem>>)
      } else {
      }
      %mul3A_673 = arith.constant 10 : i32
      %mul3A_674 = arith.muli %scan3A_202, %mul3A_673 : i32
      %add3A_675 = arith.constant 5 : i32
      %add3A_676 = arith.addi %mul3A_674, %add3A_675 : i32
      %dma_wait3A_677 = arith.constant 5 : i32
      %dma_wait3A_678 = arith.constant 5 : i32
      %dma_wait3A_679 = arith.constant 0 : i32
      %dma_wait3A_680 = arith.constant 0 : i32
      %dma_wait3A_681 = tpu.memref_slice %arg9[%dma_wait3A_677, %dma_wait3A_679, %dma_wait3A_680] : memref<10x128x64xi16, #tpu.memory_space<vmem>> -> memref<1x128x64xi16, #tpu.memory_space<vmem>>
      %dma_wait3A_682 = tpu.memref_squeeze %dma_wait3A_681 : memref<1x128x64xi16, #tpu.memory_space<vmem>> -> memref<128x64xi16, #tpu.memory_space<vmem>>
      %dma_wait3A_683 = arith.constant 0 : i32
      %dma_wait3A_684 = tpu.memref_slice %arg8[%add3A_676, %dma_wait3A_683] : memref<160x128xi32, #tpu.memory_space<vmem>> -> memref<1x128xi32, #tpu.memory_space<vmem>>
      %dma_wait3A_685 = tpu.memref_squeeze %dma_wait3A_684 : memref<1x128xi32, #tpu.memory_space<vmem>> -> memref<128xi32, #tpu.memory_space<vmem>>
      %dma_wait3A_686 = arith.constant 0 : i32
      %dma_wait3A_687 = arith.constant 0 : i32
      %dma_wait3A_688 = tpu.memref_slice %arg10[%dma_wait3A_686, %dma_wait3A_687] : memref<10240x64xi16, #tpu.memory_space<vmem_shared>> -> memref<10240x64xi16, #tpu.memory_space<vmem_shared>>
      %dma_wait3A_689 = tpu.memref_slice %arg12[%dma_wait3A_678] : memref<10x!tpu.dma_semaphore, #tpu.memory_space<semaphore_mem>> -> memref<1x!tpu.dma_semaphore, #tpu.memory_space<semaphore_mem>>
      %dma_wait3A_690 = tpu.memref_squeeze %dma_wait3A_689 : memref<1x!tpu.dma_semaphore, #tpu.memory_space<semaphore_mem>> -> memref<!tpu.dma_semaphore, #tpu.memory_space<semaphore_mem>>
      tpu.wait_indirect_dma semaphore(%dma_wait3A_690 : memref<!tpu.dma_semaphore, #tpu.memory_space<semaphore_mem>>) src(%dma_wait3A_682 : memref<128x64xi16, #tpu.memory_space<vmem>>) dst(%dma_wait3A_688 : memref<10240x64xi16, #tpu.memory_space<vmem_shared>>)
      %lt3A_691 = arith.constant 15 : i32
      %lt3A_692 = arith.cmpi slt, %scan3A_202, %lt3A_691 : i32
      %convert_element_type3A_693 = arith.extui %lt3A_692 : i1 to i32
      %cond3A_694 = arith.constant 0 : i32
      %cond3A_695 = arith.cmpi ne, %convert_element_type3A_693, %cond3A_694 : i32
      scf.if %cond3A_695 {
        %add3A_788 = arith.constant 10 : i32
        %add3A_789 = arith.addi %add3A_676, %add3A_788 : i32
        %dma_start3A_790 = arith.constant 5 : i32
        %dma_start3A_791 = arith.constant 5 : i32
        %dma_start3A_792 = arith.constant 0 : i32
        %dma_start3A_793 = arith.constant 0 : i32
        %dma_start3A_794 = tpu.memref_slice %arg9[%dma_start3A_790, %dma_start3A_792, %dma_start3A_793] : memref<10x128x64xi16, #tpu.memory_space<vmem>> -> memref<1x128x64xi16, #tpu.memory_space<vmem>>
        %dma_start3A_795 = tpu.memref_squeeze %dma_start3A_794 : memref<1x128x64xi16, #tpu.memory_space<vmem>> -> memref<128x64xi16, #tpu.memory_space<vmem>>
        %dma_start3A_796 = arith.constant 0 : i32
        %dma_start3A_797 = tpu.memref_slice %arg7[%add3A_789, %dma_start3A_796] : memref<160x128xi32, #tpu.memory_space<vmem>> -> memref<1x128xi32, #tpu.memory_space<vmem>>
        %dma_start3A_798 = tpu.memref_squeeze %dma_start3A_797 : memref<1x128xi32, #tpu.memory_space<vmem>> -> memref<128xi32, #tpu.memory_space<vmem>>
        %dma_start3A_799 = arith.constant 0 : i32
        %dma_start3A_800 = arith.constant 0 : i32
        %dma_start3A_801 = tpu.memref_slice %arg2[%arg0, %dma_start3A_799, %dma_start3A_800] : memref<2x10240x64xi16, #tpu.memory_space<hbm>> -> memref<1x10240x64xi16, #tpu.memory_space<hbm>>
        %dma_start3A_802 = tpu.memref_squeeze %dma_start3A_801 : memref<1x10240x64xi16, #tpu.memory_space<hbm>> -> memref<10240x64xi16, #tpu.memory_space<hbm>>
        %dma_start3A_803 = arith.constant 0 : i32
        %dma_start3A_804 = arith.constant 0 : i32
        %dma_start3A_805 = tpu.memref_slice %dma_start3A_802[%dma_start3A_803, %dma_start3A_804] : memref<10240x64xi16, #tpu.memory_space<hbm>> -> memref<10240x64xi16, #tpu.memory_space<hbm>>
        %dma_start3A_806 = tpu.memref_slice %arg11[%dma_start3A_791] : memref<10x!tpu.dma_semaphore, #tpu.memory_space<semaphore_mem>> -> memref<1x!tpu.dma_semaphore, #tpu.memory_space<semaphore_mem>>
        %dma_start3A_807 = tpu.memref_squeeze %dma_start3A_806 : memref<1x!tpu.dma_semaphore, #tpu.memory_space<semaphore_mem>> -> memref<!tpu.dma_semaphore, #tpu.memory_space<semaphore_mem>>
        tpu.enqueue_indirect_dma source(%dma_start3A_805 : memref<10240x64xi16, #tpu.memory_space<hbm>>) target(%dma_start3A_795 : memref<128x64xi16, #tpu.memory_space<vmem>>) offsets(%dma_start3A_798 : memref<128xi32, #tpu.memory_space<vmem>>) semaphore(%dma_start3A_807 : memref<!tpu.dma_semaphore, #tpu.memory_space<semaphore_mem>>)
      } else {
      }
      %mul3A_696 = arith.constant 10 : i32
      %mul3A_697 = arith.muli %scan3A_202, %mul3A_696 : i32
      %add3A_698 = arith.constant 6 : i32
      %add3A_699 = arith.addi %mul3A_697, %add3A_698 : i32
      %dma_wait3A_700 = arith.constant 6 : i32
      %dma_wait3A_701 = arith.constant 6 : i32
      %dma_wait3A_702 = arith.constant 0 : i32
      %dma_wait3A_703 = arith.constant 0 : i32
      %dma_wait3A_704 = tpu.memref_slice %arg9[%dma_wait3A_700, %dma_wait3A_702, %dma_wait3A_703] : memref<10x128x64xi16, #tpu.memory_space<vmem>> -> memref<1x128x64xi16, #tpu.memory_space<vmem>>
      %dma_wait3A_705 = tpu.memref_squeeze %dma_wait3A_704 : memref<1x128x64xi16, #tpu.memory_space<vmem>> -> memref<128x64xi16, #tpu.memory_space<vmem>>
      %dma_wait3A_706 = arith.constant 0 : i32
      %dma_wait3A_707 = tpu.memref_slice %arg8[%add3A_699, %dma_wait3A_706] : memref<160x128xi32, #tpu.memory_space<vmem>> -> memref<1x128xi32, #tpu.memory_space<vmem>>
      %dma_wait3A_708 = tpu.memref_squeeze %dma_wait3A_707 : memref<1x128xi32, #tpu.memory_space<vmem>> -> memref<128xi32, #tpu.memory_space<vmem>>
      %dma_wait3A_709 = arith.constant 0 : i32
      %dma_wait3A_710 = arith.constant 0 : i32
      %dma_wait3A_711 = tpu.memref_slice %arg10[%dma_wait3A_709, %dma_wait3A_710] : memref<10240x64xi16, #tpu.memory_space<vmem_shared>> -> memref<10240x64xi16, #tpu.memory_space<vmem_shared>>
      %dma_wait3A_712 = tpu.memref_slice %arg12[%dma_wait3A_701] : memref<10x!tpu.dma_semaphore, #tpu.memory_space<semaphore_mem>> -> memref<1x!tpu.dma_semaphore, #tpu.memory_space<semaphore_mem>>
      %dma_wait3A_713 = tpu.memref_squeeze %dma_wait3A_712 : memref<1x!tpu.dma_semaphore, #tpu.memory_space<semaphore_mem>> -> memref<!tpu.dma_semaphore, #tpu.memory_space<semaphore_mem>>
      tpu.wait_indirect_dma semaphore(%dma_wait3A_713 : memref<!tpu.dma_semaphore, #tpu.memory_space<semaphore_mem>>) src(%dma_wait3A_705 : memref<128x64xi16, #tpu.memory_space<vmem>>) dst(%dma_wait3A_711 : memref<10240x64xi16, #tpu.memory_space<vmem_shared>>)
      %lt3A_714 = arith.constant 15 : i32
      %lt3A_715 = arith.cmpi slt, %scan3A_202, %lt3A_714 : i32
      %convert_element_type3A_716 = arith.extui %lt3A_715 : i1 to i32
      %cond3A_717 = arith.constant 0 : i32
      %cond3A_718 = arith.cmpi ne, %convert_element_type3A_716, %cond3A_717 : i32
      scf.if %cond3A_718 {
        %add3A_788 = arith.constant 10 : i32
        %add3A_789 = arith.addi %add3A_699, %add3A_788 : i32
        %dma_start3A_790 = arith.constant 6 : i32
        %dma_start3A_791 = arith.constant 6 : i32
        %dma_start3A_792 = arith.constant 0 : i32
        %dma_start3A_793 = arith.constant 0 : i32
        %dma_start3A_794 = tpu.memref_slice %arg9[%dma_start3A_790, %dma_start3A_792, %dma_start3A_793] : memref<10x128x64xi16, #tpu.memory_space<vmem>> -> memref<1x128x64xi16, #tpu.memory_space<vmem>>
        %dma_start3A_795 = tpu.memref_squeeze %dma_start3A_794 : memref<1x128x64xi16, #tpu.memory_space<vmem>> -> memref<128x64xi16, #tpu.memory_space<vmem>>
        %dma_start3A_796 = arith.constant 0 : i32
        %dma_start3A_797 = tpu.memref_slice %arg7[%add3A_789, %dma_start3A_796] : memref<160x128xi32, #tpu.memory_space<vmem>> -> memref<1x128xi32, #tpu.memory_space<vmem>>
        %dma_start3A_798 = tpu.memref_squeeze %dma_start3A_797 : memref<1x128xi32, #tpu.memory_space<vmem>> -> memref<128xi32, #tpu.memory_space<vmem>>
        %dma_start3A_799 = arith.constant 0 : i32
        %dma_start3A_800 = arith.constant 0 : i32
        %dma_start3A_801 = tpu.memref_slice %arg2[%arg0, %dma_start3A_799, %dma_start3A_800] : memref<2x10240x64xi16, #tpu.memory_space<hbm>> -> memref<1x10240x64xi16, #tpu.memory_space<hbm>>
        %dma_start3A_802 = tpu.memref_squeeze %dma_start3A_801 : memref<1x10240x64xi16, #tpu.memory_space<hbm>> -> memref<10240x64xi16, #tpu.memory_space<hbm>>
        %dma_start3A_803 = arith.constant 0 : i32
        %dma_start3A_804 = arith.constant 0 : i32
        %dma_start3A_805 = tpu.memref_slice %dma_start3A_802[%dma_start3A_803, %dma_start3A_804] : memref<10240x64xi16, #tpu.memory_space<hbm>> -> memref<10240x64xi16, #tpu.memory_space<hbm>>
        %dma_start3A_806 = tpu.memref_slice %arg11[%dma_start3A_791] : memref<10x!tpu.dma_semaphore, #tpu.memory_space<semaphore_mem>> -> memref<1x!tpu.dma_semaphore, #tpu.memory_space<semaphore_mem>>
        %dma_start3A_807 = tpu.memref_squeeze %dma_start3A_806 : memref<1x!tpu.dma_semaphore, #tpu.memory_space<semaphore_mem>> -> memref<!tpu.dma_semaphore, #tpu.memory_space<semaphore_mem>>
        tpu.enqueue_indirect_dma source(%dma_start3A_805 : memref<10240x64xi16, #tpu.memory_space<hbm>>) target(%dma_start3A_795 : memref<128x64xi16, #tpu.memory_space<vmem>>) offsets(%dma_start3A_798 : memref<128xi32, #tpu.memory_space<vmem>>) semaphore(%dma_start3A_807 : memref<!tpu.dma_semaphore, #tpu.memory_space<semaphore_mem>>)
      } else {
      }
      %mul3A_719 = arith.constant 10 : i32
      %mul3A_720 = arith.muli %scan3A_202, %mul3A_719 : i32
      %add3A_721 = arith.constant 7 : i32
      %add3A_722 = arith.addi %mul3A_720, %add3A_721 : i32
      %dma_wait3A_723 = arith.constant 7 : i32
      %dma_wait3A_724 = arith.constant 7 : i32
      %dma_wait3A_725 = arith.constant 0 : i32
      %dma_wait3A_726 = arith.constant 0 : i32
      %dma_wait3A_727 = tpu.memref_slice %arg9[%dma_wait3A_723, %dma_wait3A_725, %dma_wait3A_726] : memref<10x128x64xi16, #tpu.memory_space<vmem>> -> memref<1x128x64xi16, #tpu.memory_space<vmem>>
      %dma_wait3A_728 = tpu.memref_squeeze %dma_wait3A_727 : memref<1x128x64xi16, #tpu.memory_space<vmem>> -> memref<128x64xi16, #tpu.memory_space<vmem>>
      %dma_wait3A_729 = arith.constant 0 : i32
      %dma_wait3A_730 = tpu.memref_slice %arg8[%add3A_722, %dma_wait3A_729] : memref<160x128xi32, #tpu.memory_space<vmem>> -> memref<1x128xi32, #tpu.memory_space<vmem>>
      %dma_wait3A_731 = tpu.memref_squeeze %dma_wait3A_730 : memref<1x128xi32, #tpu.memory_space<vmem>> -> memref<128xi32, #tpu.memory_space<vmem>>
      %dma_wait3A_732 = arith.constant 0 : i32
      %dma_wait3A_733 = arith.constant 0 : i32
      %dma_wait3A_734 = tpu.memref_slice %arg10[%dma_wait3A_732, %dma_wait3A_733] : memref<10240x64xi16, #tpu.memory_space<vmem_shared>> -> memref<10240x64xi16, #tpu.memory_space<vmem_shared>>
      %dma_wait3A_735 = tpu.memref_slice %arg12[%dma_wait3A_724] : memref<10x!tpu.dma_semaphore, #tpu.memory_space<semaphore_mem>> -> memref<1x!tpu.dma_semaphore, #tpu.memory_space<semaphore_mem>>
      %dma_wait3A_736 = tpu.memref_squeeze %dma_wait3A_735 : memref<1x!tpu.dma_semaphore, #tpu.memory_space<semaphore_mem>> -> memref<!tpu.dma_semaphore, #tpu.memory_space<semaphore_mem>>
      tpu.wait_indirect_dma semaphore(%dma_wait3A_736 : memref<!tpu.dma_semaphore, #tpu.memory_space<semaphore_mem>>) src(%dma_wait3A_728 : memref<128x64xi16, #tpu.memory_space<vmem>>) dst(%dma_wait3A_734 : memref<10240x64xi16, #tpu.memory_space<vmem_shared>>)
      %lt3A_737 = arith.constant 15 : i32
      %lt3A_738 = arith.cmpi slt, %scan3A_202, %lt3A_737 : i32
      %convert_element_type3A_739 = arith.extui %lt3A_738 : i1 to i32
      %cond3A_740 = arith.constant 0 : i32
      %cond3A_741 = arith.cmpi ne, %convert_element_type3A_739, %cond3A_740 : i32
      scf.if %cond3A_741 {
        %add3A_788 = arith.constant 10 : i32
        %add3A_789 = arith.addi %add3A_722, %add3A_788 : i32
        %dma_start3A_790 = arith.constant 7 : i32
        %dma_start3A_791 = arith.constant 7 : i32
        %dma_start3A_792 = arith.constant 0 : i32
        %dma_start3A_793 = arith.constant 0 : i32
        %dma_start3A_794 = tpu.memref_slice %arg9[%dma_start3A_790, %dma_start3A_792, %dma_start3A_793] : memref<10x128x64xi16, #tpu.memory_space<vmem>> -> memref<1x128x64xi16, #tpu.memory_space<vmem>>
        %dma_start3A_795 = tpu.memref_squeeze %dma_start3A_794 : memref<1x128x64xi16, #tpu.memory_space<vmem>> -> memref<128x64xi16, #tpu.memory_space<vmem>>
        %dma_start3A_796 = arith.constant 0 : i32
        %dma_start3A_797 = tpu.memref_slice %arg7[%add3A_789, %dma_start3A_796] : memref<160x128xi32, #tpu.memory_space<vmem>> -> memref<1x128xi32, #tpu.memory_space<vmem>>
        %dma_start3A_798 = tpu.memref_squeeze %dma_start3A_797 : memref<1x128xi32, #tpu.memory_space<vmem>> -> memref<128xi32, #tpu.memory_space<vmem>>
        %dma_start3A_799 = arith.constant 0 : i32
        %dma_start3A_800 = arith.constant 0 : i32
        %dma_start3A_801 = tpu.memref_slice %arg2[%arg0, %dma_start3A_799, %dma_start3A_800] : memref<2x10240x64xi16, #tpu.memory_space<hbm>> -> memref<1x10240x64xi16, #tpu.memory_space<hbm>>
        %dma_start3A_802 = tpu.memref_squeeze %dma_start3A_801 : memref<1x10240x64xi16, #tpu.memory_space<hbm>> -> memref<10240x64xi16, #tpu.memory_space<hbm>>
        %dma_start3A_803 = arith.constant 0 : i32
        %dma_start3A_804 = arith.constant 0 : i32
        %dma_start3A_805 = tpu.memref_slice %dma_start3A_802[%dma_start3A_803, %dma_start3A_804] : memref<10240x64xi16, #tpu.memory_space<hbm>> -> memref<10240x64xi16, #tpu.memory_space<hbm>>
        %dma_start3A_806 = tpu.memref_slice %arg11[%dma_start3A_791] : memref<10x!tpu.dma_semaphore, #tpu.memory_space<semaphore_mem>> -> memref<1x!tpu.dma_semaphore, #tpu.memory_space<semaphore_mem>>
        %dma_start3A_807 = tpu.memref_squeeze %dma_start3A_806 : memref<1x!tpu.dma_semaphore, #tpu.memory_space<semaphore_mem>> -> memref<!tpu.dma_semaphore, #tpu.memory_space<semaphore_mem>>
        tpu.enqueue_indirect_dma source(%dma_start3A_805 : memref<10240x64xi16, #tpu.memory_space<hbm>>) target(%dma_start3A_795 : memref<128x64xi16, #tpu.memory_space<vmem>>) offsets(%dma_start3A_798 : memref<128xi32, #tpu.memory_space<vmem>>) semaphore(%dma_start3A_807 : memref<!tpu.dma_semaphore, #tpu.memory_space<semaphore_mem>>)
      } else {
      }
      %mul3A_742 = arith.constant 10 : i32
      %mul3A_743 = arith.muli %scan3A_202, %mul3A_742 : i32
      %add3A_744 = arith.constant 8 : i32
      %add3A_745 = arith.addi %mul3A_743, %add3A_744 : i32
      %dma_wait3A_746 = arith.constant 8 : i32
      %dma_wait3A_747 = arith.constant 8 : i32
      %dma_wait3A_748 = arith.constant 0 : i32
      %dma_wait3A_749 = arith.constant 0 : i32
      %dma_wait3A_750 = tpu.memref_slice %arg9[%dma_wait3A_746, %dma_wait3A_748, %dma_wait3A_749] : memref<10x128x64xi16, #tpu.memory_space<vmem>> -> memref<1x128x64xi16, #tpu.memory_space<vmem>>
      %dma_wait3A_751 = tpu.memref_squeeze %dma_wait3A_750 : memref<1x128x64xi16, #tpu.memory_space<vmem>> -> memref<128x64xi16, #tpu.memory_space<vmem>>
      %dma_wait3A_752 = arith.constant 0 : i32
      %dma_wait3A_753 = tpu.memref_slice %arg8[%add3A_745, %dma_wait3A_752] : memref<160x128xi32, #tpu.memory_space<vmem>> -> memref<1x128xi32, #tpu.memory_space<vmem>>
      %dma_wait3A_754 = tpu.memref_squeeze %dma_wait3A_753 : memref<1x128xi32, #tpu.memory_space<vmem>> -> memref<128xi32, #tpu.memory_space<vmem>>
      %dma_wait3A_755 = arith.constant 0 : i32
      %dma_wait3A_756 = arith.constant 0 : i32
      %dma_wait3A_757 = tpu.memref_slice %arg10[%dma_wait3A_755, %dma_wait3A_756] : memref<10240x64xi16, #tpu.memory_space<vmem_shared>> -> memref<10240x64xi16, #tpu.memory_space<vmem_shared>>
      %dma_wait3A_758 = tpu.memref_slice %arg12[%dma_wait3A_747] : memref<10x!tpu.dma_semaphore, #tpu.memory_space<semaphore_mem>> -> memref<1x!tpu.dma_semaphore, #tpu.memory_space<semaphore_mem>>
      %dma_wait3A_759 = tpu.memref_squeeze %dma_wait3A_758 : memref<1x!tpu.dma_semaphore, #tpu.memory_space<semaphore_mem>> -> memref<!tpu.dma_semaphore, #tpu.memory_space<semaphore_mem>>
      tpu.wait_indirect_dma semaphore(%dma_wait3A_759 : memref<!tpu.dma_semaphore, #tpu.memory_space<semaphore_mem>>) src(%dma_wait3A_751 : memref<128x64xi16, #tpu.memory_space<vmem>>) dst(%dma_wait3A_757 : memref<10240x64xi16, #tpu.memory_space<vmem_shared>>)
      %lt3A_760 = arith.constant 15 : i32
      %lt3A_761 = arith.cmpi slt, %scan3A_202, %lt3A_760 : i32
      %convert_element_type3A_762 = arith.extui %lt3A_761 : i1 to i32
      %cond3A_763 = arith.constant 0 : i32
      %cond3A_764 = arith.cmpi ne, %convert_element_type3A_762, %cond3A_763 : i32
      scf.if %cond3A_764 {
        %add3A_788 = arith.constant 10 : i32
        %add3A_789 = arith.addi %add3A_745, %add3A_788 : i32
        %dma_start3A_790 = arith.constant 8 : i32
        %dma_start3A_791 = arith.constant 8 : i32
        %dma_start3A_792 = arith.constant 0 : i32
        %dma_start3A_793 = arith.constant 0 : i32
        %dma_start3A_794 = tpu.memref_slice %arg9[%dma_start3A_790, %dma_start3A_792, %dma_start3A_793] : memref<10x128x64xi16, #tpu.memory_space<vmem>> -> memref<1x128x64xi16, #tpu.memory_space<vmem>>
        %dma_start3A_795 = tpu.memref_squeeze %dma_start3A_794 : memref<1x128x64xi16, #tpu.memory_space<vmem>> -> memref<128x64xi16, #tpu.memory_space<vmem>>
        %dma_start3A_796 = arith.constant 0 : i32
        %dma_start3A_797 = tpu.memref_slice %arg7[%add3A_789, %dma_start3A_796] : memref<160x128xi32, #tpu.memory_space<vmem>> -> memref<1x128xi32, #tpu.memory_space<vmem>>
        %dma_start3A_798 = tpu.memref_squeeze %dma_start3A_797 : memref<1x128xi32, #tpu.memory_space<vmem>> -> memref<128xi32, #tpu.memory_space<vmem>>
        %dma_start3A_799 = arith.constant 0 : i32
        %dma_start3A_800 = arith.constant 0 : i32
        %dma_start3A_801 = tpu.memref_slice %arg2[%arg0, %dma_start3A_799, %dma_start3A_800] : memref<2x10240x64xi16, #tpu.memory_space<hbm>> -> memref<1x10240x64xi16, #tpu.memory_space<hbm>>
        %dma_start3A_802 = tpu.memref_squeeze %dma_start3A_801 : memref<1x10240x64xi16, #tpu.memory_space<hbm>> -> memref<10240x64xi16, #tpu.memory_space<hbm>>
        %dma_start3A_803 = arith.constant 0 : i32
        %dma_start3A_804 = arith.constant 0 : i32
        %dma_start3A_805 = tpu.memref_slice %dma_start3A_802[%dma_start3A_803, %dma_start3A_804] : memref<10240x64xi16, #tpu.memory_space<hbm>> -> memref<10240x64xi16, #tpu.memory_space<hbm>>
        %dma_start3A_806 = tpu.memref_slice %arg11[%dma_start3A_791] : memref<10x!tpu.dma_semaphore, #tpu.memory_space<semaphore_mem>> -> memref<1x!tpu.dma_semaphore, #tpu.memory_space<semaphore_mem>>
        %dma_start3A_807 = tpu.memref_squeeze %dma_start3A_806 : memref<1x!tpu.dma_semaphore, #tpu.memory_space<semaphore_mem>> -> memref<!tpu.dma_semaphore, #tpu.memory_space<semaphore_mem>>
        tpu.enqueue_indirect_dma source(%dma_start3A_805 : memref<10240x64xi16, #tpu.memory_space<hbm>>) target(%dma_start3A_795 : memref<128x64xi16, #tpu.memory_space<vmem>>) offsets(%dma_start3A_798 : memref<128xi32, #tpu.memory_space<vmem>>) semaphore(%dma_start3A_807 : memref<!tpu.dma_semaphore, #tpu.memory_space<semaphore_mem>>)
      } else {
      }
      %mul3A_765 = arith.constant 10 : i32
      %mul3A_766 = arith.muli %scan3A_202, %mul3A_765 : i32
      %add3A_767 = arith.constant 9 : i32
      %add3A_768 = arith.addi %mul3A_766, %add3A_767 : i32
      %dma_wait3A_769 = arith.constant 9 : i32
      %dma_wait3A_770 = arith.constant 9 : i32
      %dma_wait3A_771 = arith.constant 0 : i32
      %dma_wait3A_772 = arith.constant 0 : i32
      %dma_wait3A_773 = tpu.memref_slice %arg9[%dma_wait3A_769, %dma_wait3A_771, %dma_wait3A_772] : memref<10x128x64xi16, #tpu.memory_space<vmem>> -> memref<1x128x64xi16, #tpu.memory_space<vmem>>
      %dma_wait3A_774 = tpu.memref_squeeze %dma_wait3A_773 : memref<1x128x64xi16, #tpu.memory_space<vmem>> -> memref<128x64xi16, #tpu.memory_space<vmem>>
      %dma_wait3A_775 = arith.constant 0 : i32
      %dma_wait3A_776 = tpu.memref_slice %arg8[%add3A_768, %dma_wait3A_775] : memref<160x128xi32, #tpu.memory_space<vmem>> -> memref<1x128xi32, #tpu.memory_space<vmem>>
      %dma_wait3A_777 = tpu.memref_squeeze %dma_wait3A_776 : memref<1x128xi32, #tpu.memory_space<vmem>> -> memref<128xi32, #tpu.memory_space<vmem>>
      %dma_wait3A_778 = arith.constant 0 : i32
      %dma_wait3A_779 = arith.constant 0 : i32
      %dma_wait3A_780 = tpu.memref_slice %arg10[%dma_wait3A_778, %dma_wait3A_779] : memref<10240x64xi16, #tpu.memory_space<vmem_shared>> -> memref<10240x64xi16, #tpu.memory_space<vmem_shared>>
      %dma_wait3A_781 = tpu.memref_slice %arg12[%dma_wait3A_770] : memref<10x!tpu.dma_semaphore, #tpu.memory_space<semaphore_mem>> -> memref<1x!tpu.dma_semaphore, #tpu.memory_space<semaphore_mem>>
      %dma_wait3A_782 = tpu.memref_squeeze %dma_wait3A_781 : memref<1x!tpu.dma_semaphore, #tpu.memory_space<semaphore_mem>> -> memref<!tpu.dma_semaphore, #tpu.memory_space<semaphore_mem>>
      tpu.wait_indirect_dma semaphore(%dma_wait3A_782 : memref<!tpu.dma_semaphore, #tpu.memory_space<semaphore_mem>>) src(%dma_wait3A_774 : memref<128x64xi16, #tpu.memory_space<vmem>>) dst(%dma_wait3A_780 : memref<10240x64xi16, #tpu.memory_space<vmem_shared>>)
      %lt3A_783 = arith.constant 15 : i32
      %lt3A_784 = arith.cmpi slt, %scan3A_202, %lt3A_783 : i32
      %convert_element_type3A_785 = arith.extui %lt3A_784 : i1 to i32
      %cond3A_786 = arith.constant 0 : i32
      %cond3A_787 = arith.cmpi ne, %convert_element_type3A_785, %cond3A_786 : i32
      scf.if %cond3A_787 {
        %add3A_788 = arith.constant 10 : i32
        %add3A_789 = arith.addi %add3A_768, %add3A_788 : i32
        %dma_start3A_790 = arith.constant 9 : i32
        %dma_start3A_791 = arith.constant 9 : i32
        %dma_start3A_792 = arith.constant 0 : i32
        %dma_start3A_793 = arith.constant 0 : i32
        %dma_start3A_794 = tpu.memref_slice %arg9[%dma_start3A_790, %dma_start3A_792, %dma_start3A_793] : memref<10x128x64xi16, #tpu.memory_space<vmem>> -> memref<1x128x64xi16, #tpu.memory_space<vmem>>
        %dma_start3A_795 = tpu.memref_squeeze %dma_start3A_794 : memref<1x128x64xi16, #tpu.memory_space<vmem>> -> memref<128x64xi16, #tpu.memory_space<vmem>>
        %dma_start3A_796 = arith.constant 0 : i32
        %dma_start3A_797 = tpu.memref_slice %arg7[%add3A_789, %dma_start3A_796] : memref<160x128xi32, #tpu.memory_space<vmem>> -> memref<1x128xi32, #tpu.memory_space<vmem>>
        %dma_start3A_798 = tpu.memref_squeeze %dma_start3A_797 : memref<1x128xi32, #tpu.memory_space<vmem>> -> memref<128xi32, #tpu.memory_space<vmem>>
        %dma_start3A_799 = arith.constant 0 : i32
        %dma_start3A_800 = arith.constant 0 : i32
        %dma_start3A_801 = tpu.memref_slice %arg2[%arg0, %dma_start3A_799, %dma_start3A_800] : memref<2x10240x64xi16, #tpu.memory_space<hbm>> -> memref<1x10240x64xi16, #tpu.memory_space<hbm>>
        %dma_start3A_802 = tpu.memref_squeeze %dma_start3A_801 : memref<1x10240x64xi16, #tpu.memory_space<hbm>> -> memref<10240x64xi16, #tpu.memory_space<hbm>>
        %dma_start3A_803 = arith.constant 0 : i32
        %dma_start3A_804 = arith.constant 0 : i32
        %dma_start3A_805 = tpu.memref_slice %dma_start3A_802[%dma_start3A_803, %dma_start3A_804] : memref<10240x64xi16, #tpu.memory_space<hbm>> -> memref<10240x64xi16, #tpu.memory_space<hbm>>
        %dma_start3A_806 = tpu.memref_slice %arg11[%dma_start3A_791] : memref<10x!tpu.dma_semaphore, #tpu.memory_space<semaphore_mem>> -> memref<1x!tpu.dma_semaphore, #tpu.memory_space<semaphore_mem>>
        %dma_start3A_807 = tpu.memref_squeeze %dma_start3A_806 : memref<1x!tpu.dma_semaphore, #tpu.memory_space<semaphore_mem>> -> memref<!tpu.dma_semaphore, #tpu.memory_space<semaphore_mem>>
        tpu.enqueue_indirect_dma source(%dma_start3A_805 : memref<10240x64xi16, #tpu.memory_space<hbm>>) target(%dma_start3A_795 : memref<128x64xi16, #tpu.memory_space<vmem>>) offsets(%dma_start3A_798 : memref<128xi32, #tpu.memory_space<vmem>>) semaphore(%dma_start3A_807 : memref<!tpu.dma_semaphore, #tpu.memory_space<semaphore_mem>>)
      } else {
      }
    }
    %scan3A_196 = arith.constant 16 : i32
    %barrier3A_197 = arith.constant 0 : index
    tpu.barrier barrier_id(%barrier3A_197)
    %mul3A_198 = arith.constant 640 : i32
    %mul3A_199 = arith.muli %arg1, %mul3A_198 : i32
    %mul3A_200 = arith.constant 640 : i32
    %mul3A_201 = arith.muli %arg1, %mul3A_200 : i32
    "tpu.region"() ({
      %run_scoped3A = tpu.sem_alloc : memref<!tpu.dma_semaphore, #tpu.memory_space<semaphore_mem>>
      %dma_start3A_202 = arith.constant 0 : i32
      %dma_start3A_203 = arith.constant 0 : i32
      %dma_start3A_204 = tpu.memref_slice %arg6[%arg0, %dma_start3A_202, %dma_start3A_203] : memref<2x10240x64xi16, #tpu.memory_space<hbm>> -> memref<1x10240x64xi16, #tpu.memory_space<hbm>>
      %dma_start3A_205 = tpu.memref_squeeze %dma_start3A_204 : memref<1x10240x64xi16, #tpu.memory_space<hbm>> -> memref<10240x64xi16, #tpu.memory_space<hbm>>
      %dma_start3A_206 = arith.constant 0 : i32
      %dma_start3A_207 = tpu.memref_slice %dma_start3A_205[%mul3A_201, %dma_start3A_206] : memref<10240x64xi16, #tpu.memory_space<hbm>> -> memref<640x64xi16, #tpu.memory_space<hbm>>
      %dma_start3A_208 = arith.constant 0 : i32
      %dma_start3A_209 = tpu.memref_slice %arg10[%mul3A_199, %dma_start3A_208] : memref<10240x64xi16, #tpu.memory_space<vmem_shared>> -> memref<640x64xi16, #tpu.memory_space<vmem_shared>>
      tpu.enqueue_dma source(%dma_start3A_209 : memref<640x64xi16, #tpu.memory_space<vmem_shared>>) target(%dma_start3A_207 : memref<640x64xi16, #tpu.memory_space<hbm>>) target_semaphore(%run_scoped3A : memref<!tpu.dma_semaphore, #tpu.memory_space<semaphore_mem>>)
      %dma_wait3A = arith.constant 0 : i32
      %dma_wait3A_210 = arith.constant 0 : i32
      %dma_wait3A_211 = tpu.memref_slice %arg6[%arg0, %dma_wait3A, %dma_wait3A_210] : memref<2x10240x64xi16, #tpu.memory_space<hbm>> -> memref<1x10240x64xi16, #tpu.memory_space<hbm>>
      %dma_wait3A_212 = tpu.memref_squeeze %dma_wait3A_211 : memref<1x10240x64xi16, #tpu.memory_space<hbm>> -> memref<10240x64xi16, #tpu.memory_space<hbm>>
      %dma_wait3A_213 = arith.constant 0 : i32
      %dma_wait3A_214 = tpu.memref_slice %dma_wait3A_212[%mul3A_201, %dma_wait3A_213] : memref<10240x64xi16, #tpu.memory_space<hbm>> -> memref<640x64xi16, #tpu.memory_space<hbm>>
      %dma_wait3A_215 = arith.constant 0 : i32
      %dma_wait3A_216 = tpu.memref_slice %arg10[%mul3A_199, %dma_wait3A_215] : memref<10240x64xi16, #tpu.memory_space<vmem_shared>> -> memref<640x64xi16, #tpu.memory_space<vmem_shared>>
      tpu.wait_dma2 semaphore(%run_scoped3A : memref<!tpu.dma_semaphore, #tpu.memory_space<semaphore_mem>>) src(%dma_wait3A_216 : memref<640x64xi16, #tpu.memory_space<vmem_shared>>) dst(%dma_wait3A_214 : memref<640x64xi16, #tpu.memory_space<hbm>>)
      tpu.yield
    }) : () -> ()
    return
  }
}

#map = affine_map<(d0, d1) -> (0, 0, 0)>
#map1 = affine_map<(d0, d1) -> (0, 0)>
module attributes {stable_mosaic.version = 14 : i64} {
  func.func @_agg_body(%arg0: i32, %arg1: i32, %arg2: memref<2x10240x64xi16, #tpu.memory_space<hbm>>, %arg3: memref<16x160x128xi32, #tpu.memory_space<hbm>>, %arg4: memref<16x160x128xi32, #tpu.memory_space<hbm>>, %arg5: memref<10240x64xi16, #tpu.memory_space<hbm>>, %arg6: memref<2x10240x64xi16, #tpu.memory_space<hbm>>, %arg7: memref<160x128xi32, #tpu.memory_space<vmem>>, %arg8: memref<160x128xi32, #tpu.memory_space<vmem>>, %arg9: memref<10x128x64xi16, #tpu.memory_space<vmem>>, %arg10: memref<10240x64xi16, #tpu.memory_space<vmem_shared>>, %arg11: memref<10x!tpu.dma_semaphore, #tpu.memory_space<semaphore_mem>>, %arg12: memref<10x!tpu.dma_semaphore, #tpu.memory_space<semaphore_mem>>) attributes {dimension_semantics = [#tpu.dimension_semantics<core_parallel>, #tpu.dimension_semantics<subcore_parallel>], iteration_bounds = array<i64: 2, 16>, scalar_prefetch = 0 : i64, scratch_operands = 6 : i64, tpu.core_type = #tpu.core_type<sc_vector_subcore>, window_params = [{transform_indices = #map}, {transform_indices = #map}, {transform_indices = #map}, {transform_indices = #map1}, {transform_indices = #map}]} {
    "tpu.region"() ({
      %run_scoped3A = tpu.sem_alloc : memref<!tpu.dma_semaphore, #tpu.memory_space<semaphore_mem>>
      %dma_start3A_202 = arith.constant 0 : i32
      %dma_start3A_203 = arith.constant 0 : i32
      %dma_start3A_204 = tpu.memref_slice %arg3[%arg1, %dma_start3A_202, %dma_start3A_203] : memref<16x160x128xi32, #tpu.memory_space<hbm>> -> memref<1x160x128xi32, #tpu.memory_space<hbm>>
      %dma_start3A_205 = tpu.memref_squeeze %dma_start3A_204 : memref<1x160x128xi32, #tpu.memory_space<hbm>> -> memref<160x128xi32, #tpu.memory_space<hbm>>
      %dma_start3A_206 = arith.constant 0 : i32
      %dma_start3A_207 = arith.constant 0 : i32
      %dma_start3A_208 = tpu.memref_slice %arg3[%arg1, %dma_start3A_206, %dma_start3A_207] : memref<16x160x128xi32, #tpu.memory_space<hbm>> -> memref<1x160x128xi32, #tpu.memory_space<hbm>>
      %dma_start3A_209 = tpu.memref_squeeze %dma_start3A_208 : memref<1x160x128xi32, #tpu.memory_space<hbm>> -> memref<160x128xi32, #tpu.memory_space<hbm>>
      tpu.enqueue_dma source(%dma_start3A_209 : memref<160x128xi32, #tpu.memory_space<hbm>>) target(%arg7 : memref<160x128xi32, #tpu.memory_space<vmem>>) target_semaphore(%run_scoped3A : memref<!tpu.dma_semaphore, #tpu.memory_space<semaphore_mem>>)
      %dma_wait3A = arith.constant 0 : i32
      %dma_wait3A_210 = arith.constant 0 : i32
      %dma_wait3A_211 = tpu.memref_slice %arg3[%arg1, %dma_wait3A, %dma_wait3A_210] : memref<16x160x128xi32, #tpu.memory_space<hbm>> -> memref<1x160x128xi32, #tpu.memory_space<hbm>>
      %dma_wait3A_212 = tpu.memref_squeeze %dma_wait3A_211 : memref<1x160x128xi32, #tpu.memory_space<hbm>> -> memref<160x128xi32, #tpu.memory_space<hbm>>
      %dma_wait3A_213 = arith.constant 0 : i32
      %dma_wait3A_214 = arith.constant 0 : i32
      %dma_wait3A_215 = tpu.memref_slice %arg3[%arg1, %dma_wait3A_213, %dma_wait3A_214] : memref<16x160x128xi32, #tpu.memory_space<hbm>> -> memref<1x160x128xi32, #tpu.memory_space<hbm>>
      %dma_wait3A_216 = tpu.memref_squeeze %dma_wait3A_215 : memref<1x160x128xi32, #tpu.memory_space<hbm>> -> memref<160x128xi32, #tpu.memory_space<hbm>>
      tpu.wait_dma2 semaphore(%run_scoped3A : memref<!tpu.dma_semaphore, #tpu.memory_space<semaphore_mem>>) src(%dma_wait3A_216 : memref<160x128xi32, #tpu.memory_space<hbm>>) dst(%arg7 : memref<160x128xi32, #tpu.memory_space<vmem>>)
      tpu.yield
    }) : () -> ()
    "tpu.region"() ({
      %run_scoped3A = tpu.sem_alloc : memref<!tpu.dma_semaphore, #tpu.memory_space<semaphore_mem>>
      %dma_start3A_202 = arith.constant 0 : i32
      %dma_start3A_203 = arith.constant 0 : i32
      %dma_start3A_204 = tpu.memref_slice %arg4[%arg1, %dma_start3A_202, %dma_start3A_203] : memref<16x160x128xi32, #tpu.memory_space<hbm>> -> memref<1x160x128xi32, #tpu.memory_space<hbm>>
      %dma_start3A_205 = tpu.memref_squeeze %dma_start3A_204 : memref<1x160x128xi32, #tpu.memory_space<hbm>> -> memref<160x128xi32, #tpu.memory_space<hbm>>
      %dma_start3A_206 = arith.constant 0 : i32
      %dma_start3A_207 = arith.constant 0 : i32
      %dma_start3A_208 = tpu.memref_slice %arg4[%arg1, %dma_start3A_206, %dma_start3A_207] : memref<16x160x128xi32, #tpu.memory_space<hbm>> -> memref<1x160x128xi32, #tpu.memory_space<hbm>>
      %dma_start3A_209 = tpu.memref_squeeze %dma_start3A_208 : memref<1x160x128xi32, #tpu.memory_space<hbm>> -> memref<160x128xi32, #tpu.memory_space<hbm>>
      tpu.enqueue_dma source(%dma_start3A_209 : memref<160x128xi32, #tpu.memory_space<hbm>>) target(%arg8 : memref<160x128xi32, #tpu.memory_space<vmem>>) target_semaphore(%run_scoped3A : memref<!tpu.dma_semaphore, #tpu.memory_space<semaphore_mem>>)
      %dma_wait3A = arith.constant 0 : i32
      %dma_wait3A_210 = arith.constant 0 : i32
      %dma_wait3A_211 = tpu.memref_slice %arg4[%arg1, %dma_wait3A, %dma_wait3A_210] : memref<16x160x128xi32, #tpu.memory_space<hbm>> -> memref<1x160x128xi32, #tpu.memory_space<hbm>>
      %dma_wait3A_212 = tpu.memref_squeeze %dma_wait3A_211 : memref<1x160x128xi32, #tpu.memory_space<hbm>> -> memref<160x128xi32, #tpu.memory_space<hbm>>
      %dma_wait3A_213 = arith.constant 0 : i32
      %dma_wait3A_214 = arith.constant 0 : i32
      %dma_wait3A_215 = tpu.memref_slice %arg4[%arg1, %dma_wait3A_213, %dma_wait3A_214] : memref<16x160x128xi32, #tpu.memory_space<hbm>> -> memref<1x160x128xi32, #tpu.memory_space<hbm>>
      %dma_wait3A_216 = tpu.memref_squeeze %dma_wait3A_215 : memref<1x160x128xi32, #tpu.memory_space<hbm>> -> memref<160x128xi32, #tpu.memory_space<hbm>>
      tpu.wait_dma2 semaphore(%run_scoped3A : memref<!tpu.dma_semaphore, #tpu.memory_space<semaphore_mem>>) src(%dma_wait3A_216 : memref<160x128xi32, #tpu.memory_space<hbm>>) dst(%arg8 : memref<160x128xi32, #tpu.memory_space<vmem>>)
      tpu.yield
    }) : () -> ()
    %mul3A = arith.constant 640 : i32
    %mul3A_0 = arith.muli %arg1, %mul3A : i32
    %mul3A_1 = arith.constant 640 : i32
    %mul3A_2 = arith.muli %arg1, %mul3A_1 : i32
    "tpu.region"() ({
      %run_scoped3A = tpu.sem_alloc : memref<!tpu.dma_semaphore, #tpu.memory_space<semaphore_mem>>
      %dma_start3A_202 = arith.constant 0 : i32
      %dma_start3A_203 = tpu.memref_slice %arg10[%mul3A_2, %dma_start3A_202] : memref<10240x64xi16, #tpu.memory_space<vmem_shared>> -> memref<640x64xi16, #tpu.memory_space<vmem_shared>>
      %dma_start3A_204 = arith.constant 0 : i32
      %dma_start3A_205 = tpu.memref_slice %arg5[%mul3A_0, %dma_start3A_204] : memref<10240x64xi16, #tpu.memory_space<hbm>> -> memref<640x64xi16, #tpu.memory_space<hbm>>
      tpu.enqueue_dma source(%dma_start3A_205 : memref<640x64xi16, #tpu.memory_space<hbm>>) target(%dma_start3A_203 : memref<640x64xi16, #tpu.memory_space<vmem_shared>>) target_semaphore(%run_scoped3A : memref<!tpu.dma_semaphore, #tpu.memory_space<semaphore_mem>>)
      %dma_wait3A = arith.constant 0 : i32
      %dma_wait3A_206 = tpu.memref_slice %arg10[%mul3A_2, %dma_wait3A] : memref<10240x64xi16, #tpu.memory_space<vmem_shared>> -> memref<640x64xi16, #tpu.memory_space<vmem_shared>>
      %dma_wait3A_207 = arith.constant 0 : i32
      %dma_wait3A_208 = tpu.memref_slice %arg5[%mul3A_0, %dma_wait3A_207] : memref<10240x64xi16, #tpu.memory_space<hbm>> -> memref<640x64xi16, #tpu.memory_space<hbm>>
      tpu.wait_dma2 semaphore(%run_scoped3A : memref<!tpu.dma_semaphore, #tpu.memory_space<semaphore_mem>>) src(%dma_wait3A_208 : memref<640x64xi16, #tpu.memory_space<hbm>>) dst(%dma_wait3A_206 : memref<640x64xi16, #tpu.memory_space<vmem_shared>>)
      tpu.yield
    }) : () -> ()
    %barrier3A = arith.constant 0 : index
    tpu.barrier barrier_id(%barrier3A)
    %dma_start3A = arith.constant 0 : i32
    %dma_start3A_3 = arith.constant 0 : i32
    %dma_start3A_4 = arith.constant 0 : i32
    %dma_start3A_5 = arith.constant 0 : i32
    %dma_start3A_6 = arith.constant 0 : i32
    %dma_start3A_7 = tpu.memref_slice %arg9[%dma_start3A_3, %dma_start3A_5, %dma_start3A_6] : memref<10x128x64xi16, #tpu.memory_space<vmem>> -> memref<1x128x64xi16, #tpu.memory_space<vmem>>
    %dma_start3A_8 = tpu.memref_squeeze %dma_start3A_7 : memref<1x128x64xi16, #tpu.memory_space<vmem>> -> memref<128x64xi16, #tpu.memory_space<vmem>>
    %dma_start3A_9 = arith.constant 0 : i32
    %dma_start3A_10 = tpu.memref_slice %arg7[%dma_start3A, %dma_start3A_9] : memref<160x128xi32, #tpu.memory_space<vmem>> -> memref<1x128xi32, #tpu.memory_space<vmem>>
    %dma_start3A_11 = tpu.memref_squeeze %dma_start3A_10 : memref<1x128xi32, #tpu.memory_space<vmem>> -> memref<128xi32, #tpu.memory_space<vmem>>
    %dma_start3A_12 = arith.constant 0 : i32
    %dma_start3A_13 = arith.constant 0 : i32
    %dma_start3A_14 = tpu.memref_slice %arg2[%arg0, %dma_start3A_12, %dma_start3A_13] : memref<2x10240x64xi16, #tpu.memory_space<hbm>> -> memref<1x10240x64xi16, #tpu.memory_space<hbm>>
    %dma_start3A_15 = tpu.memref_squeeze %dma_start3A_14 : memref<1x10240x64xi16, #tpu.memory_space<hbm>> -> memref<10240x64xi16, #tpu.memory_space<hbm>>
    %dma_start3A_16 = arith.constant 0 : i32
    %dma_start3A_17 = arith.constant 0 : i32
    %dma_start3A_18 = tpu.memref_slice %dma_start3A_15[%dma_start3A_16, %dma_start3A_17] : memref<10240x64xi16, #tpu.memory_space<hbm>> -> memref<10240x64xi16, #tpu.memory_space<hbm>>
    %dma_start3A_19 = tpu.memref_slice %arg11[%dma_start3A_4] : memref<10x!tpu.dma_semaphore, #tpu.memory_space<semaphore_mem>> -> memref<1x!tpu.dma_semaphore, #tpu.memory_space<semaphore_mem>>
    %dma_start3A_20 = tpu.memref_squeeze %dma_start3A_19 : memref<1x!tpu.dma_semaphore, #tpu.memory_space<semaphore_mem>> -> memref<!tpu.dma_semaphore, #tpu.memory_space<semaphore_mem>>
    tpu.enqueue_indirect_dma source(%dma_start3A_18 : memref<10240x64xi16, #tpu.memory_space<hbm>>) target(%dma_start3A_8 : memref<128x64xi16, #tpu.memory_space<vmem>>) offsets(%dma_start3A_11 : memref<128xi32, #tpu.memory_space<vmem>>) semaphore(%dma_start3A_20 : memref<!tpu.dma_semaphore, #tpu.memory_space<semaphore_mem>>)
    %dma_start3A_21 = arith.constant 1 : i32
    %dma_start3A_22 = arith.constant 1 : i32
    %dma_start3A_23 = arith.constant 1 : i32
    %dma_start3A_24 = arith.constant 0 : i32
    %dma_start3A_25 = arith.constant 0 : i32
    %dma_start3A_26 = tpu.memref_slice %arg9[%dma_start3A_22, %dma_start3A_24, %dma_start3A_25] : memref<10x128x64xi16, #tpu.memory_space<vmem>> -> memref<1x128x64xi16, #tpu.memory_space<vmem>>
    %dma_start3A_27 = tpu.memref_squeeze %dma_start3A_26 : memref<1x128x64xi16, #tpu.memory_space<vmem>> -> memref<128x64xi16, #tpu.memory_space<vmem>>
    %dma_start3A_28 = arith.constant 0 : i32
    %dma_start3A_29 = tpu.memref_slice %arg7[%dma_start3A_21, %dma_start3A_28] : memref<160x128xi32, #tpu.memory_space<vmem>> -> memref<1x128xi32, #tpu.memory_space<vmem>>
    %dma_start3A_30 = tpu.memref_squeeze %dma_start3A_29 : memref<1x128xi32, #tpu.memory_space<vmem>> -> memref<128xi32, #tpu.memory_space<vmem>>
    %dma_start3A_31 = arith.constant 0 : i32
    %dma_start3A_32 = arith.constant 0 : i32
    %dma_start3A_33 = tpu.memref_slice %arg2[%arg0, %dma_start3A_31, %dma_start3A_32] : memref<2x10240x64xi16, #tpu.memory_space<hbm>> -> memref<1x10240x64xi16, #tpu.memory_space<hbm>>
    %dma_start3A_34 = tpu.memref_squeeze %dma_start3A_33 : memref<1x10240x64xi16, #tpu.memory_space<hbm>> -> memref<10240x64xi16, #tpu.memory_space<hbm>>
    %dma_start3A_35 = arith.constant 0 : i32
    %dma_start3A_36 = arith.constant 0 : i32
    %dma_start3A_37 = tpu.memref_slice %dma_start3A_34[%dma_start3A_35, %dma_start3A_36] : memref<10240x64xi16, #tpu.memory_space<hbm>> -> memref<10240x64xi16, #tpu.memory_space<hbm>>
    %dma_start3A_38 = tpu.memref_slice %arg11[%dma_start3A_23] : memref<10x!tpu.dma_semaphore, #tpu.memory_space<semaphore_mem>> -> memref<1x!tpu.dma_semaphore, #tpu.memory_space<semaphore_mem>>
    %dma_start3A_39 = tpu.memref_squeeze %dma_start3A_38 : memref<1x!tpu.dma_semaphore, #tpu.memory_space<semaphore_mem>> -> memref<!tpu.dma_semaphore, #tpu.memory_space<semaphore_mem>>
    tpu.enqueue_indirect_dma source(%dma_start3A_37 : memref<10240x64xi16, #tpu.memory_space<hbm>>) target(%dma_start3A_27 : memref<128x64xi16, #tpu.memory_space<vmem>>) offsets(%dma_start3A_30 : memref<128xi32, #tpu.memory_space<vmem>>) semaphore(%dma_start3A_39 : memref<!tpu.dma_semaphore, #tpu.memory_space<semaphore_mem>>)
    %dma_start3A_40 = arith.constant 2 : i32
    %dma_start3A_41 = arith.constant 2 : i32
    %dma_start3A_42 = arith.constant 2 : i32
    %dma_start3A_43 = arith.constant 0 : i32
    %dma_start3A_44 = arith.constant 0 : i32
    %dma_start3A_45 = tpu.memref_slice %arg9[%dma_start3A_41, %dma_start3A_43, %dma_start3A_44] : memref<10x128x64xi16, #tpu.memory_space<vmem>> -> memref<1x128x64xi16, #tpu.memory_space<vmem>>
    %dma_start3A_46 = tpu.memref_squeeze %dma_start3A_45 : memref<1x128x64xi16, #tpu.memory_space<vmem>> -> memref<128x64xi16, #tpu.memory_space<vmem>>
    %dma_start3A_47 = arith.constant 0 : i32
    %dma_start3A_48 = tpu.memref_slice %arg7[%dma_start3A_40, %dma_start3A_47] : memref<160x128xi32, #tpu.memory_space<vmem>> -> memref<1x128xi32, #tpu.memory_space<vmem>>
    %dma_start3A_49 = tpu.memref_squeeze %dma_start3A_48 : memref<1x128xi32, #tpu.memory_space<vmem>> -> memref<128xi32, #tpu.memory_space<vmem>>
    %dma_start3A_50 = arith.constant 0 : i32
    %dma_start3A_51 = arith.constant 0 : i32
    %dma_start3A_52 = tpu.memref_slice %arg2[%arg0, %dma_start3A_50, %dma_start3A_51] : memref<2x10240x64xi16, #tpu.memory_space<hbm>> -> memref<1x10240x64xi16, #tpu.memory_space<hbm>>
    %dma_start3A_53 = tpu.memref_squeeze %dma_start3A_52 : memref<1x10240x64xi16, #tpu.memory_space<hbm>> -> memref<10240x64xi16, #tpu.memory_space<hbm>>
    %dma_start3A_54 = arith.constant 0 : i32
    %dma_start3A_55 = arith.constant 0 : i32
    %dma_start3A_56 = tpu.memref_slice %dma_start3A_53[%dma_start3A_54, %dma_start3A_55] : memref<10240x64xi16, #tpu.memory_space<hbm>> -> memref<10240x64xi16, #tpu.memory_space<hbm>>
    %dma_start3A_57 = tpu.memref_slice %arg11[%dma_start3A_42] : memref<10x!tpu.dma_semaphore, #tpu.memory_space<semaphore_mem>> -> memref<1x!tpu.dma_semaphore, #tpu.memory_space<semaphore_mem>>
    %dma_start3A_58 = tpu.memref_squeeze %dma_start3A_57 : memref<1x!tpu.dma_semaphore, #tpu.memory_space<semaphore_mem>> -> memref<!tpu.dma_semaphore, #tpu.memory_space<semaphore_mem>>
    tpu.enqueue_indirect_dma source(%dma_start3A_56 : memref<10240x64xi16, #tpu.memory_space<hbm>>) target(%dma_start3A_46 : memref<128x64xi16, #tpu.memory_space<vmem>>) offsets(%dma_start3A_49 : memref<128xi32, #tpu.memory_space<vmem>>) semaphore(%dma_start3A_58 : memref<!tpu.dma_semaphore, #tpu.memory_space<semaphore_mem>>)
    %dma_start3A_59 = arith.constant 3 : i32
    %dma_start3A_60 = arith.constant 3 : i32
    %dma_start3A_61 = arith.constant 3 : i32
    %dma_start3A_62 = arith.constant 0 : i32
    %dma_start3A_63 = arith.constant 0 : i32
    %dma_start3A_64 = tpu.memref_slice %arg9[%dma_start3A_60, %dma_start3A_62, %dma_start3A_63] : memref<10x128x64xi16, #tpu.memory_space<vmem>> -> memref<1x128x64xi16, #tpu.memory_space<vmem>>
    %dma_start3A_65 = tpu.memref_squeeze %dma_start3A_64 : memref<1x128x64xi16, #tpu.memory_space<vmem>> -> memref<128x64xi16, #tpu.memory_space<vmem>>
    %dma_start3A_66 = arith.constant 0 : i32
    %dma_start3A_67 = tpu.memref_slice %arg7[%dma_start3A_59, %dma_start3A_66] : memref<160x128xi32, #tpu.memory_space<vmem>> -> memref<1x128xi32, #tpu.memory_space<vmem>>
    %dma_start3A_68 = tpu.memref_squeeze %dma_start3A_67 : memref<1x128xi32, #tpu.memory_space<vmem>> -> memref<128xi32, #tpu.memory_space<vmem>>
    %dma_start3A_69 = arith.constant 0 : i32
    %dma_start3A_70 = arith.constant 0 : i32
    %dma_start3A_71 = tpu.memref_slice %arg2[%arg0, %dma_start3A_69, %dma_start3A_70] : memref<2x10240x64xi16, #tpu.memory_space<hbm>> -> memref<1x10240x64xi16, #tpu.memory_space<hbm>>
    %dma_start3A_72 = tpu.memref_squeeze %dma_start3A_71 : memref<1x10240x64xi16, #tpu.memory_space<hbm>> -> memref<10240x64xi16, #tpu.memory_space<hbm>>
    %dma_start3A_73 = arith.constant 0 : i32
    %dma_start3A_74 = arith.constant 0 : i32
    %dma_start3A_75 = tpu.memref_slice %dma_start3A_72[%dma_start3A_73, %dma_start3A_74] : memref<10240x64xi16, #tpu.memory_space<hbm>> -> memref<10240x64xi16, #tpu.memory_space<hbm>>
    %dma_start3A_76 = tpu.memref_slice %arg11[%dma_start3A_61] : memref<10x!tpu.dma_semaphore, #tpu.memory_space<semaphore_mem>> -> memref<1x!tpu.dma_semaphore, #tpu.memory_space<semaphore_mem>>
    %dma_start3A_77 = tpu.memref_squeeze %dma_start3A_76 : memref<1x!tpu.dma_semaphore, #tpu.memory_space<semaphore_mem>> -> memref<!tpu.dma_semaphore, #tpu.memory_space<semaphore_mem>>
    tpu.enqueue_indirect_dma source(%dma_start3A_75 : memref<10240x64xi16, #tpu.memory_space<hbm>>) target(%dma_start3A_65 : memref<128x64xi16, #tpu.memory_space<vmem>>) offsets(%dma_start3A_68 : memref<128xi32, #tpu.memory_space<vmem>>) semaphore(%dma_start3A_77 : memref<!tpu.dma_semaphore, #tpu.memory_space<semaphore_mem>>)
    %dma_start3A_78 = arith.constant 4 : i32
    %dma_start3A_79 = arith.constant 4 : i32
    %dma_start3A_80 = arith.constant 4 : i32
    %dma_start3A_81 = arith.constant 0 : i32
    %dma_start3A_82 = arith.constant 0 : i32
    %dma_start3A_83 = tpu.memref_slice %arg9[%dma_start3A_79, %dma_start3A_81, %dma_start3A_82] : memref<10x128x64xi16, #tpu.memory_space<vmem>> -> memref<1x128x64xi16, #tpu.memory_space<vmem>>
    %dma_start3A_84 = tpu.memref_squeeze %dma_start3A_83 : memref<1x128x64xi16, #tpu.memory_space<vmem>> -> memref<128x64xi16, #tpu.memory_space<vmem>>
    %dma_start3A_85 = arith.constant 0 : i32
    %dma_start3A_86 = tpu.memref_slice %arg7[%dma_start3A_78, %dma_start3A_85] : memref<160x128xi32, #tpu.memory_space<vmem>> -> memref<1x128xi32, #tpu.memory_space<vmem>>
    %dma_start3A_87 = tpu.memref_squeeze %dma_start3A_86 : memref<1x128xi32, #tpu.memory_space<vmem>> -> memref<128xi32, #tpu.memory_space<vmem>>
    %dma_start3A_88 = arith.constant 0 : i32
    %dma_start3A_89 = arith.constant 0 : i32
    %dma_start3A_90 = tpu.memref_slice %arg2[%arg0, %dma_start3A_88, %dma_start3A_89] : memref<2x10240x64xi16, #tpu.memory_space<hbm>> -> memref<1x10240x64xi16, #tpu.memory_space<hbm>>
    %dma_start3A_91 = tpu.memref_squeeze %dma_start3A_90 : memref<1x10240x64xi16, #tpu.memory_space<hbm>> -> memref<10240x64xi16, #tpu.memory_space<hbm>>
    %dma_start3A_92 = arith.constant 0 : i32
    %dma_start3A_93 = arith.constant 0 : i32
    %dma_start3A_94 = tpu.memref_slice %dma_start3A_91[%dma_start3A_92, %dma_start3A_93] : memref<10240x64xi16, #tpu.memory_space<hbm>> -> memref<10240x64xi16, #tpu.memory_space<hbm>>
    %dma_start3A_95 = tpu.memref_slice %arg11[%dma_start3A_80] : memref<10x!tpu.dma_semaphore, #tpu.memory_space<semaphore_mem>> -> memref<1x!tpu.dma_semaphore, #tpu.memory_space<semaphore_mem>>
    %dma_start3A_96 = tpu.memref_squeeze %dma_start3A_95 : memref<1x!tpu.dma_semaphore, #tpu.memory_space<semaphore_mem>> -> memref<!tpu.dma_semaphore, #tpu.memory_space<semaphore_mem>>
    tpu.enqueue_indirect_dma source(%dma_start3A_94 : memref<10240x64xi16, #tpu.memory_space<hbm>>) target(%dma_start3A_84 : memref<128x64xi16, #tpu.memory_space<vmem>>) offsets(%dma_start3A_87 : memref<128xi32, #tpu.memory_space<vmem>>) semaphore(%dma_start3A_96 : memref<!tpu.dma_semaphore, #tpu.memory_space<semaphore_mem>>)
    %dma_start3A_97 = arith.constant 5 : i32
    %dma_start3A_98 = arith.constant 5 : i32
    %dma_start3A_99 = arith.constant 5 : i32
    %dma_start3A_100 = arith.constant 0 : i32
    %dma_start3A_101 = arith.constant 0 : i32
    %dma_start3A_102 = tpu.memref_slice %arg9[%dma_start3A_98, %dma_start3A_100, %dma_start3A_101] : memref<10x128x64xi16, #tpu.memory_space<vmem>> -> memref<1x128x64xi16, #tpu.memory_space<vmem>>
    %dma_start3A_103 = tpu.memref_squeeze %dma_start3A_102 : memref<1x128x64xi16, #tpu.memory_space<vmem>> -> memref<128x64xi16, #tpu.memory_space<vmem>>
    %dma_start3A_104 = arith.constant 0 : i32
    %dma_start3A_105 = tpu.memref_slice %arg7[%dma_start3A_97, %dma_start3A_104] : memref<160x128xi32, #tpu.memory_space<vmem>> -> memref<1x128xi32, #tpu.memory_space<vmem>>
    %dma_start3A_106 = tpu.memref_squeeze %dma_start3A_105 : memref<1x128xi32, #tpu.memory_space<vmem>> -> memref<128xi32, #tpu.memory_space<vmem>>
    %dma_start3A_107 = arith.constant 0 : i32
    %dma_start3A_108 = arith.constant 0 : i32
    %dma_start3A_109 = tpu.memref_slice %arg2[%arg0, %dma_start3A_107, %dma_start3A_108] : memref<2x10240x64xi16, #tpu.memory_space<hbm>> -> memref<1x10240x64xi16, #tpu.memory_space<hbm>>
    %dma_start3A_110 = tpu.memref_squeeze %dma_start3A_109 : memref<1x10240x64xi16, #tpu.memory_space<hbm>> -> memref<10240x64xi16, #tpu.memory_space<hbm>>
    %dma_start3A_111 = arith.constant 0 : i32
    %dma_start3A_112 = arith.constant 0 : i32
    %dma_start3A_113 = tpu.memref_slice %dma_start3A_110[%dma_start3A_111, %dma_start3A_112] : memref<10240x64xi16, #tpu.memory_space<hbm>> -> memref<10240x64xi16, #tpu.memory_space<hbm>>
    %dma_start3A_114 = tpu.memref_slice %arg11[%dma_start3A_99] : memref<10x!tpu.dma_semaphore, #tpu.memory_space<semaphore_mem>> -> memref<1x!tpu.dma_semaphore, #tpu.memory_space<semaphore_mem>>
    %dma_start3A_115 = tpu.memref_squeeze %dma_start3A_114 : memref<1x!tpu.dma_semaphore, #tpu.memory_space<semaphore_mem>> -> memref<!tpu.dma_semaphore, #tpu.memory_space<semaphore_mem>>
    tpu.enqueue_indirect_dma source(%dma_start3A_113 : memref<10240x64xi16, #tpu.memory_space<hbm>>) target(%dma_start3A_103 : memref<128x64xi16, #tpu.memory_space<vmem>>) offsets(%dma_start3A_106 : memref<128xi32, #tpu.memory_space<vmem>>) semaphore(%dma_start3A_115 : memref<!tpu.dma_semaphore, #tpu.memory_space<semaphore_mem>>)
    %dma_start3A_116 = arith.constant 6 : i32
    %dma_start3A_117 = arith.constant 6 : i32
    %dma_start3A_118 = arith.constant 6 : i32
    %dma_start3A_119 = arith.constant 0 : i32
    %dma_start3A_120 = arith.constant 0 : i32
    %dma_start3A_121 = tpu.memref_slice %arg9[%dma_start3A_117, %dma_start3A_119, %dma_start3A_120] : memref<10x128x64xi16, #tpu.memory_space<vmem>> -> memref<1x128x64xi16, #tpu.memory_space<vmem>>
    %dma_start3A_122 = tpu.memref_squeeze %dma_start3A_121 : memref<1x128x64xi16, #tpu.memory_space<vmem>> -> memref<128x64xi16, #tpu.memory_space<vmem>>
    %dma_start3A_123 = arith.constant 0 : i32
    %dma_start3A_124 = tpu.memref_slice %arg7[%dma_start3A_116, %dma_start3A_123] : memref<160x128xi32, #tpu.memory_space<vmem>> -> memref<1x128xi32, #tpu.memory_space<vmem>>
    %dma_start3A_125 = tpu.memref_squeeze %dma_start3A_124 : memref<1x128xi32, #tpu.memory_space<vmem>> -> memref<128xi32, #tpu.memory_space<vmem>>
    %dma_start3A_126 = arith.constant 0 : i32
    %dma_start3A_127 = arith.constant 0 : i32
    %dma_start3A_128 = tpu.memref_slice %arg2[%arg0, %dma_start3A_126, %dma_start3A_127] : memref<2x10240x64xi16, #tpu.memory_space<hbm>> -> memref<1x10240x64xi16, #tpu.memory_space<hbm>>
    %dma_start3A_129 = tpu.memref_squeeze %dma_start3A_128 : memref<1x10240x64xi16, #tpu.memory_space<hbm>> -> memref<10240x64xi16, #tpu.memory_space<hbm>>
    %dma_start3A_130 = arith.constant 0 : i32
    %dma_start3A_131 = arith.constant 0 : i32
    %dma_start3A_132 = tpu.memref_slice %dma_start3A_129[%dma_start3A_130, %dma_start3A_131] : memref<10240x64xi16, #tpu.memory_space<hbm>> -> memref<10240x64xi16, #tpu.memory_space<hbm>>
    %dma_start3A_133 = tpu.memref_slice %arg11[%dma_start3A_118] : memref<10x!tpu.dma_semaphore, #tpu.memory_space<semaphore_mem>> -> memref<1x!tpu.dma_semaphore, #tpu.memory_space<semaphore_mem>>
    %dma_start3A_134 = tpu.memref_squeeze %dma_start3A_133 : memref<1x!tpu.dma_semaphore, #tpu.memory_space<semaphore_mem>> -> memref<!tpu.dma_semaphore, #tpu.memory_space<semaphore_mem>>
    tpu.enqueue_indirect_dma source(%dma_start3A_132 : memref<10240x64xi16, #tpu.memory_space<hbm>>) target(%dma_start3A_122 : memref<128x64xi16, #tpu.memory_space<vmem>>) offsets(%dma_start3A_125 : memref<128xi32, #tpu.memory_space<vmem>>) semaphore(%dma_start3A_134 : memref<!tpu.dma_semaphore, #tpu.memory_space<semaphore_mem>>)
    %dma_start3A_135 = arith.constant 7 : i32
    %dma_start3A_136 = arith.constant 7 : i32
    %dma_start3A_137 = arith.constant 7 : i32
    %dma_start3A_138 = arith.constant 0 : i32
    %dma_start3A_139 = arith.constant 0 : i32
    %dma_start3A_140 = tpu.memref_slice %arg9[%dma_start3A_136, %dma_start3A_138, %dma_start3A_139] : memref<10x128x64xi16, #tpu.memory_space<vmem>> -> memref<1x128x64xi16, #tpu.memory_space<vmem>>
    %dma_start3A_141 = tpu.memref_squeeze %dma_start3A_140 : memref<1x128x64xi16, #tpu.memory_space<vmem>> -> memref<128x64xi16, #tpu.memory_space<vmem>>
    %dma_start3A_142 = arith.constant 0 : i32
    %dma_start3A_143 = tpu.memref_slice %arg7[%dma_start3A_135, %dma_start3A_142] : memref<160x128xi32, #tpu.memory_space<vmem>> -> memref<1x128xi32, #tpu.memory_space<vmem>>
    %dma_start3A_144 = tpu.memref_squeeze %dma_start3A_143 : memref<1x128xi32, #tpu.memory_space<vmem>> -> memref<128xi32, #tpu.memory_space<vmem>>
    %dma_start3A_145 = arith.constant 0 : i32
    %dma_start3A_146 = arith.constant 0 : i32
    %dma_start3A_147 = tpu.memref_slice %arg2[%arg0, %dma_start3A_145, %dma_start3A_146] : memref<2x10240x64xi16, #tpu.memory_space<hbm>> -> memref<1x10240x64xi16, #tpu.memory_space<hbm>>
    %dma_start3A_148 = tpu.memref_squeeze %dma_start3A_147 : memref<1x10240x64xi16, #tpu.memory_space<hbm>> -> memref<10240x64xi16, #tpu.memory_space<hbm>>
    %dma_start3A_149 = arith.constant 0 : i32
    %dma_start3A_150 = arith.constant 0 : i32
    %dma_start3A_151 = tpu.memref_slice %dma_start3A_148[%dma_start3A_149, %dma_start3A_150] : memref<10240x64xi16, #tpu.memory_space<hbm>> -> memref<10240x64xi16, #tpu.memory_space<hbm>>
    %dma_start3A_152 = tpu.memref_slice %arg11[%dma_start3A_137] : memref<10x!tpu.dma_semaphore, #tpu.memory_space<semaphore_mem>> -> memref<1x!tpu.dma_semaphore, #tpu.memory_space<semaphore_mem>>
    %dma_start3A_153 = tpu.memref_squeeze %dma_start3A_152 : memref<1x!tpu.dma_semaphore, #tpu.memory_space<semaphore_mem>> -> memref<!tpu.dma_semaphore, #tpu.memory_space<semaphore_mem>>
    tpu.enqueue_indirect_dma source(%dma_start3A_151 : memref<10240x64xi16, #tpu.memory_space<hbm>>) target(%dma_start3A_141 : memref<128x64xi16, #tpu.memory_space<vmem>>) offsets(%dma_start3A_144 : memref<128xi32, #tpu.memory_space<vmem>>) semaphore(%dma_start3A_153 : memref<!tpu.dma_semaphore, #tpu.memory_space<semaphore_mem>>)
    %dma_start3A_154 = arith.constant 8 : i32
    %dma_start3A_155 = arith.constant 8 : i32
    %dma_start3A_156 = arith.constant 8 : i32
    %dma_start3A_157 = arith.constant 0 : i32
    %dma_start3A_158 = arith.constant 0 : i32
    %dma_start3A_159 = tpu.memref_slice %arg9[%dma_start3A_155, %dma_start3A_157, %dma_start3A_158] : memref<10x128x64xi16, #tpu.memory_space<vmem>> -> memref<1x128x64xi16, #tpu.memory_space<vmem>>
    %dma_start3A_160 = tpu.memref_squeeze %dma_start3A_159 : memref<1x128x64xi16, #tpu.memory_space<vmem>> -> memref<128x64xi16, #tpu.memory_space<vmem>>
    %dma_start3A_161 = arith.constant 0 : i32
    %dma_start3A_162 = tpu.memref_slice %arg7[%dma_start3A_154, %dma_start3A_161] : memref<160x128xi32, #tpu.memory_space<vmem>> -> memref<1x128xi32, #tpu.memory_space<vmem>>
    %dma_start3A_163 = tpu.memref_squeeze %dma_start3A_162 : memref<1x128xi32, #tpu.memory_space<vmem>> -> memref<128xi32, #tpu.memory_space<vmem>>
    %dma_start3A_164 = arith.constant 0 : i32
    %dma_start3A_165 = arith.constant 0 : i32
    %dma_start3A_166 = tpu.memref_slice %arg2[%arg0, %dma_start3A_164, %dma_start3A_165] : memref<2x10240x64xi16, #tpu.memory_space<hbm>> -> memref<1x10240x64xi16, #tpu.memory_space<hbm>>
    %dma_start3A_167 = tpu.memref_squeeze %dma_start3A_166 : memref<1x10240x64xi16, #tpu.memory_space<hbm>> -> memref<10240x64xi16, #tpu.memory_space<hbm>>
    %dma_start3A_168 = arith.constant 0 : i32
    %dma_start3A_169 = arith.constant 0 : i32
    %dma_start3A_170 = tpu.memref_slice %dma_start3A_167[%dma_start3A_168, %dma_start3A_169] : memref<10240x64xi16, #tpu.memory_space<hbm>> -> memref<10240x64xi16, #tpu.memory_space<hbm>>
    %dma_start3A_171 = tpu.memref_slice %arg11[%dma_start3A_156] : memref<10x!tpu.dma_semaphore, #tpu.memory_space<semaphore_mem>> -> memref<1x!tpu.dma_semaphore, #tpu.memory_space<semaphore_mem>>
    %dma_start3A_172 = tpu.memref_squeeze %dma_start3A_171 : memref<1x!tpu.dma_semaphore, #tpu.memory_space<semaphore_mem>> -> memref<!tpu.dma_semaphore, #tpu.memory_space<semaphore_mem>>
    tpu.enqueue_indirect_dma source(%dma_start3A_170 : memref<10240x64xi16, #tpu.memory_space<hbm>>) target(%dma_start3A_160 : memref<128x64xi16, #tpu.memory_space<vmem>>) offsets(%dma_start3A_163 : memref<128xi32, #tpu.memory_space<vmem>>) semaphore(%dma_start3A_172 : memref<!tpu.dma_semaphore, #tpu.memory_space<semaphore_mem>>)
    %dma_start3A_173 = arith.constant 9 : i32
    %dma_start3A_174 = arith.constant 9 : i32
    %dma_start3A_175 = arith.constant 9 : i32
    %dma_start3A_176 = arith.constant 0 : i32
    %dma_start3A_177 = arith.constant 0 : i32
    %dma_start3A_178 = tpu.memref_slice %arg9[%dma_start3A_174, %dma_start3A_176, %dma_start3A_177] : memref<10x128x64xi16, #tpu.memory_space<vmem>> -> memref<1x128x64xi16, #tpu.memory_space<vmem>>
    %dma_start3A_179 = tpu.memref_squeeze %dma_start3A_178 : memref<1x128x64xi16, #tpu.memory_space<vmem>> -> memref<128x64xi16, #tpu.memory_space<vmem>>
    %dma_start3A_180 = arith.constant 0 : i32
    %dma_start3A_181 = tpu.memref_slice %arg7[%dma_start3A_173, %dma_start3A_180] : memref<160x128xi32, #tpu.memory_space<vmem>> -> memref<1x128xi32, #tpu.memory_space<vmem>>
    %dma_start3A_182 = tpu.memref_squeeze %dma_start3A_181 : memref<1x128xi32, #tpu.memory_space<vmem>> -> memref<128xi32, #tpu.memory_space<vmem>>
    %dma_start3A_183 = arith.constant 0 : i32
    %dma_start3A_184 = arith.constant 0 : i32
    %dma_start3A_185 = tpu.memref_slice %arg2[%arg0, %dma_start3A_183, %dma_start3A_184] : memref<2x10240x64xi16, #tpu.memory_space<hbm>> -> memref<1x10240x64xi16, #tpu.memory_space<hbm>>
    %dma_start3A_186 = tpu.memref_squeeze %dma_start3A_185 : memref<1x10240x64xi16, #tpu.memory_space<hbm>> -> memref<10240x64xi16, #tpu.memory_space<hbm>>
    %dma_start3A_187 = arith.constant 0 : i32
    %dma_start3A_188 = arith.constant 0 : i32
    %dma_start3A_189 = tpu.memref_slice %dma_start3A_186[%dma_start3A_187, %dma_start3A_188] : memref<10240x64xi16, #tpu.memory_space<hbm>> -> memref<10240x64xi16, #tpu.memory_space<hbm>>
    %dma_start3A_190 = tpu.memref_slice %arg11[%dma_start3A_175] : memref<10x!tpu.dma_semaphore, #tpu.memory_space<semaphore_mem>> -> memref<1x!tpu.dma_semaphore, #tpu.memory_space<semaphore_mem>>
    %dma_start3A_191 = tpu.memref_squeeze %dma_start3A_190 : memref<1x!tpu.dma_semaphore, #tpu.memory_space<semaphore_mem>> -> memref<!tpu.dma_semaphore, #tpu.memory_space<semaphore_mem>>
    tpu.enqueue_indirect_dma source(%dma_start3A_189 : memref<10240x64xi16, #tpu.memory_space<hbm>>) target(%dma_start3A_179 : memref<128x64xi16, #tpu.memory_space<vmem>>) offsets(%dma_start3A_182 : memref<128xi32, #tpu.memory_space<vmem>>) semaphore(%dma_start3A_191 : memref<!tpu.dma_semaphore, #tpu.memory_space<semaphore_mem>>)
    %scan3A = arith.constant 0 : i32
    %scan3A_192 = arith.constant 0 : i32
    %scan3A_193 = arith.constant 16 : i32
    %scan3A_194 = arith.addi %scan3A_192, %scan3A_193 : i32
    %scan3A_195 = arith.constant 1 : i32
    scf.for %scan3A_202 = %scan3A_192 to %scan3A_194 step %scan3A_195  : i32 {
      %mul3A_203 = arith.constant 10 : i32
      %mul3A_204 = arith.muli %scan3A_202, %mul3A_203 : i32
      %add3A = arith.constant 0 : i32
      %add3A_205 = arith.addi %mul3A_204, %add3A : i32
      %dma_wait3A = arith.constant 0 : i32
      %dma_wait3A_206 = arith.constant 0 : i32
      %dma_wait3A_207 = arith.constant 0 : i32
      %dma_wait3A_208 = arith.constant 0 : i32
      %dma_wait3A_209 = tpu.memref_slice %arg9[%dma_wait3A, %dma_wait3A_207, %dma_wait3A_208] : memref<10x128x64xi16, #tpu.memory_space<vmem>> -> memref<1x128x64xi16, #tpu.memory_space<vmem>>
      %dma_wait3A_210 = tpu.memref_squeeze %dma_wait3A_209 : memref<1x128x64xi16, #tpu.memory_space<vmem>> -> memref<128x64xi16, #tpu.memory_space<vmem>>
      %dma_wait3A_211 = arith.constant 0 : i32
      %dma_wait3A_212 = tpu.memref_slice %arg7[%add3A_205, %dma_wait3A_211] : memref<160x128xi32, #tpu.memory_space<vmem>> -> memref<1x128xi32, #tpu.memory_space<vmem>>
      %dma_wait3A_213 = tpu.memref_squeeze %dma_wait3A_212 : memref<1x128xi32, #tpu.memory_space<vmem>> -> memref<128xi32, #tpu.memory_space<vmem>>
      %dma_wait3A_214 = arith.constant 0 : i32
      %dma_wait3A_215 = arith.constant 0 : i32
      %dma_wait3A_216 = tpu.memref_slice %arg2[%arg0, %dma_wait3A_214, %dma_wait3A_215] : memref<2x10240x64xi16, #tpu.memory_space<hbm>> -> memref<1x10240x64xi16, #tpu.memory_space<hbm>>
      %dma_wait3A_217 = tpu.memref_squeeze %dma_wait3A_216 : memref<1x10240x64xi16, #tpu.memory_space<hbm>> -> memref<10240x64xi16, #tpu.memory_space<hbm>>
      %dma_wait3A_218 = arith.constant 0 : i32
      %dma_wait3A_219 = arith.constant 0 : i32
      %dma_wait3A_220 = tpu.memref_slice %dma_wait3A_217[%dma_wait3A_218, %dma_wait3A_219] : memref<10240x64xi16, #tpu.memory_space<hbm>> -> memref<10240x64xi16, #tpu.memory_space<hbm>>
      %dma_wait3A_221 = tpu.memref_slice %arg11[%dma_wait3A_206] : memref<10x!tpu.dma_semaphore, #tpu.memory_space<semaphore_mem>> -> memref<1x!tpu.dma_semaphore, #tpu.memory_space<semaphore_mem>>
      %dma_wait3A_222 = tpu.memref_squeeze %dma_wait3A_221 : memref<1x!tpu.dma_semaphore, #tpu.memory_space<semaphore_mem>> -> memref<!tpu.dma_semaphore, #tpu.memory_space<semaphore_mem>>
      tpu.wait_indirect_dma semaphore(%dma_wait3A_222 : memref<!tpu.dma_semaphore, #tpu.memory_space<semaphore_mem>>) src(%dma_wait3A_220 : memref<10240x64xi16, #tpu.memory_space<hbm>>) dst(%dma_wait3A_210 : memref<128x64xi16, #tpu.memory_space<vmem>>)
      %dma_start3A_223 = arith.constant 0 : i32
      %dma_start3A_224 = arith.constant 0 : i32
      %dma_start3A_225 = arith.constant 0 : i32
      %dma_start3A_226 = arith.constant 0 : i32
      %dma_start3A_227 = tpu.memref_slice %arg9[%dma_start3A_223, %dma_start3A_225, %dma_start3A_226] : memref<10x128x64xi16, #tpu.memory_space<vmem>> -> memref<1x128x64xi16, #tpu.memory_space<vmem>>
      %dma_start3A_228 = tpu.memref_squeeze %dma_start3A_227 : memref<1x128x64xi16, #tpu.memory_space<vmem>> -> memref<128x64xi16, #tpu.memory_space<vmem>>
      %dma_start3A_229 = arith.constant 0 : i32
      %dma_start3A_230 = tpu.memref_slice %arg8[%add3A_205, %dma_start3A_229] : memref<160x128xi32, #tpu.memory_space<vmem>> -> memref<1x128xi32, #tpu.memory_space<vmem>>
      %dma_start3A_231 = tpu.memref_squeeze %dma_start3A_230 : memref<1x128xi32, #tpu.memory_space<vmem>> -> memref<128xi32, #tpu.memory_space<vmem>>
      %dma_start3A_232 = arith.constant 0 : i32
      %dma_start3A_233 = arith.constant 0 : i32
      %dma_start3A_234 = tpu.memref_slice %arg10[%dma_start3A_232, %dma_start3A_233] : memref<10240x64xi16, #tpu.memory_space<vmem_shared>> -> memref<10240x64xi16, #tpu.memory_space<vmem_shared>>
      %dma_start3A_235 = tpu.memref_slice %arg12[%dma_start3A_224] : memref<10x!tpu.dma_semaphore, #tpu.memory_space<semaphore_mem>> -> memref<1x!tpu.dma_semaphore, #tpu.memory_space<semaphore_mem>>
      %dma_start3A_236 = tpu.memref_squeeze %dma_start3A_235 : memref<1x!tpu.dma_semaphore, #tpu.memory_space<semaphore_mem>> -> memref<!tpu.dma_semaphore, #tpu.memory_space<semaphore_mem>>
      tpu.enqueue_indirect_dma source(%dma_start3A_228 : memref<128x64xi16, #tpu.memory_space<vmem>>) target(%dma_start3A_234 : memref<10240x64xi16, #tpu.memory_space<vmem_shared>>) offsets(%dma_start3A_231 : memref<128xi32, #tpu.memory_space<vmem>>) semaphore(%dma_start3A_236 : memref<!tpu.dma_semaphore, #tpu.memory_space<semaphore_mem>>) {add = true}
      %mul3A_237 = arith.constant 10 : i32
      %mul3A_238 = arith.muli %scan3A_202, %mul3A_237 : i32
      %add3A_239 = arith.constant 1 : i32
      %add3A_240 = arith.addi %mul3A_238, %add3A_239 : i32
      %dma_wait3A_241 = arith.constant 1 : i32
      %dma_wait3A_242 = arith.constant 1 : i32
      %dma_wait3A_243 = arith.constant 0 : i32
      %dma_wait3A_244 = arith.constant 0 : i32
      %dma_wait3A_245 = tpu.memref_slice %arg9[%dma_wait3A_241, %dma_wait3A_243, %dma_wait3A_244] : memref<10x128x64xi16, #tpu.memory_space<vmem>> -> memref<1x128x64xi16, #tpu.memory_space<vmem>>
      %dma_wait3A_246 = tpu.memref_squeeze %dma_wait3A_245 : memref<1x128x64xi16, #tpu.memory_space<vmem>> -> memref<128x64xi16, #tpu.memory_space<vmem>>
      %dma_wait3A_247 = arith.constant 0 : i32
      %dma_wait3A_248 = tpu.memref_slice %arg7[%add3A_240, %dma_wait3A_247] : memref<160x128xi32, #tpu.memory_space<vmem>> -> memref<1x128xi32, #tpu.memory_space<vmem>>
      %dma_wait3A_249 = tpu.memref_squeeze %dma_wait3A_248 : memref<1x128xi32, #tpu.memory_space<vmem>> -> memref<128xi32, #tpu.memory_space<vmem>>
      %dma_wait3A_250 = arith.constant 0 : i32
      %dma_wait3A_251 = arith.constant 0 : i32
      %dma_wait3A_252 = tpu.memref_slice %arg2[%arg0, %dma_wait3A_250, %dma_wait3A_251] : memref<2x10240x64xi16, #tpu.memory_space<hbm>> -> memref<1x10240x64xi16, #tpu.memory_space<hbm>>
      %dma_wait3A_253 = tpu.memref_squeeze %dma_wait3A_252 : memref<1x10240x64xi16, #tpu.memory_space<hbm>> -> memref<10240x64xi16, #tpu.memory_space<hbm>>
      %dma_wait3A_254 = arith.constant 0 : i32
      %dma_wait3A_255 = arith.constant 0 : i32
      %dma_wait3A_256 = tpu.memref_slice %dma_wait3A_253[%dma_wait3A_254, %dma_wait3A_255] : memref<10240x64xi16, #tpu.memory_space<hbm>> -> memref<10240x64xi16, #tpu.memory_space<hbm>>
      %dma_wait3A_257 = tpu.memref_slice %arg11[%dma_wait3A_242] : memref<10x!tpu.dma_semaphore, #tpu.memory_space<semaphore_mem>> -> memref<1x!tpu.dma_semaphore, #tpu.memory_space<semaphore_mem>>
      %dma_wait3A_258 = tpu.memref_squeeze %dma_wait3A_257 : memref<1x!tpu.dma_semaphore, #tpu.memory_space<semaphore_mem>> -> memref<!tpu.dma_semaphore, #tpu.memory_space<semaphore_mem>>
      tpu.wait_indirect_dma semaphore(%dma_wait3A_258 : memref<!tpu.dma_semaphore, #tpu.memory_space<semaphore_mem>>) src(%dma_wait3A_256 : memref<10240x64xi16, #tpu.memory_space<hbm>>) dst(%dma_wait3A_246 : memref<128x64xi16, #tpu.memory_space<vmem>>)
      %dma_start3A_259 = arith.constant 1 : i32
      %dma_start3A_260 = arith.constant 1 : i32
      %dma_start3A_261 = arith.constant 0 : i32
      %dma_start3A_262 = arith.constant 0 : i32
      %dma_start3A_263 = tpu.memref_slice %arg9[%dma_start3A_259, %dma_start3A_261, %dma_start3A_262] : memref<10x128x64xi16, #tpu.memory_space<vmem>> -> memref<1x128x64xi16, #tpu.memory_space<vmem>>
      %dma_start3A_264 = tpu.memref_squeeze %dma_start3A_263 : memref<1x128x64xi16, #tpu.memory_space<vmem>> -> memref<128x64xi16, #tpu.memory_space<vmem>>
      %dma_start3A_265 = arith.constant 0 : i32
      %dma_start3A_266 = tpu.memref_slice %arg8[%add3A_240, %dma_start3A_265] : memref<160x128xi32, #tpu.memory_space<vmem>> -> memref<1x128xi32, #tpu.memory_space<vmem>>
      %dma_start3A_267 = tpu.memref_squeeze %dma_start3A_266 : memref<1x128xi32, #tpu.memory_space<vmem>> -> memref<128xi32, #tpu.memory_space<vmem>>
      %dma_start3A_268 = arith.constant 0 : i32
      %dma_start3A_269 = arith.constant 0 : i32
      %dma_start3A_270 = tpu.memref_slice %arg10[%dma_start3A_268, %dma_start3A_269] : memref<10240x64xi16, #tpu.memory_space<vmem_shared>> -> memref<10240x64xi16, #tpu.memory_space<vmem_shared>>
      %dma_start3A_271 = tpu.memref_slice %arg12[%dma_start3A_260] : memref<10x!tpu.dma_semaphore, #tpu.memory_space<semaphore_mem>> -> memref<1x!tpu.dma_semaphore, #tpu.memory_space<semaphore_mem>>
      %dma_start3A_272 = tpu.memref_squeeze %dma_start3A_271 : memref<1x!tpu.dma_semaphore, #tpu.memory_space<semaphore_mem>> -> memref<!tpu.dma_semaphore, #tpu.memory_space<semaphore_mem>>
      tpu.enqueue_indirect_dma source(%dma_start3A_264 : memref<128x64xi16, #tpu.memory_space<vmem>>) target(%dma_start3A_270 : memref<10240x64xi16, #tpu.memory_space<vmem_shared>>) offsets(%dma_start3A_267 : memref<128xi32, #tpu.memory_space<vmem>>) semaphore(%dma_start3A_272 : memref<!tpu.dma_semaphore, #tpu.memory_space<semaphore_mem>>) {add = true}
      %mul3A_273 = arith.constant 10 : i32
      %mul3A_274 = arith.muli %scan3A_202, %mul3A_273 : i32
      %add3A_275 = arith.constant 2 : i32
      %add3A_276 = arith.addi %mul3A_274, %add3A_275 : i32
      %dma_wait3A_277 = arith.constant 2 : i32
      %dma_wait3A_278 = arith.constant 2 : i32
      %dma_wait3A_279 = arith.constant 0 : i32
      %dma_wait3A_280 = arith.constant 0 : i32
      %dma_wait3A_281 = tpu.memref_slice %arg9[%dma_wait3A_277, %dma_wait3A_279, %dma_wait3A_280] : memref<10x128x64xi16, #tpu.memory_space<vmem>> -> memref<1x128x64xi16, #tpu.memory_space<vmem>>
      %dma_wait3A_282 = tpu.memref_squeeze %dma_wait3A_281 : memref<1x128x64xi16, #tpu.memory_space<vmem>> -> memref<128x64xi16, #tpu.memory_space<vmem>>
      %dma_wait3A_283 = arith.constant 0 : i32
      %dma_wait3A_284 = tpu.memref_slice %arg7[%add3A_276, %dma_wait3A_283] : memref<160x128xi32, #tpu.memory_space<vmem>> -> memref<1x128xi32, #tpu.memory_space<vmem>>
      %dma_wait3A_285 = tpu.memref_squeeze %dma_wait3A_284 : memref<1x128xi32, #tpu.memory_space<vmem>> -> memref<128xi32, #tpu.memory_space<vmem>>
      %dma_wait3A_286 = arith.constant 0 : i32
      %dma_wait3A_287 = arith.constant 0 : i32
      %dma_wait3A_288 = tpu.memref_slice %arg2[%arg0, %dma_wait3A_286, %dma_wait3A_287] : memref<2x10240x64xi16, #tpu.memory_space<hbm>> -> memref<1x10240x64xi16, #tpu.memory_space<hbm>>
      %dma_wait3A_289 = tpu.memref_squeeze %dma_wait3A_288 : memref<1x10240x64xi16, #tpu.memory_space<hbm>> -> memref<10240x64xi16, #tpu.memory_space<hbm>>
      %dma_wait3A_290 = arith.constant 0 : i32
      %dma_wait3A_291 = arith.constant 0 : i32
      %dma_wait3A_292 = tpu.memref_slice %dma_wait3A_289[%dma_wait3A_290, %dma_wait3A_291] : memref<10240x64xi16, #tpu.memory_space<hbm>> -> memref<10240x64xi16, #tpu.memory_space<hbm>>
      %dma_wait3A_293 = tpu.memref_slice %arg11[%dma_wait3A_278] : memref<10x!tpu.dma_semaphore, #tpu.memory_space<semaphore_mem>> -> memref<1x!tpu.dma_semaphore, #tpu.memory_space<semaphore_mem>>
      %dma_wait3A_294 = tpu.memref_squeeze %dma_wait3A_293 : memref<1x!tpu.dma_semaphore, #tpu.memory_space<semaphore_mem>> -> memref<!tpu.dma_semaphore, #tpu.memory_space<semaphore_mem>>
      tpu.wait_indirect_dma semaphore(%dma_wait3A_294 : memref<!tpu.dma_semaphore, #tpu.memory_space<semaphore_mem>>) src(%dma_wait3A_292 : memref<10240x64xi16, #tpu.memory_space<hbm>>) dst(%dma_wait3A_282 : memref<128x64xi16, #tpu.memory_space<vmem>>)
      %dma_start3A_295 = arith.constant 2 : i32
      %dma_start3A_296 = arith.constant 2 : i32
      %dma_start3A_297 = arith.constant 0 : i32
      %dma_start3A_298 = arith.constant 0 : i32
      %dma_start3A_299 = tpu.memref_slice %arg9[%dma_start3A_295, %dma_start3A_297, %dma_start3A_298] : memref<10x128x64xi16, #tpu.memory_space<vmem>> -> memref<1x128x64xi16, #tpu.memory_space<vmem>>
      %dma_start3A_300 = tpu.memref_squeeze %dma_start3A_299 : memref<1x128x64xi16, #tpu.memory_space<vmem>> -> memref<128x64xi16, #tpu.memory_space<vmem>>
      %dma_start3A_301 = arith.constant 0 : i32
      %dma_start3A_302 = tpu.memref_slice %arg8[%add3A_276, %dma_start3A_301] : memref<160x128xi32, #tpu.memory_space<vmem>> -> memref<1x128xi32, #tpu.memory_space<vmem>>
      %dma_start3A_303 = tpu.memref_squeeze %dma_start3A_302 : memref<1x128xi32, #tpu.memory_space<vmem>> -> memref<128xi32, #tpu.memory_space<vmem>>
      %dma_start3A_304 = arith.constant 0 : i32
      %dma_start3A_305 = arith.constant 0 : i32
      %dma_start3A_306 = tpu.memref_slice %arg10[%dma_start3A_304, %dma_start3A_305] : memref<10240x64xi16, #tpu.memory_space<vmem_shared>> -> memref<10240x64xi16, #tpu.memory_space<vmem_shared>>
      %dma_start3A_307 = tpu.memref_slice %arg12[%dma_start3A_296] : memref<10x!tpu.dma_semaphore, #tpu.memory_space<semaphore_mem>> -> memref<1x!tpu.dma_semaphore, #tpu.memory_space<semaphore_mem>>
      %dma_start3A_308 = tpu.memref_squeeze %dma_start3A_307 : memref<1x!tpu.dma_semaphore, #tpu.memory_space<semaphore_mem>> -> memref<!tpu.dma_semaphore, #tpu.memory_space<semaphore_mem>>
      tpu.enqueue_indirect_dma source(%dma_start3A_300 : memref<128x64xi16, #tpu.memory_space<vmem>>) target(%dma_start3A_306 : memref<10240x64xi16, #tpu.memory_space<vmem_shared>>) offsets(%dma_start3A_303 : memref<128xi32, #tpu.memory_space<vmem>>) semaphore(%dma_start3A_308 : memref<!tpu.dma_semaphore, #tpu.memory_space<semaphore_mem>>) {add = true}
      %mul3A_309 = arith.constant 10 : i32
      %mul3A_310 = arith.muli %scan3A_202, %mul3A_309 : i32
      %add3A_311 = arith.constant 3 : i32
      %add3A_312 = arith.addi %mul3A_310, %add3A_311 : i32
      %dma_wait3A_313 = arith.constant 3 : i32
      %dma_wait3A_314 = arith.constant 3 : i32
      %dma_wait3A_315 = arith.constant 0 : i32
      %dma_wait3A_316 = arith.constant 0 : i32
      %dma_wait3A_317 = tpu.memref_slice %arg9[%dma_wait3A_313, %dma_wait3A_315, %dma_wait3A_316] : memref<10x128x64xi16, #tpu.memory_space<vmem>> -> memref<1x128x64xi16, #tpu.memory_space<vmem>>
      %dma_wait3A_318 = tpu.memref_squeeze %dma_wait3A_317 : memref<1x128x64xi16, #tpu.memory_space<vmem>> -> memref<128x64xi16, #tpu.memory_space<vmem>>
      %dma_wait3A_319 = arith.constant 0 : i32
      %dma_wait3A_320 = tpu.memref_slice %arg7[%add3A_312, %dma_wait3A_319] : memref<160x128xi32, #tpu.memory_space<vmem>> -> memref<1x128xi32, #tpu.memory_space<vmem>>
      %dma_wait3A_321 = tpu.memref_squeeze %dma_wait3A_320 : memref<1x128xi32, #tpu.memory_space<vmem>> -> memref<128xi32, #tpu.memory_space<vmem>>
      %dma_wait3A_322 = arith.constant 0 : i32
      %dma_wait3A_323 = arith.constant 0 : i32
      %dma_wait3A_324 = tpu.memref_slice %arg2[%arg0, %dma_wait3A_322, %dma_wait3A_323] : memref<2x10240x64xi16, #tpu.memory_space<hbm>> -> memref<1x10240x64xi16, #tpu.memory_space<hbm>>
      %dma_wait3A_325 = tpu.memref_squeeze %dma_wait3A_324 : memref<1x10240x64xi16, #tpu.memory_space<hbm>> -> memref<10240x64xi16, #tpu.memory_space<hbm>>
      %dma_wait3A_326 = arith.constant 0 : i32
      %dma_wait3A_327 = arith.constant 0 : i32
      %dma_wait3A_328 = tpu.memref_slice %dma_wait3A_325[%dma_wait3A_326, %dma_wait3A_327] : memref<10240x64xi16, #tpu.memory_space<hbm>> -> memref<10240x64xi16, #tpu.memory_space<hbm>>
      %dma_wait3A_329 = tpu.memref_slice %arg11[%dma_wait3A_314] : memref<10x!tpu.dma_semaphore, #tpu.memory_space<semaphore_mem>> -> memref<1x!tpu.dma_semaphore, #tpu.memory_space<semaphore_mem>>
      %dma_wait3A_330 = tpu.memref_squeeze %dma_wait3A_329 : memref<1x!tpu.dma_semaphore, #tpu.memory_space<semaphore_mem>> -> memref<!tpu.dma_semaphore, #tpu.memory_space<semaphore_mem>>
      tpu.wait_indirect_dma semaphore(%dma_wait3A_330 : memref<!tpu.dma_semaphore, #tpu.memory_space<semaphore_mem>>) src(%dma_wait3A_328 : memref<10240x64xi16, #tpu.memory_space<hbm>>) dst(%dma_wait3A_318 : memref<128x64xi16, #tpu.memory_space<vmem>>)
      %dma_start3A_331 = arith.constant 3 : i32
      %dma_start3A_332 = arith.constant 3 : i32
      %dma_start3A_333 = arith.constant 0 : i32
      %dma_start3A_334 = arith.constant 0 : i32
      %dma_start3A_335 = tpu.memref_slice %arg9[%dma_start3A_331, %dma_start3A_333, %dma_start3A_334] : memref<10x128x64xi16, #tpu.memory_space<vmem>> -> memref<1x128x64xi16, #tpu.memory_space<vmem>>
      %dma_start3A_336 = tpu.memref_squeeze %dma_start3A_335 : memref<1x128x64xi16, #tpu.memory_space<vmem>> -> memref<128x64xi16, #tpu.memory_space<vmem>>
      %dma_start3A_337 = arith.constant 0 : i32
      %dma_start3A_338 = tpu.memref_slice %arg8[%add3A_312, %dma_start3A_337] : memref<160x128xi32, #tpu.memory_space<vmem>> -> memref<1x128xi32, #tpu.memory_space<vmem>>
      %dma_start3A_339 = tpu.memref_squeeze %dma_start3A_338 : memref<1x128xi32, #tpu.memory_space<vmem>> -> memref<128xi32, #tpu.memory_space<vmem>>
      %dma_start3A_340 = arith.constant 0 : i32
      %dma_start3A_341 = arith.constant 0 : i32
      %dma_start3A_342 = tpu.memref_slice %arg10[%dma_start3A_340, %dma_start3A_341] : memref<10240x64xi16, #tpu.memory_space<vmem_shared>> -> memref<10240x64xi16, #tpu.memory_space<vmem_shared>>
      %dma_start3A_343 = tpu.memref_slice %arg12[%dma_start3A_332] : memref<10x!tpu.dma_semaphore, #tpu.memory_space<semaphore_mem>> -> memref<1x!tpu.dma_semaphore, #tpu.memory_space<semaphore_mem>>
      %dma_start3A_344 = tpu.memref_squeeze %dma_start3A_343 : memref<1x!tpu.dma_semaphore, #tpu.memory_space<semaphore_mem>> -> memref<!tpu.dma_semaphore, #tpu.memory_space<semaphore_mem>>
      tpu.enqueue_indirect_dma source(%dma_start3A_336 : memref<128x64xi16, #tpu.memory_space<vmem>>) target(%dma_start3A_342 : memref<10240x64xi16, #tpu.memory_space<vmem_shared>>) offsets(%dma_start3A_339 : memref<128xi32, #tpu.memory_space<vmem>>) semaphore(%dma_start3A_344 : memref<!tpu.dma_semaphore, #tpu.memory_space<semaphore_mem>>) {add = true}
      %mul3A_345 = arith.constant 10 : i32
      %mul3A_346 = arith.muli %scan3A_202, %mul3A_345 : i32
      %add3A_347 = arith.constant 4 : i32
      %add3A_348 = arith.addi %mul3A_346, %add3A_347 : i32
      %dma_wait3A_349 = arith.constant 4 : i32
      %dma_wait3A_350 = arith.constant 4 : i32
      %dma_wait3A_351 = arith.constant 0 : i32
      %dma_wait3A_352 = arith.constant 0 : i32
      %dma_wait3A_353 = tpu.memref_slice %arg9[%dma_wait3A_349, %dma_wait3A_351, %dma_wait3A_352] : memref<10x128x64xi16, #tpu.memory_space<vmem>> -> memref<1x128x64xi16, #tpu.memory_space<vmem>>
      %dma_wait3A_354 = tpu.memref_squeeze %dma_wait3A_353 : memref<1x128x64xi16, #tpu.memory_space<vmem>> -> memref<128x64xi16, #tpu.memory_space<vmem>>
      %dma_wait3A_355 = arith.constant 0 : i32
      %dma_wait3A_356 = tpu.memref_slice %arg7[%add3A_348, %dma_wait3A_355] : memref<160x128xi32, #tpu.memory_space<vmem>> -> memref<1x128xi32, #tpu.memory_space<vmem>>
      %dma_wait3A_357 = tpu.memref_squeeze %dma_wait3A_356 : memref<1x128xi32, #tpu.memory_space<vmem>> -> memref<128xi32, #tpu.memory_space<vmem>>
      %dma_wait3A_358 = arith.constant 0 : i32
      %dma_wait3A_359 = arith.constant 0 : i32
      %dma_wait3A_360 = tpu.memref_slice %arg2[%arg0, %dma_wait3A_358, %dma_wait3A_359] : memref<2x10240x64xi16, #tpu.memory_space<hbm>> -> memref<1x10240x64xi16, #tpu.memory_space<hbm>>
      %dma_wait3A_361 = tpu.memref_squeeze %dma_wait3A_360 : memref<1x10240x64xi16, #tpu.memory_space<hbm>> -> memref<10240x64xi16, #tpu.memory_space<hbm>>
      %dma_wait3A_362 = arith.constant 0 : i32
      %dma_wait3A_363 = arith.constant 0 : i32
      %dma_wait3A_364 = tpu.memref_slice %dma_wait3A_361[%dma_wait3A_362, %dma_wait3A_363] : memref<10240x64xi16, #tpu.memory_space<hbm>> -> memref<10240x64xi16, #tpu.memory_space<hbm>>
      %dma_wait3A_365 = tpu.memref_slice %arg11[%dma_wait3A_350] : memref<10x!tpu.dma_semaphore, #tpu.memory_space<semaphore_mem>> -> memref<1x!tpu.dma_semaphore, #tpu.memory_space<semaphore_mem>>
      %dma_wait3A_366 = tpu.memref_squeeze %dma_wait3A_365 : memref<1x!tpu.dma_semaphore, #tpu.memory_space<semaphore_mem>> -> memref<!tpu.dma_semaphore, #tpu.memory_space<semaphore_mem>>
      tpu.wait_indirect_dma semaphore(%dma_wait3A_366 : memref<!tpu.dma_semaphore, #tpu.memory_space<semaphore_mem>>) src(%dma_wait3A_364 : memref<10240x64xi16, #tpu.memory_space<hbm>>) dst(%dma_wait3A_354 : memref<128x64xi16, #tpu.memory_space<vmem>>)
      %dma_start3A_367 = arith.constant 4 : i32
      %dma_start3A_368 = arith.constant 4 : i32
      %dma_start3A_369 = arith.constant 0 : i32
      %dma_start3A_370 = arith.constant 0 : i32
      %dma_start3A_371 = tpu.memref_slice %arg9[%dma_start3A_367, %dma_start3A_369, %dma_start3A_370] : memref<10x128x64xi16, #tpu.memory_space<vmem>> -> memref<1x128x64xi16, #tpu.memory_space<vmem>>
      %dma_start3A_372 = tpu.memref_squeeze %dma_start3A_371 : memref<1x128x64xi16, #tpu.memory_space<vmem>> -> memref<128x64xi16, #tpu.memory_space<vmem>>
      %dma_start3A_373 = arith.constant 0 : i32
      %dma_start3A_374 = tpu.memref_slice %arg8[%add3A_348, %dma_start3A_373] : memref<160x128xi32, #tpu.memory_space<vmem>> -> memref<1x128xi32, #tpu.memory_space<vmem>>
      %dma_start3A_375 = tpu.memref_squeeze %dma_start3A_374 : memref<1x128xi32, #tpu.memory_space<vmem>> -> memref<128xi32, #tpu.memory_space<vmem>>
      %dma_start3A_376 = arith.constant 0 : i32
      %dma_start3A_377 = arith.constant 0 : i32
      %dma_start3A_378 = tpu.memref_slice %arg10[%dma_start3A_376, %dma_start3A_377] : memref<10240x64xi16, #tpu.memory_space<vmem_shared>> -> memref<10240x64xi16, #tpu.memory_space<vmem_shared>>
      %dma_start3A_379 = tpu.memref_slice %arg12[%dma_start3A_368] : memref<10x!tpu.dma_semaphore, #tpu.memory_space<semaphore_mem>> -> memref<1x!tpu.dma_semaphore, #tpu.memory_space<semaphore_mem>>
      %dma_start3A_380 = tpu.memref_squeeze %dma_start3A_379 : memref<1x!tpu.dma_semaphore, #tpu.memory_space<semaphore_mem>> -> memref<!tpu.dma_semaphore, #tpu.memory_space<semaphore_mem>>
      tpu.enqueue_indirect_dma source(%dma_start3A_372 : memref<128x64xi16, #tpu.memory_space<vmem>>) target(%dma_start3A_378 : memref<10240x64xi16, #tpu.memory_space<vmem_shared>>) offsets(%dma_start3A_375 : memref<128xi32, #tpu.memory_space<vmem>>) semaphore(%dma_start3A_380 : memref<!tpu.dma_semaphore, #tpu.memory_space<semaphore_mem>>) {add = true}
      %mul3A_381 = arith.constant 10 : i32
      %mul3A_382 = arith.muli %scan3A_202, %mul3A_381 : i32
      %add3A_383 = arith.constant 5 : i32
      %add3A_384 = arith.addi %mul3A_382, %add3A_383 : i32
      %dma_wait3A_385 = arith.constant 5 : i32
      %dma_wait3A_386 = arith.constant 5 : i32
      %dma_wait3A_387 = arith.constant 0 : i32
      %dma_wait3A_388 = arith.constant 0 : i32
      %dma_wait3A_389 = tpu.memref_slice %arg9[%dma_wait3A_385, %dma_wait3A_387, %dma_wait3A_388] : memref<10x128x64xi16, #tpu.memory_space<vmem>> -> memref<1x128x64xi16, #tpu.memory_space<vmem>>
      %dma_wait3A_390 = tpu.memref_squeeze %dma_wait3A_389 : memref<1x128x64xi16, #tpu.memory_space<vmem>> -> memref<128x64xi16, #tpu.memory_space<vmem>>
      %dma_wait3A_391 = arith.constant 0 : i32
      %dma_wait3A_392 = tpu.memref_slice %arg7[%add3A_384, %dma_wait3A_391] : memref<160x128xi32, #tpu.memory_space<vmem>> -> memref<1x128xi32, #tpu.memory_space<vmem>>
      %dma_wait3A_393 = tpu.memref_squeeze %dma_wait3A_392 : memref<1x128xi32, #tpu.memory_space<vmem>> -> memref<128xi32, #tpu.memory_space<vmem>>
      %dma_wait3A_394 = arith.constant 0 : i32
      %dma_wait3A_395 = arith.constant 0 : i32
      %dma_wait3A_396 = tpu.memref_slice %arg2[%arg0, %dma_wait3A_394, %dma_wait3A_395] : memref<2x10240x64xi16, #tpu.memory_space<hbm>> -> memref<1x10240x64xi16, #tpu.memory_space<hbm>>
      %dma_wait3A_397 = tpu.memref_squeeze %dma_wait3A_396 : memref<1x10240x64xi16, #tpu.memory_space<hbm>> -> memref<10240x64xi16, #tpu.memory_space<hbm>>
      %dma_wait3A_398 = arith.constant 0 : i32
      %dma_wait3A_399 = arith.constant 0 : i32
      %dma_wait3A_400 = tpu.memref_slice %dma_wait3A_397[%dma_wait3A_398, %dma_wait3A_399] : memref<10240x64xi16, #tpu.memory_space<hbm>> -> memref<10240x64xi16, #tpu.memory_space<hbm>>
      %dma_wait3A_401 = tpu.memref_slice %arg11[%dma_wait3A_386] : memref<10x!tpu.dma_semaphore, #tpu.memory_space<semaphore_mem>> -> memref<1x!tpu.dma_semaphore, #tpu.memory_space<semaphore_mem>>
      %dma_wait3A_402 = tpu.memref_squeeze %dma_wait3A_401 : memref<1x!tpu.dma_semaphore, #tpu.memory_space<semaphore_mem>> -> memref<!tpu.dma_semaphore, #tpu.memory_space<semaphore_mem>>
      tpu.wait_indirect_dma semaphore(%dma_wait3A_402 : memref<!tpu.dma_semaphore, #tpu.memory_space<semaphore_mem>>) src(%dma_wait3A_400 : memref<10240x64xi16, #tpu.memory_space<hbm>>) dst(%dma_wait3A_390 : memref<128x64xi16, #tpu.memory_space<vmem>>)
      %dma_start3A_403 = arith.constant 5 : i32
      %dma_start3A_404 = arith.constant 5 : i32
      %dma_start3A_405 = arith.constant 0 : i32
      %dma_start3A_406 = arith.constant 0 : i32
      %dma_start3A_407 = tpu.memref_slice %arg9[%dma_start3A_403, %dma_start3A_405, %dma_start3A_406] : memref<10x128x64xi16, #tpu.memory_space<vmem>> -> memref<1x128x64xi16, #tpu.memory_space<vmem>>
      %dma_start3A_408 = tpu.memref_squeeze %dma_start3A_407 : memref<1x128x64xi16, #tpu.memory_space<vmem>> -> memref<128x64xi16, #tpu.memory_space<vmem>>
      %dma_start3A_409 = arith.constant 0 : i32
      %dma_start3A_410 = tpu.memref_slice %arg8[%add3A_384, %dma_start3A_409] : memref<160x128xi32, #tpu.memory_space<vmem>> -> memref<1x128xi32, #tpu.memory_space<vmem>>
      %dma_start3A_411 = tpu.memref_squeeze %dma_start3A_410 : memref<1x128xi32, #tpu.memory_space<vmem>> -> memref<128xi32, #tpu.memory_space<vmem>>
      %dma_start3A_412 = arith.constant 0 : i32
      %dma_start3A_413 = arith.constant 0 : i32
      %dma_start3A_414 = tpu.memref_slice %arg10[%dma_start3A_412, %dma_start3A_413] : memref<10240x64xi16, #tpu.memory_space<vmem_shared>> -> memref<10240x64xi16, #tpu.memory_space<vmem_shared>>
      %dma_start3A_415 = tpu.memref_slice %arg12[%dma_start3A_404] : memref<10x!tpu.dma_semaphore, #tpu.memory_space<semaphore_mem>> -> memref<1x!tpu.dma_semaphore, #tpu.memory_space<semaphore_mem>>
      %dma_start3A_416 = tpu.memref_squeeze %dma_start3A_415 : memref<1x!tpu.dma_semaphore, #tpu.memory_space<semaphore_mem>> -> memref<!tpu.dma_semaphore, #tpu.memory_space<semaphore_mem>>
      tpu.enqueue_indirect_dma source(%dma_start3A_408 : memref<128x64xi16, #tpu.memory_space<vmem>>) target(%dma_start3A_414 : memref<10240x64xi16, #tpu.memory_space<vmem_shared>>) offsets(%dma_start3A_411 : memref<128xi32, #tpu.memory_space<vmem>>) semaphore(%dma_start3A_416 : memref<!tpu.dma_semaphore, #tpu.memory_space<semaphore_mem>>) {add = true}
      %mul3A_417 = arith.constant 10 : i32
      %mul3A_418 = arith.muli %scan3A_202, %mul3A_417 : i32
      %add3A_419 = arith.constant 6 : i32
      %add3A_420 = arith.addi %mul3A_418, %add3A_419 : i32
      %dma_wait3A_421 = arith.constant 6 : i32
      %dma_wait3A_422 = arith.constant 6 : i32
      %dma_wait3A_423 = arith.constant 0 : i32
      %dma_wait3A_424 = arith.constant 0 : i32
      %dma_wait3A_425 = tpu.memref_slice %arg9[%dma_wait3A_421, %dma_wait3A_423, %dma_wait3A_424] : memref<10x128x64xi16, #tpu.memory_space<vmem>> -> memref<1x128x64xi16, #tpu.memory_space<vmem>>
      %dma_wait3A_426 = tpu.memref_squeeze %dma_wait3A_425 : memref<1x128x64xi16, #tpu.memory_space<vmem>> -> memref<128x64xi16, #tpu.memory_space<vmem>>
      %dma_wait3A_427 = arith.constant 0 : i32
      %dma_wait3A_428 = tpu.memref_slice %arg7[%add3A_420, %dma_wait3A_427] : memref<160x128xi32, #tpu.memory_space<vmem>> -> memref<1x128xi32, #tpu.memory_space<vmem>>
      %dma_wait3A_429 = tpu.memref_squeeze %dma_wait3A_428 : memref<1x128xi32, #tpu.memory_space<vmem>> -> memref<128xi32, #tpu.memory_space<vmem>>
      %dma_wait3A_430 = arith.constant 0 : i32
      %dma_wait3A_431 = arith.constant 0 : i32
      %dma_wait3A_432 = tpu.memref_slice %arg2[%arg0, %dma_wait3A_430, %dma_wait3A_431] : memref<2x10240x64xi16, #tpu.memory_space<hbm>> -> memref<1x10240x64xi16, #tpu.memory_space<hbm>>
      %dma_wait3A_433 = tpu.memref_squeeze %dma_wait3A_432 : memref<1x10240x64xi16, #tpu.memory_space<hbm>> -> memref<10240x64xi16, #tpu.memory_space<hbm>>
      %dma_wait3A_434 = arith.constant 0 : i32
      %dma_wait3A_435 = arith.constant 0 : i32
      %dma_wait3A_436 = tpu.memref_slice %dma_wait3A_433[%dma_wait3A_434, %dma_wait3A_435] : memref<10240x64xi16, #tpu.memory_space<hbm>> -> memref<10240x64xi16, #tpu.memory_space<hbm>>
      %dma_wait3A_437 = tpu.memref_slice %arg11[%dma_wait3A_422] : memref<10x!tpu.dma_semaphore, #tpu.memory_space<semaphore_mem>> -> memref<1x!tpu.dma_semaphore, #tpu.memory_space<semaphore_mem>>
      %dma_wait3A_438 = tpu.memref_squeeze %dma_wait3A_437 : memref<1x!tpu.dma_semaphore, #tpu.memory_space<semaphore_mem>> -> memref<!tpu.dma_semaphore, #tpu.memory_space<semaphore_mem>>
      tpu.wait_indirect_dma semaphore(%dma_wait3A_438 : memref<!tpu.dma_semaphore, #tpu.memory_space<semaphore_mem>>) src(%dma_wait3A_436 : memref<10240x64xi16, #tpu.memory_space<hbm>>) dst(%dma_wait3A_426 : memref<128x64xi16, #tpu.memory_space<vmem>>)
      %dma_start3A_439 = arith.constant 6 : i32
      %dma_start3A_440 = arith.constant 6 : i32
      %dma_start3A_441 = arith.constant 0 : i32
      %dma_start3A_442 = arith.constant 0 : i32
      %dma_start3A_443 = tpu.memref_slice %arg9[%dma_start3A_439, %dma_start3A_441, %dma_start3A_442] : memref<10x128x64xi16, #tpu.memory_space<vmem>> -> memref<1x128x64xi16, #tpu.memory_space<vmem>>
      %dma_start3A_444 = tpu.memref_squeeze %dma_start3A_443 : memref<1x128x64xi16, #tpu.memory_space<vmem>> -> memref<128x64xi16, #tpu.memory_space<vmem>>
      %dma_start3A_445 = arith.constant 0 : i32
      %dma_start3A_446 = tpu.memref_slice %arg8[%add3A_420, %dma_start3A_445] : memref<160x128xi32, #tpu.memory_space<vmem>> -> memref<1x128xi32, #tpu.memory_space<vmem>>
      %dma_start3A_447 = tpu.memref_squeeze %dma_start3A_446 : memref<1x128xi32, #tpu.memory_space<vmem>> -> memref<128xi32, #tpu.memory_space<vmem>>
      %dma_start3A_448 = arith.constant 0 : i32
      %dma_start3A_449 = arith.constant 0 : i32
      %dma_start3A_450 = tpu.memref_slice %arg10[%dma_start3A_448, %dma_start3A_449] : memref<10240x64xi16, #tpu.memory_space<vmem_shared>> -> memref<10240x64xi16, #tpu.memory_space<vmem_shared>>
      %dma_start3A_451 = tpu.memref_slice %arg12[%dma_start3A_440] : memref<10x!tpu.dma_semaphore, #tpu.memory_space<semaphore_mem>> -> memref<1x!tpu.dma_semaphore, #tpu.memory_space<semaphore_mem>>
      %dma_start3A_452 = tpu.memref_squeeze %dma_start3A_451 : memref<1x!tpu.dma_semaphore, #tpu.memory_space<semaphore_mem>> -> memref<!tpu.dma_semaphore, #tpu.memory_space<semaphore_mem>>
      tpu.enqueue_indirect_dma source(%dma_start3A_444 : memref<128x64xi16, #tpu.memory_space<vmem>>) target(%dma_start3A_450 : memref<10240x64xi16, #tpu.memory_space<vmem_shared>>) offsets(%dma_start3A_447 : memref<128xi32, #tpu.memory_space<vmem>>) semaphore(%dma_start3A_452 : memref<!tpu.dma_semaphore, #tpu.memory_space<semaphore_mem>>) {add = true}
      %mul3A_453 = arith.constant 10 : i32
      %mul3A_454 = arith.muli %scan3A_202, %mul3A_453 : i32
      %add3A_455 = arith.constant 7 : i32
      %add3A_456 = arith.addi %mul3A_454, %add3A_455 : i32
      %dma_wait3A_457 = arith.constant 7 : i32
      %dma_wait3A_458 = arith.constant 7 : i32
      %dma_wait3A_459 = arith.constant 0 : i32
      %dma_wait3A_460 = arith.constant 0 : i32
      %dma_wait3A_461 = tpu.memref_slice %arg9[%dma_wait3A_457, %dma_wait3A_459, %dma_wait3A_460] : memref<10x128x64xi16, #tpu.memory_space<vmem>> -> memref<1x128x64xi16, #tpu.memory_space<vmem>>
      %dma_wait3A_462 = tpu.memref_squeeze %dma_wait3A_461 : memref<1x128x64xi16, #tpu.memory_space<vmem>> -> memref<128x64xi16, #tpu.memory_space<vmem>>
      %dma_wait3A_463 = arith.constant 0 : i32
      %dma_wait3A_464 = tpu.memref_slice %arg7[%add3A_456, %dma_wait3A_463] : memref<160x128xi32, #tpu.memory_space<vmem>> -> memref<1x128xi32, #tpu.memory_space<vmem>>
      %dma_wait3A_465 = tpu.memref_squeeze %dma_wait3A_464 : memref<1x128xi32, #tpu.memory_space<vmem>> -> memref<128xi32, #tpu.memory_space<vmem>>
      %dma_wait3A_466 = arith.constant 0 : i32
      %dma_wait3A_467 = arith.constant 0 : i32
      %dma_wait3A_468 = tpu.memref_slice %arg2[%arg0, %dma_wait3A_466, %dma_wait3A_467] : memref<2x10240x64xi16, #tpu.memory_space<hbm>> -> memref<1x10240x64xi16, #tpu.memory_space<hbm>>
      %dma_wait3A_469 = tpu.memref_squeeze %dma_wait3A_468 : memref<1x10240x64xi16, #tpu.memory_space<hbm>> -> memref<10240x64xi16, #tpu.memory_space<hbm>>
      %dma_wait3A_470 = arith.constant 0 : i32
      %dma_wait3A_471 = arith.constant 0 : i32
      %dma_wait3A_472 = tpu.memref_slice %dma_wait3A_469[%dma_wait3A_470, %dma_wait3A_471] : memref<10240x64xi16, #tpu.memory_space<hbm>> -> memref<10240x64xi16, #tpu.memory_space<hbm>>
      %dma_wait3A_473 = tpu.memref_slice %arg11[%dma_wait3A_458] : memref<10x!tpu.dma_semaphore, #tpu.memory_space<semaphore_mem>> -> memref<1x!tpu.dma_semaphore, #tpu.memory_space<semaphore_mem>>
      %dma_wait3A_474 = tpu.memref_squeeze %dma_wait3A_473 : memref<1x!tpu.dma_semaphore, #tpu.memory_space<semaphore_mem>> -> memref<!tpu.dma_semaphore, #tpu.memory_space<semaphore_mem>>
      tpu.wait_indirect_dma semaphore(%dma_wait3A_474 : memref<!tpu.dma_semaphore, #tpu.memory_space<semaphore_mem>>) src(%dma_wait3A_472 : memref<10240x64xi16, #tpu.memory_space<hbm>>) dst(%dma_wait3A_462 : memref<128x64xi16, #tpu.memory_space<vmem>>)
      %dma_start3A_475 = arith.constant 7 : i32
      %dma_start3A_476 = arith.constant 7 : i32
      %dma_start3A_477 = arith.constant 0 : i32
      %dma_start3A_478 = arith.constant 0 : i32
      %dma_start3A_479 = tpu.memref_slice %arg9[%dma_start3A_475, %dma_start3A_477, %dma_start3A_478] : memref<10x128x64xi16, #tpu.memory_space<vmem>> -> memref<1x128x64xi16, #tpu.memory_space<vmem>>
      %dma_start3A_480 = tpu.memref_squeeze %dma_start3A_479 : memref<1x128x64xi16, #tpu.memory_space<vmem>> -> memref<128x64xi16, #tpu.memory_space<vmem>>
      %dma_start3A_481 = arith.constant 0 : i32
      %dma_start3A_482 = tpu.memref_slice %arg8[%add3A_456, %dma_start3A_481] : memref<160x128xi32, #tpu.memory_space<vmem>> -> memref<1x128xi32, #tpu.memory_space<vmem>>
      %dma_start3A_483 = tpu.memref_squeeze %dma_start3A_482 : memref<1x128xi32, #tpu.memory_space<vmem>> -> memref<128xi32, #tpu.memory_space<vmem>>
      %dma_start3A_484 = arith.constant 0 : i32
      %dma_start3A_485 = arith.constant 0 : i32
      %dma_start3A_486 = tpu.memref_slice %arg10[%dma_start3A_484, %dma_start3A_485] : memref<10240x64xi16, #tpu.memory_space<vmem_shared>> -> memref<10240x64xi16, #tpu.memory_space<vmem_shared>>
      %dma_start3A_487 = tpu.memref_slice %arg12[%dma_start3A_476] : memref<10x!tpu.dma_semaphore, #tpu.memory_space<semaphore_mem>> -> memref<1x!tpu.dma_semaphore, #tpu.memory_space<semaphore_mem>>
      %dma_start3A_488 = tpu.memref_squeeze %dma_start3A_487 : memref<1x!tpu.dma_semaphore, #tpu.memory_space<semaphore_mem>> -> memref<!tpu.dma_semaphore, #tpu.memory_space<semaphore_mem>>
      tpu.enqueue_indirect_dma source(%dma_start3A_480 : memref<128x64xi16, #tpu.memory_space<vmem>>) target(%dma_start3A_486 : memref<10240x64xi16, #tpu.memory_space<vmem_shared>>) offsets(%dma_start3A_483 : memref<128xi32, #tpu.memory_space<vmem>>) semaphore(%dma_start3A_488 : memref<!tpu.dma_semaphore, #tpu.memory_space<semaphore_mem>>) {add = true}
      %mul3A_489 = arith.constant 10 : i32
      %mul3A_490 = arith.muli %scan3A_202, %mul3A_489 : i32
      %add3A_491 = arith.constant 8 : i32
      %add3A_492 = arith.addi %mul3A_490, %add3A_491 : i32
      %dma_wait3A_493 = arith.constant 8 : i32
      %dma_wait3A_494 = arith.constant 8 : i32
      %dma_wait3A_495 = arith.constant 0 : i32
      %dma_wait3A_496 = arith.constant 0 : i32
      %dma_wait3A_497 = tpu.memref_slice %arg9[%dma_wait3A_493, %dma_wait3A_495, %dma_wait3A_496] : memref<10x128x64xi16, #tpu.memory_space<vmem>> -> memref<1x128x64xi16, #tpu.memory_space<vmem>>
      %dma_wait3A_498 = tpu.memref_squeeze %dma_wait3A_497 : memref<1x128x64xi16, #tpu.memory_space<vmem>> -> memref<128x64xi16, #tpu.memory_space<vmem>>
      %dma_wait3A_499 = arith.constant 0 : i32
      %dma_wait3A_500 = tpu.memref_slice %arg7[%add3A_492, %dma_wait3A_499] : memref<160x128xi32, #tpu.memory_space<vmem>> -> memref<1x128xi32, #tpu.memory_space<vmem>>
      %dma_wait3A_501 = tpu.memref_squeeze %dma_wait3A_500 : memref<1x128xi32, #tpu.memory_space<vmem>> -> memref<128xi32, #tpu.memory_space<vmem>>
      %dma_wait3A_502 = arith.constant 0 : i32
      %dma_wait3A_503 = arith.constant 0 : i32
      %dma_wait3A_504 = tpu.memref_slice %arg2[%arg0, %dma_wait3A_502, %dma_wait3A_503] : memref<2x10240x64xi16, #tpu.memory_space<hbm>> -> memref<1x10240x64xi16, #tpu.memory_space<hbm>>
      %dma_wait3A_505 = tpu.memref_squeeze %dma_wait3A_504 : memref<1x10240x64xi16, #tpu.memory_space<hbm>> -> memref<10240x64xi16, #tpu.memory_space<hbm>>
      %dma_wait3A_506 = arith.constant 0 : i32
      %dma_wait3A_507 = arith.constant 0 : i32
      %dma_wait3A_508 = tpu.memref_slice %dma_wait3A_505[%dma_wait3A_506, %dma_wait3A_507] : memref<10240x64xi16, #tpu.memory_space<hbm>> -> memref<10240x64xi16, #tpu.memory_space<hbm>>
      %dma_wait3A_509 = tpu.memref_slice %arg11[%dma_wait3A_494] : memref<10x!tpu.dma_semaphore, #tpu.memory_space<semaphore_mem>> -> memref<1x!tpu.dma_semaphore, #tpu.memory_space<semaphore_mem>>
      %dma_wait3A_510 = tpu.memref_squeeze %dma_wait3A_509 : memref<1x!tpu.dma_semaphore, #tpu.memory_space<semaphore_mem>> -> memref<!tpu.dma_semaphore, #tpu.memory_space<semaphore_mem>>
      tpu.wait_indirect_dma semaphore(%dma_wait3A_510 : memref<!tpu.dma_semaphore, #tpu.memory_space<semaphore_mem>>) src(%dma_wait3A_508 : memref<10240x64xi16, #tpu.memory_space<hbm>>) dst(%dma_wait3A_498 : memref<128x64xi16, #tpu.memory_space<vmem>>)
      %dma_start3A_511 = arith.constant 8 : i32
      %dma_start3A_512 = arith.constant 8 : i32
      %dma_start3A_513 = arith.constant 0 : i32
      %dma_start3A_514 = arith.constant 0 : i32
      %dma_start3A_515 = tpu.memref_slice %arg9[%dma_start3A_511, %dma_start3A_513, %dma_start3A_514] : memref<10x128x64xi16, #tpu.memory_space<vmem>> -> memref<1x128x64xi16, #tpu.memory_space<vmem>>
      %dma_start3A_516 = tpu.memref_squeeze %dma_start3A_515 : memref<1x128x64xi16, #tpu.memory_space<vmem>> -> memref<128x64xi16, #tpu.memory_space<vmem>>
      %dma_start3A_517 = arith.constant 0 : i32
      %dma_start3A_518 = tpu.memref_slice %arg8[%add3A_492, %dma_start3A_517] : memref<160x128xi32, #tpu.memory_space<vmem>> -> memref<1x128xi32, #tpu.memory_space<vmem>>
      %dma_start3A_519 = tpu.memref_squeeze %dma_start3A_518 : memref<1x128xi32, #tpu.memory_space<vmem>> -> memref<128xi32, #tpu.memory_space<vmem>>
      %dma_start3A_520 = arith.constant 0 : i32
      %dma_start3A_521 = arith.constant 0 : i32
      %dma_start3A_522 = tpu.memref_slice %arg10[%dma_start3A_520, %dma_start3A_521] : memref<10240x64xi16, #tpu.memory_space<vmem_shared>> -> memref<10240x64xi16, #tpu.memory_space<vmem_shared>>
      %dma_start3A_523 = tpu.memref_slice %arg12[%dma_start3A_512] : memref<10x!tpu.dma_semaphore, #tpu.memory_space<semaphore_mem>> -> memref<1x!tpu.dma_semaphore, #tpu.memory_space<semaphore_mem>>
      %dma_start3A_524 = tpu.memref_squeeze %dma_start3A_523 : memref<1x!tpu.dma_semaphore, #tpu.memory_space<semaphore_mem>> -> memref<!tpu.dma_semaphore, #tpu.memory_space<semaphore_mem>>
      tpu.enqueue_indirect_dma source(%dma_start3A_516 : memref<128x64xi16, #tpu.memory_space<vmem>>) target(%dma_start3A_522 : memref<10240x64xi16, #tpu.memory_space<vmem_shared>>) offsets(%dma_start3A_519 : memref<128xi32, #tpu.memory_space<vmem>>) semaphore(%dma_start3A_524 : memref<!tpu.dma_semaphore, #tpu.memory_space<semaphore_mem>>) {add = true}
      %mul3A_525 = arith.constant 10 : i32
      %mul3A_526 = arith.muli %scan3A_202, %mul3A_525 : i32
      %add3A_527 = arith.constant 9 : i32
      %add3A_528 = arith.addi %mul3A_526, %add3A_527 : i32
      %dma_wait3A_529 = arith.constant 9 : i32
      %dma_wait3A_530 = arith.constant 9 : i32
      %dma_wait3A_531 = arith.constant 0 : i32
      %dma_wait3A_532 = arith.constant 0 : i32
      %dma_wait3A_533 = tpu.memref_slice %arg9[%dma_wait3A_529, %dma_wait3A_531, %dma_wait3A_532] : memref<10x128x64xi16, #tpu.memory_space<vmem>> -> memref<1x128x64xi16, #tpu.memory_space<vmem>>
      %dma_wait3A_534 = tpu.memref_squeeze %dma_wait3A_533 : memref<1x128x64xi16, #tpu.memory_space<vmem>> -> memref<128x64xi16, #tpu.memory_space<vmem>>
      %dma_wait3A_535 = arith.constant 0 : i32
      %dma_wait3A_536 = tpu.memref_slice %arg7[%add3A_528, %dma_wait3A_535] : memref<160x128xi32, #tpu.memory_space<vmem>> -> memref<1x128xi32, #tpu.memory_space<vmem>>
      %dma_wait3A_537 = tpu.memref_squeeze %dma_wait3A_536 : memref<1x128xi32, #tpu.memory_space<vmem>> -> memref<128xi32, #tpu.memory_space<vmem>>
      %dma_wait3A_538 = arith.constant 0 : i32
      %dma_wait3A_539 = arith.constant 0 : i32
      %dma_wait3A_540 = tpu.memref_slice %arg2[%arg0, %dma_wait3A_538, %dma_wait3A_539] : memref<2x10240x64xi16, #tpu.memory_space<hbm>> -> memref<1x10240x64xi16, #tpu.memory_space<hbm>>
      %dma_wait3A_541 = tpu.memref_squeeze %dma_wait3A_540 : memref<1x10240x64xi16, #tpu.memory_space<hbm>> -> memref<10240x64xi16, #tpu.memory_space<hbm>>
      %dma_wait3A_542 = arith.constant 0 : i32
      %dma_wait3A_543 = arith.constant 0 : i32
      %dma_wait3A_544 = tpu.memref_slice %dma_wait3A_541[%dma_wait3A_542, %dma_wait3A_543] : memref<10240x64xi16, #tpu.memory_space<hbm>> -> memref<10240x64xi16, #tpu.memory_space<hbm>>
      %dma_wait3A_545 = tpu.memref_slice %arg11[%dma_wait3A_530] : memref<10x!tpu.dma_semaphore, #tpu.memory_space<semaphore_mem>> -> memref<1x!tpu.dma_semaphore, #tpu.memory_space<semaphore_mem>>
      %dma_wait3A_546 = tpu.memref_squeeze %dma_wait3A_545 : memref<1x!tpu.dma_semaphore, #tpu.memory_space<semaphore_mem>> -> memref<!tpu.dma_semaphore, #tpu.memory_space<semaphore_mem>>
      tpu.wait_indirect_dma semaphore(%dma_wait3A_546 : memref<!tpu.dma_semaphore, #tpu.memory_space<semaphore_mem>>) src(%dma_wait3A_544 : memref<10240x64xi16, #tpu.memory_space<hbm>>) dst(%dma_wait3A_534 : memref<128x64xi16, #tpu.memory_space<vmem>>)
      %dma_start3A_547 = arith.constant 9 : i32
      %dma_start3A_548 = arith.constant 9 : i32
      %dma_start3A_549 = arith.constant 0 : i32
      %dma_start3A_550 = arith.constant 0 : i32
      %dma_start3A_551 = tpu.memref_slice %arg9[%dma_start3A_547, %dma_start3A_549, %dma_start3A_550] : memref<10x128x64xi16, #tpu.memory_space<vmem>> -> memref<1x128x64xi16, #tpu.memory_space<vmem>>
      %dma_start3A_552 = tpu.memref_squeeze %dma_start3A_551 : memref<1x128x64xi16, #tpu.memory_space<vmem>> -> memref<128x64xi16, #tpu.memory_space<vmem>>
      %dma_start3A_553 = arith.constant 0 : i32
      %dma_start3A_554 = tpu.memref_slice %arg8[%add3A_528, %dma_start3A_553] : memref<160x128xi32, #tpu.memory_space<vmem>> -> memref<1x128xi32, #tpu.memory_space<vmem>>
      %dma_start3A_555 = tpu.memref_squeeze %dma_start3A_554 : memref<1x128xi32, #tpu.memory_space<vmem>> -> memref<128xi32, #tpu.memory_space<vmem>>
      %dma_start3A_556 = arith.constant 0 : i32
      %dma_start3A_557 = arith.constant 0 : i32
      %dma_start3A_558 = tpu.memref_slice %arg10[%dma_start3A_556, %dma_start3A_557] : memref<10240x64xi16, #tpu.memory_space<vmem_shared>> -> memref<10240x64xi16, #tpu.memory_space<vmem_shared>>
      %dma_start3A_559 = tpu.memref_slice %arg12[%dma_start3A_548] : memref<10x!tpu.dma_semaphore, #tpu.memory_space<semaphore_mem>> -> memref<1x!tpu.dma_semaphore, #tpu.memory_space<semaphore_mem>>
      %dma_start3A_560 = tpu.memref_squeeze %dma_start3A_559 : memref<1x!tpu.dma_semaphore, #tpu.memory_space<semaphore_mem>> -> memref<!tpu.dma_semaphore, #tpu.memory_space<semaphore_mem>>
      tpu.enqueue_indirect_dma source(%dma_start3A_552 : memref<128x64xi16, #tpu.memory_space<vmem>>) target(%dma_start3A_558 : memref<10240x64xi16, #tpu.memory_space<vmem_shared>>) offsets(%dma_start3A_555 : memref<128xi32, #tpu.memory_space<vmem>>) semaphore(%dma_start3A_560 : memref<!tpu.dma_semaphore, #tpu.memory_space<semaphore_mem>>) {add = true}
      %mul3A_561 = arith.constant 10 : i32
      %mul3A_562 = arith.muli %scan3A_202, %mul3A_561 : i32
      %add3A_563 = arith.constant 0 : i32
      %add3A_564 = arith.addi %mul3A_562, %add3A_563 : i32
      %dma_wait3A_565 = arith.constant 0 : i32
      %dma_wait3A_566 = arith.constant 0 : i32
      %dma_wait3A_567 = arith.constant 0 : i32
      %dma_wait3A_568 = arith.constant 0 : i32
      %dma_wait3A_569 = tpu.memref_slice %arg9[%dma_wait3A_565, %dma_wait3A_567, %dma_wait3A_568] : memref<10x128x64xi16, #tpu.memory_space<vmem>> -> memref<1x128x64xi16, #tpu.memory_space<vmem>>
      %dma_wait3A_570 = tpu.memref_squeeze %dma_wait3A_569 : memref<1x128x64xi16, #tpu.memory_space<vmem>> -> memref<128x64xi16, #tpu.memory_space<vmem>>
      %dma_wait3A_571 = arith.constant 0 : i32
      %dma_wait3A_572 = tpu.memref_slice %arg8[%add3A_564, %dma_wait3A_571] : memref<160x128xi32, #tpu.memory_space<vmem>> -> memref<1x128xi32, #tpu.memory_space<vmem>>
      %dma_wait3A_573 = tpu.memref_squeeze %dma_wait3A_572 : memref<1x128xi32, #tpu.memory_space<vmem>> -> memref<128xi32, #tpu.memory_space<vmem>>
      %dma_wait3A_574 = arith.constant 0 : i32
      %dma_wait3A_575 = arith.constant 0 : i32
      %dma_wait3A_576 = tpu.memref_slice %arg10[%dma_wait3A_574, %dma_wait3A_575] : memref<10240x64xi16, #tpu.memory_space<vmem_shared>> -> memref<10240x64xi16, #tpu.memory_space<vmem_shared>>
      %dma_wait3A_577 = tpu.memref_slice %arg12[%dma_wait3A_566] : memref<10x!tpu.dma_semaphore, #tpu.memory_space<semaphore_mem>> -> memref<1x!tpu.dma_semaphore, #tpu.memory_space<semaphore_mem>>
      %dma_wait3A_578 = tpu.memref_squeeze %dma_wait3A_577 : memref<1x!tpu.dma_semaphore, #tpu.memory_space<semaphore_mem>> -> memref<!tpu.dma_semaphore, #tpu.memory_space<semaphore_mem>>
      tpu.wait_indirect_dma semaphore(%dma_wait3A_578 : memref<!tpu.dma_semaphore, #tpu.memory_space<semaphore_mem>>) src(%dma_wait3A_570 : memref<128x64xi16, #tpu.memory_space<vmem>>) dst(%dma_wait3A_576 : memref<10240x64xi16, #tpu.memory_space<vmem_shared>>)
      %lt3A = arith.constant 15 : i32
      %lt3A_579 = arith.cmpi slt, %scan3A_202, %lt3A : i32
      %convert_element_type3A = arith.extui %lt3A_579 : i1 to i32
      %cond3A = arith.constant 0 : i32
      %cond3A_580 = arith.cmpi ne, %convert_element_type3A, %cond3A : i32
      scf.if %cond3A_580 {
        %add3A_788 = arith.constant 10 : i32
        %add3A_789 = arith.addi %add3A_564, %add3A_788 : i32
        %dma_start3A_790 = arith.constant 0 : i32
        %dma_start3A_791 = arith.constant 0 : i32
        %dma_start3A_792 = arith.constant 0 : i32
        %dma_start3A_793 = arith.constant 0 : i32
        %dma_start3A_794 = tpu.memref_slice %arg9[%dma_start3A_790, %dma_start3A_792, %dma_start3A_793] : memref<10x128x64xi16, #tpu.memory_space<vmem>> -> memref<1x128x64xi16, #tpu.memory_space<vmem>>
        %dma_start3A_795 = tpu.memref_squeeze %dma_start3A_794 : memref<1x128x64xi16, #tpu.memory_space<vmem>> -> memref<128x64xi16, #tpu.memory_space<vmem>>
        %dma_start3A_796 = arith.constant 0 : i32
        %dma_start3A_797 = tpu.memref_slice %arg7[%add3A_789, %dma_start3A_796] : memref<160x128xi32, #tpu.memory_space<vmem>> -> memref<1x128xi32, #tpu.memory_space<vmem>>
        %dma_start3A_798 = tpu.memref_squeeze %dma_start3A_797 : memref<1x128xi32, #tpu.memory_space<vmem>> -> memref<128xi32, #tpu.memory_space<vmem>>
        %dma_start3A_799 = arith.constant 0 : i32
        %dma_start3A_800 = arith.constant 0 : i32
        %dma_start3A_801 = tpu.memref_slice %arg2[%arg0, %dma_start3A_799, %dma_start3A_800] : memref<2x10240x64xi16, #tpu.memory_space<hbm>> -> memref<1x10240x64xi16, #tpu.memory_space<hbm>>
        %dma_start3A_802 = tpu.memref_squeeze %dma_start3A_801 : memref<1x10240x64xi16, #tpu.memory_space<hbm>> -> memref<10240x64xi16, #tpu.memory_space<hbm>>
        %dma_start3A_803 = arith.constant 0 : i32
        %dma_start3A_804 = arith.constant 0 : i32
        %dma_start3A_805 = tpu.memref_slice %dma_start3A_802[%dma_start3A_803, %dma_start3A_804] : memref<10240x64xi16, #tpu.memory_space<hbm>> -> memref<10240x64xi16, #tpu.memory_space<hbm>>
        %dma_start3A_806 = tpu.memref_slice %arg11[%dma_start3A_791] : memref<10x!tpu.dma_semaphore, #tpu.memory_space<semaphore_mem>> -> memref<1x!tpu.dma_semaphore, #tpu.memory_space<semaphore_mem>>
        %dma_start3A_807 = tpu.memref_squeeze %dma_start3A_806 : memref<1x!tpu.dma_semaphore, #tpu.memory_space<semaphore_mem>> -> memref<!tpu.dma_semaphore, #tpu.memory_space<semaphore_mem>>
        tpu.enqueue_indirect_dma source(%dma_start3A_805 : memref<10240x64xi16, #tpu.memory_space<hbm>>) target(%dma_start3A_795 : memref<128x64xi16, #tpu.memory_space<vmem>>) offsets(%dma_start3A_798 : memref<128xi32, #tpu.memory_space<vmem>>) semaphore(%dma_start3A_807 : memref<!tpu.dma_semaphore, #tpu.memory_space<semaphore_mem>>)
      } else {
      }
      %mul3A_581 = arith.constant 10 : i32
      %mul3A_582 = arith.muli %scan3A_202, %mul3A_581 : i32
      %add3A_583 = arith.constant 1 : i32
      %add3A_584 = arith.addi %mul3A_582, %add3A_583 : i32
      %dma_wait3A_585 = arith.constant 1 : i32
      %dma_wait3A_586 = arith.constant 1 : i32
      %dma_wait3A_587 = arith.constant 0 : i32
      %dma_wait3A_588 = arith.constant 0 : i32
      %dma_wait3A_589 = tpu.memref_slice %arg9[%dma_wait3A_585, %dma_wait3A_587, %dma_wait3A_588] : memref<10x128x64xi16, #tpu.memory_space<vmem>> -> memref<1x128x64xi16, #tpu.memory_space<vmem>>
      %dma_wait3A_590 = tpu.memref_squeeze %dma_wait3A_589 : memref<1x128x64xi16, #tpu.memory_space<vmem>> -> memref<128x64xi16, #tpu.memory_space<vmem>>
      %dma_wait3A_591 = arith.constant 0 : i32
      %dma_wait3A_592 = tpu.memref_slice %arg8[%add3A_584, %dma_wait3A_591] : memref<160x128xi32, #tpu.memory_space<vmem>> -> memref<1x128xi32, #tpu.memory_space<vmem>>
      %dma_wait3A_593 = tpu.memref_squeeze %dma_wait3A_592 : memref<1x128xi32, #tpu.memory_space<vmem>> -> memref<128xi32, #tpu.memory_space<vmem>>
      %dma_wait3A_594 = arith.constant 0 : i32
      %dma_wait3A_595 = arith.constant 0 : i32
      %dma_wait3A_596 = tpu.memref_slice %arg10[%dma_wait3A_594, %dma_wait3A_595] : memref<10240x64xi16, #tpu.memory_space<vmem_shared>> -> memref<10240x64xi16, #tpu.memory_space<vmem_shared>>
      %dma_wait3A_597 = tpu.memref_slice %arg12[%dma_wait3A_586] : memref<10x!tpu.dma_semaphore, #tpu.memory_space<semaphore_mem>> -> memref<1x!tpu.dma_semaphore, #tpu.memory_space<semaphore_mem>>
      %dma_wait3A_598 = tpu.memref_squeeze %dma_wait3A_597 : memref<1x!tpu.dma_semaphore, #tpu.memory_space<semaphore_mem>> -> memref<!tpu.dma_semaphore, #tpu.memory_space<semaphore_mem>>
      tpu.wait_indirect_dma semaphore(%dma_wait3A_598 : memref<!tpu.dma_semaphore, #tpu.memory_space<semaphore_mem>>) src(%dma_wait3A_590 : memref<128x64xi16, #tpu.memory_space<vmem>>) dst(%dma_wait3A_596 : memref<10240x64xi16, #tpu.memory_space<vmem_shared>>)
      %lt3A_599 = arith.constant 15 : i32
      %lt3A_600 = arith.cmpi slt, %scan3A_202, %lt3A_599 : i32
      %convert_element_type3A_601 = arith.extui %lt3A_600 : i1 to i32
      %cond3A_602 = arith.constant 0 : i32
      %cond3A_603 = arith.cmpi ne, %convert_element_type3A_601, %cond3A_602 : i32
      scf.if %cond3A_603 {
        %add3A_788 = arith.constant 10 : i32
        %add3A_789 = arith.addi %add3A_584, %add3A_788 : i32
        %dma_start3A_790 = arith.constant 1 : i32
        %dma_start3A_791 = arith.constant 1 : i32
        %dma_start3A_792 = arith.constant 0 : i32
        %dma_start3A_793 = arith.constant 0 : i32
        %dma_start3A_794 = tpu.memref_slice %arg9[%dma_start3A_790, %dma_start3A_792, %dma_start3A_793] : memref<10x128x64xi16, #tpu.memory_space<vmem>> -> memref<1x128x64xi16, #tpu.memory_space<vmem>>
        %dma_start3A_795 = tpu.memref_squeeze %dma_start3A_794 : memref<1x128x64xi16, #tpu.memory_space<vmem>> -> memref<128x64xi16, #tpu.memory_space<vmem>>
        %dma_start3A_796 = arith.constant 0 : i32
        %dma_start3A_797 = tpu.memref_slice %arg7[%add3A_789, %dma_start3A_796] : memref<160x128xi32, #tpu.memory_space<vmem>> -> memref<1x128xi32, #tpu.memory_space<vmem>>
        %dma_start3A_798 = tpu.memref_squeeze %dma_start3A_797 : memref<1x128xi32, #tpu.memory_space<vmem>> -> memref<128xi32, #tpu.memory_space<vmem>>
        %dma_start3A_799 = arith.constant 0 : i32
        %dma_start3A_800 = arith.constant 0 : i32
        %dma_start3A_801 = tpu.memref_slice %arg2[%arg0, %dma_start3A_799, %dma_start3A_800] : memref<2x10240x64xi16, #tpu.memory_space<hbm>> -> memref<1x10240x64xi16, #tpu.memory_space<hbm>>
        %dma_start3A_802 = tpu.memref_squeeze %dma_start3A_801 : memref<1x10240x64xi16, #tpu.memory_space<hbm>> -> memref<10240x64xi16, #tpu.memory_space<hbm>>
        %dma_start3A_803 = arith.constant 0 : i32
        %dma_start3A_804 = arith.constant 0 : i32
        %dma_start3A_805 = tpu.memref_slice %dma_start3A_802[%dma_start3A_803, %dma_start3A_804] : memref<10240x64xi16, #tpu.memory_space<hbm>> -> memref<10240x64xi16, #tpu.memory_space<hbm>>
        %dma_start3A_806 = tpu.memref_slice %arg11[%dma_start3A_791] : memref<10x!tpu.dma_semaphore, #tpu.memory_space<semaphore_mem>> -> memref<1x!tpu.dma_semaphore, #tpu.memory_space<semaphore_mem>>
        %dma_start3A_807 = tpu.memref_squeeze %dma_start3A_806 : memref<1x!tpu.dma_semaphore, #tpu.memory_space<semaphore_mem>> -> memref<!tpu.dma_semaphore, #tpu.memory_space<semaphore_mem>>
        tpu.enqueue_indirect_dma source(%dma_start3A_805 : memref<10240x64xi16, #tpu.memory_space<hbm>>) target(%dma_start3A_795 : memref<128x64xi16, #tpu.memory_space<vmem>>) offsets(%dma_start3A_798 : memref<128xi32, #tpu.memory_space<vmem>>) semaphore(%dma_start3A_807 : memref<!tpu.dma_semaphore, #tpu.memory_space<semaphore_mem>>)
      } else {
      }
      %mul3A_604 = arith.constant 10 : i32
      %mul3A_605 = arith.muli %scan3A_202, %mul3A_604 : i32
      %add3A_606 = arith.constant 2 : i32
      %add3A_607 = arith.addi %mul3A_605, %add3A_606 : i32
      %dma_wait3A_608 = arith.constant 2 : i32
      %dma_wait3A_609 = arith.constant 2 : i32
      %dma_wait3A_610 = arith.constant 0 : i32
      %dma_wait3A_611 = arith.constant 0 : i32
      %dma_wait3A_612 = tpu.memref_slice %arg9[%dma_wait3A_608, %dma_wait3A_610, %dma_wait3A_611] : memref<10x128x64xi16, #tpu.memory_space<vmem>> -> memref<1x128x64xi16, #tpu.memory_space<vmem>>
      %dma_wait3A_613 = tpu.memref_squeeze %dma_wait3A_612 : memref<1x128x64xi16, #tpu.memory_space<vmem>> -> memref<128x64xi16, #tpu.memory_space<vmem>>
      %dma_wait3A_614 = arith.constant 0 : i32
      %dma_wait3A_615 = tpu.memref_slice %arg8[%add3A_607, %dma_wait3A_614] : memref<160x128xi32, #tpu.memory_space<vmem>> -> memref<1x128xi32, #tpu.memory_space<vmem>>
      %dma_wait3A_616 = tpu.memref_squeeze %dma_wait3A_615 : memref<1x128xi32, #tpu.memory_space<vmem>> -> memref<128xi32, #tpu.memory_space<vmem>>
      %dma_wait3A_617 = arith.constant 0 : i32
      %dma_wait3A_618 = arith.constant 0 : i32
      %dma_wait3A_619 = tpu.memref_slice %arg10[%dma_wait3A_617, %dma_wait3A_618] : memref<10240x64xi16, #tpu.memory_space<vmem_shared>> -> memref<10240x64xi16, #tpu.memory_space<vmem_shared>>
      %dma_wait3A_620 = tpu.memref_slice %arg12[%dma_wait3A_609] : memref<10x!tpu.dma_semaphore, #tpu.memory_space<semaphore_mem>> -> memref<1x!tpu.dma_semaphore, #tpu.memory_space<semaphore_mem>>
      %dma_wait3A_621 = tpu.memref_squeeze %dma_wait3A_620 : memref<1x!tpu.dma_semaphore, #tpu.memory_space<semaphore_mem>> -> memref<!tpu.dma_semaphore, #tpu.memory_space<semaphore_mem>>
      tpu.wait_indirect_dma semaphore(%dma_wait3A_621 : memref<!tpu.dma_semaphore, #tpu.memory_space<semaphore_mem>>) src(%dma_wait3A_613 : memref<128x64xi16, #tpu.memory_space<vmem>>) dst(%dma_wait3A_619 : memref<10240x64xi16, #tpu.memory_space<vmem_shared>>)
      %lt3A_622 = arith.constant 15 : i32
      %lt3A_623 = arith.cmpi slt, %scan3A_202, %lt3A_622 : i32
      %convert_element_type3A_624 = arith.extui %lt3A_623 : i1 to i32
      %cond3A_625 = arith.constant 0 : i32
      %cond3A_626 = arith.cmpi ne, %convert_element_type3A_624, %cond3A_625 : i32
      scf.if %cond3A_626 {
        %add3A_788 = arith.constant 10 : i32
        %add3A_789 = arith.addi %add3A_607, %add3A_788 : i32
        %dma_start3A_790 = arith.constant 2 : i32
        %dma_start3A_791 = arith.constant 2 : i32
        %dma_start3A_792 = arith.constant 0 : i32
        %dma_start3A_793 = arith.constant 0 : i32
        %dma_start3A_794 = tpu.memref_slice %arg9[%dma_start3A_790, %dma_start3A_792, %dma_start3A_793] : memref<10x128x64xi16, #tpu.memory_space<vmem>> -> memref<1x128x64xi16, #tpu.memory_space<vmem>>
        %dma_start3A_795 = tpu.memref_squeeze %dma_start3A_794 : memref<1x128x64xi16, #tpu.memory_space<vmem>> -> memref<128x64xi16, #tpu.memory_space<vmem>>
        %dma_start3A_796 = arith.constant 0 : i32
        %dma_start3A_797 = tpu.memref_slice %arg7[%add3A_789, %dma_start3A_796] : memref<160x128xi32, #tpu.memory_space<vmem>> -> memref<1x128xi32, #tpu.memory_space<vmem>>
        %dma_start3A_798 = tpu.memref_squeeze %dma_start3A_797 : memref<1x128xi32, #tpu.memory_space<vmem>> -> memref<128xi32, #tpu.memory_space<vmem>>
        %dma_start3A_799 = arith.constant 0 : i32
        %dma_start3A_800 = arith.constant 0 : i32
        %dma_start3A_801 = tpu.memref_slice %arg2[%arg0, %dma_start3A_799, %dma_start3A_800] : memref<2x10240x64xi16, #tpu.memory_space<hbm>> -> memref<1x10240x64xi16, #tpu.memory_space<hbm>>
        %dma_start3A_802 = tpu.memref_squeeze %dma_start3A_801 : memref<1x10240x64xi16, #tpu.memory_space<hbm>> -> memref<10240x64xi16, #tpu.memory_space<hbm>>
        %dma_start3A_803 = arith.constant 0 : i32
        %dma_start3A_804 = arith.constant 0 : i32
        %dma_start3A_805 = tpu.memref_slice %dma_start3A_802[%dma_start3A_803, %dma_start3A_804] : memref<10240x64xi16, #tpu.memory_space<hbm>> -> memref<10240x64xi16, #tpu.memory_space<hbm>>
        %dma_start3A_806 = tpu.memref_slice %arg11[%dma_start3A_791] : memref<10x!tpu.dma_semaphore, #tpu.memory_space<semaphore_mem>> -> memref<1x!tpu.dma_semaphore, #tpu.memory_space<semaphore_mem>>
        %dma_start3A_807 = tpu.memref_squeeze %dma_start3A_806 : memref<1x!tpu.dma_semaphore, #tpu.memory_space<semaphore_mem>> -> memref<!tpu.dma_semaphore, #tpu.memory_space<semaphore_mem>>
        tpu.enqueue_indirect_dma source(%dma_start3A_805 : memref<10240x64xi16, #tpu.memory_space<hbm>>) target(%dma_start3A_795 : memref<128x64xi16, #tpu.memory_space<vmem>>) offsets(%dma_start3A_798 : memref<128xi32, #tpu.memory_space<vmem>>) semaphore(%dma_start3A_807 : memref<!tpu.dma_semaphore, #tpu.memory_space<semaphore_mem>>)
      } else {
      }
      %mul3A_627 = arith.constant 10 : i32
      %mul3A_628 = arith.muli %scan3A_202, %mul3A_627 : i32
      %add3A_629 = arith.constant 3 : i32
      %add3A_630 = arith.addi %mul3A_628, %add3A_629 : i32
      %dma_wait3A_631 = arith.constant 3 : i32
      %dma_wait3A_632 = arith.constant 3 : i32
      %dma_wait3A_633 = arith.constant 0 : i32
      %dma_wait3A_634 = arith.constant 0 : i32
      %dma_wait3A_635 = tpu.memref_slice %arg9[%dma_wait3A_631, %dma_wait3A_633, %dma_wait3A_634] : memref<10x128x64xi16, #tpu.memory_space<vmem>> -> memref<1x128x64xi16, #tpu.memory_space<vmem>>
      %dma_wait3A_636 = tpu.memref_squeeze %dma_wait3A_635 : memref<1x128x64xi16, #tpu.memory_space<vmem>> -> memref<128x64xi16, #tpu.memory_space<vmem>>
      %dma_wait3A_637 = arith.constant 0 : i32
      %dma_wait3A_638 = tpu.memref_slice %arg8[%add3A_630, %dma_wait3A_637] : memref<160x128xi32, #tpu.memory_space<vmem>> -> memref<1x128xi32, #tpu.memory_space<vmem>>
      %dma_wait3A_639 = tpu.memref_squeeze %dma_wait3A_638 : memref<1x128xi32, #tpu.memory_space<vmem>> -> memref<128xi32, #tpu.memory_space<vmem>>
      %dma_wait3A_640 = arith.constant 0 : i32
      %dma_wait3A_641 = arith.constant 0 : i32
      %dma_wait3A_642 = tpu.memref_slice %arg10[%dma_wait3A_640, %dma_wait3A_641] : memref<10240x64xi16, #tpu.memory_space<vmem_shared>> -> memref<10240x64xi16, #tpu.memory_space<vmem_shared>>
      %dma_wait3A_643 = tpu.memref_slice %arg12[%dma_wait3A_632] : memref<10x!tpu.dma_semaphore, #tpu.memory_space<semaphore_mem>> -> memref<1x!tpu.dma_semaphore, #tpu.memory_space<semaphore_mem>>
      %dma_wait3A_644 = tpu.memref_squeeze %dma_wait3A_643 : memref<1x!tpu.dma_semaphore, #tpu.memory_space<semaphore_mem>> -> memref<!tpu.dma_semaphore, #tpu.memory_space<semaphore_mem>>
      tpu.wait_indirect_dma semaphore(%dma_wait3A_644 : memref<!tpu.dma_semaphore, #tpu.memory_space<semaphore_mem>>) src(%dma_wait3A_636 : memref<128x64xi16, #tpu.memory_space<vmem>>) dst(%dma_wait3A_642 : memref<10240x64xi16, #tpu.memory_space<vmem_shared>>)
      %lt3A_645 = arith.constant 15 : i32
      %lt3A_646 = arith.cmpi slt, %scan3A_202, %lt3A_645 : i32
      %convert_element_type3A_647 = arith.extui %lt3A_646 : i1 to i32
      %cond3A_648 = arith.constant 0 : i32
      %cond3A_649 = arith.cmpi ne, %convert_element_type3A_647, %cond3A_648 : i32
      scf.if %cond3A_649 {
        %add3A_788 = arith.constant 10 : i32
        %add3A_789 = arith.addi %add3A_630, %add3A_788 : i32
        %dma_start3A_790 = arith.constant 3 : i32
        %dma_start3A_791 = arith.constant 3 : i32
        %dma_start3A_792 = arith.constant 0 : i32
        %dma_start3A_793 = arith.constant 0 : i32
        %dma_start3A_794 = tpu.memref_slice %arg9[%dma_start3A_790, %dma_start3A_792, %dma_start3A_793] : memref<10x128x64xi16, #tpu.memory_space<vmem>> -> memref<1x128x64xi16, #tpu.memory_space<vmem>>
        %dma_start3A_795 = tpu.memref_squeeze %dma_start3A_794 : memref<1x128x64xi16, #tpu.memory_space<vmem>> -> memref<128x64xi16, #tpu.memory_space<vmem>>
        %dma_start3A_796 = arith.constant 0 : i32
        %dma_start3A_797 = tpu.memref_slice %arg7[%add3A_789, %dma_start3A_796] : memref<160x128xi32, #tpu.memory_space<vmem>> -> memref<1x128xi32, #tpu.memory_space<vmem>>
        %dma_start3A_798 = tpu.memref_squeeze %dma_start3A_797 : memref<1x128xi32, #tpu.memory_space<vmem>> -> memref<128xi32, #tpu.memory_space<vmem>>
        %dma_start3A_799 = arith.constant 0 : i32
        %dma_start3A_800 = arith.constant 0 : i32
        %dma_start3A_801 = tpu.memref_slice %arg2[%arg0, %dma_start3A_799, %dma_start3A_800] : memref<2x10240x64xi16, #tpu.memory_space<hbm>> -> memref<1x10240x64xi16, #tpu.memory_space<hbm>>
        %dma_start3A_802 = tpu.memref_squeeze %dma_start3A_801 : memref<1x10240x64xi16, #tpu.memory_space<hbm>> -> memref<10240x64xi16, #tpu.memory_space<hbm>>
        %dma_start3A_803 = arith.constant 0 : i32
        %dma_start3A_804 = arith.constant 0 : i32
        %dma_start3A_805 = tpu.memref_slice %dma_start3A_802[%dma_start3A_803, %dma_start3A_804] : memref<10240x64xi16, #tpu.memory_space<hbm>> -> memref<10240x64xi16, #tpu.memory_space<hbm>>
        %dma_start3A_806 = tpu.memref_slice %arg11[%dma_start3A_791] : memref<10x!tpu.dma_semaphore, #tpu.memory_space<semaphore_mem>> -> memref<1x!tpu.dma_semaphore, #tpu.memory_space<semaphore_mem>>
        %dma_start3A_807 = tpu.memref_squeeze %dma_start3A_806 : memref<1x!tpu.dma_semaphore, #tpu.memory_space<semaphore_mem>> -> memref<!tpu.dma_semaphore, #tpu.memory_space<semaphore_mem>>
        tpu.enqueue_indirect_dma source(%dma_start3A_805 : memref<10240x64xi16, #tpu.memory_space<hbm>>) target(%dma_start3A_795 : memref<128x64xi16, #tpu.memory_space<vmem>>) offsets(%dma_start3A_798 : memref<128xi32, #tpu.memory_space<vmem>>) semaphore(%dma_start3A_807 : memref<!tpu.dma_semaphore, #tpu.memory_space<semaphore_mem>>)
      } else {
      }
      %mul3A_650 = arith.constant 10 : i32
      %mul3A_651 = arith.muli %scan3A_202, %mul3A_650 : i32
      %add3A_652 = arith.constant 4 : i32
      %add3A_653 = arith.addi %mul3A_651, %add3A_652 : i32
      %dma_wait3A_654 = arith.constant 4 : i32
      %dma_wait3A_655 = arith.constant 4 : i32
      %dma_wait3A_656 = arith.constant 0 : i32
      %dma_wait3A_657 = arith.constant 0 : i32
      %dma_wait3A_658 = tpu.memref_slice %arg9[%dma_wait3A_654, %dma_wait3A_656, %dma_wait3A_657] : memref<10x128x64xi16, #tpu.memory_space<vmem>> -> memref<1x128x64xi16, #tpu.memory_space<vmem>>
      %dma_wait3A_659 = tpu.memref_squeeze %dma_wait3A_658 : memref<1x128x64xi16, #tpu.memory_space<vmem>> -> memref<128x64xi16, #tpu.memory_space<vmem>>
      %dma_wait3A_660 = arith.constant 0 : i32
      %dma_wait3A_661 = tpu.memref_slice %arg8[%add3A_653, %dma_wait3A_660] : memref<160x128xi32, #tpu.memory_space<vmem>> -> memref<1x128xi32, #tpu.memory_space<vmem>>
      %dma_wait3A_662 = tpu.memref_squeeze %dma_wait3A_661 : memref<1x128xi32, #tpu.memory_space<vmem>> -> memref<128xi32, #tpu.memory_space<vmem>>
      %dma_wait3A_663 = arith.constant 0 : i32
      %dma_wait3A_664 = arith.constant 0 : i32
      %dma_wait3A_665 = tpu.memref_slice %arg10[%dma_wait3A_663, %dma_wait3A_664] : memref<10240x64xi16, #tpu.memory_space<vmem_shared>> -> memref<10240x64xi16, #tpu.memory_space<vmem_shared>>
      %dma_wait3A_666 = tpu.memref_slice %arg12[%dma_wait3A_655] : memref<10x!tpu.dma_semaphore, #tpu.memory_space<semaphore_mem>> -> memref<1x!tpu.dma_semaphore, #tpu.memory_space<semaphore_mem>>
      %dma_wait3A_667 = tpu.memref_squeeze %dma_wait3A_666 : memref<1x!tpu.dma_semaphore, #tpu.memory_space<semaphore_mem>> -> memref<!tpu.dma_semaphore, #tpu.memory_space<semaphore_mem>>
      tpu.wait_indirect_dma semaphore(%dma_wait3A_667 : memref<!tpu.dma_semaphore, #tpu.memory_space<semaphore_mem>>) src(%dma_wait3A_659 : memref<128x64xi16, #tpu.memory_space<vmem>>) dst(%dma_wait3A_665 : memref<10240x64xi16, #tpu.memory_space<vmem_shared>>)
      %lt3A_668 = arith.constant 15 : i32
      %lt3A_669 = arith.cmpi slt, %scan3A_202, %lt3A_668 : i32
      %convert_element_type3A_670 = arith.extui %lt3A_669 : i1 to i32
      %cond3A_671 = arith.constant 0 : i32
      %cond3A_672 = arith.cmpi ne, %convert_element_type3A_670, %cond3A_671 : i32
      scf.if %cond3A_672 {
        %add3A_788 = arith.constant 10 : i32
        %add3A_789 = arith.addi %add3A_653, %add3A_788 : i32
        %dma_start3A_790 = arith.constant 4 : i32
        %dma_start3A_791 = arith.constant 4 : i32
        %dma_start3A_792 = arith.constant 0 : i32
        %dma_start3A_793 = arith.constant 0 : i32
        %dma_start3A_794 = tpu.memref_slice %arg9[%dma_start3A_790, %dma_start3A_792, %dma_start3A_793] : memref<10x128x64xi16, #tpu.memory_space<vmem>> -> memref<1x128x64xi16, #tpu.memory_space<vmem>>
        %dma_start3A_795 = tpu.memref_squeeze %dma_start3A_794 : memref<1x128x64xi16, #tpu.memory_space<vmem>> -> memref<128x64xi16, #tpu.memory_space<vmem>>
        %dma_start3A_796 = arith.constant 0 : i32
        %dma_start3A_797 = tpu.memref_slice %arg7[%add3A_789, %dma_start3A_796] : memref<160x128xi32, #tpu.memory_space<vmem>> -> memref<1x128xi32, #tpu.memory_space<vmem>>
        %dma_start3A_798 = tpu.memref_squeeze %dma_start3A_797 : memref<1x128xi32, #tpu.memory_space<vmem>> -> memref<128xi32, #tpu.memory_space<vmem>>
        %dma_start3A_799 = arith.constant 0 : i32
        %dma_start3A_800 = arith.constant 0 : i32
        %dma_start3A_801 = tpu.memref_slice %arg2[%arg0, %dma_start3A_799, %dma_start3A_800] : memref<2x10240x64xi16, #tpu.memory_space<hbm>> -> memref<1x10240x64xi16, #tpu.memory_space<hbm>>
        %dma_start3A_802 = tpu.memref_squeeze %dma_start3A_801 : memref<1x10240x64xi16, #tpu.memory_space<hbm>> -> memref<10240x64xi16, #tpu.memory_space<hbm>>
        %dma_start3A_803 = arith.constant 0 : i32
        %dma_start3A_804 = arith.constant 0 : i32
        %dma_start3A_805 = tpu.memref_slice %dma_start3A_802[%dma_start3A_803, %dma_start3A_804] : memref<10240x64xi16, #tpu.memory_space<hbm>> -> memref<10240x64xi16, #tpu.memory_space<hbm>>
        %dma_start3A_806 = tpu.memref_slice %arg11[%dma_start3A_791] : memref<10x!tpu.dma_semaphore, #tpu.memory_space<semaphore_mem>> -> memref<1x!tpu.dma_semaphore, #tpu.memory_space<semaphore_mem>>
        %dma_start3A_807 = tpu.memref_squeeze %dma_start3A_806 : memref<1x!tpu.dma_semaphore, #tpu.memory_space<semaphore_mem>> -> memref<!tpu.dma_semaphore, #tpu.memory_space<semaphore_mem>>
        tpu.enqueue_indirect_dma source(%dma_start3A_805 : memref<10240x64xi16, #tpu.memory_space<hbm>>) target(%dma_start3A_795 : memref<128x64xi16, #tpu.memory_space<vmem>>) offsets(%dma_start3A_798 : memref<128xi32, #tpu.memory_space<vmem>>) semaphore(%dma_start3A_807 : memref<!tpu.dma_semaphore, #tpu.memory_space<semaphore_mem>>)
      } else {
      }
      %mul3A_673 = arith.constant 10 : i32
      %mul3A_674 = arith.muli %scan3A_202, %mul3A_673 : i32
      %add3A_675 = arith.constant 5 : i32
      %add3A_676 = arith.addi %mul3A_674, %add3A_675 : i32
      %dma_wait3A_677 = arith.constant 5 : i32
      %dma_wait3A_678 = arith.constant 5 : i32
      %dma_wait3A_679 = arith.constant 0 : i32
      %dma_wait3A_680 = arith.constant 0 : i32
      %dma_wait3A_681 = tpu.memref_slice %arg9[%dma_wait3A_677, %dma_wait3A_679, %dma_wait3A_680] : memref<10x128x64xi16, #tpu.memory_space<vmem>> -> memref<1x128x64xi16, #tpu.memory_space<vmem>>
      %dma_wait3A_682 = tpu.memref_squeeze %dma_wait3A_681 : memref<1x128x64xi16, #tpu.memory_space<vmem>> -> memref<128x64xi16, #tpu.memory_space<vmem>>
      %dma_wait3A_683 = arith.constant 0 : i32
      %dma_wait3A_684 = tpu.memref_slice %arg8[%add3A_676, %dma_wait3A_683] : memref<160x128xi32, #tpu.memory_space<vmem>> -> memref<1x128xi32, #tpu.memory_space<vmem>>
      %dma_wait3A_685 = tpu.memref_squeeze %dma_wait3A_684 : memref<1x128xi32, #tpu.memory_space<vmem>> -> memref<128xi32, #tpu.memory_space<vmem>>
      %dma_wait3A_686 = arith.constant 0 : i32
      %dma_wait3A_687 = arith.constant 0 : i32
      %dma_wait3A_688 = tpu.memref_slice %arg10[%dma_wait3A_686, %dma_wait3A_687] : memref<10240x64xi16, #tpu.memory_space<vmem_shared>> -> memref<10240x64xi16, #tpu.memory_space<vmem_shared>>
      %dma_wait3A_689 = tpu.memref_slice %arg12[%dma_wait3A_678] : memref<10x!tpu.dma_semaphore, #tpu.memory_space<semaphore_mem>> -> memref<1x!tpu.dma_semaphore, #tpu.memory_space<semaphore_mem>>
      %dma_wait3A_690 = tpu.memref_squeeze %dma_wait3A_689 : memref<1x!tpu.dma_semaphore, #tpu.memory_space<semaphore_mem>> -> memref<!tpu.dma_semaphore, #tpu.memory_space<semaphore_mem>>
      tpu.wait_indirect_dma semaphore(%dma_wait3A_690 : memref<!tpu.dma_semaphore, #tpu.memory_space<semaphore_mem>>) src(%dma_wait3A_682 : memref<128x64xi16, #tpu.memory_space<vmem>>) dst(%dma_wait3A_688 : memref<10240x64xi16, #tpu.memory_space<vmem_shared>>)
      %lt3A_691 = arith.constant 15 : i32
      %lt3A_692 = arith.cmpi slt, %scan3A_202, %lt3A_691 : i32
      %convert_element_type3A_693 = arith.extui %lt3A_692 : i1 to i32
      %cond3A_694 = arith.constant 0 : i32
      %cond3A_695 = arith.cmpi ne, %convert_element_type3A_693, %cond3A_694 : i32
      scf.if %cond3A_695 {
        %add3A_788 = arith.constant 10 : i32
        %add3A_789 = arith.addi %add3A_676, %add3A_788 : i32
        %dma_start3A_790 = arith.constant 5 : i32
        %dma_start3A_791 = arith.constant 5 : i32
        %dma_start3A_792 = arith.constant 0 : i32
        %dma_start3A_793 = arith.constant 0 : i32
        %dma_start3A_794 = tpu.memref_slice %arg9[%dma_start3A_790, %dma_start3A_792, %dma_start3A_793] : memref<10x128x64xi16, #tpu.memory_space<vmem>> -> memref<1x128x64xi16, #tpu.memory_space<vmem>>
        %dma_start3A_795 = tpu.memref_squeeze %dma_start3A_794 : memref<1x128x64xi16, #tpu.memory_space<vmem>> -> memref<128x64xi16, #tpu.memory_space<vmem>>
        %dma_start3A_796 = arith.constant 0 : i32
        %dma_start3A_797 = tpu.memref_slice %arg7[%add3A_789, %dma_start3A_796] : memref<160x128xi32, #tpu.memory_space<vmem>> -> memref<1x128xi32, #tpu.memory_space<vmem>>
        %dma_start3A_798 = tpu.memref_squeeze %dma_start3A_797 : memref<1x128xi32, #tpu.memory_space<vmem>> -> memref<128xi32, #tpu.memory_space<vmem>>
        %dma_start3A_799 = arith.constant 0 : i32
        %dma_start3A_800 = arith.constant 0 : i32
        %dma_start3A_801 = tpu.memref_slice %arg2[%arg0, %dma_start3A_799, %dma_start3A_800] : memref<2x10240x64xi16, #tpu.memory_space<hbm>> -> memref<1x10240x64xi16, #tpu.memory_space<hbm>>
        %dma_start3A_802 = tpu.memref_squeeze %dma_start3A_801 : memref<1x10240x64xi16, #tpu.memory_space<hbm>> -> memref<10240x64xi16, #tpu.memory_space<hbm>>
        %dma_start3A_803 = arith.constant 0 : i32
        %dma_start3A_804 = arith.constant 0 : i32
        %dma_start3A_805 = tpu.memref_slice %dma_start3A_802[%dma_start3A_803, %dma_start3A_804] : memref<10240x64xi16, #tpu.memory_space<hbm>> -> memref<10240x64xi16, #tpu.memory_space<hbm>>
        %dma_start3A_806 = tpu.memref_slice %arg11[%dma_start3A_791] : memref<10x!tpu.dma_semaphore, #tpu.memory_space<semaphore_mem>> -> memref<1x!tpu.dma_semaphore, #tpu.memory_space<semaphore_mem>>
        %dma_start3A_807 = tpu.memref_squeeze %dma_start3A_806 : memref<1x!tpu.dma_semaphore, #tpu.memory_space<semaphore_mem>> -> memref<!tpu.dma_semaphore, #tpu.memory_space<semaphore_mem>>
        tpu.enqueue_indirect_dma source(%dma_start3A_805 : memref<10240x64xi16, #tpu.memory_space<hbm>>) target(%dma_start3A_795 : memref<128x64xi16, #tpu.memory_space<vmem>>) offsets(%dma_start3A_798 : memref<128xi32, #tpu.memory_space<vmem>>) semaphore(%dma_start3A_807 : memref<!tpu.dma_semaphore, #tpu.memory_space<semaphore_mem>>)
      } else {
      }
      %mul3A_696 = arith.constant 10 : i32
      %mul3A_697 = arith.muli %scan3A_202, %mul3A_696 : i32
      %add3A_698 = arith.constant 6 : i32
      %add3A_699 = arith.addi %mul3A_697, %add3A_698 : i32
      %dma_wait3A_700 = arith.constant 6 : i32
      %dma_wait3A_701 = arith.constant 6 : i32
      %dma_wait3A_702 = arith.constant 0 : i32
      %dma_wait3A_703 = arith.constant 0 : i32
      %dma_wait3A_704 = tpu.memref_slice %arg9[%dma_wait3A_700, %dma_wait3A_702, %dma_wait3A_703] : memref<10x128x64xi16, #tpu.memory_space<vmem>> -> memref<1x128x64xi16, #tpu.memory_space<vmem>>
      %dma_wait3A_705 = tpu.memref_squeeze %dma_wait3A_704 : memref<1x128x64xi16, #tpu.memory_space<vmem>> -> memref<128x64xi16, #tpu.memory_space<vmem>>
      %dma_wait3A_706 = arith.constant 0 : i32
      %dma_wait3A_707 = tpu.memref_slice %arg8[%add3A_699, %dma_wait3A_706] : memref<160x128xi32, #tpu.memory_space<vmem>> -> memref<1x128xi32, #tpu.memory_space<vmem>>
      %dma_wait3A_708 = tpu.memref_squeeze %dma_wait3A_707 : memref<1x128xi32, #tpu.memory_space<vmem>> -> memref<128xi32, #tpu.memory_space<vmem>>
      %dma_wait3A_709 = arith.constant 0 : i32
      %dma_wait3A_710 = arith.constant 0 : i32
      %dma_wait3A_711 = tpu.memref_slice %arg10[%dma_wait3A_709, %dma_wait3A_710] : memref<10240x64xi16, #tpu.memory_space<vmem_shared>> -> memref<10240x64xi16, #tpu.memory_space<vmem_shared>>
      %dma_wait3A_712 = tpu.memref_slice %arg12[%dma_wait3A_701] : memref<10x!tpu.dma_semaphore, #tpu.memory_space<semaphore_mem>> -> memref<1x!tpu.dma_semaphore, #tpu.memory_space<semaphore_mem>>
      %dma_wait3A_713 = tpu.memref_squeeze %dma_wait3A_712 : memref<1x!tpu.dma_semaphore, #tpu.memory_space<semaphore_mem>> -> memref<!tpu.dma_semaphore, #tpu.memory_space<semaphore_mem>>
      tpu.wait_indirect_dma semaphore(%dma_wait3A_713 : memref<!tpu.dma_semaphore, #tpu.memory_space<semaphore_mem>>) src(%dma_wait3A_705 : memref<128x64xi16, #tpu.memory_space<vmem>>) dst(%dma_wait3A_711 : memref<10240x64xi16, #tpu.memory_space<vmem_shared>>)
      %lt3A_714 = arith.constant 15 : i32
      %lt3A_715 = arith.cmpi slt, %scan3A_202, %lt3A_714 : i32
      %convert_element_type3A_716 = arith.extui %lt3A_715 : i1 to i32
      %cond3A_717 = arith.constant 0 : i32
      %cond3A_718 = arith.cmpi ne, %convert_element_type3A_716, %cond3A_717 : i32
      scf.if %cond3A_718 {
        %add3A_788 = arith.constant 10 : i32
        %add3A_789 = arith.addi %add3A_699, %add3A_788 : i32
        %dma_start3A_790 = arith.constant 6 : i32
        %dma_start3A_791 = arith.constant 6 : i32
        %dma_start3A_792 = arith.constant 0 : i32
        %dma_start3A_793 = arith.constant 0 : i32
        %dma_start3A_794 = tpu.memref_slice %arg9[%dma_start3A_790, %dma_start3A_792, %dma_start3A_793] : memref<10x128x64xi16, #tpu.memory_space<vmem>> -> memref<1x128x64xi16, #tpu.memory_space<vmem>>
        %dma_start3A_795 = tpu.memref_squeeze %dma_start3A_794 : memref<1x128x64xi16, #tpu.memory_space<vmem>> -> memref<128x64xi16, #tpu.memory_space<vmem>>
        %dma_start3A_796 = arith.constant 0 : i32
        %dma_start3A_797 = tpu.memref_slice %arg7[%add3A_789, %dma_start3A_796] : memref<160x128xi32, #tpu.memory_space<vmem>> -> memref<1x128xi32, #tpu.memory_space<vmem>>
        %dma_start3A_798 = tpu.memref_squeeze %dma_start3A_797 : memref<1x128xi32, #tpu.memory_space<vmem>> -> memref<128xi32, #tpu.memory_space<vmem>>
        %dma_start3A_799 = arith.constant 0 : i32
        %dma_start3A_800 = arith.constant 0 : i32
        %dma_start3A_801 = tpu.memref_slice %arg2[%arg0, %dma_start3A_799, %dma_start3A_800] : memref<2x10240x64xi16, #tpu.memory_space<hbm>> -> memref<1x10240x64xi16, #tpu.memory_space<hbm>>
        %dma_start3A_802 = tpu.memref_squeeze %dma_start3A_801 : memref<1x10240x64xi16, #tpu.memory_space<hbm>> -> memref<10240x64xi16, #tpu.memory_space<hbm>>
        %dma_start3A_803 = arith.constant 0 : i32
        %dma_start3A_804 = arith.constant 0 : i32
        %dma_start3A_805 = tpu.memref_slice %dma_start3A_802[%dma_start3A_803, %dma_start3A_804] : memref<10240x64xi16, #tpu.memory_space<hbm>> -> memref<10240x64xi16, #tpu.memory_space<hbm>>
        %dma_start3A_806 = tpu.memref_slice %arg11[%dma_start3A_791] : memref<10x!tpu.dma_semaphore, #tpu.memory_space<semaphore_mem>> -> memref<1x!tpu.dma_semaphore, #tpu.memory_space<semaphore_mem>>
        %dma_start3A_807 = tpu.memref_squeeze %dma_start3A_806 : memref<1x!tpu.dma_semaphore, #tpu.memory_space<semaphore_mem>> -> memref<!tpu.dma_semaphore, #tpu.memory_space<semaphore_mem>>
        tpu.enqueue_indirect_dma source(%dma_start3A_805 : memref<10240x64xi16, #tpu.memory_space<hbm>>) target(%dma_start3A_795 : memref<128x64xi16, #tpu.memory_space<vmem>>) offsets(%dma_start3A_798 : memref<128xi32, #tpu.memory_space<vmem>>) semaphore(%dma_start3A_807 : memref<!tpu.dma_semaphore, #tpu.memory_space<semaphore_mem>>)
      } else {
      }
      %mul3A_719 = arith.constant 10 : i32
      %mul3A_720 = arith.muli %scan3A_202, %mul3A_719 : i32
      %add3A_721 = arith.constant 7 : i32
      %add3A_722 = arith.addi %mul3A_720, %add3A_721 : i32
      %dma_wait3A_723 = arith.constant 7 : i32
      %dma_wait3A_724 = arith.constant 7 : i32
      %dma_wait3A_725 = arith.constant 0 : i32
      %dma_wait3A_726 = arith.constant 0 : i32
      %dma_wait3A_727 = tpu.memref_slice %arg9[%dma_wait3A_723, %dma_wait3A_725, %dma_wait3A_726] : memref<10x128x64xi16, #tpu.memory_space<vmem>> -> memref<1x128x64xi16, #tpu.memory_space<vmem>>
      %dma_wait3A_728 = tpu.memref_squeeze %dma_wait3A_727 : memref<1x128x64xi16, #tpu.memory_space<vmem>> -> memref<128x64xi16, #tpu.memory_space<vmem>>
      %dma_wait3A_729 = arith.constant 0 : i32
      %dma_wait3A_730 = tpu.memref_slice %arg8[%add3A_722, %dma_wait3A_729] : memref<160x128xi32, #tpu.memory_space<vmem>> -> memref<1x128xi32, #tpu.memory_space<vmem>>
      %dma_wait3A_731 = tpu.memref_squeeze %dma_wait3A_730 : memref<1x128xi32, #tpu.memory_space<vmem>> -> memref<128xi32, #tpu.memory_space<vmem>>
      %dma_wait3A_732 = arith.constant 0 : i32
      %dma_wait3A_733 = arith.constant 0 : i32
      %dma_wait3A_734 = tpu.memref_slice %arg10[%dma_wait3A_732, %dma_wait3A_733] : memref<10240x64xi16, #tpu.memory_space<vmem_shared>> -> memref<10240x64xi16, #tpu.memory_space<vmem_shared>>
      %dma_wait3A_735 = tpu.memref_slice %arg12[%dma_wait3A_724] : memref<10x!tpu.dma_semaphore, #tpu.memory_space<semaphore_mem>> -> memref<1x!tpu.dma_semaphore, #tpu.memory_space<semaphore_mem>>
      %dma_wait3A_736 = tpu.memref_squeeze %dma_wait3A_735 : memref<1x!tpu.dma_semaphore, #tpu.memory_space<semaphore_mem>> -> memref<!tpu.dma_semaphore, #tpu.memory_space<semaphore_mem>>
      tpu.wait_indirect_dma semaphore(%dma_wait3A_736 : memref<!tpu.dma_semaphore, #tpu.memory_space<semaphore_mem>>) src(%dma_wait3A_728 : memref<128x64xi16, #tpu.memory_space<vmem>>) dst(%dma_wait3A_734 : memref<10240x64xi16, #tpu.memory_space<vmem_shared>>)
      %lt3A_737 = arith.constant 15 : i32
      %lt3A_738 = arith.cmpi slt, %scan3A_202, %lt3A_737 : i32
      %convert_element_type3A_739 = arith.extui %lt3A_738 : i1 to i32
      %cond3A_740 = arith.constant 0 : i32
      %cond3A_741 = arith.cmpi ne, %convert_element_type3A_739, %cond3A_740 : i32
      scf.if %cond3A_741 {
        %add3A_788 = arith.constant 10 : i32
        %add3A_789 = arith.addi %add3A_722, %add3A_788 : i32
        %dma_start3A_790 = arith.constant 7 : i32
        %dma_start3A_791 = arith.constant 7 : i32
        %dma_start3A_792 = arith.constant 0 : i32
        %dma_start3A_793 = arith.constant 0 : i32
        %dma_start3A_794 = tpu.memref_slice %arg9[%dma_start3A_790, %dma_start3A_792, %dma_start3A_793] : memref<10x128x64xi16, #tpu.memory_space<vmem>> -> memref<1x128x64xi16, #tpu.memory_space<vmem>>
        %dma_start3A_795 = tpu.memref_squeeze %dma_start3A_794 : memref<1x128x64xi16, #tpu.memory_space<vmem>> -> memref<128x64xi16, #tpu.memory_space<vmem>>
        %dma_start3A_796 = arith.constant 0 : i32
        %dma_start3A_797 = tpu.memref_slice %arg7[%add3A_789, %dma_start3A_796] : memref<160x128xi32, #tpu.memory_space<vmem>> -> memref<1x128xi32, #tpu.memory_space<vmem>>
        %dma_start3A_798 = tpu.memref_squeeze %dma_start3A_797 : memref<1x128xi32, #tpu.memory_space<vmem>> -> memref<128xi32, #tpu.memory_space<vmem>>
        %dma_start3A_799 = arith.constant 0 : i32
        %dma_start3A_800 = arith.constant 0 : i32
        %dma_start3A_801 = tpu.memref_slice %arg2[%arg0, %dma_start3A_799, %dma_start3A_800] : memref<2x10240x64xi16, #tpu.memory_space<hbm>> -> memref<1x10240x64xi16, #tpu.memory_space<hbm>>
        %dma_start3A_802 = tpu.memref_squeeze %dma_start3A_801 : memref<1x10240x64xi16, #tpu.memory_space<hbm>> -> memref<10240x64xi16, #tpu.memory_space<hbm>>
        %dma_start3A_803 = arith.constant 0 : i32
        %dma_start3A_804 = arith.constant 0 : i32
        %dma_start3A_805 = tpu.memref_slice %dma_start3A_802[%dma_start3A_803, %dma_start3A_804] : memref<10240x64xi16, #tpu.memory_space<hbm>> -> memref<10240x64xi16, #tpu.memory_space<hbm>>
        %dma_start3A_806 = tpu.memref_slice %arg11[%dma_start3A_791] : memref<10x!tpu.dma_semaphore, #tpu.memory_space<semaphore_mem>> -> memref<1x!tpu.dma_semaphore, #tpu.memory_space<semaphore_mem>>
        %dma_start3A_807 = tpu.memref_squeeze %dma_start3A_806 : memref<1x!tpu.dma_semaphore, #tpu.memory_space<semaphore_mem>> -> memref<!tpu.dma_semaphore, #tpu.memory_space<semaphore_mem>>
        tpu.enqueue_indirect_dma source(%dma_start3A_805 : memref<10240x64xi16, #tpu.memory_space<hbm>>) target(%dma_start3A_795 : memref<128x64xi16, #tpu.memory_space<vmem>>) offsets(%dma_start3A_798 : memref<128xi32, #tpu.memory_space<vmem>>) semaphore(%dma_start3A_807 : memref<!tpu.dma_semaphore, #tpu.memory_space<semaphore_mem>>)
      } else {
      }
      %mul3A_742 = arith.constant 10 : i32
      %mul3A_743 = arith.muli %scan3A_202, %mul3A_742 : i32
      %add3A_744 = arith.constant 8 : i32
      %add3A_745 = arith.addi %mul3A_743, %add3A_744 : i32
      %dma_wait3A_746 = arith.constant 8 : i32
      %dma_wait3A_747 = arith.constant 8 : i32
      %dma_wait3A_748 = arith.constant 0 : i32
      %dma_wait3A_749 = arith.constant 0 : i32
      %dma_wait3A_750 = tpu.memref_slice %arg9[%dma_wait3A_746, %dma_wait3A_748, %dma_wait3A_749] : memref<10x128x64xi16, #tpu.memory_space<vmem>> -> memref<1x128x64xi16, #tpu.memory_space<vmem>>
      %dma_wait3A_751 = tpu.memref_squeeze %dma_wait3A_750 : memref<1x128x64xi16, #tpu.memory_space<vmem>> -> memref<128x64xi16, #tpu.memory_space<vmem>>
      %dma_wait3A_752 = arith.constant 0 : i32
      %dma_wait3A_753 = tpu.memref_slice %arg8[%add3A_745, %dma_wait3A_752] : memref<160x128xi32, #tpu.memory_space<vmem>> -> memref<1x128xi32, #tpu.memory_space<vmem>>
      %dma_wait3A_754 = tpu.memref_squeeze %dma_wait3A_753 : memref<1x128xi32, #tpu.memory_space<vmem>> -> memref<128xi32, #tpu.memory_space<vmem>>
      %dma_wait3A_755 = arith.constant 0 : i32
      %dma_wait3A_756 = arith.constant 0 : i32
      %dma_wait3A_757 = tpu.memref_slice %arg10[%dma_wait3A_755, %dma_wait3A_756] : memref<10240x64xi16, #tpu.memory_space<vmem_shared>> -> memref<10240x64xi16, #tpu.memory_space<vmem_shared>>
      %dma_wait3A_758 = tpu.memref_slice %arg12[%dma_wait3A_747] : memref<10x!tpu.dma_semaphore, #tpu.memory_space<semaphore_mem>> -> memref<1x!tpu.dma_semaphore, #tpu.memory_space<semaphore_mem>>
      %dma_wait3A_759 = tpu.memref_squeeze %dma_wait3A_758 : memref<1x!tpu.dma_semaphore, #tpu.memory_space<semaphore_mem>> -> memref<!tpu.dma_semaphore, #tpu.memory_space<semaphore_mem>>
      tpu.wait_indirect_dma semaphore(%dma_wait3A_759 : memref<!tpu.dma_semaphore, #tpu.memory_space<semaphore_mem>>) src(%dma_wait3A_751 : memref<128x64xi16, #tpu.memory_space<vmem>>) dst(%dma_wait3A_757 : memref<10240x64xi16, #tpu.memory_space<vmem_shared>>)
      %lt3A_760 = arith.constant 15 : i32
      %lt3A_761 = arith.cmpi slt, %scan3A_202, %lt3A_760 : i32
      %convert_element_type3A_762 = arith.extui %lt3A_761 : i1 to i32
      %cond3A_763 = arith.constant 0 : i32
      %cond3A_764 = arith.cmpi ne, %convert_element_type3A_762, %cond3A_763 : i32
      scf.if %cond3A_764 {
        %add3A_788 = arith.constant 10 : i32
        %add3A_789 = arith.addi %add3A_745, %add3A_788 : i32
        %dma_start3A_790 = arith.constant 8 : i32
        %dma_start3A_791 = arith.constant 8 : i32
        %dma_start3A_792 = arith.constant 0 : i32
        %dma_start3A_793 = arith.constant 0 : i32
        %dma_start3A_794 = tpu.memref_slice %arg9[%dma_start3A_790, %dma_start3A_792, %dma_start3A_793] : memref<10x128x64xi16, #tpu.memory_space<vmem>> -> memref<1x128x64xi16, #tpu.memory_space<vmem>>
        %dma_start3A_795 = tpu.memref_squeeze %dma_start3A_794 : memref<1x128x64xi16, #tpu.memory_space<vmem>> -> memref<128x64xi16, #tpu.memory_space<vmem>>
        %dma_start3A_796 = arith.constant 0 : i32
        %dma_start3A_797 = tpu.memref_slice %arg7[%add3A_789, %dma_start3A_796] : memref<160x128xi32, #tpu.memory_space<vmem>> -> memref<1x128xi32, #tpu.memory_space<vmem>>
        %dma_start3A_798 = tpu.memref_squeeze %dma_start3A_797 : memref<1x128xi32, #tpu.memory_space<vmem>> -> memref<128xi32, #tpu.memory_space<vmem>>
        %dma_start3A_799 = arith.constant 0 : i32
        %dma_start3A_800 = arith.constant 0 : i32
        %dma_start3A_801 = tpu.memref_slice %arg2[%arg0, %dma_start3A_799, %dma_start3A_800] : memref<2x10240x64xi16, #tpu.memory_space<hbm>> -> memref<1x10240x64xi16, #tpu.memory_space<hbm>>
        %dma_start3A_802 = tpu.memref_squeeze %dma_start3A_801 : memref<1x10240x64xi16, #tpu.memory_space<hbm>> -> memref<10240x64xi16, #tpu.memory_space<hbm>>
        %dma_start3A_803 = arith.constant 0 : i32
        %dma_start3A_804 = arith.constant 0 : i32
        %dma_start3A_805 = tpu.memref_slice %dma_start3A_802[%dma_start3A_803, %dma_start3A_804] : memref<10240x64xi16, #tpu.memory_space<hbm>> -> memref<10240x64xi16, #tpu.memory_space<hbm>>
        %dma_start3A_806 = tpu.memref_slice %arg11[%dma_start3A_791] : memref<10x!tpu.dma_semaphore, #tpu.memory_space<semaphore_mem>> -> memref<1x!tpu.dma_semaphore, #tpu.memory_space<semaphore_mem>>
        %dma_start3A_807 = tpu.memref_squeeze %dma_start3A_806 : memref<1x!tpu.dma_semaphore, #tpu.memory_space<semaphore_mem>> -> memref<!tpu.dma_semaphore, #tpu.memory_space<semaphore_mem>>
        tpu.enqueue_indirect_dma source(%dma_start3A_805 : memref<10240x64xi16, #tpu.memory_space<hbm>>) target(%dma_start3A_795 : memref<128x64xi16, #tpu.memory_space<vmem>>) offsets(%dma_start3A_798 : memref<128xi32, #tpu.memory_space<vmem>>) semaphore(%dma_start3A_807 : memref<!tpu.dma_semaphore, #tpu.memory_space<semaphore_mem>>)
      } else {
      }
      %mul3A_765 = arith.constant 10 : i32
      %mul3A_766 = arith.muli %scan3A_202, %mul3A_765 : i32
      %add3A_767 = arith.constant 9 : i32
      %add3A_768 = arith.addi %mul3A_766, %add3A_767 : i32
      %dma_wait3A_769 = arith.constant 9 : i32
      %dma_wait3A_770 = arith.constant 9 : i32
      %dma_wait3A_771 = arith.constant 0 : i32
      %dma_wait3A_772 = arith.constant 0 : i32
      %dma_wait3A_773 = tpu.memref_slice %arg9[%dma_wait3A_769, %dma_wait3A_771, %dma_wait3A_772] : memref<10x128x64xi16, #tpu.memory_space<vmem>> -> memref<1x128x64xi16, #tpu.memory_space<vmem>>
      %dma_wait3A_774 = tpu.memref_squeeze %dma_wait3A_773 : memref<1x128x64xi16, #tpu.memory_space<vmem>> -> memref<128x64xi16, #tpu.memory_space<vmem>>
      %dma_wait3A_775 = arith.constant 0 : i32
      %dma_wait3A_776 = tpu.memref_slice %arg8[%add3A_768, %dma_wait3A_775] : memref<160x128xi32, #tpu.memory_space<vmem>> -> memref<1x128xi32, #tpu.memory_space<vmem>>
      %dma_wait3A_777 = tpu.memref_squeeze %dma_wait3A_776 : memref<1x128xi32, #tpu.memory_space<vmem>> -> memref<128xi32, #tpu.memory_space<vmem>>
      %dma_wait3A_778 = arith.constant 0 : i32
      %dma_wait3A_779 = arith.constant 0 : i32
      %dma_wait3A_780 = tpu.memref_slice %arg10[%dma_wait3A_778, %dma_wait3A_779] : memref<10240x64xi16, #tpu.memory_space<vmem_shared>> -> memref<10240x64xi16, #tpu.memory_space<vmem_shared>>
      %dma_wait3A_781 = tpu.memref_slice %arg12[%dma_wait3A_770] : memref<10x!tpu.dma_semaphore, #tpu.memory_space<semaphore_mem>> -> memref<1x!tpu.dma_semaphore, #tpu.memory_space<semaphore_mem>>
      %dma_wait3A_782 = tpu.memref_squeeze %dma_wait3A_781 : memref<1x!tpu.dma_semaphore, #tpu.memory_space<semaphore_mem>> -> memref<!tpu.dma_semaphore, #tpu.memory_space<semaphore_mem>>
      tpu.wait_indirect_dma semaphore(%dma_wait3A_782 : memref<!tpu.dma_semaphore, #tpu.memory_space<semaphore_mem>>) src(%dma_wait3A_774 : memref<128x64xi16, #tpu.memory_space<vmem>>) dst(%dma_wait3A_780 : memref<10240x64xi16, #tpu.memory_space<vmem_shared>>)
      %lt3A_783 = arith.constant 15 : i32
      %lt3A_784 = arith.cmpi slt, %scan3A_202, %lt3A_783 : i32
      %convert_element_type3A_785 = arith.extui %lt3A_784 : i1 to i32
      %cond3A_786 = arith.constant 0 : i32
      %cond3A_787 = arith.cmpi ne, %convert_element_type3A_785, %cond3A_786 : i32
      scf.if %cond3A_787 {
        %add3A_788 = arith.constant 10 : i32
        %add3A_789 = arith.addi %add3A_768, %add3A_788 : i32
        %dma_start3A_790 = arith.constant 9 : i32
        %dma_start3A_791 = arith.constant 9 : i32
        %dma_start3A_792 = arith.constant 0 : i32
        %dma_start3A_793 = arith.constant 0 : i32
        %dma_start3A_794 = tpu.memref_slice %arg9[%dma_start3A_790, %dma_start3A_792, %dma_start3A_793] : memref<10x128x64xi16, #tpu.memory_space<vmem>> -> memref<1x128x64xi16, #tpu.memory_space<vmem>>
        %dma_start3A_795 = tpu.memref_squeeze %dma_start3A_794 : memref<1x128x64xi16, #tpu.memory_space<vmem>> -> memref<128x64xi16, #tpu.memory_space<vmem>>
        %dma_start3A_796 = arith.constant 0 : i32
        %dma_start3A_797 = tpu.memref_slice %arg7[%add3A_789, %dma_start3A_796] : memref<160x128xi32, #tpu.memory_space<vmem>> -> memref<1x128xi32, #tpu.memory_space<vmem>>
        %dma_start3A_798 = tpu.memref_squeeze %dma_start3A_797 : memref<1x128xi32, #tpu.memory_space<vmem>> -> memref<128xi32, #tpu.memory_space<vmem>>
        %dma_start3A_799 = arith.constant 0 : i32
        %dma_start3A_800 = arith.constant 0 : i32
        %dma_start3A_801 = tpu.memref_slice %arg2[%arg0, %dma_start3A_799, %dma_start3A_800] : memref<2x10240x64xi16, #tpu.memory_space<hbm>> -> memref<1x10240x64xi16, #tpu.memory_space<hbm>>
        %dma_start3A_802 = tpu.memref_squeeze %dma_start3A_801 : memref<1x10240x64xi16, #tpu.memory_space<hbm>> -> memref<10240x64xi16, #tpu.memory_space<hbm>>
        %dma_start3A_803 = arith.constant 0 : i32
        %dma_start3A_804 = arith.constant 0 : i32
        %dma_start3A_805 = tpu.memref_slice %dma_start3A_802[%dma_start3A_803, %dma_start3A_804] : memref<10240x64xi16, #tpu.memory_space<hbm>> -> memref<10240x64xi16, #tpu.memory_space<hbm>>
        %dma_start3A_806 = tpu.memref_slice %arg11[%dma_start3A_791] : memref<10x!tpu.dma_semaphore, #tpu.memory_space<semaphore_mem>> -> memref<1x!tpu.dma_semaphore, #tpu.memory_space<semaphore_mem>>
        %dma_start3A_807 = tpu.memref_squeeze %dma_start3A_806 : memref<1x!tpu.dma_semaphore, #tpu.memory_space<semaphore_mem>> -> memref<!tpu.dma_semaphore, #tpu.memory_space<semaphore_mem>>
        tpu.enqueue_indirect_dma source(%dma_start3A_805 : memref<10240x64xi16, #tpu.memory_space<hbm>>) target(%dma_start3A_795 : memref<128x64xi16, #tpu.memory_space<vmem>>) offsets(%dma_start3A_798 : memref<128xi32, #tpu.memory_space<vmem>>) semaphore(%dma_start3A_807 : memref<!tpu.dma_semaphore, #tpu.memory_space<semaphore_mem>>)
      } else {
      }
    }
    %scan3A_196 = arith.constant 16 : i32
    %barrier3A_197 = arith.constant 0 : index
    tpu.barrier barrier_id(%barrier3A_197)
    %mul3A_198 = arith.constant 640 : i32
    %mul3A_199 = arith.muli %arg1, %mul3A_198 : i32
    %mul3A_200 = arith.constant 640 : i32
    %mul3A_201 = arith.muli %arg1, %mul3A_200 : i32
    "tpu.region"() ({
      %run_scoped3A = tpu.sem_alloc : memref<!tpu.dma_semaphore, #tpu.memory_space<semaphore_mem>>
      %dma_start3A_202 = arith.constant 0 : i32
      %dma_start3A_203 = arith.constant 0 : i32
      %dma_start3A_204 = tpu.memref_slice %arg6[%arg0, %dma_start3A_202, %dma_start3A_203] : memref<2x10240x64xi16, #tpu.memory_space<hbm>> -> memref<1x10240x64xi16, #tpu.memory_space<hbm>>
      %dma_start3A_205 = tpu.memref_squeeze %dma_start3A_204 : memref<1x10240x64xi16, #tpu.memory_space<hbm>> -> memref<10240x64xi16, #tpu.memory_space<hbm>>
      %dma_start3A_206 = arith.constant 0 : i32
      %dma_start3A_207 = tpu.memref_slice %dma_start3A_205[%mul3A_201, %dma_start3A_206] : memref<10240x64xi16, #tpu.memory_space<hbm>> -> memref<640x64xi16, #tpu.memory_space<hbm>>
      %dma_start3A_208 = arith.constant 0 : i32
      %dma_start3A_209 = tpu.memref_slice %arg10[%mul3A_199, %dma_start3A_208] : memref<10240x64xi16, #tpu.memory_space<vmem_shared>> -> memref<640x64xi16, #tpu.memory_space<vmem_shared>>
      tpu.enqueue_dma source(%dma_start3A_209 : memref<640x64xi16, #tpu.memory_space<vmem_shared>>) target(%dma_start3A_207 : memref<640x64xi16, #tpu.memory_space<hbm>>) target_semaphore(%run_scoped3A : memref<!tpu.dma_semaphore, #tpu.memory_space<semaphore_mem>>)
      %dma_wait3A = arith.constant 0 : i32
      %dma_wait3A_210 = arith.constant 0 : i32
      %dma_wait3A_211 = tpu.memref_slice %arg6[%arg0, %dma_wait3A, %dma_wait3A_210] : memref<2x10240x64xi16, #tpu.memory_space<hbm>> -> memref<1x10240x64xi16, #tpu.memory_space<hbm>>
      %dma_wait3A_212 = tpu.memref_squeeze %dma_wait3A_211 : memref<1x10240x64xi16, #tpu.memory_space<hbm>> -> memref<10240x64xi16, #tpu.memory_space<hbm>>
      %dma_wait3A_213 = arith.constant 0 : i32
      %dma_wait3A_214 = tpu.memref_slice %dma_wait3A_212[%mul3A_201, %dma_wait3A_213] : memref<10240x64xi16, #tpu.memory_space<hbm>> -> memref<640x64xi16, #tpu.memory_space<hbm>>
      %dma_wait3A_215 = arith.constant 0 : i32
      %dma_wait3A_216 = tpu.memref_slice %arg10[%mul3A_199, %dma_wait3A_215] : memref<10240x64xi16, #tpu.memory_space<vmem_shared>> -> memref<640x64xi16, #tpu.memory_space<vmem_shared>>
      tpu.wait_dma2 semaphore(%run_scoped3A : memref<!tpu.dma_semaphore, #tpu.memory_space<semaphore_mem>>) src(%dma_wait3A_216 : memref<640x64xi16, #tpu.memory_space<vmem_shared>>) dst(%dma_wait3A_214 : memref<640x64xi16, #tpu.memory_space<hbm>>)
      tpu.yield
    }) : () -> ()
    return
  }
}

module attributes {stable_mosaic.version = 14 : i64} {
  func.func @_quant_body(%arg0: i32, %arg1: memref<1024x128xf32, #tpu.memory_space<vmem>>, %arg2: memref<2x1024x64xi16, #tpu.memory_space<vmem>>) attributes {dimension_semantics = [#tpu.dimension_semantics<arbitrary>], iteration_bounds = array<i64: 10>, scalar_prefetch = 0 : i64, scratch_operands = 0 : i64, tpu.core_type = #tpu.core_type<tc>, window_params = [{transform_indices = @transform_0, window_bounds = array<i64: 1024, 128>}, {transform_indices = @transform_1, window_bounds = array<i64: 2, 1024, 64>}]} {
    %get3A = arith.constant 0 : index
    %get3A_0 = arith.constant 0 : index
    %get3A_1 = vector.load %arg1[%get3A, %get3A_0] : memref<1024x128xf32, #tpu.memory_space<vmem>>, vector<1024x128xf32>
    %mul3A = arith.constant 5.120000e+02 : f32
    %mul3A_2 = vector.broadcast %mul3A : f32 to vector<1024x128xf32>
    %mul3A_3 = arith.mulf %get3A_1, %mul3A_2 : vector<1024x128xf32>
    %round3A = math.roundeven %mul3A_3 : vector<1024x128xf32>
    %convert_element_type3A = arith.fptosi %round3A : vector<1024x128xf32> to vector<1024x128xi16>
    %slice3A = vector.extract_strided_slice %convert_element_type3A {offsets = [0, 0], sizes = [1024, 64], strides = [1, 1]} : vector<1024x128xi16> to vector<1024x64xi16>
    %swap3A = arith.constant 0 : index
    %swap3A_4 = arith.constant 0 : index
    %swap3A_5 = arith.constant 0 : index
    %swap3A_6 = vector.load %arg2[%swap3A, %swap3A_4, %swap3A_5] : memref<2x1024x64xi16, #tpu.memory_space<vmem>>, vector<1x1024x64xi16>
    %swap3A_7 = vector.shape_cast %swap3A_6 : vector<1x1024x64xi16> to vector<1024x64xi16>
    %swap3A_8 = vector.shape_cast %slice3A : vector<1024x64xi16> to vector<1x1024x64xi16>
    tpu.vector_store %arg2[%swap3A, %swap3A_4, %swap3A_5], %swap3A_8 {strides = array<i32>} : memref<2x1024x64xi16, #tpu.memory_space<vmem>>, vector<1x1024x64xi16>,
    %slice3A_9 = vector.extract_strided_slice %convert_element_type3A {offsets = [0, 64], sizes = [1024, 64], strides = [1, 1]} : vector<1024x128xi16> to vector<1024x64xi16>
    %swap3A_10 = arith.constant 1 : index
    %swap3A_11 = arith.constant 0 : index
    %swap3A_12 = arith.constant 0 : index
    %swap3A_13 = vector.load %arg2[%swap3A_10, %swap3A_11, %swap3A_12] : memref<2x1024x64xi16, #tpu.memory_space<vmem>>, vector<1x1024x64xi16>
    %swap3A_14 = vector.shape_cast %swap3A_13 : vector<1x1024x64xi16> to vector<1024x64xi16>
    %swap3A_15 = vector.shape_cast %slice3A_9 : vector<1024x64xi16> to vector<1x1024x64xi16>
    tpu.vector_store %arg2[%swap3A_10, %swap3A_11, %swap3A_12], %swap3A_15 {strides = array<i32>} : memref<2x1024x64xi16, #tpu.memory_space<vmem>>, vector<1x1024x64xi16>,
    return
  }
  func.func @transform_0(%arg0: i32) -> (i32, i32) {
    %c0_i32 = arith.constant 0 : i32
    %c0_i32_0 = arith.constant 0 : i32
    return %arg0, %c0_i32 : i32, i32
  }
  func.func @transform_1(%arg0: i32) -> (i32, i32, i32) {
    %c0_i32 = arith.constant 0 : i32
    %c0_i32_0 = arith.constant 0 : i32
    %c0_i32_1 = arith.constant 0 : i32
    return %c0_i32, %arg0, %c0_i32_0 : i32, i32, i32
  }
}

module attributes {stable_mosaic.version = 14 : i64} {
  func.func @_mlp1_body(%arg0: i32, %arg1: memref<1024x128xf32, #tpu.memory_space<vmem>>, %arg2: memref<2x1024x64xi16, #tpu.memory_space<vmem>>, %arg3: memref<128x128xf32, #tpu.memory_space<vmem>>, %arg4: memref<1x128xf32, #tpu.memory_space<vmem>>, %arg5: memref<128x128xf32, #tpu.memory_space<vmem>>, %arg6: memref<1x128xf32, #tpu.memory_space<vmem>>, %arg7: memref<1024x128xf32, #tpu.memory_space<vmem>>, %arg8: memref<8x128xf32, #tpu.memory_space<vmem>>) attributes {dimension_semantics = [#tpu.dimension_semantics<arbitrary>], iteration_bounds = array<i64: 10>, scalar_prefetch = 0 : i64, scratch_operands = 0 : i64, tpu.core_type = #tpu.core_type<tc>, window_params = [{transform_indices = @transform_0, window_bounds = array<i64: 1024, 128>}, {transform_indices = @transform_1, window_bounds = array<i64: 2, 1024, 64>}, {pipeline_mode = #tpu.pipeline_mode<synchronous>, transform_indices = @transform_2, window_bounds = array<i64: 128, 128>}, {pipeline_mode = #tpu.pipeline_mode<synchronous>, transform_indices = @transform_3, window_bounds = array<i64: 1, 128>}, {pipeline_mode = #tpu.pipeline_mode<synchronous>, transform_indices = @transform_4, window_bounds = array<i64: 128, 128>}, {pipeline_mode = #tpu.pipeline_mode<synchronous>, transform_indices = @transform_5, window_bounds = array<i64: 1, 128>}, {transform_indices = @transform_6, window_bounds = array<i64: 1024, 128>}, {pipeline_mode = #tpu.pipeline_mode<synchronous>, transform_indices = @transform_7, window_bounds = array<i64: 8, 128>}]} {
    %get3A = arith.constant 0 : index
    %get3A_0 = arith.constant 0 : index
    %get3A_1 = arith.constant 0 : index
    %get3A_2 = vector.load %arg2[%get3A, %get3A_0, %get3A_1] : memref<2x1024x64xi16, #tpu.memory_space<vmem>>, vector<2x1024x64xi16>
    %convert_element_type3A = arith.sitofp %get3A_2 : vector<2x1024x64xi16> to vector<2x1024x64xf32>
    %get3A_3 = arith.constant 0 : index
    %get3A_4 = arith.constant 0 : index
    %get3A_5 = vector.load %arg1[%get3A_3, %get3A_4] : memref<1024x128xf32, #tpu.memory_space<vmem>>, vector<1024x128xf32>
    %slice3A = vector.extract_strided_slice %convert_element_type3A {offsets = [0, 0, 0], sizes = [1, 1024, 64], strides = [1, 1, 1]} : vector<2x1024x64xf32> to vector<1x1024x64xf32>
    %squeeze3A = vector.shape_cast %slice3A : vector<1x1024x64xf32> to vector<1024x64xf32>
    %slice3A_6 = vector.extract_strided_slice %convert_element_type3A {offsets = [1, 0, 0], sizes = [1, 1024, 64], strides = [1, 1, 1]} : vector<2x1024x64xf32> to vector<1x1024x64xf32>
    %squeeze3A_7 = vector.shape_cast %slice3A_6 : vector<1x1024x64xf32> to vector<1024x64xf32>
    %concatenate3A = tpu.concatenate %squeeze3A, %squeeze3A_7 in 1 : vector<1024x64xf32>, vector<1024x64xf32> -> vector<1024x128xf32>
    %mul3A = arith.constant 0.001953125 : f32
    %mul3A_8 = vector.broadcast %mul3A : f32 to vector<1024x128xf32>
    %mul3A_9 = arith.mulf %concatenate3A, %mul3A_8 : vector<1024x128xf32>
    %add3A = arith.addf %get3A_5, %mul3A_9 : vector<1024x128xf32>
    %get3A_10 = arith.constant 0 : index
    %get3A_11 = arith.constant 0 : index
    %get3A_12 = vector.load %arg3[%get3A_10, %get3A_11] : memref<128x128xf32, #tpu.memory_space<vmem>>, vector<128x128xf32>
    %dot_general3A = arith.constant dense<0.000000e+00> : vector<1024x128xf32>
    %dot_general3A_13 = tpu.matmul %add3A, %get3A_12, %dot_general3A {dimension_numbers = #tpu.dot_dimension_numbers<[1], [0], [0], [1], [0, 0, 1, 1], [], []>, transpose_lhs_hint = false} : vector<1024x128xf32>, vector<128x128xf32>, vector<1024x128xf32> -> vector<1024x128xf32>
    %get3A_14 = arith.constant 0 : index
    %get3A_15 = arith.constant 0 : index
    %get3A_16 = vector.load %arg4[%get3A_14, %get3A_15] : memref<1x128xf32, #tpu.memory_space<vmem>>, vector<1x128xf32>
    %add3A_17 = vector.broadcast %get3A_16 : vector<1x128xf32> to vector<1024x128xf32>
    %add3A_18 = arith.addf %dot_general3A_13, %add3A_17 : vector<1024x128xf32>
    %max3A = arith.constant 0.000000e+00 : f32
    %max3A_19 = vector.broadcast %max3A : f32 to vector<1024x128xf32>
    %max3A_20 = arith.maximumf %add3A_18, %max3A_19 : vector<1024x128xf32>
    %get3A_21 = arith.constant 0 : index
    %get3A_22 = arith.constant 0 : index
    %get3A_23 = vector.load %arg5[%get3A_21, %get3A_22] : memref<128x128xf32, #tpu.memory_space<vmem>>, vector<128x128xf32>
    %dot_general3A_24 = arith.constant dense<0.000000e+00> : vector<1024x128xf32>
    %dot_general3A_25 = tpu.matmul %max3A_20, %get3A_23, %dot_general3A_24 {dimension_numbers = #tpu.dot_dimension_numbers<[1], [0], [0], [1], [0, 0, 1, 1], [], []>, transpose_lhs_hint = false} : vector<1024x128xf32>, vector<128x128xf32>, vector<1024x128xf32> -> vector<1024x128xf32>
    %get3A_26 = arith.constant 0 : index
    %get3A_27 = arith.constant 0 : index
    %get3A_28 = vector.load %arg6[%get3A_26, %get3A_27] : memref<1x128xf32, #tpu.memory_space<vmem>>, vector<1x128xf32>
    %add3A_29 = vector.broadcast %get3A_28 : vector<1x128xf32> to vector<1024x128xf32>
    %add3A_30 = arith.addf %dot_general3A_25, %add3A_29 : vector<1024x128xf32>
    %swap3A = arith.constant 0 : index
    %swap3A_31 = arith.constant 0 : index
    %swap3A_32 = vector.load %arg7[%swap3A, %swap3A_31] : memref<1024x128xf32, #tpu.memory_space<vmem>>, vector<1024x128xf32>
    tpu.vector_store %arg7[%swap3A, %swap3A_31], %add3A_30 {strides = array<i32>} : memref<1024x128xf32, #tpu.memory_space<vmem>>, vector<1024x128xf32>,
    %mul3A_33 = arith.constant 1024 : i32
    %mul3A_34 = arith.muli %arg0, %mul3A_33 : i32
    %iota3A = tpu.iota {dimensions = array<i32: 0>} : vector<1024x1xi32>
    %add3A_35 = vector.broadcast %mul3A_34 : i32 to vector<1024x1xi32>
    %add3A_36 = arith.addi %add3A_35, %iota3A : vector<1024x1xi32>
    %lt3A = arith.constant 10000 : i32
    %lt3A_37 = vector.broadcast %lt3A : i32 to vector<1024x1xi32>
    %lt3A_38 = arith.cmpi slt, %add3A_36, %lt3A_37 : vector<1024x1xi32>
    %jit3A = arith.constant 0.000000e+00 : f32
    %broadcast_in_dim3A = vector.shape_cast %lt3A_38 : vector<1024x1xi1> to vector<1024x1xi1>
    %broadcast_in_dim3A_39 = vector.broadcast %broadcast_in_dim3A : vector<1024x1xi1> to vector<1024x128xi1>
    %broadcast_in_dim3A_40 = vector.broadcast %jit3A : f32 to vector<1024x128xf32>
    %select_n3A = arith.select %broadcast_in_dim3A_39, %add3A_30, %broadcast_in_dim3A_40 : vector<1024x128xi1>, vector<1024x128xf32>
    %reduce_sum3A = arith.constant dense<0.000000e+00> : vector<128xf32>
    %reduce_sum3A_41 = vector.multi_reduction <add>, %select_n3A, %reduce_sum3A [0] : vector<1024x128xf32> to vector<128xf32>
    %broadcast_in_dim3A_42 = vector.shape_cast %reduce_sum3A_41 : vector<128xf32> to vector<1x128xf32>
    %mul3A_43 = arith.mulf %select_n3A, %select_n3A : vector<1024x128xf32>
    %reduce_sum3A_44 = arith.constant dense<0.000000e+00> : vector<128xf32>
    %reduce_sum3A_45 = vector.multi_reduction <add>, %mul3A_43, %reduce_sum3A_44 [0] : vector<1024x128xf32> to vector<128xf32>
    %broadcast_in_dim3A_46 = vector.shape_cast %reduce_sum3A_45 : vector<128xf32> to vector<1x128xf32>
    %broadcast_in_dim3A_47 = arith.constant 0.000000e+00 : f32
    %broadcast_in_dim3A_48 = vector.broadcast %broadcast_in_dim3A_47 : f32 to vector<6x128xf32>
    %concatenate3A_49 = tpu.concatenate %broadcast_in_dim3A_42, %broadcast_in_dim3A_46, %broadcast_in_dim3A_48 in 0 : vector<1x128xf32>, vector<1x128xf32>, vector<6x128xf32> -> vector<8x128xf32>
    %eq3A = arith.constant 0 : i32
    %eq3A_50 = arith.cmpi eq, %arg0, %eq3A : i32
    %convert_element_type3A_51 = arith.extui %eq3A_50 : i1 to i32
    %cond3A = arith.constant 0 : i32
    %cond3A_52 = arith.cmpi ne, %convert_element_type3A_51, %cond3A : i32
    scf.if %cond3A_52 {
      %swap3A_57 = arith.constant 0 : index
      %swap3A_58 = arith.constant 0 : index
      %swap3A_59 = vector.load %arg8[%swap3A_57, %swap3A_58] : memref<8x128xf32, #tpu.memory_space<vmem>>, vector<8x128xf32>
      tpu.vector_store %arg8[%swap3A_57, %swap3A_58], %concatenate3A_49 {strides = array<i32>} : memref<8x128xf32, #tpu.memory_space<vmem>>, vector<8x128xf32>,
    } else {
    }
    %gt3A = arith.constant 0 : i32
    %gt3A_53 = arith.cmpi sgt, %arg0, %gt3A : i32
    %convert_element_type3A_54 = arith.extui %gt3A_53 : i1 to i32
    %cond3A_55 = arith.constant 0 : i32
    %cond3A_56 = arith.cmpi ne, %convert_element_type3A_54, %cond3A_55 : i32
    scf.if %cond3A_56 {
      %get3A_57 = arith.constant 0 : index
      %get3A_58 = arith.constant 0 : index
      %get3A_59 = vector.load %arg8[%get3A_57, %get3A_58] : memref<8x128xf32, #tpu.memory_space<vmem>>, vector<8x128xf32>
      %add3A_60 = arith.addf %get3A_59, %concatenate3A_49 : vector<8x128xf32>
      %swap3A_61 = arith.constant 0 : index
      %swap3A_62 = arith.constant 0 : index
      %swap3A_63 = vector.load %arg8[%swap3A_61, %swap3A_62] : memref<8x128xf32, #tpu.memory_space<vmem>>, vector<8x128xf32>
      tpu.vector_store %arg8[%swap3A_61, %swap3A_62], %add3A_60 {strides = array<i32>} : memref<8x128xf32, #tpu.memory_space<vmem>>, vector<8x128xf32>,
    } else {
    }
    return
  }
  func.func @transform_0(%arg0: i32) -> (i32, i32) {
    %c0_i32 = arith.constant 0 : i32
    %c0_i32_0 = arith.constant 0 : i32
    return %arg0, %c0_i32 : i32, i32
  }
  func.func @transform_1(%arg0: i32) -> (i32, i32, i32) {
    %c0_i32 = arith.constant 0 : i32
    %c0_i32_0 = arith.constant 0 : i32
    %c0_i32_1 = arith.constant 0 : i32
    return %c0_i32, %arg0, %c0_i32_0 : i32, i32, i32
  }
  func.func @transform_2(%arg0: i32) -> (i32, i32) {
    %c0_i32 = arith.constant 0 : i32
    %c0_i32_0 = arith.constant 0 : i32
    %c0_i32_1 = arith.constant 0 : i32
    return %c0_i32, %c0_i32_0 : i32, i32
  }
  func.func @transform_3(%arg0: i32) -> (i32, i32) {
    %c0_i32 = arith.constant 0 : i32
    %c0_i32_0 = arith.constant 0 : i32
    %c0_i32_1 = arith.constant 0 : i32
    return %c0_i32, %c0_i32_0 : i32, i32
  }
  func.func @transform_4(%arg0: i32) -> (i32, i32) {
    %c0_i32 = arith.constant 0 : i32
    %c0_i32_0 = arith.constant 0 : i32
    %c0_i32_1 = arith.constant 0 : i32
    return %c0_i32, %c0_i32_0 : i32, i32
  }
  func.func @transform_5(%arg0: i32) -> (i32, i32) {
    %c0_i32 = arith.constant 0 : i32
    %c0_i32_0 = arith.constant 0 : i32
    %c0_i32_1 = arith.constant 0 : i32
    return %c0_i32, %c0_i32_0 : i32, i32
  }
  func.func @transform_6(%arg0: i32) -> (i32, i32) {
    %c0_i32 = arith.constant 0 : i32
    %c0_i32_0 = arith.constant 0 : i32
    return %arg0, %c0_i32 : i32, i32
  }
  func.func @transform_7(%arg0: i32) -> (i32, i32) {
    %c0_i32 = arith.constant 0 : i32
    %c0_i32_0 = arith.constant 0 : i32
    %c0_i32_1 = arith.constant 0 : i32
    return %c0_i32, %c0_i32_0 : i32, i32
  }
}

module attributes {stable_mosaic.version = 14 : i64} {
  func.func @_bn_body(%arg0: i32, %arg1: memref<1024x128xf32, #tpu.memory_space<vmem>>, %arg2: memref<8x128xf32, #tpu.memory_space<vmem>>, %arg3: memref<1x128xf32, #tpu.memory_space<vmem>>, %arg4: memref<1x128xf32, #tpu.memory_space<vmem>>, %arg5: memref<2x1024x64xi16, #tpu.memory_space<vmem>>) attributes {dimension_semantics = [#tpu.dimension_semantics<arbitrary>], iteration_bounds = array<i64: 10>, scalar_prefetch = 0 : i64, scratch_operands = 0 : i64, tpu.core_type = #tpu.core_type<tc>, window_params = [{transform_indices = @transform_0, window_bounds = array<i64: 1024, 128>}, {pipeline_mode = #tpu.pipeline_mode<synchronous>, transform_indices = @transform_1, window_bounds = array<i64: 8, 128>}, {pipeline_mode = #tpu.pipeline_mode<synchronous>, transform_indices = @transform_2, window_bounds = array<i64: 1, 128>}, {pipeline_mode = #tpu.pipeline_mode<synchronous>, transform_indices = @transform_3, window_bounds = array<i64: 1, 128>}, {transform_indices = @transform_4, window_bounds = array<i64: 2, 1024, 64>}]} {
    %get3A = arith.constant 0 : index
    %get3A_0 = arith.constant 0 : index
    %get3A_1 = vector.load %arg2[%get3A, %get3A_0] : memref<8x128xf32, #tpu.memory_space<vmem>>, vector<8x128xf32>
    %slice3A = vector.extract_strided_slice %get3A_1 {offsets = [0, 0], sizes = [1, 128], strides = [1, 1]} : vector<8x128xf32> to vector<1x128xf32>
    %mul3A = arith.constant 9.99999974E-5 : f32
    %mul3A_2 = vector.broadcast %mul3A : f32 to vector<1x128xf32>
    %mul3A_3 = arith.mulf %slice3A, %mul3A_2 : vector<1x128xf32>
    %slice3A_4 = vector.extract_strided_slice %get3A_1 {offsets = [1, 0], sizes = [1, 128], strides = [1, 1]} : vector<8x128xf32> to vector<1x128xf32>
    %mul3A_5 = arith.constant 9.99999974E-5 : f32
    %mul3A_6 = vector.broadcast %mul3A_5 : f32 to vector<1x128xf32>
    %mul3A_7 = arith.mulf %slice3A_4, %mul3A_6 : vector<1x128xf32>
    %mul3A_8 = arith.mulf %mul3A_3, %mul3A_3 : vector<1x128xf32>
    %sub3A = arith.subf %mul3A_7, %mul3A_8 : vector<1x128xf32>
    %get3A_9 = arith.constant 0 : index
    %get3A_10 = arith.constant 0 : index
    %get3A_11 = vector.load %arg3[%get3A_9, %get3A_10] : memref<1x128xf32, #tpu.memory_space<vmem>>, vector<1x128xf32>
    %add3A = arith.constant 9.99999974E-6 : f32
    %add3A_12 = vector.broadcast %add3A : f32 to vector<1x128xf32>
    %add3A_13 = arith.addf %sub3A, %add3A_12 : vector<1x128xf32>
    %rsqrt3A = math.rsqrt %add3A_13 : vector<1x128xf32>
    %mul3A_14 = arith.mulf %get3A_11, %rsqrt3A : vector<1x128xf32>
    %get3A_15 = arith.constant 0 : index
    %get3A_16 = arith.constant 0 : index
    %get3A_17 = vector.load %arg4[%get3A_15, %get3A_16] : memref<1x128xf32, #tpu.memory_space<vmem>>, vector<1x128xf32>
    %mul3A_18 = arith.mulf %mul3A_3, %mul3A_14 : vector<1x128xf32>
    %sub3A_19 = arith.subf %get3A_17, %mul3A_18 : vector<1x128xf32>
    %get3A_20 = arith.constant 0 : index
    %get3A_21 = arith.constant 0 : index
    %get3A_22 = vector.load %arg1[%get3A_20, %get3A_21] : memref<1024x128xf32, #tpu.memory_space<vmem>>, vector<1024x128xf32>
    %mul3A_23 = vector.broadcast %mul3A_14 : vector<1x128xf32> to vector<1024x128xf32>
    %mul3A_24 = arith.mulf %get3A_22, %mul3A_23 : vector<1024x128xf32>
    %add3A_25 = vector.broadcast %sub3A_19 : vector<1x128xf32> to vector<1024x128xf32>
    %add3A_26 = arith.addf %mul3A_24, %add3A_25 : vector<1024x128xf32>
    %mul3A_27 = arith.constant 5.120000e+02 : f32
    %mul3A_28 = vector.broadcast %mul3A_27 : f32 to vector<1024x128xf32>
    %mul3A_29 = arith.mulf %add3A_26, %mul3A_28 : vector<1024x128xf32>
    %round3A = math.roundeven %mul3A_29 : vector<1024x128xf32>
    %convert_element_type3A = arith.fptosi %round3A : vector<1024x128xf32> to vector<1024x128xi16>
    %slice3A_30 = vector.extract_strided_slice %convert_element_type3A {offsets = [0, 0], sizes = [1024, 64], strides = [1, 1]} : vector<1024x128xi16> to vector<1024x64xi16>
    %swap3A = arith.constant 0 : index
    %swap3A_31 = arith.constant 0 : index
    %swap3A_32 = arith.constant 0 : index
    %swap3A_33 = vector.load %arg5[%swap3A, %swap3A_31, %swap3A_32] : memref<2x1024x64xi16, #tpu.memory_space<vmem>>, vector<1x1024x64xi16>
    %swap3A_34 = vector.shape_cast %swap3A_33 : vector<1x1024x64xi16> to vector<1024x64xi16>
    %swap3A_35 = vector.shape_cast %slice3A_30 : vector<1024x64xi16> to vector<1x1024x64xi16>
    tpu.vector_store %arg5[%swap3A, %swap3A_31, %swap3A_32], %swap3A_35 {strides = array<i32>} : memref<2x1024x64xi16, #tpu.memory_space<vmem>>, vector<1x1024x64xi16>,
    %slice3A_36 = vector.extract_strided_slice %convert_element_type3A {offsets = [0, 64], sizes = [1024, 64], strides = [1, 1]} : vector<1024x128xi16> to vector<1024x64xi16>
    %swap3A_37 = arith.constant 1 : index
    %swap3A_38 = arith.constant 0 : index
    %swap3A_39 = arith.constant 0 : index
    %swap3A_40 = vector.load %arg5[%swap3A_37, %swap3A_38, %swap3A_39] : memref<2x1024x64xi16, #tpu.memory_space<vmem>>, vector<1x1024x64xi16>
    %swap3A_41 = vector.shape_cast %swap3A_40 : vector<1x1024x64xi16> to vector<1024x64xi16>
    %swap3A_42 = vector.shape_cast %slice3A_36 : vector<1024x64xi16> to vector<1x1024x64xi16>
    tpu.vector_store %arg5[%swap3A_37, %swap3A_38, %swap3A_39], %swap3A_42 {strides = array<i32>} : memref<2x1024x64xi16, #tpu.memory_space<vmem>>, vector<1x1024x64xi16>,
    return
  }
  func.func @transform_0(%arg0: i32) -> (i32, i32) {
    %c0_i32 = arith.constant 0 : i32
    %c0_i32_0 = arith.constant 0 : i32
    return %arg0, %c0_i32 : i32, i32
  }
  func.func @transform_1(%arg0: i32) -> (i32, i32) {
    %c0_i32 = arith.constant 0 : i32
    %c0_i32_0 = arith.constant 0 : i32
    %c0_i32_1 = arith.constant 0 : i32
    return %c0_i32, %c0_i32_0 : i32, i32
  }
  func.func @transform_2(%arg0: i32) -> (i32, i32) {
    %c0_i32 = arith.constant 0 : i32
    %c0_i32_0 = arith.constant 0 : i32
    %c0_i32_1 = arith.constant 0 : i32
    return %c0_i32, %c0_i32_0 : i32, i32
  }
  func.func @transform_3(%arg0: i32) -> (i32, i32) {
    %c0_i32 = arith.constant 0 : i32
    %c0_i32_0 = arith.constant 0 : i32
    %c0_i32_1 = arith.constant 0 : i32
    return %c0_i32, %c0_i32_0 : i32, i32
  }
  func.func @transform_4(%arg0: i32) -> (i32, i32, i32) {
    %c0_i32 = arith.constant 0 : i32
    %c0_i32_0 = arith.constant 0 : i32
    %c0_i32_1 = arith.constant 0 : i32
    return %c0_i32, %arg0, %c0_i32_0 : i32, i32, i32
  }
}

module attributes {stable_mosaic.version = 14 : i64} {
  func.func @_mlp2_body(%arg0: i32, %arg1: memref<1024x128xf32, #tpu.memory_space<vmem>>, %arg2: memref<8x128xf32, #tpu.memory_space<vmem>>, %arg3: memref<1x128xf32, #tpu.memory_space<vmem>>, %arg4: memref<1x128xf32, #tpu.memory_space<vmem>>, %arg5: memref<2x1024x64xi16, #tpu.memory_space<vmem>>, %arg6: memref<128x128xf32, #tpu.memory_space<vmem>>, %arg7: memref<1x128xf32, #tpu.memory_space<vmem>>, %arg8: memref<128x128xf32, #tpu.memory_space<vmem>>, %arg9: memref<1x128xf32, #tpu.memory_space<vmem>>, %arg10: memref<128x16xf32, #tpu.memory_space<vmem>>, %arg11: memref<1x16xf32, #tpu.memory_space<vmem>>, %arg12: memref<1024x16xf32, #tpu.memory_space<vmem>>) attributes {dimension_semantics = [#tpu.dimension_semantics<arbitrary>], iteration_bounds = array<i64: 10>, scalar_prefetch = 0 : i64, scratch_operands = 0 : i64, tpu.core_type = #tpu.core_type<tc>, window_params = [{transform_indices = @transform_0, window_bounds = array<i64: 1024, 128>}, {pipeline_mode = #tpu.pipeline_mode<synchronous>, transform_indices = @transform_1, window_bounds = array<i64: 8, 128>}, {pipeline_mode = #tpu.pipeline_mode<synchronous>, transform_indices = @transform_2, window_bounds = array<i64: 1, 128>}, {pipeline_mode = #tpu.pipeline_mode<synchronous>, transform_indices = @transform_3, window_bounds = array<i64: 1, 128>}, {transform_indices = @transform_4, window_bounds = array<i64: 2, 1024, 64>}, {pipeline_mode = #tpu.pipeline_mode<synchronous>, transform_indices = @transform_5, window_bounds = array<i64: 128, 128>}, {pipeline_mode = #tpu.pipeline_mode<synchronous>, transform_indices = @transform_6, window_bounds = array<i64: 1, 128>}, {pipeline_mode = #tpu.pipeline_mode<synchronous>, transform_indices = @transform_7, window_bounds = array<i64: 128, 128>}, {pipeline_mode = #tpu.pipeline_mode<synchronous>, transform_indices = @transform_8, window_bounds = array<i64: 1, 128>}, {pipeline_mode = #tpu.pipeline_mode<synchronous>, transform_indices = @transform_9, window_bounds = array<i64: 128, 16>}, {pipeline_mode = #tpu.pipeline_mode<synchronous>, transform_indices = @transform_10, window_bounds = array<i64: 1, 16>}, {transform_indices = @transform_11, window_bounds = array<i64: 1024, 16>}]} {
    %get3A = arith.constant 0 : index
    %get3A_0 = arith.constant 0 : index
    %get3A_1 = vector.load %arg2[%get3A, %get3A_0] : memref<8x128xf32, #tpu.memory_space<vmem>>, vector<8x128xf32>
    %slice3A = vector.extract_strided_slice %get3A_1 {offsets = [0, 0], sizes = [1, 128], strides = [1, 1]} : vector<8x128xf32> to vector<1x128xf32>
    %mul3A = arith.constant 9.99999974E-5 : f32
    %mul3A_2 = vector.broadcast %mul3A : f32 to vector<1x128xf32>
    %mul3A_3 = arith.mulf %slice3A, %mul3A_2 : vector<1x128xf32>
    %slice3A_4 = vector.extract_strided_slice %get3A_1 {offsets = [1, 0], sizes = [1, 128], strides = [1, 1]} : vector<8x128xf32> to vector<1x128xf32>
    %mul3A_5 = arith.constant 9.99999974E-5 : f32
    %mul3A_6 = vector.broadcast %mul3A_5 : f32 to vector<1x128xf32>
    %mul3A_7 = arith.mulf %slice3A_4, %mul3A_6 : vector<1x128xf32>
    %mul3A_8 = arith.mulf %mul3A_3, %mul3A_3 : vector<1x128xf32>
    %sub3A = arith.subf %mul3A_7, %mul3A_8 : vector<1x128xf32>
    %get3A_9 = arith.constant 0 : index
    %get3A_10 = arith.constant 0 : index
    %get3A_11 = vector.load %arg3[%get3A_9, %get3A_10] : memref<1x128xf32, #tpu.memory_space<vmem>>, vector<1x128xf32>
    %add3A = arith.constant 9.99999974E-6 : f32
    %add3A_12 = vector.broadcast %add3A : f32 to vector<1x128xf32>
    %add3A_13 = arith.addf %sub3A, %add3A_12 : vector<1x128xf32>
    %rsqrt3A = math.rsqrt %add3A_13 : vector<1x128xf32>
    %mul3A_14 = arith.mulf %get3A_11, %rsqrt3A : vector<1x128xf32>
    %get3A_15 = arith.constant 0 : index
    %get3A_16 = arith.constant 0 : index
    %get3A_17 = vector.load %arg4[%get3A_15, %get3A_16] : memref<1x128xf32, #tpu.memory_space<vmem>>, vector<1x128xf32>
    %mul3A_18 = arith.mulf %mul3A_3, %mul3A_14 : vector<1x128xf32>
    %sub3A_19 = arith.subf %get3A_17, %mul3A_18 : vector<1x128xf32>
    %get3A_20 = arith.constant 0 : index
    %get3A_21 = arith.constant 0 : index
    %get3A_22 = vector.load %arg1[%get3A_20, %get3A_21] : memref<1024x128xf32, #tpu.memory_space<vmem>>, vector<1024x128xf32>
    %mul3A_23 = vector.broadcast %mul3A_14 : vector<1x128xf32> to vector<1024x128xf32>
    %mul3A_24 = arith.mulf %get3A_22, %mul3A_23 : vector<1024x128xf32>
    %add3A_25 = vector.broadcast %sub3A_19 : vector<1x128xf32> to vector<1024x128xf32>
    %add3A_26 = arith.addf %mul3A_24, %add3A_25 : vector<1024x128xf32>
    %get3A_27 = arith.constant 0 : index
    %get3A_28 = arith.constant 0 : index
    %get3A_29 = arith.constant 0 : index
    %get3A_30 = vector.load %arg5[%get3A_27, %get3A_28, %get3A_29] : memref<2x1024x64xi16, #tpu.memory_space<vmem>>, vector<2x1024x64xi16>
    %convert_element_type3A = arith.sitofp %get3A_30 : vector<2x1024x64xi16> to vector<2x1024x64xf32>
    %slice3A_31 = vector.extract_strided_slice %convert_element_type3A {offsets = [0, 0, 0], sizes = [1, 1024, 64], strides = [1, 1, 1]} : vector<2x1024x64xf32> to vector<1x1024x64xf32>
    %squeeze3A = vector.shape_cast %slice3A_31 : vector<1x1024x64xf32> to vector<1024x64xf32>
    %slice3A_32 = vector.extract_strided_slice %convert_element_type3A {offsets = [1, 0, 0], sizes = [1, 1024, 64], strides = [1, 1, 1]} : vector<2x1024x64xf32> to vector<1x1024x64xf32>
    %squeeze3A_33 = vector.shape_cast %slice3A_32 : vector<1x1024x64xf32> to vector<1024x64xf32>
    %concatenate3A = tpu.concatenate %squeeze3A, %squeeze3A_33 in 1 : vector<1024x64xf32>, vector<1024x64xf32> -> vector<1024x128xf32>
    %mul3A_34 = arith.constant 0.001953125 : f32
    %mul3A_35 = vector.broadcast %mul3A_34 : f32 to vector<1024x128xf32>
    %mul3A_36 = arith.mulf %concatenate3A, %mul3A_35 : vector<1024x128xf32>
    %add3A_37 = arith.addf %add3A_26, %mul3A_36 : vector<1024x128xf32>
    %get3A_38 = arith.constant 0 : index
    %get3A_39 = arith.constant 0 : index
    %get3A_40 = vector.load %arg6[%get3A_38, %get3A_39] : memref<128x128xf32, #tpu.memory_space<vmem>>, vector<128x128xf32>
    %dot_general3A = arith.constant dense<0.000000e+00> : vector<1024x128xf32>
    %dot_general3A_41 = tpu.matmul %add3A_37, %get3A_40, %dot_general3A {dimension_numbers = #tpu.dot_dimension_numbers<[1], [0], [0], [1], [0, 0, 1, 1], [], []>, transpose_lhs_hint = false} : vector<1024x128xf32>, vector<128x128xf32>, vector<1024x128xf32> -> vector<1024x128xf32>
    %get3A_42 = arith.constant 0 : index
    %get3A_43 = arith.constant 0 : index
    %get3A_44 = vector.load %arg7[%get3A_42, %get3A_43] : memref<1x128xf32, #tpu.memory_space<vmem>>, vector<1x128xf32>
    %add3A_45 = vector.broadcast %get3A_44 : vector<1x128xf32> to vector<1024x128xf32>
    %add3A_46 = arith.addf %dot_general3A_41, %add3A_45 : vector<1024x128xf32>
    %max3A = arith.constant 0.000000e+00 : f32
    %max3A_47 = vector.broadcast %max3A : f32 to vector<1024x128xf32>
    %max3A_48 = arith.maximumf %add3A_46, %max3A_47 : vector<1024x128xf32>
    %get3A_49 = arith.constant 0 : index
    %get3A_50 = arith.constant 0 : index
    %get3A_51 = vector.load %arg8[%get3A_49, %get3A_50] : memref<128x128xf32, #tpu.memory_space<vmem>>, vector<128x128xf32>
    %dot_general3A_52 = arith.constant dense<0.000000e+00> : vector<1024x128xf32>
    %dot_general3A_53 = tpu.matmul %max3A_48, %get3A_51, %dot_general3A_52 {dimension_numbers = #tpu.dot_dimension_numbers<[1], [0], [0], [1], [0, 0, 1, 1], [], []>, transpose_lhs_hint = false} : vector<1024x128xf32>, vector<128x128xf32>, vector<1024x128xf32> -> vector<1024x128xf32>
    %get3A_54 = arith.constant 0 : index
    %get3A_55 = arith.constant 0 : index
    %get3A_56 = vector.load %arg9[%get3A_54, %get3A_55] : memref<1x128xf32, #tpu.memory_space<vmem>>, vector<1x128xf32>
    %add3A_57 = vector.broadcast %get3A_56 : vector<1x128xf32> to vector<1024x128xf32>
    %add3A_58 = arith.addf %dot_general3A_53, %add3A_57 : vector<1024x128xf32>
    %get3A_59 = arith.constant 0 : index
    %get3A_60 = arith.constant 0 : index
    %get3A_61 = vector.load %arg10[%get3A_59, %get3A_60] : memref<128x16xf32, #tpu.memory_space<vmem>>, vector<128x16xf32>
    %dot_general3A_62 = arith.constant dense<0.000000e+00> : vector<1024x16xf32>
    %dot_general3A_63 = tpu.matmul %add3A_58, %get3A_61, %dot_general3A_62 {dimension_numbers = #tpu.dot_dimension_numbers<[1], [0], [0], [1], [0, 0, 1, 1], [], []>, transpose_lhs_hint = false} : vector<1024x128xf32>, vector<128x16xf32>, vector<1024x16xf32> -> vector<1024x16xf32>
    %get3A_64 = arith.constant 0 : index
    %get3A_65 = arith.constant 0 : index
    %get3A_66 = vector.load %arg11[%get3A_64, %get3A_65] : memref<1x16xf32, #tpu.memory_space<vmem>>, vector<1x16xf32>
    %add3A_67 = vector.broadcast %get3A_66 : vector<1x16xf32> to vector<1024x16xf32>
    %add3A_68 = arith.addf %dot_general3A_63, %add3A_67 : vector<1024x16xf32>
    %swap3A = arith.constant 0 : index
    %swap3A_69 = arith.constant 0 : index
    %swap3A_70 = vector.load %arg12[%swap3A, %swap3A_69] : memref<1024x16xf32, #tpu.memory_space<vmem>>, vector<1024x16xf32>
    tpu.vector_store %arg12[%swap3A, %swap3A_69], %add3A_68 {strides = array<i32>} : memref<1024x16xf32, #tpu.memory_space<vmem>>, vector<1024x16xf32>,
    return
  }
  func.func @transform_0(%arg0: i32) -> (i32, i32) {
    %c0_i32 = arith.constant 0 : i32
    %c0_i32_0 = arith.constant 0 : i32
    return %arg0, %c0_i32 : i32, i32
  }
  func.func @transform_1(%arg0: i32) -> (i32, i32) {
    %c0_i32 = arith.constant 0 : i32
    %c0_i32_0 = arith.constant 0 : i32
    %c0_i32_1 = arith.constant 0 : i32
    return %c0_i32, %c0_i32_0 : i32, i32
  }
  func.func @transform_2(%arg0: i32) -> (i32, i32) {
    %c0_i32 = arith.constant 0 : i32
    %c0_i32_0 = arith.constant 0 : i32
    %c0_i32_1 = arith.constant 0 : i32
    return %c0_i32, %c0_i32_0 : i32, i32
  }
  func.func @transform_3(%arg0: i32) -> (i32, i32) {
    %c0_i32 = arith.constant 0 : i32
    %c0_i32_0 = arith.constant 0 : i32
    %c0_i32_1 = arith.constant 0 : i32
    return %c0_i32, %c0_i32_0 : i32, i32
  }
  func.func @transform_4(%arg0: i32) -> (i32, i32, i32) {
    %c0_i32 = arith.constant 0 : i32
    %c0_i32_0 = arith.constant 0 : i32
    %c0_i32_1 = arith.constant 0 : i32
    return %c0_i32, %arg0, %c0_i32_0 : i32, i32, i32
  }
  func.func @transform_5(%arg0: i32) -> (i32, i32) {
    %c0_i32 = arith.constant 0 : i32
    %c0_i32_0 = arith.constant 0 : i32
    %c0_i32_1 = arith.constant 0 : i32
    return %c0_i32, %c0_i32_0 : i32, i32
  }
  func.func @transform_6(%arg0: i32) -> (i32, i32) {
    %c0_i32 = arith.constant 0 : i32
    %c0_i32_0 = arith.constant 0 : i32
    %c0_i32_1 = arith.constant 0 : i32
    return %c0_i32, %c0_i32_0 : i32, i32
  }
  func.func @transform_7(%arg0: i32) -> (i32, i32) {
    %c0_i32 = arith.constant 0 : i32
    %c0_i32_0 = arith.constant 0 : i32
    %c0_i32_1 = arith.constant 0 : i32
    return %c0_i32, %c0_i32_0 : i32, i32
  }
  func.func @transform_8(%arg0: i32) -> (i32, i32) {
    %c0_i32 = arith.constant 0 : i32
    %c0_i32_0 = arith.constant 0 : i32
    %c0_i32_1 = arith.constant 0 : i32
    return %c0_i32, %c0_i32_0 : i32, i32
  }
  func.func @transform_9(%arg0: i32) -> (i32, i32) {
    %c0_i32 = arith.constant 0 : i32
    %c0_i32_0 = arith.constant 0 : i32
    %c0_i32_1 = arith.constant 0 : i32
    return %c0_i32, %c0_i32_0 : i32, i32
  }
  func.func @transform_10(%arg0: i32) -> (i32, i32) {
    %c0_i32 = arith.constant 0 : i32
    %c0_i32_0 = arith.constant 0 : i32
    %c0_i32_1 = arith.constant 0 : i32
    return %c0_i32, %c0_i32_0 : i32, i32
  }
  func.func @transform_11(%arg0: i32) -> (i32, i32) {
    %c0_i32 = arith.constant 0 : i32
    %c0_i32_0 = arith.constant 0 : i32
    return %arg0, %c0_i32 : i32, i32
  }
}

</mosaic_0001>

<sc_bundles>
// kernel: kernel.11.cloned.1.call-start
scs
__scs_entry_jumppad:
0x0: {  	(pc) =	sbr.rel $0x88, $3  }
0x1: {  	(tag) =	ssettag $0x0;
	lr =	simm.s32 $0x1  }
0x2: {  	[smem:$0x3F93] =	sst lr;
	_ =	strace $0xD0000000  }
0x3: {  	_ = 	snop  }
0x4: {  	_ = 	snop  }
0x5: {  	_ = 	snop  }
0x6: {  	_ = 	snop  }
0x7: {  	_ = 	snop  }
__scs_overlays_trampoline_lowered:
0x8: {  	[smem:$0x3FA2] =	sst s0  }
0x9: {  	[smem:$0x3FA3] =	sst s1  }
0xa: {  	[smem:$0x3FA4] =	sst s2  }
0xb: {  	[smem:$0x3FA5] =	sst s3  }
0xc: {  	[smem:$0x3FA6] =	sst s4  }
0xd: {  	[smem:$0x3FA7] =	sst s5  }
0xe: {  	[smem:$0x3FA8] =	sst s6  }
0xf: {  	[smem:$0x3FA9] =	sst s7  }
0x10: {  	[smem:$0x3FAA] =	sst s8  }
0x11: {  	[smem:$0x3FAB] =	sst s9;
	s0 =	simm.s32 @!p0 $0x0  }
0x12: {  	s1 =	sld [smem:$0x3F91];
	s0 =	simm.s32 @p0 $0x1  }
0x13: {  	[smem:$0x3FAC] =	sst s0;
	s0 =	simm.s32 @!p1 $0x0  }
0x14: {  	s2 =	sld [smem:$0x3F90];
	s0 =	simm.s32 @p1 $0x1  }
0x15: {  	[smem:$0x3FAD] =	sst s0;
	s0 =	simm.s32 @!p2 $0x0  }
0x16: {  	s3 =	sld [smem:$0x3FDB];
	s0 =	simm.s32 @p2 $0x1  }
0x17: {  	s4 =	simm.s32 $0x1BF5;
	[smem:$0x3FAF] =	sst s0  }
0x18: {  	s0 =	sld [smem:$0x3F92];
	_ =	swait.ge [sflag:s4], $0x0  }
0x19: {  	s7 =	sld [smem:$0x3F93]  }
0x1a: {  	s8 =	sadd.s32 $0xFFFFE003, lr  }
0x1b: {  	s9 =	sadd.s32 $0xFFFFFEF7, lr;
	s5 =	simm.s32 $0xFFFFFFFF;
	p2 =	slt.u32 s8, $0xFFFFF086  }
0x1c: {  	p1 =	slt.u32 s9, $0xF7A;
	s5 =	simm.s32 @!p2 $0x0  }
0x1d: {  	s5 =	simm.s32 @p1 $0x1;
	p0 =	seq.s32 s7, s2  }
0x1e: {  	s7 =	smul.u32 @!p0 $0xF7A, s2;
	p2 =	seq.s32 @!p0 s5, $0x0  }
0x1f: {  	s9 =	smul.u32 $0xF7A, s1;
	s8 =	simm.s32 @!p0 $0x1BF5;
	p2 =	por !p2, p0  }
0x20: {  	[sflag:s8] =	ssyncset.s32 @!p0 $0xFFFFF086;
	s6 =	sadd.s32 @!p0 s3, s7;
	s7 =	simm.s32 @!p0 $0x108  }
0x21: {  	s3 =	sadd.s32 s3, s9;
	s6 =	sadd.s32 @!p0 $0x88, s6;
	s7 =	simm.s32 @p2 $0x1082  }
0x22: {  	[simem:s7], [sflag:s8] =	dma.local @!p0 [hbm:s6], $0xF7A  }
0x23: {  	s9 =	sor.u32 $0xD0000000, s2;
	s6 =	simm.s32 $0x108;
	_ =	swait.ge @!p0 [sflag:s8], $0x0  }
0x24: {  	s3 =	sadd.s32 $0x88, s3;
	s6 =	simm.s32 @!p1 $0x1082;
	[sflag:s4] =	ssyncset.s32 $0xFFFFF086  }
0x25: {  	[simem:s6], [sflag:s4] =	dma.local [hbm:s3], $0xF7A  }
0x26: {  	[smem:$0x3F93] =	sst s1;
	(tag) =	ssettag s2;
	_ =	strace s9  }
0x27: {  	s1 =	sld [smem:$0x3FA3]  }
0x28: {  	s2 =	sld [smem:$0x3FA4]  }
0x29: {  	s4 =	sld [smem:$0x3FA6]  }
0x2a: {  	p0 =	seq.s32 s5, $0x0;
	s5 =	sld [smem:$0x3FA7]  }
0x2b: {  	s6 =	sld [smem:$0x3FA8]  }
0x2c: {  	s7 =	sld [smem:$0x3FA9]  }
0x2d: {  	s3 =	simm.s32 $0x108;
	s8 =	sld [smem:$0x3FAA]  }
0x2e: {  	s3 =	simm.s32 @!p0 $0x1082;
	s9 =	sld [smem:$0x3FAB]  }
0x2f: {  	lr =	sadd.s32 s0, s3;
	s0 =	sld [smem:$0x3FA2]  }
0x30: {  	s3 =	sld [smem:$0x3FA5]  }
0x31: {  	[smem:$0x3FAE] =	sst s10  }
0x32: {  	s10 =	sld [smem:$0x3FAC];
	_ =	sdelay $0x3  }
0x33: {  	p0 =	seq.s32 s10, $0x1;
	s10 =	sld [smem:$0x3FAE];
	_ =	sdelay $0x3  }
0x34: {  	[smem:$0x3FAE] =	sst s10  }
0x35: {  	s10 =	sld [smem:$0x3FAD];
	_ =	sdelay $0x3  }
0x36: {  	p1 =	seq.s32 s10, $0x1;
	s10 =	sld [smem:$0x3FAE];
	_ =	sdelay $0x3  }
0x37: {  	[smem:$0x3FAE] =	sst s10  }
0x38: {  	s10 =	sld [smem:$0x3FAF]  }
0x39: {  	_ = 	snop;
	(pc) =	sbr.ind lr, $3  }
0x3a: {  	_ = 	snop  }
0x3b: {  	_ = 	snop  }
0x3c: {  	p2 =	seq.s32 s10, $0x1;
	s10 =	sld [smem:$0x3FAE]  }
0x3d: {  	_ =	shalt  }
0x3e: {  	_ =	shalt  }
0x3f: {  	_ =	shalt  }
0x40: {  	_ =	shalt  }
0x41: {  	_ =	shalt  }
0x42: {  	_ =	shalt  }
0x43: {  	_ =	shalt  }
0x44: {  	_ =	shalt  }
0x45: {  	_ =	shalt  }
0x46: {  	_ =	shalt  }
0x47: {  	_ =	shalt  }
0x48: {  	_ =	shalt  }
0x49: {  	_ =	shalt  }
0x4a: {  	_ =	shalt  }
0x4b: {  	_ =	shalt  }
0x4c: {  	_ =	shalt  }
0x4d: {  	_ =	shalt  }
0x4e: {  	_ =	shalt  }
0x4f: {  	_ =	shalt  }
0x50: {  	_ =	shalt  }
0x51: {  	_ =	shalt  }
0x52: {  	_ =	shalt  }
0x53: {  	_ =	shalt  }
0x54: {  	_ =	shalt  }
0x55: {  	_ =	shalt  }
0x56: {  	_ =	shalt  }
0x57: {  	_ =	shalt  }
0x58: {  	_ =	shalt  }
0x59: {  	_ =	shalt  }
0x5a: {  	_ =	shalt  }
0x5b: {  	_ =	shalt  }
0x5c: {  	_ =	shalt  }
0x5d: {  	_ =	shalt  }
0x5e: {  	_ =	shalt  }
0x5f: {  	_ =	shalt  }
0x60: {  	_ =	shalt  }
0x61: {  	_ =	shalt  }
0x62: {  	_ =	shalt  }
0x63: {  	_ =	shalt  }
0x64: {  	_ =	shalt  }
0x65: {  	_ =	shalt  }
0x66: {  	_ =	shalt  }
0x67: {  	_ =	shalt  }
0x68: {  	_ =	shalt  }
0x69: {  	_ =	shalt  }
0x6a: {  	_ =	shalt  }
0x6b: {  	_ =	shalt  }
0x6c: {  	_ =	shalt  }
0x6d: {  	_ =	shalt  }
0x6e: {  	_ =	shalt  }
0x6f: {  	_ =	shalt  }
0x70: {  	_ =	shalt  }
0x71: {  	_ =	shalt  }
0x72: {  	_ =	shalt  }
0x73: {  	_ =	shalt  }
0x74: {  	_ =	shalt  }
0x75: {  	_ =	shalt  }
0x76: {  	_ =	shalt  }
0x77: {  	_ =	shalt  }
0x78: {  	_ =	shalt  }
0x79: {  	_ =	shalt  }
0x7a: {  	_ =	shalt  }
0x7b: {  	_ =	shalt  }
0x7c: {  	_ =	shalt  }
0x7d: {  	_ =	shalt  }
0x7e: {  	_ =	shalt  }
0x7f: {  	_ =	shalt  }
0x80: {  	_ =	shalt  }
0x81: {  	_ =	shalt  }
0x82: {  	_ =	shalt  }
0x83: {  	_ =	shalt  }
0x84: {  	_ =	shalt  }
0x85: {  	_ =	shalt  }
0x86: {  	_ =	shalt  }
0x87: {  	_ =	shalt  }
.Lfunc_end0:
.L_simem_size_0:
called_computation.1_lowered:
.L_overlay_start_0:
0x88: {  	s2 =	sld [smem:$0x3FD9]  }
0x89: {  	s3 =	sld [smem:$0x3FFE];
	_ =	sdelay $0x1  }
0x8a: {  	s1 =	srdreg.scid  }
0x8b: {  	s0 =	sand.u32 $0x1, s1  }
0x8c: {  	s16 =	sshll.u32 s0, $0xA;
	s2 =	sadd.s32 s3, s2  }
0x8d: {  	s2 =	sadd.s32 s2, s16  }
0x8e: {  	[smem:$0x3FBA] =	sst s2  }
0x8f: {  	_ = 	snop  }
0x90: {  	(tm) =	ssettm $0x1  }
0x91: {  	s17 =	sld [smem:$0x3FFB];
	_ =	sdelay $0x3  }
0x92: {  	_ =	strace s17  }
0x93: {  	s2 =	sld [smem:$0x3FFC];
	_ =	sdelay $0x3  }
0x94: {  	_ =	strace s2  }
0x95: {  	s2 =	sld [smem:$0x3FFD];
	_ =	sdelay $0x3  }
0x96: {  	_ =	strace s2  }
0x97: {  	_ =	strace $0x8FFFFFFF  }
0x98: {  	s18 =	sld [smem:$0x3FDB];
	_ =	sdelay $0x1  }
0x99: {  	s19 =	simm.s32 $_scs_section_size  }
0x9a: {  	s4 =	simm.s32 $_size__tile_overlayer_lowered;
	s5 =	simm.s32 $_tile_overlayer_lowered  }
0x9b: {  	s22 =	simm.s32 $0x1BFF;
	s21 =	sshll.u32 s5, $0x1;
	s2 =	sadd.s32 s19, s18  }
0x9c: {  	s6 =	simm.s32 $0x0;
	s20 =	sshll.u32 s4, $0x1;
	s4 =	sadd.s32 s21, s2  }
0x9d: {  	[timem:s6], [sflag:s22] =	dma.local [hbm:s4], s20  }
0x9e: {  	_ =	swait.ge [sflag:s22], s20  }
0x9f: {  	s3 =	ssub.s32 $0x0, s20;
	[sflag:s22] =	ssyncset.done $0x0  }
0xa0: {  	[sflag:s22] =	ssyncadd.s32 s3;
	_ =	sdelay $0x1  }
0xa1: {  	s23 =	simm.s32 $0x1B8B  }
0xa2: {  	_ =	swait.ge [sflag:s23], $0x1  }
0xa3: {  	[sflag:s23] =	ssyncset.done $0x0  }
0xa4: {  	s25 =	simm.s32 $0x1B8E;
	s24 =	sld [smem:$0x3FFE];
	[sflag:s23] =	ssyncadd.s32 $0xFFFFFFFF  }
0xa5: {  	s26 =	simm.s32 $execute0_lowered;
	[smem:$0x3FD2] =	sst s25  }
0xa6: {  	s4 =	sshll.u32 s26, $0x1;
	_ =	strace $0x80000049;
	[dreg:$0x1] =	wrdreg $0xFFFFFFFF  }
0xa7: {  	s28 =	simm.s32 $_size_execute0_lowered;
	s2 =	sadd.s32 s2, s4;
	[dreg:$0x0] =	wrdreg $0x0  }
0xa8: {  	s4 =	sshll.u32 s28, $0x1;
	[dreg:$0x2] =	wrdreg s2  }
0xa9: {  	[dreg:$0x3] =	wrdreg s4  }
0xaa: {  	[dreg:$0x4] =	wrdreg $0xC0  }
0xab: {  	_ =	task [dreg:s6], $0x5FFFF  }
0xac: {  	[dreg:$0x1] =	wrdreg $0xFFFFFFFF  }
0xad: {  	[dreg:$0x0] =	wrdreg $0x60  }
0xae: {  	[dreg:$0x2] =	wrdreg s24  }
0xaf: {  	[dreg:$0x3] =	wrdreg $0x140000  }
0xb0: {  	[dreg:$0x4] =	wrdreg $0x9  }
0xb1: {  	_ =	task.clear_ibuf [dreg:s6], $0x5FFFF;
	_ =	strace $0x90000049  }
0xb2: {  	s29 =	simm.s32 $0x9;
	_ =	strace $0x8000004B  }
0xb3: {  	_ =	swait.ge [sflag:s29], $0x1  }
0xb4: {  	[sflag:s29] =	ssyncadd.s32 $0xFFFFFFFF  }
0xb5: {  	_ =	strace $0x9000004B  }
0xb6: {  	_ =	sfence  }
0xb7: {  	s30 =	sld [smem:$0x0];
	_ =	sdelay $0x2  }
0xb8: {  	s31 =	sshll.u32 s1, $0xD;
	s1 =	sshrl.u32 s1, $0x2  }
0xb9: {  	s3 =	sand.u32 $0x4000, s31;
	s1 =	sadd.s32 s1, s30  }
0xba: {  	s0 =	sor.u32 s3, s0;
	s1 =	sshll.u32 s1, $0x11  }
0xbb: {  	s0 =	sor.u32 s1, s0  }
0xbc: {  	s0 =	sadd.s32 $0x8F2B, s0  }
0xbd: {  	[sflag:s0] =	ssyncadd.remote.s32 $0x1  }
0xbe: {  	_ =	sfence.sel $0xFFFF  }
0xbf: {  	[dreg:$0x0] =	wrdreg $0xFFFFFFFF;
	(pc) =	sbr.abs _section_cstart, $3  }
0xc0: {  	[dreg:$0x1] =	wrdreg $0xFFFFFFFF  }
0xc1: {  	_ =	task.clear_ibuf [dreg:s6], $0x2FFFF;
	_ =	strace $0x9FFFFFFF  }
0xc2: {  	(tm) =	ssettm $0x7FFFFFFF  }
0xc3: {  	_ =	shalt  }
tec
execute0_lowered:
.L_overlay_start_1:
0x0: {  	(tag) =	ssettag $0x1  }
0x1: {  	s0 =	rddreg [dreg:$0x0]  }
0x2: {  	s2 =	rddreg [dreg:$0x1]  }
0x3: {  	s9 =	stileid.u32;
	s4 =	simm.s32 $0x0;
	s3 =	srdreg.scid  }
0x4: {  	s21 =	simm.s32 $0x15;
	s13 =	simm.s32 $0x80;
	s28 =	simm.s32 $0x7  }
0x5: {  	s30 =	simm.s32 $0x8;
	s11 =	simm.s32 $0x10;
	s12 =	simm.s32 $0x11  }
0x6: {  	s14 =	simm.s32 $0x13;
	s15 =	simm.s32 $0x14;
	s29 =	simm.s32 $0xC000  }
0x7: {  	s31 =	simm.s32 $0xD000;
	s18 =	simm.s32 $0x11000;
	s1 =	smul.u32 $0xA00, s9  }
0x8: {  	s20 =	simm.s32 $0x13000;
	[smem:$0x7FF] =	sst s4;
	s22 =	smul.u32 $0xA000, s9  }
0x9: {  	s3 =	sand.u32 $0x1, s3;
	s26 =	sshll.u32 s9, $0x6;
	s4 =	simm.s32 $0xA  }
0xa: {  	s9 =	simm.s32 $0x12;
	_ =	strace $0x8000004A;
	s5 =	smul.u32 $0xA000, s3  }
0xb: {  	s3 =	ssub.s32 $0x2, s3;
	s19 =	sor.u32 $0x1C15, s26;
	s26 =	simm.s32 $0xB000  }
0xc: {  	s1 =	sadd.s32 s1, s0;
	s6 =	sshrl.u32 s22, $0x4;
	s7 =	sshrl.u32 s3, $0x1  }
0xd: {  	s24 =	sshrl.u32 s22, $0x1;
	[dreg:$0x7] =	wrdreg s19;
	s8 =	sadd.s32 s6, s0  }
0xe: {  	s0 =	sadd.s32 s5, s0;
	s3 =	ssub.s32 s3, s7;
	s23 =	sadd.s32 $0x29C00, s1  }
0xf: {  	s1 =	sadd.s32 $0x1FC00, s1;
	s5 =	simm.s32 $0xB;
	[dreg:$0x3] =	wrdreg s23  }
0x10: {  	[dreg:$0x4] =	wrdreg s1;
	s1 =	sadd.s32 s24, s2;
	s25 =	sadd.s32 $0x15C00, s8  }
0x11: {  	s7 =	sadd.s32 $0x1C00, s0;
	s0 =	sadd.s32 $0x33C00, s0;
	s3 =	smax.u32 s3, $0x1  }
.Ltmp0:
0x12: {  	s8 =	simm.s32 $0xD;
	[dreg:$0x5] =	wrdreg s25;
	(pc) =	sbr.rel .LBB2_1-.Ltmp0, $4  }
0x13: {  	s24 =	simm.s32 $0xE;
	s23 =	simm.s32 $0x12000;
	[dreg:$0x6] =	wrdreg s3  }
0x14: {  	s10 =	sshrl.u32 s1, $0x3;
	s0 =	sadd.s32 s6, s0;
	s25 =	simm.s32 $0x6  }
0x15: {  	s6 =	simm.s32 $0xC;
	s3 =	simm.s32 $0xF;
	[dreg:$0x9] =	wrdreg s0  }
0x16: {  	s1 =	simm.s32 $0x0;
	s0 =	simm.s32 $0x9;
	[dreg:$0x8] =	wrdreg s10  }
.LBB2_4:
0x17: {  	_ =	swait.ge [sflag:s6], $0x1000  }
0x18: {  	[sflag:s6] =	ssyncset.done $0x0  }
0x19: {  	[sflag:s6] =	ssyncadd.s32 $0xFFFFF000  }
0x1a: {  	_ =	swait.ge [sflag:s8], $0x1000  }
0x1b: {  	[sflag:s8] =	ssyncset.done $0x0  }
0x1c: {  	[sflag:s8] =	ssyncadd.s32 $0xFFFFF000  }
0x1d: {  	_ =	swait.ge [sflag:s24], $0x1000  }
0x1e: {  	[sflag:s24] =	ssyncset.done $0x0  }
0x1f: {  	[sflag:s24] =	ssyncadd.s32 $0xFFFFF000  }
0x20: {  	_ =	swait.ge [sflag:s3], $0x1000  }
0x21: {  	[sflag:s3] =	ssyncset.done $0x0  }
0x22: {  	[sflag:s3] =	ssyncadd.s32 $0xFFFFF000  }
0x23: {  	_ =	swait.ge [sflag:s11], $0x1000  }
0x24: {  	[sflag:s11] =	ssyncset.done $0x0  }
0x25: {  	[sflag:s11] =	ssyncadd.s32 $0xFFFFF000  }
0x26: {  	_ =	swait.ge [sflag:s12], $0x1000  }
0x27: {  	[sflag:s12] =	ssyncset.done $0x0  }
0x28: {  	[sflag:s12] =	ssyncadd.s32 $0xFFFFF000  }
0x29: {  	_ =	swait.ge [sflag:s9], $0x1000  }
0x2a: {  	[sflag:s9] =	ssyncset.done $0x0  }
0x2b: {  	[sflag:s9] =	ssyncadd.s32 $0xFFFFF000  }
0x2c: {  	_ =	swait.ge [sflag:s14], $0x1000  }
0x2d: {  	[sflag:s14] =	ssyncset.done $0x0  }
0x2e: {  	[sflag:s14] =	ssyncadd.s32 $0xFFFFF000  }
0x2f: {  	_ =	swait.ge [sflag:s15], $0x1000  }
0x30: {  	[sflag:s15] =	ssyncset.done $0x0  }
0x31: {  	[sflag:s15] =	ssyncadd.s32 $0xFFFFF000  }
0x32: {  	[bflag:$0x0] =	sbarrier.arrive $0xFFFF  }
0x33: {  	s19 =	rddreg [dreg:$0x7]  }
0x34: {  	s10 =	rddreg [dreg:$0x8]  }
0x35: {  	s21 =	simm.s32 $0x15;
	s1 =	rddreg [dreg:$0x9]  }
0x36: {  	[hbm:s1], [sflag:s19] =	dma.local [spmem:s10], $0xA00  }
0x37: {  	_ =	swait.ge [sflag:s21], $0xA00  }
0x38: {  	s22 =	rddreg [dreg:$0xa]  }
0x39: {  	s17 =	rddreg [dreg:$0x6];
	s1 =	sadd.s32 $0x1, s22  }
0x3a: {  	p0 =	sne.s32 s1, s17  }
.Ltmp1:
0x3b: {  	_ = 	snop;
	(pc) =	sbr.rel @!p0 .LBB2_5-.Ltmp1, $3  }
0x3c: {  	_ =	sdelay $0x1  }
0x3d: {  	[sflag:s21] =	ssyncset.done $0x0  }
0x3e: {  	[sflag:s21] =	ssyncadd.s32 $0xFFFFF600  }
.LBB2_1:
0x3f: {  	[dreg:$0xa] =	wrdreg s1  }
0x40: {  	s16 =	simm.s32 $0x0;
	s17 =	rddreg [dreg:$0x3]  }
0x41: {  	[tilespmem:s16], [sflag:$0x15] =	stream.linear.gather [hbm4b:s17+s16], $0x5000, $0x38;
	[tilespmem:$0x19000] =	vst v63  }
0x42: {  	_ =	swait.ge [sflag:s21], $0x5000  }
0x43: {  	[sflag:s21] =	ssyncset.done $0x0  }
0x44: {  	s17 =	simm.s32 $0x5000;
	s22 =	rddreg [dreg:$0x4];
	[sflag:s21] =	ssyncadd.s32 $0xFFFFB000  }
0x45: {  	[tilespmem:s17], [sflag:$0x15] =	stream.linear.gather [hbm4b:s22+s16], $0x5000, $0x38;
	[tilespmem:$0x19000] =	vst v63  }
0x46: {  	_ =	swait.ge [sflag:s21], $0x5000  }
0x47: {  	[sflag:s21] =	ssyncset.done $0x0  }
0x48: {  	s1 =	smov.u32 s19;
	s17 =	rddreg [dreg:$0x5];
	[sflag:s21] =	ssyncadd.s32 $0xFFFFB000  }
0x49: {  	[spmem:s10], [sflag:s1] =	dma.local [hbm:s17], $0xA00  }
0x4a: {  	_ =	swait.ge [sflag:s21], $0xA00  }
0x4b: {  	[sflag:s21] =	ssyncset.done $0x0  }
0x4c: {  	[sflag:s21] =	ssyncadd.s32 $0xFFFFF600  }
0x4d: {  	s22 =	simm.s32 $0xA000;
	[bflag:$0x0] =	sbarrier.arrive $0xFFFF  }
0x4e: {  	[tilespmem:s22], [sflag:$0x1] =	stream.indirect.gather [hbm4b:s7+s13], $0x20, s16, s13, $0xb8;
	[tilespmem:$0x19000] =	vst v63  }
0x4f: {  	_ = 	snop  }
0x50: {  	[tilespmem:s26], [sflag:$0x2] =	stream.indirect.gather [hbm4b:s7+s13], $0x20, s13, s13, $0xb8;
	[tilespmem:$0x19000] =	vst v63  }
0x51: {  	s10 =	simm.s32 $0x100  }
0x52: {  	[tilespmem:s29], [sflag:$0x3] =	stream.indirect.gather [hbm4b:s7+s13], $0x20, s10, s13, $0xb8;
	[tilespmem:$0x19000] =	vst v63  }
0x53: {  	s16 =	simm.s32 $0x180  }
0x54: {  	[tilespmem:s31], [sflag:$0x4] =	stream.indirect.gather [hbm4b:s7+s13], $0x20, s16, s13, $0xb8;
	[tilespmem:$0x19000] =	vst v63  }
0x55: {  	s19 =	simm.s32 $0x200;
	s1 =	simm.s32 $0xE000  }
0x56: {  	[tilespmem:s1], [sflag:$0x5] =	stream.indirect.gather [hbm4b:s7+s13], $0x20, s19, s13, $0xb8;
	[tilespmem:$0x19000] =	vst v63  }
0x57: {  	s21 =	simm.s32 $0x280;
	s10 =	simm.s32 $0xF000  }
0x58: {  	[tilespmem:s10], [sflag:$0x6] =	stream.indirect.gather [hbm4b:s7+s13], $0x20, s21, s13, $0xb8;
	[tilespmem:$0x19000] =	vst v63  }
0x59: {  	s22 =	simm.s32 $0x300;
	s16 =	simm.s32 $0x10000  }
0x5a: {  	[tilespmem:s16], [sflag:$0x7] =	stream.indirect.gather [hbm4b:s7+s13], $0x20, s22, s13, $0xb8;
	[tilespmem:$0x19000] =	vst v63  }
0x5b: {  	s19 =	simm.s32 $0x380  }
0x5c: {  	[tilespmem:s18], [sflag:$0x8] =	stream.indirect.gather [hbm4b:s7+s13], $0x20, s19, s13, $0xb8;
	[tilespmem:$0x19000] =	vst v63  }
0x5d: {  	s21 =	simm.s32 $0x400  }
0x5e: {  	[tilespmem:s23], [sflag:$0x9] =	stream.indirect.gather [hbm4b:s7+s13], $0x20, s21, s13, $0xb8;
	[tilespmem:$0x19000] =	vst v63  }
0x5f: {  	s17 =	simm.s32 $0x0;
	s22 =	simm.s32 $0x480  }
0x60: {  	[tilespmem:s20], [sflag:$0xA] =	stream.indirect.gather [hbm4b:s7+s13], $0x20, s22, s13, $0xb8;
	[tilespmem:$0x19000] =	vst v63  }
.LBB2_2:
0x61: {  	s21 =	simm.s32 $0x1  }
0x62: {  	_ =	swait.ge [sflag:s21], $0x1000  }
0x63: {  	s19 =	sshra.s32 s17, $0x2;
	[sflag:s21] =	ssyncset.done $0x0  }
0x64: {  	s22 =	simm.s32 $0xA000;
	[sflag:s21] =	ssyncadd.s32 $0xFFFFF000;
	s21 =	sadd.s32 $0x5000, s19  }
0x65: {  	[spmem:s2] =	stream.indirect.scatter.add.s16 [tilespmem:s22], [sflag:$0xB], $0x20, s21, s13, $0xb8;
	[tilespmem:$0x19000] =	vst v63  }
0x66: {  	s22 =	simm.s32 $0x2  }
0x67: {  	_ =	swait.ge [sflag:s22], $0x1000  }
0x68: {  	[sflag:s22] =	ssyncset.done $0x0  }
0x69: {  	[sflag:s22] =	ssyncadd.s32 $0xFFFFF000;
	s22 =	sadd.s32 $0x5080, s19  }
0x6a: {  	[spmem:s2] =	stream.indirect.scatter.add.s16 [tilespmem:s26], [sflag:$0xC], $0x20, s22, s13, $0xb8;
	[tilespmem:$0x19000] =	vst v63  }
0x6b: {  	s22 =	simm.s32 $0x3  }
0x6c: {  	_ =	swait.ge [sflag:s22], $0x1000  }
0x6d: {  	[sflag:s22] =	ssyncset.done $0x0  }
0x6e: {  	[sflag:s22] =	ssyncadd.s32 $0xFFFFF000;
	s22 =	sadd.s32 $0x5100, s19  }
0x6f: {  	[spmem:s2] =	stream.indirect.scatter.add.s16 [tilespmem:s29], [sflag:$0xD], $0x20, s22, s13, $0xb8;
	[tilespmem:$0x19000] =	vst v63  }
0x70: {  	s22 =	simm.s32 $0x4  }
0x71: {  	_ =	swait.ge [sflag:s22], $0x1000  }
0x72: {  	[sflag:s22] =	ssyncset.done $0x0  }
0x73: {  	[sflag:s22] =	ssyncadd.s32 $0xFFFFF000;
	s22 =	sadd.s32 $0x5180, s19  }
0x74: {  	[spmem:s2] =	stream.indirect.scatter.add.s16 [tilespmem:s31], [sflag:$0xE], $0x20, s22, s13, $0xb8;
	[tilespmem:$0x19000] =	vst v63  }
0x75: {  	s22 =	simm.s32 $0x5  }
0x76: {  	_ =	swait.ge [sflag:s22], $0x1000  }
0x77: {  	[sflag:s22] =	ssyncset.done $0x0  }
0x78: {  	[sflag:s22] =	ssyncadd.s32 $0xFFFFF000;
	s22 =	sadd.s32 $0x5200, s19  }
0x79: {  	[spmem:s2] =	stream.indirect.scatter.add.s16 [tilespmem:s1], [sflag:$0xF], $0x20, s22, s13, $0xb8;
	[tilespmem:$0x19000] =	vst v63  }
0x7a: {  	_ =	swait.ge [sflag:s25], $0x1000  }
0x7b: {  	[sflag:s25] =	ssyncset.done $0x0  }
0x7c: {  	s22 =	sadd.s32 $0x5280, s19;
	[sflag:s25] =	ssyncadd.s32 $0xFFFFF000  }
0x7d: {  	[spmem:s2] =	stream.indirect.scatter.add.s16 [tilespmem:s10], [sflag:$0x10], $0x20, s22, s13, $0xb8;
	[tilespmem:$0x19000] =	vst v63  }
0x7e: {  	_ =	swait.ge [sflag:s28], $0x1000  }
0x7f: {  	[sflag:s28] =	ssyncset.done $0x0  }
0x80: {  	s22 =	sadd.s32 $0x5300, s19;
	[sflag:s28] =	ssyncadd.s32 $0xFFFFF000  }
0x81: {  	[spmem:s2] =	stream.indirect.scatter.add.s16 [tilespmem:s16], [sflag:$0x11], $0x20, s22, s13, $0xb8;
	[tilespmem:$0x19000] =	vst v63  }
0x82: {  	_ =	swait.ge [sflag:s30], $0x1000  }
0x83: {  	[sflag:s30] =	ssyncset.done $0x0  }
0x84: {  	s22 =	sadd.s32 $0x5380, s19;
	[sflag:s30] =	ssyncadd.s32 $0xFFFFF000  }
0x85: {  	[spmem:s2] =	stream.indirect.scatter.add.s16 [tilespmem:s18], [sflag:$0x12], $0x20, s22, s13, $0xb8;
	[tilespmem:$0x19000] =	vst v63  }
0x86: {  	_ =	swait.ge [sflag:s0], $0x1000  }
0x87: {  	[sflag:s0] =	ssyncset.done $0x0  }
0x88: {  	s22 =	sadd.s32 $0x5400, s19;
	[sflag:s0] =	ssyncadd.s32 $0xFFFFF000  }
0x89: {  	[spmem:s2] =	stream.indirect.scatter.add.s16 [tilespmem:s23], [sflag:$0x13], $0x20, s22, s13, $0xb8;
	[tilespmem:$0x19000] =	vst v63  }
0x8a: {  	_ =	swait.ge [sflag:s4], $0x1000  }
0x8b: {  	p0 =	seq.s32 s17, $0x12C00;
	[sflag:s4] =	ssyncset.done $0x0  }
.Ltmp2:
0x8c: {  	s22 =	sadd.s32 $0x5480, s19;
	[sflag:s4] =	ssyncadd.s32 $0xFFFFF000;
	(pc) =	sbr.rel @p0 .LBB2_4-.Ltmp2, $4  }
0x8d: {  	[spmem:s2] =	stream.indirect.scatter.add.s16 [tilespmem:s20], [sflag:$0x14], $0x20, s22, s13, $0xb8;
	[tilespmem:$0x19000] =	vst v63  }
0x8e: {  	_ =	swait.ge [sflag:s5], $0x1000  }
0x8f: {  	[sflag:s5] =	ssyncset.done $0x0  }
0x90: {  	[sflag:s5] =	ssyncadd.s32 $0xFFFFF000  }
0x91: {  	s21 =	sadd.s32 $0x500, s19;
	s22 =	simm.s32 $0xA000  }
0x92: {  	[tilespmem:s22], [sflag:$0x1] =	stream.indirect.gather [hbm4b:s7+s13], $0x20, s21, s13, $0xb8;
	[tilespmem:$0x19000] =	vst v63  }
0x93: {  	_ =	swait.ge [sflag:s6], $0x1000  }
0x94: {  	[sflag:s6] =	ssyncset.done $0x0  }
0x95: {  	s22 =	sadd.s32 $0x580, s19;
	[sflag:s6] =	ssyncadd.s32 $0xFFFFF000  }
0x96: {  	[tilespmem:s26], [sflag:$0x2] =	stream.indirect.gather [hbm4b:s7+s13], $0x20, s22, s13, $0xb8;
	[tilespmem:$0x19000] =	vst v63  }
0x97: {  	_ =	swait.ge [sflag:s8], $0x1000  }
0x98: {  	[sflag:s8] =	ssyncset.done $0x0  }
0x99: {  	s22 =	sadd.s32 $0x600, s19;
	[sflag:s8] =	ssyncadd.s32 $0xFFFFF000  }
0x9a: {  	[tilespmem:s29], [sflag:$0x3] =	stream.indirect.gather [hbm4b:s7+s13], $0x20, s22, s13, $0xb8;
	[tilespmem:$0x19000] =	vst v63  }
0x9b: {  	_ =	swait.ge [sflag:s24], $0x1000  }
0x9c: {  	[sflag:s24] =	ssyncset.done $0x0  }
0x9d: {  	s22 =	sadd.s32 $0x680, s19;
	[sflag:s24] =	ssyncadd.s32 $0xFFFFF000  }
0x9e: {  	[tilespmem:s31], [sflag:$0x4] =	stream.indirect.gather [hbm4b:s7+s13], $0x20, s22, s13, $0xb8;
	[tilespmem:$0x19000] =	vst v63  }
0x9f: {  	_ =	swait.ge [sflag:s3], $0x1000  }
0xa0: {  	[sflag:s3] =	ssyncset.done $0x0  }
0xa1: {  	s22 =	sadd.s32 $0x700, s19;
	[sflag:s3] =	ssyncadd.s32 $0xFFFFF000  }
0xa2: {  	[tilespmem:s1], [sflag:$0x5] =	stream.indirect.gather [hbm4b:s7+s13], $0x20, s22, s13, $0xb8;
	[tilespmem:$0x19000] =	vst v63  }
0xa3: {  	_ =	swait.ge [sflag:s11], $0x1000  }
0xa4: {  	[sflag:s11] =	ssyncset.done $0x0  }
0xa5: {  	s22 =	sadd.s32 $0x780, s19;
	[sflag:s11] =	ssyncadd.s32 $0xFFFFF000  }
0xa6: {  	[tilespmem:s10], [sflag:$0x6] =	stream.indirect.gather [hbm4b:s7+s13], $0x20, s22, s13, $0xb8;
	[tilespmem:$0x19000] =	vst v63  }
0xa7: {  	_ =	swait.ge [sflag:s12], $0x1000  }
0xa8: {  	[sflag:s12] =	ssyncset.done $0x0  }
0xa9: {  	s22 =	sadd.s32 $0x800, s19;
	[sflag:s12] =	ssyncadd.s32 $0xFFFFF000  }
0xaa: {  	[tilespmem:s16], [sflag:$0x7] =	stream.indirect.gather [hbm4b:s7+s13], $0x20, s22, s13, $0xb8;
	[tilespmem:$0x19000] =	vst v63  }
0xab: {  	_ =	swait.ge [sflag:s9], $0x1000  }
0xac: {  	[sflag:s9] =	ssyncset.done $0x0  }
0xad: {  	s22 =	sadd.s32 $0x880, s19;
	[sflag:s9] =	ssyncadd.s32 $0xFFFFF000  }
0xae: {  	[tilespmem:s18], [sflag:$0x8] =	stream.indirect.gather [hbm4b:s7+s13], $0x20, s22, s13, $0xb8;
	[tilespmem:$0x19000] =	vst v63  }
0xaf: {  	_ =	swait.ge [sflag:s14], $0x1000  }
0xb0: {  	[sflag:s14] =	ssyncset.done $0x0  }
0xb1: {  	s22 =	sadd.s32 $0x900, s19;
	[sflag:s14] =	ssyncadd.s32 $0xFFFFF000  }
0xb2: {  	[tilespmem:s23], [sflag:$0x9] =	stream.indirect.gather [hbm4b:s7+s13], $0x20, s22, s13, $0xb8;
	[tilespmem:$0x19000] =	vst v63  }
.Ltmp3:
0xb3: {  	_ = 	snop;
	(pc) =	sbr.rel .LBB2_2-.Ltmp3, $4  }
0xb4: {  	_ =	swait.ge [sflag:s15], $0x1000  }
0xb5: {  	[sflag:s15] =	ssyncset.done $0x0  }
0xb6: {  	s17 =	sadd.s32 $0x1400, s17;
	s22 =	sadd.s32 $0x980, s19;
	[sflag:s15] =	ssyncadd.s32 $0xFFFFF000  }
0xb7: {  	[tilespmem:s20], [sflag:$0xA] =	stream.indirect.gather [hbm4b:s7+s13], $0x20, s22, s13, $0xb8;
	[tilespmem:$0x19000] =	vst v63  }
.LBB2_5:
0xb8: {  	_ =	sfence.sel $0x180000  }
0xb9: {  	[bflag:$0x0] =	sbarrier.arrive $0xFFFF  }
0xba: {  	_ =	strace $0x9000004A  }
0xbb: {  	s0 =	stileid.u32;
	[bflag:$0x2] =	sbarrier.arrive $0xFFFF  }
0xbc: {  	p0 =	sne.s32 s0, $0x0;
	s0 =	rddreg [dreg:$0x2]  }
0xbd: {  	s0 =	sadd.s32 @!p0 $0x100000, s0  }
0xbe: {  	[sflag:s0] =	ssyncadd.tile.s32 @!p0 $0x1;
	_ =	shalt  }
.Lfunc_end2:
_tile_overlayer_lowered:
.L_overlay_start_2:
0xbf: {  	(tag) =	ssettag $0x2  }
0xc0: {  	s0 =	rddreg [dreg:$0x0];
	s2 =	stileid.u32  }
0xc1: {  	s1 =	rddreg [dreg:$0x1];
	p0 =	sne.s32 s2, $0x0  }
0xc2: {  	s3 =	rddreg [dreg:$0x2];
	[bflag:$0x3] =	sbarrier.arrive $0xFFFF;
	s2 =	simm.s32 @!p0 $0x1C15  }
0xc3: {  	[timem:s3], [sflag:s2] =	dma.local @!p0 [hbm:s0], s1  }
0xc4: {  	s0 =	simm.s32 @!p0 $0x15  }
0xc5: {  	_ =	swait.ge @!p0 [sflag:s0], s1  }
0xc6: {  	s1 =	ssub.s32 @!p0 $0x0, s1;
	[sflag:s0] =	ssyncset.done @!p0 $0x0  }
0xc7: {  	[sflag:s0] =	ssyncadd.s32 @!p0 s1  }
0xc8: {  	[bflag:$0x3] =	sbarrier.arrive $0xFFFF  }
0xc9: {  	_ =	shalt  }

// kernel: kernel.8.cloned.1.call-start
scs
__scs_entry_jumppad:
0x0: {  	(pc) =	sbr.rel $0x88, $3  }
0x1: {  	(tag) =	ssettag $0x0;
	lr =	simm.s32 $0x1  }
0x2: {  	[smem:$0x3F93] =	sst lr;
	_ =	strace $0xD0000000  }
0x3: {  	_ = 	snop  }
0x4: {  	_ = 	snop  }
0x5: {  	_ = 	snop  }
0x6: {  	_ = 	snop  }
0x7: {  	_ = 	snop  }
__scs_overlays_trampoline_lowered:
0x8: {  	[smem:$0x3FA2] =	sst s0  }
0x9: {  	[smem:$0x3FA3] =	sst s1  }
0xa: {  	[smem:$0x3FA4] =	sst s2  }
0xb: {  	[smem:$0x3FA5] =	sst s3  }
0xc: {  	[smem:$0x3FA6] =	sst s4  }
0xd: {  	[smem:$0x3FA7] =	sst s5  }
0xe: {  	[smem:$0x3FA8] =	sst s6  }
0xf: {  	[smem:$0x3FA9] =	sst s7  }
0x10: {  	[smem:$0x3FAA] =	sst s8  }
0x11: {  	[smem:$0x3FAB] =	sst s9;
	s0 =	simm.s32 @!p0 $0x0  }
0x12: {  	s1 =	sld [smem:$0x3F91];
	s0 =	simm.s32 @p0 $0x1  }
0x13: {  	[smem:$0x3FAC] =	sst s0;
	s0 =	simm.s32 @!p1 $0x0  }
0x14: {  	s2 =	sld [smem:$0x3F90];
	s0 =	simm.s32 @p1 $0x1  }
0x15: {  	[smem:$0x3FAD] =	sst s0;
	s0 =	simm.s32 @!p2 $0x0  }
0x16: {  	s3 =	sld [smem:$0x3FDB];
	s0 =	simm.s32 @p2 $0x1  }
0x17: {  	s4 =	simm.s32 $0x1BF5;
	[smem:$0x3FAF] =	sst s0  }
0x18: {  	s0 =	sld [smem:$0x3F92];
	_ =	swait.ge [sflag:s4], $0x0  }
0x19: {  	s7 =	sld [smem:$0x3F93]  }
0x1a: {  	s8 =	sadd.s32 $0xFFFFE003, lr  }
0x1b: {  	s9 =	sadd.s32 $0xFFFFFEF7, lr;
	s5 =	simm.s32 $0xFFFFFFFF;
	p2 =	slt.u32 s8, $0xFFFFF086  }
0x1c: {  	p1 =	slt.u32 s9, $0xF7A;
	s5 =	simm.s32 @!p2 $0x0  }
0x1d: {  	s5 =	simm.s32 @p1 $0x1;
	p0 =	seq.s32 s7, s2  }
0x1e: {  	s7 =	smul.u32 @!p0 $0xF7A, s2;
	p2 =	seq.s32 @!p0 s5, $0x0  }
0x1f: {  	s9 =	smul.u32 $0xF7A, s1;
	s8 =	simm.s32 @!p0 $0x1BF5;
	p2 =	por !p2, p0  }
0x20: {  	[sflag:s8] =	ssyncset.s32 @!p0 $0xFFFFF086;
	s6 =	sadd.s32 @!p0 s3, s7;
	s7 =	simm.s32 @!p0 $0x108  }
0x21: {  	s3 =	sadd.s32 s3, s9;
	s6 =	sadd.s32 @!p0 $0x88, s6;
	s7 =	simm.s32 @p2 $0x1082  }
0x22: {  	[simem:s7], [sflag:s8] =	dma.local @!p0 [hbm:s6], $0xF7A  }
0x23: {  	s9 =	sor.u32 $0xD0000000, s2;
	s6 =	simm.s32 $0x108;
	_ =	swait.ge @!p0 [sflag:s8], $0x0  }
0x24: {  	s3 =	sadd.s32 $0x88, s3;
	s6 =	simm.s32 @!p1 $0x1082;
	[sflag:s4] =	ssyncset.s32 $0xFFFFF086  }
0x25: {  	[simem:s6], [sflag:s4] =	dma.local [hbm:s3], $0xF7A  }
0x26: {  	[smem:$0x3F93] =	sst s1;
	(tag) =	ssettag s2;
	_ =	strace s9  }
0x27: {  	s1 =	sld [smem:$0x3FA3]  }
0x28: {  	s2 =	sld [smem:$0x3FA4]  }
0x29: {  	s4 =	sld [smem:$0x3FA6]  }
0x2a: {  	p0 =	seq.s32 s5, $0x0;
	s5 =	sld [smem:$0x3FA7]  }
0x2b: {  	s6 =	sld [smem:$0x3FA8]  }
0x2c: {  	s7 =	sld [smem:$0x3FA9]  }
0x2d: {  	s3 =	simm.s32 $0x108;
	s8 =	sld [smem:$0x3FAA]  }
0x2e: {  	s3 =	simm.s32 @!p0 $0x1082;
	s9 =	sld [smem:$0x3FAB]  }
0x2f: {  	lr =	sadd.s32 s0, s3;
	s0 =	sld [smem:$0x3FA2]  }
0x30: {  	s3 =	sld [smem:$0x3FA5]  }
0x31: {  	[smem:$0x3FAE] =	sst s10  }
0x32: {  	s10 =	sld [smem:$0x3FAC];
	_ =	sdelay $0x3  }
0x33: {  	p0 =	seq.s32 s10, $0x1;
	s10 =	sld [smem:$0x3FAE];
	_ =	sdelay $0x3  }
0x34: {  	[smem:$0x3FAE] =	sst s10  }
0x35: {  	s10 =	sld [smem:$0x3FAD];
	_ =	sdelay $0x3  }
0x36: {  	p1 =	seq.s32 s10, $0x1;
	s10 =	sld [smem:$0x3FAE];
	_ =	sdelay $0x3  }
0x37: {  	[smem:$0x3FAE] =	sst s10  }
0x38: {  	s10 =	sld [smem:$0x3FAF]  }
0x39: {  	_ = 	snop;
	(pc) =	sbr.ind lr, $3  }
0x3a: {  	_ = 	snop  }
0x3b: {  	_ = 	snop  }
0x3c: {  	p2 =	seq.s32 s10, $0x1;
	s10 =	sld [smem:$0x3FAE]  }
0x3d: {  	_ =	shalt  }
0x3e: {  	_ =	shalt  }
0x3f: {  	_ =	shalt  }
0x40: {  	_ =	shalt  }
0x41: {  	_ =	shalt  }
0x42: {  	_ =	shalt  }
0x43: {  	_ =	shalt  }
0x44: {  	_ =	shalt  }
0x45: {  	_ =	shalt  }
0x46: {  	_ =	shalt  }
0x47: {  	_ =	shalt  }
0x48: {  	_ =	shalt  }
0x49: {  	_ =	shalt  }
0x4a: {  	_ =	shalt  }
0x4b: {  	_ =	shalt  }
0x4c: {  	_ =	shalt  }
0x4d: {  	_ =	shalt  }
0x4e: {  	_ =	shalt  }
0x4f: {  	_ =	shalt  }
0x50: {  	_ =	shalt  }
0x51: {  	_ =	shalt  }
0x52: {  	_ =	shalt  }
0x53: {  	_ =	shalt  }
0x54: {  	_ =	shalt  }
0x55: {  	_ =	shalt  }
0x56: {  	_ =	shalt  }
0x57: {  	_ =	shalt  }
0x58: {  	_ =	shalt  }
0x59: {  	_ =	shalt  }
0x5a: {  	_ =	shalt  }
0x5b: {  	_ =	shalt  }
0x5c: {  	_ =	shalt  }
0x5d: {  	_ =	shalt  }
0x5e: {  	_ =	shalt  }
0x5f: {  	_ =	shalt  }
0x60: {  	_ =	shalt  }
0x61: {  	_ =	shalt  }
0x62: {  	_ =	shalt  }
0x63: {  	_ =	shalt  }
0x64: {  	_ =	shalt  }
0x65: {  	_ =	shalt  }
0x66: {  	_ =	shalt  }
0x67: {  	_ =	shalt  }
0x68: {  	_ =	shalt  }
0x69: {  	_ =	shalt  }
0x6a: {  	_ =	shalt  }
0x6b: {  	_ =	shalt  }
0x6c: {  	_ =	shalt  }
0x6d: {  	_ =	shalt  }
0x6e: {  	_ =	shalt  }
0x6f: {  	_ =	shalt  }
0x70: {  	_ =	shalt  }
0x71: {  	_ =	shalt  }
0x72: {  	_ =	shalt  }
0x73: {  	_ =	shalt  }
0x74: {  	_ =	shalt  }
0x75: {  	_ =	shalt  }
0x76: {  	_ =	shalt  }
0x77: {  	_ =	shalt  }
0x78: {  	_ =	shalt  }
0x79: {  	_ =	shalt  }
0x7a: {  	_ =	shalt  }
0x7b: {  	_ =	shalt  }
0x7c: {  	_ =	shalt  }
0x7d: {  	_ =	shalt  }
0x7e: {  	_ =	shalt  }
0x7f: {  	_ =	shalt  }
0x80: {  	_ =	shalt  }
0x81: {  	_ =	shalt  }
0x82: {  	_ =	shalt  }
0x83: {  	_ =	shalt  }
0x84: {  	_ =	shalt  }
0x85: {  	_ =	shalt  }
0x86: {  	_ =	shalt  }
0x87: {  	_ =	shalt  }
.Lfunc_end0:
.L_simem_size_0:
called_computation_lowered:
.L_overlay_start_0:
0x88: {  	s2 =	sld [smem:$0x3FD9]  }
0x89: {  	s3 =	sld [smem:$0x3FFE];
	_ =	sdelay $0x1  }
0x8a: {  	s1 =	srdreg.scid  }
0x8b: {  	s0 =	sand.u32 $0x1, s1  }
0x8c: {  	s16 =	sshll.u32 s0, $0xA;
	s2 =	sadd.s32 s3, s2  }
0x8d: {  	s2 =	sadd.s32 s2, s16  }
0x8e: {  	[smem:$0x3FBA] =	sst s2  }
0x8f: {  	_ = 	snop  }
0x90: {  	(tm) =	ssettm $0x1  }
0x91: {  	s17 =	sld [smem:$0x3FFB];
	_ =	sdelay $0x3  }
0x92: {  	_ =	strace s17  }
0x93: {  	s2 =	sld [smem:$0x3FFC];
	_ =	sdelay $0x3  }
0x94: {  	_ =	strace s2  }
0x95: {  	s2 =	sld [smem:$0x3FFD];
	_ =	sdelay $0x3  }
0x96: {  	_ =	strace s2  }
0x97: {  	_ =	strace $0x8FFFFFFF  }
0x98: {  	s18 =	sld [smem:$0x3FDB];
	_ =	sdelay $0x1  }
0x99: {  	s19 =	simm.s32 $_scs_section_size  }
0x9a: {  	s4 =	simm.s32 $_size__tile_overlayer_lowered;
	s5 =	simm.s32 $_tile_overlayer_lowered  }
0x9b: {  	s22 =	simm.s32 $0x1BFF;
	s21 =	sshll.u32 s5, $0x1;
	s2 =	sadd.s32 s19, s18  }
0x9c: {  	s6 =	simm.s32 $0x0;
	s20 =	sshll.u32 s4, $0x1;
	s4 =	sadd.s32 s21, s2  }
0x9d: {  	[timem:s6], [sflag:s22] =	dma.local [hbm:s4], s20  }
0x9e: {  	_ =	swait.ge [sflag:s22], s20  }
0x9f: {  	s3 =	ssub.s32 $0x0, s20;
	[sflag:s22] =	ssyncset.done $0x0  }
0xa0: {  	[sflag:s22] =	ssyncadd.s32 s3;
	_ =	sdelay $0x1  }
0xa1: {  	s23 =	simm.s32 $0x1B8B  }
0xa2: {  	_ =	swait.ge [sflag:s23], $0x1  }
0xa3: {  	[sflag:s23] =	ssyncset.done $0x0  }
0xa4: {  	s25 =	simm.s32 $0x1B8E;
	s24 =	sld [smem:$0x3FFE];
	[sflag:s23] =	ssyncadd.s32 $0xFFFFFFFF  }
0xa5: {  	s26 =	simm.s32 $execute0_lowered;
	[smem:$0x3FD2] =	sst s25  }
0xa6: {  	s4 =	sshll.u32 s26, $0x1;
	_ =	strace $0x80000046;
	[dreg:$0x1] =	wrdreg $0xFFFFFFFF  }
0xa7: {  	s28 =	simm.s32 $_size_execute0_lowered;
	s2 =	sadd.s32 s2, s4;
	[dreg:$0x0] =	wrdreg $0x0  }
0xa8: {  	s4 =	sshll.u32 s28, $0x1;
	[dreg:$0x2] =	wrdreg s2  }
0xa9: {  	[dreg:$0x3] =	wrdreg s4  }
0xaa: {  	[dreg:$0x4] =	wrdreg $0xC0  }
0xab: {  	_ =	task [dreg:s6], $0x5FFFF  }
0xac: {  	[dreg:$0x1] =	wrdreg $0xFFFFFFFF  }
0xad: {  	[dreg:$0x0] =	wrdreg $0x60  }
0xae: {  	[dreg:$0x2] =	wrdreg s24  }
0xaf: {  	[dreg:$0x3] =	wrdreg $0x140000  }
0xb0: {  	[dreg:$0x4] =	wrdreg $0x9  }
0xb1: {  	_ =	task.clear_ibuf [dreg:s6], $0x5FFFF;
	_ =	strace $0x90000046  }
0xb2: {  	s29 =	simm.s32 $0x9;
	_ =	strace $0x80000048  }
0xb3: {  	_ =	swait.ge [sflag:s29], $0x1  }
0xb4: {  	[sflag:s29] =	ssyncadd.s32 $0xFFFFFFFF  }
0xb5: {  	_ =	strace $0x90000048  }
0xb6: {  	_ =	sfence  }
0xb7: {  	s30 =	sld [smem:$0x0];
	_ =	sdelay $0x2  }
0xb8: {  	s31 =	sshll.u32 s1, $0xD;
	s1 =	sshrl.u32 s1, $0x2  }
0xb9: {  	s3 =	sand.u32 $0x4000, s31;
	s1 =	sadd.s32 s1, s30  }
0xba: {  	s0 =	sor.u32 s3, s0;
	s1 =	sshll.u32 s1, $0x11  }
0xbb: {  	s0 =	sor.u32 s1, s0  }
0xbc: {  	s0 =	sadd.s32 $0x8F2B, s0  }
0xbd: {  	[sflag:s0] =	ssyncadd.remote.s32 $0x1  }
0xbe: {  	_ =	sfence.sel $0xFFFF  }
0xbf: {  	[dreg:$0x0] =	wrdreg $0xFFFFFFFF;
	(pc) =	sbr.abs _section_cstart, $3  }
0xc0: {  	[dreg:$0x1] =	wrdreg $0xFFFFFFFF  }
0xc1: {  	_ =	task.clear_ibuf [dreg:s6], $0x2FFFF;
	_ =	strace $0x9FFFFFFF  }
0xc2: {  	(tm) =	ssettm $0x7FFFFFFF  }
0xc3: {  	_ =	shalt  }
tec
execute0_lowered:
.L_overlay_start_1:
0x0: {  	(tag) =	ssettag $0x1  }
0x1: {  	s0 =	rddreg [dreg:$0x0]  }
0x2: {  	s2 =	rddreg [dreg:$0x1]  }
0x3: {  	s9 =	stileid.u32;
	s4 =	simm.s32 $0x0;
	s3 =	srdreg.scid  }
0x4: {  	s21 =	simm.s32 $0x15;
	s13 =	simm.s32 $0x80;
	s28 =	simm.s32 $0x7  }
0x5: {  	s30 =	simm.s32 $0x8;
	s11 =	simm.s32 $0x10;
	s12 =	simm.s32 $0x11  }
0x6: {  	s14 =	simm.s32 $0x13;
	s15 =	simm.s32 $0x14;
	s29 =	simm.s32 $0xC000  }
0x7: {  	s31 =	simm.s32 $0xD000;
	s18 =	simm.s32 $0x11000;
	s1 =	smul.u32 $0xA00, s9  }
0x8: {  	s20 =	simm.s32 $0x13000;
	[smem:$0x7FF] =	sst s4;
	s22 =	smul.u32 $0xA000, s9  }
0x9: {  	s3 =	sand.u32 $0x1, s3;
	s26 =	sshll.u32 s9, $0x6;
	s4 =	simm.s32 $0xA  }
0xa: {  	s9 =	simm.s32 $0x12;
	_ =	strace $0x80000047;
	s5 =	smul.u32 $0xA000, s3  }
0xb: {  	s3 =	ssub.s32 $0x2, s3;
	s19 =	sor.u32 $0x1C15, s26;
	s26 =	simm.s32 $0xB000  }
0xc: {  	s1 =	sadd.s32 s1, s0;
	s6 =	sshrl.u32 s22, $0x4;
	s7 =	sshrl.u32 s3, $0x1  }
0xd: {  	s24 =	sshrl.u32 s22, $0x1;
	[dreg:$0x7] =	wrdreg s19;
	s8 =	sadd.s32 s6, s0  }
0xe: {  	s0 =	sadd.s32 s5, s0;
	s3 =	ssub.s32 s3, s7;
	s23 =	sadd.s32 $0x29C00, s1  }
0xf: {  	s1 =	sadd.s32 $0x1FC00, s1;
	s5 =	simm.s32 $0xB;
	[dreg:$0x3] =	wrdreg s23  }
0x10: {  	[dreg:$0x4] =	wrdreg s1;
	s1 =	sadd.s32 s24, s2;
	s25 =	sadd.s32 $0x15C00, s8  }
0x11: {  	s7 =	sadd.s32 $0x1C00, s0;
	s0 =	sadd.s32 $0x33C00, s0;
	s3 =	smax.u32 s3, $0x1  }
.Ltmp0:
0x12: {  	s8 =	simm.s32 $0xD;
	[dreg:$0x5] =	wrdreg s25;
	(pc) =	sbr.rel .LBB2_1-.Ltmp0, $4  }
0x13: {  	s24 =	simm.s32 $0xE;
	s23 =	simm.s32 $0x12000;
	[dreg:$0x6] =	wrdreg s3  }
0x14: {  	s10 =	sshrl.u32 s1, $0x3;
	s0 =	sadd.s32 s6, s0;
	s25 =	simm.s32 $0x6  }
0x15: {  	s6 =	simm.s32 $0xC;
	s3 =	simm.s32 $0xF;
	[dreg:$0x9] =	wrdreg s0  }
0x16: {  	s1 =	simm.s32 $0x0;
	s0 =	simm.s32 $0x9;
	[dreg:$0x8] =	wrdreg s10  }
.LBB2_4:
0x17: {  	_ =	swait.ge [sflag:s6], $0x1000  }
0x18: {  	[sflag:s6] =	ssyncset.done $0x0  }
0x19: {  	[sflag:s6] =	ssyncadd.s32 $0xFFFFF000  }
0x1a: {  	_ =	swait.ge [sflag:s8], $0x1000  }
0x1b: {  	[sflag:s8] =	ssyncset.done $0x0  }
0x1c: {  	[sflag:s8] =	ssyncadd.s32 $0xFFFFF000  }
0x1d: {  	_ =	swait.ge [sflag:s24], $0x1000  }
0x1e: {  	[sflag:s24] =	ssyncset.done $0x0  }
0x1f: {  	[sflag:s24] =	ssyncadd.s32 $0xFFFFF000  }
0x20: {  	_ =	swait.ge [sflag:s3], $0x1000  }
0x21: {  	[sflag:s3] =	ssyncset.done $0x0  }
0x22: {  	[sflag:s3] =	ssyncadd.s32 $0xFFFFF000  }
0x23: {  	_ =	swait.ge [sflag:s11], $0x1000  }
0x24: {  	[sflag:s11] =	ssyncset.done $0x0  }
0x25: {  	[sflag:s11] =	ssyncadd.s32 $0xFFFFF000  }
0x26: {  	_ =	swait.ge [sflag:s12], $0x1000  }
0x27: {  	[sflag:s12] =	ssyncset.done $0x0  }
0x28: {  	[sflag:s12] =	ssyncadd.s32 $0xFFFFF000  }
0x29: {  	_ =	swait.ge [sflag:s9], $0x1000  }
0x2a: {  	[sflag:s9] =	ssyncset.done $0x0  }
0x2b: {  	[sflag:s9] =	ssyncadd.s32 $0xFFFFF000  }
0x2c: {  	_ =	swait.ge [sflag:s14], $0x1000  }
0x2d: {  	[sflag:s14] =	ssyncset.done $0x0  }
0x2e: {  	[sflag:s14] =	ssyncadd.s32 $0xFFFFF000  }
0x2f: {  	_ =	swait.ge [sflag:s15], $0x1000  }
0x30: {  	[sflag:s15] =	ssyncset.done $0x0  }
0x31: {  	[sflag:s15] =	ssyncadd.s32 $0xFFFFF000  }
0x32: {  	[bflag:$0x0] =	sbarrier.arrive $0xFFFF  }
0x33: {  	s19 =	rddreg [dreg:$0x7]  }
0x34: {  	s10 =	rddreg [dreg:$0x8]  }
0x35: {  	s21 =	simm.s32 $0x15;
	s1 =	rddreg [dreg:$0x9]  }
0x36: {  	[hbm:s1], [sflag:s19] =	dma.local [spmem:s10], $0xA00  }
0x37: {  	_ =	swait.ge [sflag:s21], $0xA00  }
0x38: {  	s22 =	rddreg [dreg:$0xa]  }
0x39: {  	s17 =	rddreg [dreg:$0x6];
	s1 =	sadd.s32 $0x1, s22  }
0x3a: {  	p0 =	sne.s32 s1, s17  }
.Ltmp1:
0x3b: {  	_ = 	snop;
	(pc) =	sbr.rel @!p0 .LBB2_5-.Ltmp1, $3  }
0x3c: {  	_ =	sdelay $0x1  }
0x3d: {  	[sflag:s21] =	ssyncset.done $0x0  }
0x3e: {  	[sflag:s21] =	ssyncadd.s32 $0xFFFFF600  }
.LBB2_1:
0x3f: {  	[dreg:$0xa] =	wrdreg s1  }
0x40: {  	s16 =	simm.s32 $0x0;
	s17 =	rddreg [dreg:$0x3]  }
0x41: {  	[tilespmem:s16], [sflag:$0x15] =	stream.linear.gather [hbm4b:s17+s16], $0x5000, $0x38;
	[tilespmem:$0x19000] =	vst v63  }
0x42: {  	_ =	swait.ge [sflag:s21], $0x5000  }
0x43: {  	[sflag:s21] =	ssyncset.done $0x0  }
0x44: {  	s17 =	simm.s32 $0x5000;
	s22 =	rddreg [dreg:$0x4];
	[sflag:s21] =	ssyncadd.s32 $0xFFFFB000  }
0x45: {  	[tilespmem:s17], [sflag:$0x15] =	stream.linear.gather [hbm4b:s22+s16], $0x5000, $0x38;
	[tilespmem:$0x19000] =	vst v63  }
0x46: {  	_ =	swait.ge [sflag:s21], $0x5000  }
0x47: {  	[sflag:s21] =	ssyncset.done $0x0  }
0x48: {  	s1 =	smov.u32 s19;
	s17 =	rddreg [dreg:$0x5];
	[sflag:s21] =	ssyncadd.s32 $0xFFFFB000  }
0x49: {  	[spmem:s10], [sflag:s1] =	dma.local [hbm:s17], $0xA00  }
0x4a: {  	_ =	swait.ge [sflag:s21], $0xA00  }
0x4b: {  	[sflag:s21] =	ssyncset.done $0x0  }
0x4c: {  	[sflag:s21] =	ssyncadd.s32 $0xFFFFF600  }
0x4d: {  	s22 =	simm.s32 $0xA000;
	[bflag:$0x0] =	sbarrier.arrive $0xFFFF  }
0x4e: {  	[tilespmem:s22], [sflag:$0x1] =	stream.indirect.gather [hbm4b:s7+s13], $0x20, s16, s13, $0xb8;
	[tilespmem:$0x19000] =	vst v63  }
0x4f: {  	_ = 	snop  }
0x50: {  	[tilespmem:s26], [sflag:$0x2] =	stream.indirect.gather [hbm4b:s7+s13], $0x20, s13, s13, $0xb8;
	[tilespmem:$0x19000] =	vst v63  }
0x51: {  	s10 =	simm.s32 $0x100  }
0x52: {  	[tilespmem:s29], [sflag:$0x3] =	stream.indirect.gather [hbm4b:s7+s13], $0x20, s10, s13, $0xb8;
	[tilespmem:$0x19000] =	vst v63  }
0x53: {  	s16 =	simm.s32 $0x180  }
0x54: {  	[tilespmem:s31], [sflag:$0x4] =	stream.indirect.gather [hbm4b:s7+s13], $0x20, s16, s13, $0xb8;
	[tilespmem:$0x19000] =	vst v63  }
0x55: {  	s19 =	simm.s32 $0x200;
	s1 =	simm.s32 $0xE000  }
0x56: {  	[tilespmem:s1], [sflag:$0x5] =	stream.indirect.gather [hbm4b:s7+s13], $0x20, s19, s13, $0xb8;
	[tilespmem:$0x19000] =	vst v63  }
0x57: {  	s21 =	simm.s32 $0x280;
	s10 =	simm.s32 $0xF000  }
0x58: {  	[tilespmem:s10], [sflag:$0x6] =	stream.indirect.gather [hbm4b:s7+s13], $0x20, s21, s13, $0xb8;
	[tilespmem:$0x19000] =	vst v63  }
0x59: {  	s22 =	simm.s32 $0x300;
	s16 =	simm.s32 $0x10000  }
0x5a: {  	[tilespmem:s16], [sflag:$0x7] =	stream.indirect.gather [hbm4b:s7+s13], $0x20, s22, s13, $0xb8;
	[tilespmem:$0x19000] =	vst v63  }
0x5b: {  	s19 =	simm.s32 $0x380  }
0x5c: {  	[tilespmem:s18], [sflag:$0x8] =	stream.indirect.gather [hbm4b:s7+s13], $0x20, s19, s13, $0xb8;
	[tilespmem:$0x19000] =	vst v63  }
0x5d: {  	s21 =	simm.s32 $0x400  }
0x5e: {  	[tilespmem:s23], [sflag:$0x9] =	stream.indirect.gather [hbm4b:s7+s13], $0x20, s21, s13, $0xb8;
	[tilespmem:$0x19000] =	vst v63  }
0x5f: {  	s17 =	simm.s32 $0x0;
	s22 =	simm.s32 $0x480  }
0x60: {  	[tilespmem:s20], [sflag:$0xA] =	stream.indirect.gather [hbm4b:s7+s13], $0x20, s22, s13, $0xb8;
	[tilespmem:$0x19000] =	vst v63  }
.LBB2_2:
0x61: {  	s21 =	simm.s32 $0x1  }
0x62: {  	_ =	swait.ge [sflag:s21], $0x1000  }
0x63: {  	s19 =	sshra.s32 s17, $0x2;
	[sflag:s21] =	ssyncset.done $0x0  }
0x64: {  	s22 =	simm.s32 $0xA000;
	[sflag:s21] =	ssyncadd.s32 $0xFFFFF000;
	s21 =	sadd.s32 $0x5000, s19  }
0x65: {  	[spmem:s2] =	stream.indirect.scatter.add.s16 [tilespmem:s22], [sflag:$0xB], $0x20, s21, s13, $0xb8;
	[tilespmem:$0x19000] =	vst v63  }
0x66: {  	s22 =	simm.s32 $0x2  }
0x67: {  	_ =	swait.ge [sflag:s22], $0x1000  }
0x68: {  	[sflag:s22] =	ssyncset.done $0x0  }
0x69: {  	[sflag:s22] =	ssyncadd.s32 $0xFFFFF000;
	s22 =	sadd.s32 $0x5080, s19  }
0x6a: {  	[spmem:s2] =	stream.indirect.scatter.add.s16 [tilespmem:s26], [sflag:$0xC], $0x20, s22, s13, $0xb8;
	[tilespmem:$0x19000] =	vst v63  }
0x6b: {  	s22 =	simm.s32 $0x3  }
0x6c: {  	_ =	swait.ge [sflag:s22], $0x1000  }
0x6d: {  	[sflag:s22] =	ssyncset.done $0x0  }
0x6e: {  	[sflag:s22] =	ssyncadd.s32 $0xFFFFF000;
	s22 =	sadd.s32 $0x5100, s19  }
0x6f: {  	[spmem:s2] =	stream.indirect.scatter.add.s16 [tilespmem:s29], [sflag:$0xD], $0x20, s22, s13, $0xb8;
	[tilespmem:$0x19000] =	vst v63  }
0x70: {  	s22 =	simm.s32 $0x4  }
0x71: {  	_ =	swait.ge [sflag:s22], $0x1000  }
0x72: {  	[sflag:s22] =	ssyncset.done $0x0  }
0x73: {  	[sflag:s22] =	ssyncadd.s32 $0xFFFFF000;
	s22 =	sadd.s32 $0x5180, s19  }
0x74: {  	[spmem:s2] =	stream.indirect.scatter.add.s16 [tilespmem:s31], [sflag:$0xE], $0x20, s22, s13, $0xb8;
	[tilespmem:$0x19000] =	vst v63  }
0x75: {  	s22 =	simm.s32 $0x5  }
0x76: {  	_ =	swait.ge [sflag:s22], $0x1000  }
0x77: {  	[sflag:s22] =	ssyncset.done $0x0  }
0x78: {  	[sflag:s22] =	ssyncadd.s32 $0xFFFFF000;
	s22 =	sadd.s32 $0x5200, s19  }
0x79: {  	[spmem:s2] =	stream.indirect.scatter.add.s16 [tilespmem:s1], [sflag:$0xF], $0x20, s22, s13, $0xb8;
	[tilespmem:$0x19000] =	vst v63  }
0x7a: {  	_ =	swait.ge [sflag:s25], $0x1000  }
0x7b: {  	[sflag:s25] =	ssyncset.done $0x0  }
0x7c: {  	s22 =	sadd.s32 $0x5280, s19;
	[sflag:s25] =	ssyncadd.s32 $0xFFFFF000  }
0x7d: {  	[spmem:s2] =	stream.indirect.scatter.add.s16 [tilespmem:s10], [sflag:$0x10], $0x20, s22, s13, $0xb8;
	[tilespmem:$0x19000] =	vst v63  }
0x7e: {  	_ =	swait.ge [sflag:s28], $0x1000  }
0x7f: {  	[sflag:s28] =	ssyncset.done $0x0  }
0x80: {  	s22 =	sadd.s32 $0x5300, s19;
	[sflag:s28] =	ssyncadd.s32 $0xFFFFF000  }
0x81: {  	[spmem:s2] =	stream.indirect.scatter.add.s16 [tilespmem:s16], [sflag:$0x11], $0x20, s22, s13, $0xb8;
	[tilespmem:$0x19000] =	vst v63  }
0x82: {  	_ =	swait.ge [sflag:s30], $0x1000  }
0x83: {  	[sflag:s30] =	ssyncset.done $0x0  }
0x84: {  	s22 =	sadd.s32 $0x5380, s19;
	[sflag:s30] =	ssyncadd.s32 $0xFFFFF000  }
0x85: {  	[spmem:s2] =	stream.indirect.scatter.add.s16 [tilespmem:s18], [sflag:$0x12], $0x20, s22, s13, $0xb8;
	[tilespmem:$0x19000] =	vst v63  }
0x86: {  	_ =	swait.ge [sflag:s0], $0x1000  }
0x87: {  	[sflag:s0] =	ssyncset.done $0x0  }
0x88: {  	s22 =	sadd.s32 $0x5400, s19;
	[sflag:s0] =	ssyncadd.s32 $0xFFFFF000  }
0x89: {  	[spmem:s2] =	stream.indirect.scatter.add.s16 [tilespmem:s23], [sflag:$0x13], $0x20, s22, s13, $0xb8;
	[tilespmem:$0x19000] =	vst v63  }
0x8a: {  	_ =	swait.ge [sflag:s4], $0x1000  }
0x8b: {  	p0 =	seq.s32 s17, $0x12C00;
	[sflag:s4] =	ssyncset.done $0x0  }
.Ltmp2:
0x8c: {  	s22 =	sadd.s32 $0x5480, s19;
	[sflag:s4] =	ssyncadd.s32 $0xFFFFF000;
	(pc) =	sbr.rel @p0 .LBB2_4-.Ltmp2, $4  }
0x8d: {  	[spmem:s2] =	stream.indirect.scatter.add.s16 [tilespmem:s20], [sflag:$0x14], $0x20, s22, s13, $0xb8;
	[tilespmem:$0x19000] =	vst v63  }
0x8e: {  	_ =	swait.ge [sflag:s5], $0x1000  }
0x8f: {  	[sflag:s5] =	ssyncset.done $0x0  }
0x90: {  	[sflag:s5] =	ssyncadd.s32 $0xFFFFF000  }
0x91: {  	s21 =	sadd.s32 $0x500, s19;
	s22 =	simm.s32 $0xA000  }
0x92: {  	[tilespmem:s22], [sflag:$0x1] =	stream.indirect.gather [hbm4b:s7+s13], $0x20, s21, s13, $0xb8;
	[tilespmem:$0x19000] =	vst v63  }
0x93: {  	_ =	swait.ge [sflag:s6], $0x1000  }
0x94: {  	[sflag:s6] =	ssyncset.done $0x0  }
0x95: {  	s22 =	sadd.s32 $0x580, s19;
	[sflag:s6] =	ssyncadd.s32 $0xFFFFF000  }
0x96: {  	[tilespmem:s26], [sflag:$0x2] =	stream.indirect.gather [hbm4b:s7+s13], $0x20, s22, s13, $0xb8;
	[tilespmem:$0x19000] =	vst v63  }
0x97: {  	_ =	swait.ge [sflag:s8], $0x1000  }
0x98: {  	[sflag:s8] =	ssyncset.done $0x0  }
0x99: {  	s22 =	sadd.s32 $0x600, s19;
	[sflag:s8] =	ssyncadd.s32 $0xFFFFF000  }
0x9a: {  	[tilespmem:s29], [sflag:$0x3] =	stream.indirect.gather [hbm4b:s7+s13], $0x20, s22, s13, $0xb8;
	[tilespmem:$0x19000] =	vst v63  }
0x9b: {  	_ =	swait.ge [sflag:s24], $0x1000  }
0x9c: {  	[sflag:s24] =	ssyncset.done $0x0  }
0x9d: {  	s22 =	sadd.s32 $0x680, s19;
	[sflag:s24] =	ssyncadd.s32 $0xFFFFF000  }
0x9e: {  	[tilespmem:s31], [sflag:$0x4] =	stream.indirect.gather [hbm4b:s7+s13], $0x20, s22, s13, $0xb8;
	[tilespmem:$0x19000] =	vst v63  }
0x9f: {  	_ =	swait.ge [sflag:s3], $0x1000  }
0xa0: {  	[sflag:s3] =	ssyncset.done $0x0  }
0xa1: {  	s22 =	sadd.s32 $0x700, s19;
	[sflag:s3] =	ssyncadd.s32 $0xFFFFF000  }
0xa2: {  	[tilespmem:s1], [sflag:$0x5] =	stream.indirect.gather [hbm4b:s7+s13], $0x20, s22, s13, $0xb8;
	[tilespmem:$0x19000] =	vst v63  }
0xa3: {  	_ =	swait.ge [sflag:s11], $0x1000  }
0xa4: {  	[sflag:s11] =	ssyncset.done $0x0  }
0xa5: {  	s22 =	sadd.s32 $0x780, s19;
	[sflag:s11] =	ssyncadd.s32 $0xFFFFF000  }
0xa6: {  	[tilespmem:s10], [sflag:$0x6] =	stream.indirect.gather [hbm4b:s7+s13], $0x20, s22, s13, $0xb8;
	[tilespmem:$0x19000] =	vst v63  }
0xa7: {  	_ =	swait.ge [sflag:s12], $0x1000  }
0xa8: {  	[sflag:s12] =	ssyncset.done $0x0  }
0xa9: {  	s22 =	sadd.s32 $0x800, s19;
	[sflag:s12] =	ssyncadd.s32 $0xFFFFF000  }
0xaa: {  	[tilespmem:s16], [sflag:$0x7] =	stream.indirect.gather [hbm4b:s7+s13], $0x20, s22, s13, $0xb8;
	[tilespmem:$0x19000] =	vst v63  }
0xab: {  	_ =	swait.ge [sflag:s9], $0x1000  }
0xac: {  	[sflag:s9] =	ssyncset.done $0x0  }
0xad: {  	s22 =	sadd.s32 $0x880, s19;
	[sflag:s9] =	ssyncadd.s32 $0xFFFFF000  }
0xae: {  	[tilespmem:s18], [sflag:$0x8] =	stream.indirect.gather [hbm4b:s7+s13], $0x20, s22, s13, $0xb8;
	[tilespmem:$0x19000] =	vst v63  }
0xaf: {  	_ =	swait.ge [sflag:s14], $0x1000  }
0xb0: {  	[sflag:s14] =	ssyncset.done $0x0  }
0xb1: {  	s22 =	sadd.s32 $0x900, s19;
	[sflag:s14] =	ssyncadd.s32 $0xFFFFF000  }
0xb2: {  	[tilespmem:s23], [sflag:$0x9] =	stream.indirect.gather [hbm4b:s7+s13], $0x20, s22, s13, $0xb8;
	[tilespmem:$0x19000] =	vst v63  }
.Ltmp3:
0xb3: {  	_ = 	snop;
	(pc) =	sbr.rel .LBB2_2-.Ltmp3, $4  }
0xb4: {  	_ =	swait.ge [sflag:s15], $0x1000  }
0xb5: {  	[sflag:s15] =	ssyncset.done $0x0  }
0xb6: {  	s17 =	sadd.s32 $0x1400, s17;
	s22 =	sadd.s32 $0x980, s19;
	[sflag:s15] =	ssyncadd.s32 $0xFFFFF000  }
0xb7: {  	[tilespmem:s20], [sflag:$0xA] =	stream.indirect.gather [hbm4b:s7+s13], $0x20, s22, s13, $0xb8;
	[tilespmem:$0x19000] =	vst v63  }
.LBB2_5:
0xb8: {  	_ =	sfence.sel $0x180000  }
0xb9: {  	[bflag:$0x0] =	sbarrier.arrive $0xFFFF  }
0xba: {  	_ =	strace $0x90000047  }
0xbb: {  	s0 =	stileid.u32;
	[bflag:$0x2] =	sbarrier.arrive $0xFFFF  }
0xbc: {  	p0 =	sne.s32 s0, $0x0;
	s0 =	rddreg [dreg:$0x2]  }
0xbd: {  	s0 =	sadd.s32 @!p0 $0x100000, s0  }
0xbe: {  	[sflag:s0] =	ssyncadd.tile.s32 @!p0 $0x1;
	_ =	shalt  }
.Lfunc_end2:
_tile_overlayer_lowered:
.L_overlay_start_2:
0xbf: {  	(tag) =	ssettag $0x2  }
0xc0: {  	s0 =	rddreg [dreg:$0x0];
	s2 =	stileid.u32  }
0xc1: {  	s1 =	rddreg [dreg:$0x1];
	p0 =	sne.s32 s2, $0x0  }
0xc2: {  	s3 =	rddreg [dreg:$0x2];
	[bflag:$0x3] =	sbarrier.arrive $0xFFFF;
	s2 =	simm.s32 @!p0 $0x1C15  }
0xc3: {  	[timem:s3], [sflag:s2] =	dma.local @!p0 [hbm:s0], s1  }
0xc4: {  	s0 =	simm.s32 @!p0 $0x15  }
0xc5: {  	_ =	swait.ge @!p0 [sflag:s0], s1  }
0xc6: {  	s1 =	ssub.s32 @!p0 $0x0, s1;
	[sflag:s0] =	ssyncset.done @!p0 $0x0  }
0xc7: {  	[sflag:s0] =	ssyncadd.s32 @!p0 s1  }
0xc8: {  	[bflag:$0x3] =	sbarrier.arrive $0xFFFF  }
0xc9: {  	_ =	shalt  }

</sc_bundles>
